<compile_context>
chip_gen: v7x
topology: tpu7x:2x2x1
jax: 0.10.2.dev20260603
libtpu: 0.0.44.dev20260713+nightly
codegen_flags: <defaults>
</compile_context>

<pallas_src>
import numpy as np
import jax
import jax.numpy as jnp
from jax.experimental import pallas as pl

D = 256
DE = 128
H = 4
DH = 64
V = 4

_BE = 2000
_BN = 2000


def _dot(a, b):
    return jnp.dot(a, b, preferred_element_type=jnp.float32)



def _proj3_body(x, wa, wb, wc, oa, ob, oc):
    xv = x[...]
    oa[...] = _dot(xv, wa[...])
    ob[...] = _dot(xv, wb[...])
    oc[...] = _dot(xv, wc[...])


def _proj1_body(x, wa, oa):
    oa[...] = _dot(x[...], wa[...])


def _edge_msg_body(g1, g2, ea, w3, b, attnf, sel, exp4, ow):
    msg = g1[...] + g2[...] + _dot(ea[...], w3[...]) + b[...]
    lr = jnp.where(msg > 0, msg, 0.2 * msg)
    sc = _dot(lr * attnf[...], sel[...])
    e = jnp.exp(sc - 4.0)
    ef = _dot(e, exp4[...])
    ow[...] = jnp.concatenate([msg * ef, e], axis=1).astype(jnp.bfloat16)


def _update_body(ps, npp, dpp, nlp, dlp, vec, wu1, wu2, wu3, bu,
                 e4, m12, sel12, expw, os_, ov, onv):
    agg_pp = npp[...].astype(jnp.float32) / (
        _dot(dpp[...].astype(jnp.float32), e4[...]) + 1e-9)
    agg_lp = nlp[...].astype(jnp.float32) / (
        _dot(dlp[...].astype(jnp.float32), e4[...]) + 1e-9)
    psv = ps[...]
    u = _dot(psv, wu1[...]) + _dot(agg_pp, wu2[...]) + _dot(agg_lp, wu3[...]) + bu[...]
    os_[...] = psv + jnp.maximum(u, 0.0)
    vo = _dot(vec[...], m12[...])
    ov[...] = vo
    n2 = _dot(vo * vo, sel12[...]) + 1e-8
    inv = 1.0 / jnp.sqrt(n2)
    onv[...] = vo * _dot(inv, expw[...])


def _edge_pp_body(gs, gd, ea, wt, wb_, bf, x1, x2, s3, o):
    fs = _dot(gs[...], x1[...])
    fd_ = _dot(gd[...], x2[...])
    fd = _dot(fs * fd_, s3[...])
    o[...] = _dot(ea[...], wt[...]) + _dot(fd, wb_[...]) + bf[...]


def _edge_lp_body(gd, ea, lc, bb, wt, wb_, bf, sel81, t8, s3b, o):
    dsp = lc[...] - bb[...]
    n2 = _dot(dsp * dsp, sel81[...]) + 1e-8
    nd = dsp / jnp.sqrt(n2)
    nde = _dot(nd, t8[...])
    ld = _dot(gd[...] * nde, s3b[...])
    o[...] = _dot(ea[...], wt[...]) + _dot(ld, wb_[...]) + bf[...]



def _full(shape):
    return pl.BlockSpec(shape, lambda i: (0, 0))


def _rows(bs, c):
    return pl.BlockSpec((bs, c), lambda i: (i, 0))


def _f32(x):
    return jax.ShapeDtypeStruct(x, jnp.float32)


def kernel(prot_scalars, prot_vectors, lig_scalars, pr_pr_edge_index,
           lig_pr_edge_index, pr_pr_eattr, lig_pr_eattr, lig_coords,
           backbone_coords, W_msg_pr, b_msg_pr, attn_pr, W_msg_lig, b_msg_lig,
           attn_lig, W_upd, b_upd, W_vecmix, W_flp, b_flp, W_fpp, b_fpp):
    n = prot_scalars.shape[0]
    nl = lig_scalars.shape[0]
    e_pp = pr_pr_eattr.shape[0]
    e_lp = lig_pr_eattr.shape[0]

    sel = np.zeros((D, 128), np.float32)
    sel[np.arange(D), np.arange(D) // DH] = 1.0
    exp4a = np.zeros((128, D), np.float32)
    exp4a[np.arange(D) // DH, np.arange(D)] = 1.0
    exp4b = exp4a[:H]
    sel12 = np.zeros((3 * V, V), np.float32)
    sel12[np.arange(3 * V), np.arange(3 * V) // 3] = 1.0
    expw = np.zeros((V, 3 * V), np.float32)
    expw[np.arange(3 * V) // 3, np.arange(3 * V)] = 1.0
    vw = np.arange(V * V)
    x1 = np.zeros((3 * V, 3 * V * V), np.float32)
    x2 = np.zeros((3 * V, 3 * V * V), np.float32)
    for v in range(V):
        for w in range(V):
            for k in range(3):
                x1[v * 3 + k, (v * V + w) * 3 + k] = 1.0
                x2[w * 3 + k, (v * V + w) * 3 + k] = 1.0
    s3 = np.zeros((3 * V * V, V * V), np.float32)
    s3[np.arange(3 * V * V), np.arange(3 * V * V) // 3] = 1.0
    sel81 = np.zeros((8, 8), np.float32)
    sel81[:3, :] = 1.0
    t8 = np.zeros((8, 3 * V), np.float32)
    for v in range(V):
        for k in range(3):
            t8[k, v * 3 + k] = 1.0
    s3b = np.zeros((3 * V, V), np.float32)
    s3b[np.arange(3 * V), np.arange(3 * V) // 3] = 1.0

    sel, exp4a, exp4b, sel12, expw, x1, x2, s3, sel81, t8, s3b = map(
        jnp.asarray, (sel, exp4a, exp4b, sel12, expw, x1, x2, s3, sel81, t8, s3b))

    psrc, pdst = pr_pr_edge_index[0], pr_pr_edge_index[1]
    lsrc, ldst = lig_pr_edge_index[0], lig_pr_edge_index[1]

    wpr1, wpr2, w3p = W_msg_pr[:D], W_msg_pr[D:2 * D], W_msg_pr[2 * D:]
    wlg1, wlg2, w3l = W_msg_lig[:D], W_msg_lig[D:2 * D], W_msg_lig[2 * D:]
    p1, p2, p3 = pl.pallas_call(
        _proj3_body,
        grid=(n // _BN,),
        in_specs=[_rows(_BN, D), _full((D, D)), _full((D, D)), _full((D, D))],
        out_specs=[_rows(_BN, D)] * 3,
        out_shape=[_f32((n, D))] * 3,
    )(prot_scalars, wpr1, wpr2, wlg2)
    l1 = pl.pallas_call(
        _proj1_body,
        grid=(nl // _BN,),
        in_specs=[_rows(_BN, D), _full((D, D))],
        out_specs=_rows(_BN, D),
        out_shape=_f32((nl, D)),
    )(lig_scalars, wlg1)

    def edge_msg(g1, g2, ea, w3, b, attnf, ne):
        return pl.pallas_call(
            _edge_msg_body,
            grid=(ne // _BE,),
            in_specs=[_rows(_BE, D), _rows(_BE, D), _rows(_BE, DE),
                      _full((DE, D)), _full((1, D)), _full((1, D)),
                      _full((D, 128)), _full((128, D))],
            out_specs=_rows(_BE, D + 128),
            out_shape=jax.ShapeDtypeStruct((ne, D + 128), jnp.bfloat16),
        )(g1, g2, ea, w3, b, attnf, sel, exp4a)

    wpp = edge_msg(p1[psrc], p2[pdst], pr_pr_eattr, w3p,
                   b_msg_pr.reshape(1, D), attn_pr.reshape(1, D), e_pp)
    wlp = edge_msg(l1[lsrc], p3[ldst], lig_pr_eattr, w3l,
                   b_msg_lig.reshape(1, D), attn_lig.reshape(1, D), e_lp)

    all_pp = jax.ops.segment_sum(wpp, pdst, num_segments=n)
    all_lp = jax.ops.segment_sum(wlp, ldst, num_segments=n)
    num_pp, den_pp = all_pp[:, :D], all_pp[:, D:D + H]
    num_lp, den_lp = all_lp[:, :D], all_lp[:, D:D + H]

    wu1, wu2, wu3 = W_upd[:D], W_upd[D:2 * D], W_upd[2 * D:]
    m12 = jnp.kron(W_vecmix, jnp.eye(3, dtype=jnp.float32))
    vec_flat = prot_vectors.reshape(n, 3 * V)
    scalars_out, vout, nvf = pl.pallas_call(
        _update_body,
        grid=(n // _BN,),
        in_specs=[_rows(_BN, D), _rows(_BN, D), _rows(_BN, H), _rows(_BN, D),
                  _rows(_BN, H), _rows(_BN, 3 * V),
                  _full((D, D)), _full((D, D)), _full((D, D)), _full((1, D)),
                  _full((H, D)), _full((3 * V, 3 * V)), _full((3 * V, V)),
                  _full((V, 3 * V))],
        out_specs=[_rows(_BN, D), _rows(_BN, 3 * V), _rows(_BN, 3 * V)],
        out_shape=[_f32((n, D)), _f32((n, 3 * V)), _f32((n, 3 * V))],
    )(prot_scalars, num_pp, den_pp, num_lp, den_lp, vec_flat,
      wu1, wu2, wu3, b_upd.reshape(1, D), exp4b, m12, sel12, expw)
    vectors_out = vout.reshape(n, V, 3)

    pr_pr_out = pl.pallas_call(
        _edge_pp_body,
        grid=(e_pp // _BE,),
        in_specs=[_rows(_BE, 3 * V), _rows(_BE, 3 * V), _rows(_BE, DE),
                  _full((DE, DE)), _full((V * V, DE)), _full((1, DE)),
                  _full((3 * V, 3 * V * V)), _full((3 * V, 3 * V * V)),
                  _full((3 * V * V, V * V))],
        out_specs=_rows(_BE, DE),
        out_shape=_f32((e_pp, DE)),
    )(nvf[psrc], nvf[pdst], pr_pr_eattr, W_fpp[:DE], W_fpp[DE:],
      b_fpp.reshape(1, DE), x1, x2, s3)

    lc8 = jnp.pad(lig_coords[lsrc], ((0, 0), (0, 5)))
    bb8 = jnp.pad(backbone_coords[ldst, 1], ((0, 0), (0, 5)))
    lig_pr_out = pl.pallas_call(
        _edge_lp_body,
        grid=(e_lp // _BE,),
        in_specs=[_rows(_BE, 3 * V), _rows(_BE, DE), _rows(_BE, 8),
                  _rows(_BE, 8), _full((DE, DE)), _full((V, DE)),
                  _full((1, DE)), _full((8, 8)), _full((8, 3 * V)),
                  _full((3 * V, V))],
        out_specs=_rows(_BE, DE),
        out_shape=_f32((e_lp, DE)),
    )(nvf[ldst], lig_pr_eattr, lc8, bb8, W_flp[:DE], W_flp[DE:],
      b_flp.reshape(1, DE), sel81, t8, s3b)

    return (scalars_out, vectors_out, pr_pr_out, lig_pr_out)

# --- scband reference (transcript-rebuilt; emitter-appended) ---
"""Pipeline reference for scband-laser-mpnn-67877663146005 (READ-ONLY COPY).

The authoritative reference and input builder live on the scoring server;
editing this copy changes nothing except your own understanding.
"""

import jax, jax.numpy as jnp
import numpy as np

N_PROT = 10000
N_LIG = 2000
E_PP = 160000
E_LP = 40000
D = 256
DE = 128
H = 4
DH = D // H
V = 4


def _norm_no_nan(x, axis=-1, keepdims=True, eps=1e-8):
    return jnp.sqrt(jnp.sum(jnp.square(x), axis=axis, keepdims=keepdims) + eps)


def segment_softmax(scores, seg, n):
    m = jax.ops.segment_max(scores, seg, num_segments=n)
    m = jnp.where(jnp.isfinite(m), m, 0.0)
    e = jnp.exp(scores - m[seg])
    s = jax.ops.segment_sum(e, seg, num_segments=n)
    return e / (s[seg] + 1e-9)


def setup_inputs(seed: int = 0) -> dict:
    key = jax.random.key(seed)
    ks = jax.random.split(key, 24)
    inp = {}
    inp['prot_scalars'] = jax.random.normal(ks[0], (N_PROT, D), dtype=jnp.float32)
    inp['prot_vectors'] = jax.random.normal(ks[1], (N_PROT, V, 3), dtype=jnp.float32)
    inp['lig_scalars'] = jax.random.normal(ks[2], (N_LIG, D), dtype=jnp.float32)
    inp['pr_pr_edge_index'] = jax.random.randint(ks[3], (2, E_PP), 0, N_PROT, dtype=jnp.int64 if jax.config.jax_enable_x64 else jnp.int32)
    inp['lig_pr_edge_index'] = jax.random.randint(ks[4], (2, E_LP), 0, N_LIG, dtype=jnp.int64 if jax.config.jax_enable_x64 else jnp.int32)
    inp['pr_pr_eattr'] = jax.random.normal(ks[5], (E_PP, DE), dtype=jnp.float32)
    inp['lig_pr_eattr'] = jax.random.normal(ks[6], (E_LP, DE), dtype=jnp.float32)
    inp['lig_coords'] = jax.random.normal(ks[7], (N_LIG, 3), dtype=jnp.float32)
    inp['backbone_coords'] = jax.random.normal(ks[8], (N_PROT, 4, 3), dtype=jnp.float32)
    # learned parameters (HeteroGATv2 message/attention/update + final edge MLPs)
    d_msg_in = 2 * D + DE
    inp['W_msg_pr'] = jax.random.normal(ks[9], (d_msg_in, D), dtype=jnp.float32) / np.sqrt(d_msg_in)
    inp['b_msg_pr'] = jnp.zeros((D,), dtype=jnp.float32)
    inp['attn_pr'] = jax.random.normal(ks[10], (H, DH), dtype=jnp.float32) / np.sqrt(DH)
    inp['W_msg_lig'] = jax.random.normal(ks[11], (d_msg_in, D), dtype=jnp.float32) / np.sqrt(d_msg_in)
    inp['b_msg_lig'] = jnp.zeros((D,), dtype=jnp.float32)
    inp['attn_lig'] = jax.random.normal(ks[12], (H, DH), dtype=jnp.float32) / np.sqrt(DH)
    inp['W_upd'] = jax.random.normal(ks[13], (3 * D, D), dtype=jnp.float32) / np.sqrt(3 * D)
    inp['b_upd'] = jnp.zeros((D,), dtype=jnp.float32)
    inp['W_vecmix'] = jax.random.normal(ks[14], (V, V), dtype=jnp.float32) / np.sqrt(V)
    inp['W_flp'] = jax.random.normal(ks[15], (DE + V, DE), dtype=jnp.float32) / np.sqrt(DE + V)
    inp['b_flp'] = jnp.zeros((DE,), dtype=jnp.float32)
    inp['W_fpp'] = jax.random.normal(ks[16], (DE + V * V, DE), dtype=jnp.float32) / np.sqrt(DE + V * V)
    inp['b_fpp'] = jnp.zeros((DE,), dtype=jnp.float32)
    return inp


def _gat_aggregate(src_feat, dst_feat, eattr, edge_index, W, b, attn, n_dst):
    src = edge_index[0]
    dst = edge_index[1]
    m_in = jnp.concatenate([src_feat[src], dst_feat[dst], eattr], axis=-1)
    msg = m_in @ W + b
    msg_h = msg.reshape(-1, H, DH)
    scores = jnp.einsum('ehd,hd->eh', jax.nn.leaky_relu(msg_h, 0.2), attn)
    alpha = segment_softmax(scores, dst, n_dst)
    agg = jax.ops.segment_sum(alpha[:, :, None] * msg_h, dst, num_segments=n_dst)
    return agg.reshape(n_dst, D)


def reference(prot_scalars, prot_vectors, lig_scalars, pr_pr_edge_index, lig_pr_edge_index,
              pr_pr_eattr, lig_pr_eattr, lig_coords, backbone_coords,
              W_msg_pr, b_msg_pr, attn_pr, W_msg_lig, b_msg_lig, attn_lig,
              W_upd, b_upd, W_vecmix, W_flp, b_flp, W_fpp, b_fpp):
    n = prot_scalars.shape[0]
    # HeteroGATv2 over two subgraphs (pr->pr, lig->pr)
    agg_pp = _gat_aggregate(prot_scalars, prot_scalars, pr_pr_eattr, pr_pr_edge_index, W_msg_pr, b_msg_pr, attn_pr, n)
    agg_lp = _gat_aggregate(lig_scalars, prot_scalars, lig_pr_eattr, lig_pr_edge_index, W_msg_lig, b_msg_lig, attn_lig, n)
    upd = jax.nn.relu(jnp.concatenate([prot_scalars, agg_pp, agg_lp], axis=-1) @ W_upd + b_upd)
    scalars_out = prot_scalars + upd
    vectors_out = jnp.einsum('nvk,vw->nwk', prot_vectors, W_vecmix)
    # ligand displacement / frame-vector dot products (LASErMPNN_Encoder tail)
    lsrc = lig_pr_edge_index[0]
    ldst = lig_pr_edge_index[1]
    disp = lig_coords[lsrc] - backbone_coords[ldst, 1]
    disp = disp / _norm_no_nan(disp, axis=-1, keepdims=True)
    nv = vectors_out / _norm_no_nan(vectors_out, axis=-1, keepdims=True)
    lig_dots = jnp.einsum('evk,ek->ev', nv[ldst], disp)
    lig_pr_out = jnp.concatenate([lig_pr_eattr, lig_dots], axis=-1) @ W_flp + b_flp
    psrc = pr_pr_edge_index[0]
    pdst = pr_pr_edge_index[1]
    frame_dots = jnp.einsum('evk,ewk->evw', nv[psrc], nv[pdst]).reshape(-1, V * V)
    pr_pr_out = jnp.concatenate([pr_pr_eattr, frame_dots], axis=-1) @ W_fpp + b_fpp
    return (scalars_out, vectors_out, pr_pr_out, lig_pr_out)

if __name__ == "__main__":
    import jax
    _d = setup_inputs()
    print(jax.jit(kernel)(*tuple(_d.values())))

</pallas_src>

<mosaic_0001>
module attributes {stable_mosaic.version = 14 : i64} {
  func.func @_proj3_body(%arg0: i32, %arg1: memref<2000x256xf32, #tpu.memory_space<vmem>>, %arg2: memref<256x256xf32, #tpu.memory_space<vmem>>, %arg3: memref<256x256xf32, #tpu.memory_space<vmem>>, %arg4: memref<256x256xf32, #tpu.memory_space<vmem>>, %arg5: memref<2000x256xf32, #tpu.memory_space<vmem>>, %arg6: memref<2000x256xf32, #tpu.memory_space<vmem>>, %arg7: memref<2000x256xf32, #tpu.memory_space<vmem>>) attributes {dimension_semantics = [#tpu.dimension_semantics<arbitrary>], iteration_bounds = array<i64: 5>, scalar_prefetch = 0 : i64, scratch_operands = 0 : i64, tpu.core_type = #tpu.core_type<tc>, window_params = [{transform_indices = @transform_0, window_bounds = array<i64: 2000, 256>}, {pipeline_mode = #tpu.pipeline_mode<synchronous>, transform_indices = @transform_1, window_bounds = array<i64: 256, 256>}, {pipeline_mode = #tpu.pipeline_mode<synchronous>, transform_indices = @transform_2, window_bounds = array<i64: 256, 256>}, {pipeline_mode = #tpu.pipeline_mode<synchronous>, transform_indices = @transform_3, window_bounds = array<i64: 256, 256>}, {transform_indices = @transform_4, window_bounds = array<i64: 2000, 256>}, {transform_indices = @transform_5, window_bounds = array<i64: 2000, 256>}, {transform_indices = @transform_6, window_bounds = array<i64: 2000, 256>}]} {
    %get3A = arith.constant 0 : index
    %get3A_0 = arith.constant 0 : index
    %get3A_1 = vector.load %arg1[%get3A, %get3A_0] : memref<2000x256xf32, #tpu.memory_space<vmem>>, vector<2000x256xf32>
    %get3A_2 = arith.constant 0 : index
    %get3A_3 = arith.constant 0 : index
    %get3A_4 = vector.load %arg2[%get3A_2, %get3A_3] : memref<256x256xf32, #tpu.memory_space<vmem>>, vector<256x256xf32>
    %dot_general3A = arith.constant dense<0.000000e+00> : vector<2000x256xf32>
    %dot_general3A_5 = tpu.matmul %get3A_1, %get3A_4, %dot_general3A {dimension_numbers = #tpu.dot_dimension_numbers<[1], [0], [0], [1], [0, 0, 1, 1], [], []>, transpose_lhs_hint = false} : vector<2000x256xf32>, vector<256x256xf32>, vector<2000x256xf32> -> vector<2000x256xf32>
    %swap3A = arith.constant 0 : index
    %swap3A_6 = arith.constant 0 : index
    %swap3A_7 = vector.load %arg5[%swap3A, %swap3A_6] : memref<2000x256xf32, #tpu.memory_space<vmem>>, vector<2000x256xf32>
    tpu.vector_store %arg5[%swap3A, %swap3A_6], %dot_general3A_5 {strides = array<i32>} : memref<2000x256xf32, #tpu.memory_space<vmem>>, vector<2000x256xf32>,
    %get3A_8 = arith.constant 0 : index
    %get3A_9 = arith.constant 0 : index
    %get3A_10 = vector.load %arg3[%get3A_8, %get3A_9] : memref<256x256xf32, #tpu.memory_space<vmem>>, vector<256x256xf32>
    %dot_general3A_11 = arith.constant dense<0.000000e+00> : vector<2000x256xf32>
    %dot_general3A_12 = tpu.matmul %get3A_1, %get3A_10, %dot_general3A_11 {dimension_numbers = #tpu.dot_dimension_numbers<[1], [0], [0], [1], [0, 0, 1, 1], [], []>, transpose_lhs_hint = false} : vector<2000x256xf32>, vector<256x256xf32>, vector<2000x256xf32> -> vector<2000x256xf32>
    %swap3A_13 = arith.constant 0 : index
    %swap3A_14 = arith.constant 0 : index
    %swap3A_15 = vector.load %arg6[%swap3A_13, %swap3A_14] : memref<2000x256xf32, #tpu.memory_space<vmem>>, vector<2000x256xf32>
    tpu.vector_store %arg6[%swap3A_13, %swap3A_14], %dot_general3A_12 {strides = array<i32>} : memref<2000x256xf32, #tpu.memory_space<vmem>>, vector<2000x256xf32>,
    %get3A_16 = arith.constant 0 : index
    %get3A_17 = arith.constant 0 : index
    %get3A_18 = vector.load %arg4[%get3A_16, %get3A_17] : memref<256x256xf32, #tpu.memory_space<vmem>>, vector<256x256xf32>
    %dot_general3A_19 = arith.constant dense<0.000000e+00> : vector<2000x256xf32>
    %dot_general3A_20 = tpu.matmul %get3A_1, %get3A_18, %dot_general3A_19 {dimension_numbers = #tpu.dot_dimension_numbers<[1], [0], [0], [1], [0, 0, 1, 1], [], []>, transpose_lhs_hint = false} : vector<2000x256xf32>, vector<256x256xf32>, vector<2000x256xf32> -> vector<2000x256xf32>
    %swap3A_21 = arith.constant 0 : index
    %swap3A_22 = arith.constant 0 : index
    %swap3A_23 = vector.load %arg7[%swap3A_21, %swap3A_22] : memref<2000x256xf32, #tpu.memory_space<vmem>>, vector<2000x256xf32>
    tpu.vector_store %arg7[%swap3A_21, %swap3A_22], %dot_general3A_20 {strides = array<i32>} : memref<2000x256xf32, #tpu.memory_space<vmem>>, vector<2000x256xf32>,
    return
  }
  func.func @transform_0(%arg0: i32) -> (i32, i32) {
    %c0_i32 = arith.constant 0 : i32
    %c0_i32_0 = arith.constant 0 : i32
    return %arg0, %c0_i32 : i32, i32
  }
  func.func @transform_1(%arg0: i32) -> (i32, i32) {
    %c0_i32 = arith.constant 0 : i32
    %c0_i32_0 = arith.constant 0 : i32
    %c0_i32_1 = arith.constant 0 : i32
    return %c0_i32, %c0_i32_0 : i32, i32
  }
  func.func @transform_2(%arg0: i32) -> (i32, i32) {
    %c0_i32 = arith.constant 0 : i32
    %c0_i32_0 = arith.constant 0 : i32
    %c0_i32_1 = arith.constant 0 : i32
    return %c0_i32, %c0_i32_0 : i32, i32
  }
  func.func @transform_3(%arg0: i32) -> (i32, i32) {
    %c0_i32 = arith.constant 0 : i32
    %c0_i32_0 = arith.constant 0 : i32
    %c0_i32_1 = arith.constant 0 : i32
    return %c0_i32, %c0_i32_0 : i32, i32
  }
  func.func @transform_4(%arg0: i32) -> (i32, i32) {
    %c0_i32 = arith.constant 0 : i32
    %c0_i32_0 = arith.constant 0 : i32
    return %arg0, %c0_i32 : i32, i32
  }
  func.func @transform_5(%arg0: i32) -> (i32, i32) {
    %c0_i32 = arith.constant 0 : i32
    %c0_i32_0 = arith.constant 0 : i32
    return %arg0, %c0_i32 : i32, i32
  }
  func.func @transform_6(%arg0: i32) -> (i32, i32) {
    %c0_i32 = arith.constant 0 : i32
    %c0_i32_0 = arith.constant 0 : i32
    return %arg0, %c0_i32 : i32, i32
  }
}

module attributes {stable_mosaic.version = 14 : i64} {
  func.func @_edge_msg_body(%arg0: i32, %arg1: memref<2000x256xf32, #tpu.memory_space<vmem>>, %arg2: memref<2000x256xf32, #tpu.memory_space<vmem>>, %arg3: memref<2000x128xf32, #tpu.memory_space<vmem>>, %arg4: memref<128x256xf32, #tpu.memory_space<vmem>>, %arg5: memref<1x256xf32, #tpu.memory_space<vmem>>, %arg6: memref<1x256xf32, #tpu.memory_space<vmem>>, %arg7: memref<256x128xf32, #tpu.memory_space<vmem>>, %arg8: memref<128x256xf32, #tpu.memory_space<vmem>>, %arg9: memref<2000x384xbf16, #tpu.memory_space<vmem>>) attributes {dimension_semantics = [#tpu.dimension_semantics<arbitrary>], iteration_bounds = array<i64: 80>, scalar_prefetch = 0 : i64, scratch_operands = 0 : i64, tpu.core_type = #tpu.core_type<tc>, window_params = [{transform_indices = @transform_0, window_bounds = array<i64: 2000, 256>}, {transform_indices = @transform_1, window_bounds = array<i64: 2000, 256>}, {transform_indices = @transform_2, window_bounds = array<i64: 2000, 128>}, {pipeline_mode = #tpu.pipeline_mode<synchronous>, transform_indices = @transform_3, window_bounds = array<i64: 128, 256>}, {pipeline_mode = #tpu.pipeline_mode<synchronous>, transform_indices = @transform_4, window_bounds = array<i64: 1, 256>}, {pipeline_mode = #tpu.pipeline_mode<synchronous>, transform_indices = @transform_5, window_bounds = array<i64: 1, 256>}, {pipeline_mode = #tpu.pipeline_mode<synchronous>, transform_indices = @transform_6, window_bounds = array<i64: 256, 128>}, {pipeline_mode = #tpu.pipeline_mode<synchronous>, transform_indices = @transform_7, window_bounds = array<i64: 128, 256>}, {transform_indices = @transform_8, window_bounds = array<i64: 2000, 384>}]} {
    %get3A = arith.constant 0 : index
    %get3A_0 = arith.constant 0 : index
    %get3A_1 = vector.load %arg1[%get3A, %get3A_0] : memref<2000x256xf32, #tpu.memory_space<vmem>>, vector<2000x256xf32>
    %get3A_2 = arith.constant 0 : index
    %get3A_3 = arith.constant 0 : index
    %get3A_4 = vector.load %arg2[%get3A_2, %get3A_3] : memref<2000x256xf32, #tpu.memory_space<vmem>>, vector<2000x256xf32>
    %add3A = arith.addf %get3A_1, %get3A_4 : vector<2000x256xf32>
    %get3A_5 = arith.constant 0 : index
    %get3A_6 = arith.constant 0 : index
    %get3A_7 = vector.load %arg3[%get3A_5, %get3A_6] : memref<2000x128xf32, #tpu.memory_space<vmem>>, vector<2000x128xf32>
    %get3A_8 = arith.constant 0 : index
    %get3A_9 = arith.constant 0 : index
    %get3A_10 = vector.load %arg4[%get3A_8, %get3A_9] : memref<128x256xf32, #tpu.memory_space<vmem>>, vector<128x256xf32>
    %dot_general3A = arith.constant dense<0.000000e+00> : vector<2000x256xf32>
    %dot_general3A_11 = tpu.matmul %get3A_7, %get3A_10, %dot_general3A {dimension_numbers = #tpu.dot_dimension_numbers<[1], [0], [0], [1], [0, 0, 1, 1], [], []>, transpose_lhs_hint = false} : vector<2000x128xf32>, vector<128x256xf32>, vector<2000x256xf32> -> vector<2000x256xf32>
    %add3A_12 = arith.addf %add3A, %dot_general3A_11 : vector<2000x256xf32>
    %get3A_13 = arith.constant 0 : index
    %get3A_14 = arith.constant 0 : index
    %get3A_15 = vector.load %arg5[%get3A_13, %get3A_14] : memref<1x256xf32, #tpu.memory_space<vmem>>, vector<1x256xf32>
    %add3A_16 = vector.broadcast %get3A_15 : vector<1x256xf32> to vector<2000x256xf32>
    %add3A_17 = arith.addf %add3A_12, %add3A_16 : vector<2000x256xf32>
    %gt3A = arith.constant 0.000000e+00 : f32
    %gt3A_18 = vector.broadcast %gt3A : f32 to vector<2000x256xf32>
    %gt3A_19 = arith.cmpf ogt, %add3A_17, %gt3A_18 : vector<2000x256xf32>
    %mul3A = arith.constant 2.000000e-01 : f32
    %mul3A_20 = vector.broadcast %mul3A : f32 to vector<2000x256xf32>
    %mul3A_21 = arith.mulf %mul3A_20, %add3A_17 : vector<2000x256xf32>
    %select_n3A = arith.select %gt3A_19, %add3A_17, %mul3A_21 : vector<2000x256xi1>, vector<2000x256xf32>
    %get3A_22 = arith.constant 0 : index
    %get3A_23 = arith.constant 0 : index
    %get3A_24 = vector.load %arg6[%get3A_22, %get3A_23] : memref<1x256xf32, #tpu.memory_space<vmem>>, vector<1x256xf32>
    %mul3A_25 = vector.broadcast %get3A_24 : vector<1x256xf32> to vector<2000x256xf32>
    %mul3A_26 = arith.mulf %select_n3A, %mul3A_25 : vector<2000x256xf32>
    %get3A_27 = arith.constant 0 : index
    %get3A_28 = arith.constant 0 : index
    %get3A_29 = vector.load %arg7[%get3A_27, %get3A_28] : memref<256x128xf32, #tpu.memory_space<vmem>>, vector<256x128xf32>
    %dot_general3A_30 = arith.constant dense<0.000000e+00> : vector<2000x128xf32>
    %dot_general3A_31 = tpu.matmul %mul3A_26, %get3A_29, %dot_general3A_30 {dimension_numbers = #tpu.dot_dimension_numbers<[1], [0], [0], [1], [0, 0, 1, 1], [], []>, transpose_lhs_hint = false} : vector<2000x256xf32>, vector<256x128xf32>, vector<2000x128xf32> -> vector<2000x128xf32>
    %sub3A = arith.constant 4.000000e+00 : f32
    %sub3A_32 = vector.broadcast %sub3A : f32 to vector<2000x128xf32>
    %sub3A_33 = arith.subf %dot_general3A_31, %sub3A_32 : vector<2000x128xf32>
    %exp3A = math.exp %sub3A_33 : vector<2000x128xf32>
    %get3A_34 = arith.constant 0 : index
    %get3A_35 = arith.constant 0 : index
    %get3A_36 = vector.load %arg8[%get3A_34, %get3A_35] : memref<128x256xf32, #tpu.memory_space<vmem>>, vector<128x256xf32>
    %dot_general3A_37 = arith.constant dense<0.000000e+00> : vector<2000x256xf32>
    %dot_general3A_38 = tpu.matmul %exp3A, %get3A_36, %dot_general3A_37 {dimension_numbers = #tpu.dot_dimension_numbers<[1], [0], [0], [1], [0, 0, 1, 1], [], []>, transpose_lhs_hint = false} : vector<2000x128xf32>, vector<128x256xf32>, vector<2000x256xf32> -> vector<2000x256xf32>
    %mul3A_39 = arith.mulf %add3A_17, %dot_general3A_38 : vector<2000x256xf32>
    %concatenate3A = tpu.concatenate %mul3A_39, %exp3A in 1 : vector<2000x256xf32>, vector<2000x128xf32> -> vector<2000x384xf32>
    %convert_element_type3A = arith.truncf %concatenate3A : vector<2000x384xf32> to vector<2000x384xbf16>
    %swap3A = arith.constant 0 : index
    %swap3A_40 = arith.constant 0 : index
    %swap3A_41 = vector.load %arg9[%swap3A, %swap3A_40] : memref<2000x384xbf16, #tpu.memory_space<vmem>>, vector<2000x384xbf16>
    tpu.vector_store %arg9[%swap3A, %swap3A_40], %convert_element_type3A {strides = array<i32>} : memref<2000x384xbf16, #tpu.memory_space<vmem>>, vector<2000x384xbf16>,
    return
  }
  func.func @transform_0(%arg0: i32) -> (i32, i32) {
    %c0_i32 = arith.constant 0 : i32
    %c0_i32_0 = arith.constant 0 : i32
    return %arg0, %c0_i32 : i32, i32
  }
  func.func @transform_1(%arg0: i32) -> (i32, i32) {
    %c0_i32 = arith.constant 0 : i32
    %c0_i32_0 = arith.constant 0 : i32
    return %arg0, %c0_i32 : i32, i32
  }
  func.func @transform_2(%arg0: i32) -> (i32, i32) {
    %c0_i32 = arith.constant 0 : i32
    %c0_i32_0 = arith.constant 0 : i32
    return %arg0, %c0_i32 : i32, i32
  }
  func.func @transform_3(%arg0: i32) -> (i32, i32) {
    %c0_i32 = arith.constant 0 : i32
    %c0_i32_0 = arith.constant 0 : i32
    %c0_i32_1 = arith.constant 0 : i32
    return %c0_i32, %c0_i32_0 : i32, i32
  }
  func.func @transform_4(%arg0: i32) -> (i32, i32) {
    %c0_i32 = arith.constant 0 : i32
    %c0_i32_0 = arith.constant 0 : i32
    %c0_i32_1 = arith.constant 0 : i32
    return %c0_i32, %c0_i32_0 : i32, i32
  }
  func.func @transform_5(%arg0: i32) -> (i32, i32) {
    %c0_i32 = arith.constant 0 : i32
    %c0_i32_0 = arith.constant 0 : i32
    %c0_i32_1 = arith.constant 0 : i32
    return %c0_i32, %c0_i32_0 : i32, i32
  }
  func.func @transform_6(%arg0: i32) -> (i32, i32) {
    %c0_i32 = arith.constant 0 : i32
    %c0_i32_0 = arith.constant 0 : i32
    %c0_i32_1 = arith.constant 0 : i32
    return %c0_i32, %c0_i32_0 : i32, i32
  }
  func.func @transform_7(%arg0: i32) -> (i32, i32) {
    %c0_i32 = arith.constant 0 : i32
    %c0_i32_0 = arith.constant 0 : i32
    %c0_i32_1 = arith.constant 0 : i32
    return %c0_i32, %c0_i32_0 : i32, i32
  }
  func.func @transform_8(%arg0: i32) -> (i32, i32) {
    %c0_i32 = arith.constant 0 : i32
    %c0_i32_0 = arith.constant 0 : i32
    return %arg0, %c0_i32 : i32, i32
  }
}

module attributes {stable_mosaic.version = 14 : i64} {
  func.func @_proj1_body(%arg0: i32, %arg1: memref<2000x256xf32, #tpu.memory_space<vmem>>, %arg2: memref<256x256xf32, #tpu.memory_space<vmem>>, %arg3: memref<2000x256xf32, #tpu.memory_space<vmem>>) attributes {dimension_semantics = [#tpu.dimension_semantics<arbitrary>], iteration_bounds = array<i64: 1>, scalar_prefetch = 0 : i64, scratch_operands = 0 : i64, tpu.core_type = #tpu.core_type<tc>, window_params = [{transform_indices = @transform_0, window_bounds = array<i64: 2000, 256>}, {pipeline_mode = #tpu.pipeline_mode<synchronous>, transform_indices = @transform_1, window_bounds = array<i64: 256, 256>}, {transform_indices = @transform_2, window_bounds = array<i64: 2000, 256>}]} {
    %get3A = arith.constant 0 : index
    %get3A_0 = arith.constant 0 : index
    %get3A_1 = vector.load %arg1[%get3A, %get3A_0] : memref<2000x256xf32, #tpu.memory_space<vmem>>, vector<2000x256xf32>
    %get3A_2 = arith.constant 0 : index
    %get3A_3 = arith.constant 0 : index
    %get3A_4 = vector.load %arg2[%get3A_2, %get3A_3] : memref<256x256xf32, #tpu.memory_space<vmem>>, vector<256x256xf32>
    %dot_general3A = arith.constant dense<0.000000e+00> : vector<2000x256xf32>
    %dot_general3A_5 = tpu.matmul %get3A_1, %get3A_4, %dot_general3A {dimension_numbers = #tpu.dot_dimension_numbers<[1], [0], [0], [1], [0, 0, 1, 1], [], []>, transpose_lhs_hint = false} : vector<2000x256xf32>, vector<256x256xf32>, vector<2000x256xf32> -> vector<2000x256xf32>
    %swap3A = arith.constant 0 : index
    %swap3A_6 = arith.constant 0 : index
    %swap3A_7 = vector.load %arg3[%swap3A, %swap3A_6] : memref<2000x256xf32, #tpu.memory_space<vmem>>, vector<2000x256xf32>
    tpu.vector_store %arg3[%swap3A, %swap3A_6], %dot_general3A_5 {strides = array<i32>} : memref<2000x256xf32, #tpu.memory_space<vmem>>, vector<2000x256xf32>,
    return
  }
  func.func @transform_0(%arg0: i32) -> (i32, i32) {
    %c0_i32 = arith.constant 0 : i32
    %c0_i32_0 = arith.constant 0 : i32
    return %arg0, %c0_i32 : i32, i32
  }
  func.func @transform_1(%arg0: i32) -> (i32, i32) {
    %c0_i32 = arith.constant 0 : i32
    %c0_i32_0 = arith.constant 0 : i32
    %c0_i32_1 = arith.constant 0 : i32
    return %c0_i32, %c0_i32_0 : i32, i32
  }
  func.func @transform_2(%arg0: i32) -> (i32, i32) {
    %c0_i32 = arith.constant 0 : i32
    %c0_i32_0 = arith.constant 0 : i32
    return %arg0, %c0_i32 : i32, i32
  }
}

module attributes {stable_mosaic.version = 14 : i64} {
  func.func @_edge_msg_body(%arg0: i32, %arg1: memref<2000x256xf32, #tpu.memory_space<vmem>>, %arg2: memref<2000x256xf32, #tpu.memory_space<vmem>>, %arg3: memref<2000x128xf32, #tpu.memory_space<vmem>>, %arg4: memref<128x256xf32, #tpu.memory_space<vmem>>, %arg5: memref<1x256xf32, #tpu.memory_space<vmem>>, %arg6: memref<1x256xf32, #tpu.memory_space<vmem>>, %arg7: memref<256x128xf32, #tpu.memory_space<vmem>>, %arg8: memref<128x256xf32, #tpu.memory_space<vmem>>, %arg9: memref<2000x384xbf16, #tpu.memory_space<vmem>>) attributes {dimension_semantics = [#tpu.dimension_semantics<arbitrary>], iteration_bounds = array<i64: 20>, scalar_prefetch = 0 : i64, scratch_operands = 0 : i64, tpu.core_type = #tpu.core_type<tc>, window_params = [{transform_indices = @transform_0, window_bounds = array<i64: 2000, 256>}, {transform_indices = @transform_1, window_bounds = array<i64: 2000, 256>}, {transform_indices = @transform_2, window_bounds = array<i64: 2000, 128>}, {pipeline_mode = #tpu.pipeline_mode<synchronous>, transform_indices = @transform_3, window_bounds = array<i64: 128, 256>}, {pipeline_mode = #tpu.pipeline_mode<synchronous>, transform_indices = @transform_4, window_bounds = array<i64: 1, 256>}, {pipeline_mode = #tpu.pipeline_mode<synchronous>, transform_indices = @transform_5, window_bounds = array<i64: 1, 256>}, {pipeline_mode = #tpu.pipeline_mode<synchronous>, transform_indices = @transform_6, window_bounds = array<i64: 256, 128>}, {pipeline_mode = #tpu.pipeline_mode<synchronous>, transform_indices = @transform_7, window_bounds = array<i64: 128, 256>}, {transform_indices = @transform_8, window_bounds = array<i64: 2000, 384>}]} {
    %get3A = arith.constant 0 : index
    %get3A_0 = arith.constant 0 : index
    %get3A_1 = vector.load %arg1[%get3A, %get3A_0] : memref<2000x256xf32, #tpu.memory_space<vmem>>, vector<2000x256xf32>
    %get3A_2 = arith.constant 0 : index
    %get3A_3 = arith.constant 0 : index
    %get3A_4 = vector.load %arg2[%get3A_2, %get3A_3] : memref<2000x256xf32, #tpu.memory_space<vmem>>, vector<2000x256xf32>
    %add3A = arith.addf %get3A_1, %get3A_4 : vector<2000x256xf32>
    %get3A_5 = arith.constant 0 : index
    %get3A_6 = arith.constant 0 : index
    %get3A_7 = vector.load %arg3[%get3A_5, %get3A_6] : memref<2000x128xf32, #tpu.memory_space<vmem>>, vector<2000x128xf32>
    %get3A_8 = arith.constant 0 : index
    %get3A_9 = arith.constant 0 : index
    %get3A_10 = vector.load %arg4[%get3A_8, %get3A_9] : memref<128x256xf32, #tpu.memory_space<vmem>>, vector<128x256xf32>
    %dot_general3A = arith.constant dense<0.000000e+00> : vector<2000x256xf32>
    %dot_general3A_11 = tpu.matmul %get3A_7, %get3A_10, %dot_general3A {dimension_numbers = #tpu.dot_dimension_numbers<[1], [0], [0], [1], [0, 0, 1, 1], [], []>, transpose_lhs_hint = false} : vector<2000x128xf32>, vector<128x256xf32>, vector<2000x256xf32> -> vector<2000x256xf32>
    %add3A_12 = arith.addf %add3A, %dot_general3A_11 : vector<2000x256xf32>
    %get3A_13 = arith.constant 0 : index
    %get3A_14 = arith.constant 0 : index
    %get3A_15 = vector.load %arg5[%get3A_13, %get3A_14] : memref<1x256xf32, #tpu.memory_space<vmem>>, vector<1x256xf32>
    %add3A_16 = vector.broadcast %get3A_15 : vector<1x256xf32> to vector<2000x256xf32>
    %add3A_17 = arith.addf %add3A_12, %add3A_16 : vector<2000x256xf32>
    %gt3A = arith.constant 0.000000e+00 : f32
    %gt3A_18 = vector.broadcast %gt3A : f32 to vector<2000x256xf32>
    %gt3A_19 = arith.cmpf ogt, %add3A_17, %gt3A_18 : vector<2000x256xf32>
    %mul3A = arith.constant 2.000000e-01 : f32
    %mul3A_20 = vector.broadcast %mul3A : f32 to vector<2000x256xf32>
    %mul3A_21 = arith.mulf %mul3A_20, %add3A_17 : vector<2000x256xf32>
    %select_n3A = arith.select %gt3A_19, %add3A_17, %mul3A_21 : vector<2000x256xi1>, vector<2000x256xf32>
    %get3A_22 = arith.constant 0 : index
    %get3A_23 = arith.constant 0 : index
    %get3A_24 = vector.load %arg6[%get3A_22, %get3A_23] : memref<1x256xf32, #tpu.memory_space<vmem>>, vector<1x256xf32>
    %mul3A_25 = vector.broadcast %get3A_24 : vector<1x256xf32> to vector<2000x256xf32>
    %mul3A_26 = arith.mulf %select_n3A, %mul3A_25 : vector<2000x256xf32>
    %get3A_27 = arith.constant 0 : index
    %get3A_28 = arith.constant 0 : index
    %get3A_29 = vector.load %arg7[%get3A_27, %get3A_28] : memref<256x128xf32, #tpu.memory_space<vmem>>, vector<256x128xf32>
    %dot_general3A_30 = arith.constant dense<0.000000e+00> : vector<2000x128xf32>
    %dot_general3A_31 = tpu.matmul %mul3A_26, %get3A_29, %dot_general3A_30 {dimension_numbers = #tpu.dot_dimension_numbers<[1], [0], [0], [1], [0, 0, 1, 1], [], []>, transpose_lhs_hint = false} : vector<2000x256xf32>, vector<256x128xf32>, vector<2000x128xf32> -> vector<2000x128xf32>
    %sub3A = arith.constant 4.000000e+00 : f32
    %sub3A_32 = vector.broadcast %sub3A : f32 to vector<2000x128xf32>
    %sub3A_33 = arith.subf %dot_general3A_31, %sub3A_32 : vector<2000x128xf32>
    %exp3A = math.exp %sub3A_33 : vector<2000x128xf32>
    %get3A_34 = arith.constant 0 : index
    %get3A_35 = arith.constant 0 : index
    %get3A_36 = vector.load %arg8[%get3A_34, %get3A_35] : memref<128x256xf32, #tpu.memory_space<vmem>>, vector<128x256xf32>
    %dot_general3A_37 = arith.constant dense<0.000000e+00> : vector<2000x256xf32>
    %dot_general3A_38 = tpu.matmul %exp3A, %get3A_36, %dot_general3A_37 {dimension_numbers = #tpu.dot_dimension_numbers<[1], [0], [0], [1], [0, 0, 1, 1], [], []>, transpose_lhs_hint = false} : vector<2000x128xf32>, vector<128x256xf32>, vector<2000x256xf32> -> vector<2000x256xf32>
    %mul3A_39 = arith.mulf %add3A_17, %dot_general3A_38 : vector<2000x256xf32>
    %concatenate3A = tpu.concatenate %mul3A_39, %exp3A in 1 : vector<2000x256xf32>, vector<2000x128xf32> -> vector<2000x384xf32>
    %convert_element_type3A = arith.truncf %concatenate3A : vector<2000x384xf32> to vector<2000x384xbf16>
    %swap3A = arith.constant 0 : index
    %swap3A_40 = arith.constant 0 : index
    %swap3A_41 = vector.load %arg9[%swap3A, %swap3A_40] : memref<2000x384xbf16, #tpu.memory_space<vmem>>, vector<2000x384xbf16>
    tpu.vector_store %arg9[%swap3A, %swap3A_40], %convert_element_type3A {strides = array<i32>} : memref<2000x384xbf16, #tpu.memory_space<vmem>>, vector<2000x384xbf16>,
    return
  }
  func.func @transform_0(%arg0: i32) -> (i32, i32) {
    %c0_i32 = arith.constant 0 : i32
    %c0_i32_0 = arith.constant 0 : i32
    return %arg0, %c0_i32 : i32, i32
  }
  func.func @transform_1(%arg0: i32) -> (i32, i32) {
    %c0_i32 = arith.constant 0 : i32
    %c0_i32_0 = arith.constant 0 : i32
    return %arg0, %c0_i32 : i32, i32
  }
  func.func @transform_2(%arg0: i32) -> (i32, i32) {
    %c0_i32 = arith.constant 0 : i32
    %c0_i32_0 = arith.constant 0 : i32
    return %arg0, %c0_i32 : i32, i32
  }
  func.func @transform_3(%arg0: i32) -> (i32, i32) {
    %c0_i32 = arith.constant 0 : i32
    %c0_i32_0 = arith.constant 0 : i32
    %c0_i32_1 = arith.constant 0 : i32
    return %c0_i32, %c0_i32_0 : i32, i32
  }
  func.func @transform_4(%arg0: i32) -> (i32, i32) {
    %c0_i32 = arith.constant 0 : i32
    %c0_i32_0 = arith.constant 0 : i32
    %c0_i32_1 = arith.constant 0 : i32
    return %c0_i32, %c0_i32_0 : i32, i32
  }
  func.func @transform_5(%arg0: i32) -> (i32, i32) {
    %c0_i32 = arith.constant 0 : i32
    %c0_i32_0 = arith.constant 0 : i32
    %c0_i32_1 = arith.constant 0 : i32
    return %c0_i32, %c0_i32_0 : i32, i32
  }
  func.func @transform_6(%arg0: i32) -> (i32, i32) {
    %c0_i32 = arith.constant 0 : i32
    %c0_i32_0 = arith.constant 0 : i32
    %c0_i32_1 = arith.constant 0 : i32
    return %c0_i32, %c0_i32_0 : i32, i32
  }
  func.func @transform_7(%arg0: i32) -> (i32, i32) {
    %c0_i32 = arith.constant 0 : i32
    %c0_i32_0 = arith.constant 0 : i32
    %c0_i32_1 = arith.constant 0 : i32
    return %c0_i32, %c0_i32_0 : i32, i32
  }
  func.func @transform_8(%arg0: i32) -> (i32, i32) {
    %c0_i32 = arith.constant 0 : i32
    %c0_i32_0 = arith.constant 0 : i32
    return %arg0, %c0_i32 : i32, i32
  }
}

module attributes {stable_mosaic.version = 14 : i64} {
  func.func @_update_body(%arg0: i32, %arg1: memref<2000x256xf32, #tpu.memory_space<vmem>>, %arg2: memref<2000x256xbf16, #tpu.memory_space<vmem>>, %arg3: memref<2000x4xbf16, #tpu.memory_space<vmem>>, %arg4: memref<2000x256xbf16, #tpu.memory_space<vmem>>, %arg5: memref<2000x4xbf16, #tpu.memory_space<vmem>>, %arg6: memref<2000x12xf32, #tpu.memory_space<vmem>>, %arg7: memref<256x256xf32, #tpu.memory_space<vmem>>, %arg8: memref<256x256xf32, #tpu.memory_space<vmem>>, %arg9: memref<256x256xf32, #tpu.memory_space<vmem>>, %arg10: memref<1x256xf32, #tpu.memory_space<vmem>>, %arg11: memref<4x256xf32, #tpu.memory_space<vmem>>, %arg12: memref<12x12xf32, #tpu.memory_space<vmem>>, %arg13: memref<12x4xf32, #tpu.memory_space<vmem>>, %arg14: memref<4x12xf32, #tpu.memory_space<vmem>>, %arg15: memref<2000x256xf32, #tpu.memory_space<vmem>>, %arg16: memref<2000x12xf32, #tpu.memory_space<vmem>>, %arg17: memref<2000x12xf32, #tpu.memory_space<vmem>>) attributes {dimension_semantics = [#tpu.dimension_semantics<arbitrary>], iteration_bounds = array<i64: 5>, scalar_prefetch = 0 : i64, scratch_operands = 0 : i64, tpu.core_type = #tpu.core_type<tc>, window_params = [{transform_indices = @transform_0, window_bounds = array<i64: 2000, 256>}, {transform_indices = @transform_1, window_bounds = array<i64: 2000, 256>}, {transform_indices = @transform_2, window_bounds = array<i64: 2000, 4>}, {transform_indices = @transform_3, window_bounds = array<i64: 2000, 256>}, {transform_indices = @transform_4, window_bounds = array<i64: 2000, 4>}, {transform_indices = @transform_5, window_bounds = array<i64: 2000, 12>}, {pipeline_mode = #tpu.pipeline_mode<synchronous>, transform_indices = @transform_6, window_bounds = array<i64: 256, 256>}, {pipeline_mode = #tpu.pipeline_mode<synchronous>, transform_indices = @transform_7, window_bounds = array<i64: 256, 256>}, {pipeline_mode = #tpu.pipeline_mode<synchronous>, transform_indices = @transform_8, window_bounds = array<i64: 256, 256>}, {pipeline_mode = #tpu.pipeline_mode<synchronous>, transform_indices = @transform_9, window_bounds = array<i64: 1, 256>}, {pipeline_mode = #tpu.pipeline_mode<synchronous>, transform_indices = @transform_10, window_bounds = array<i64: 4, 256>}, {pipeline_mode = #tpu.pipeline_mode<synchronous>, transform_indices = @transform_11, window_bounds = array<i64: 12, 12>}, {pipeline_mode = #tpu.pipeline_mode<synchronous>, transform_indices = @transform_12, window_bounds = array<i64: 12, 4>}, {pipeline_mode = #tpu.pipeline_mode<synchronous>, transform_indices = @transform_13, window_bounds = array<i64: 4, 12>}, {transform_indices = @transform_14, window_bounds = array<i64: 2000, 256>}, {transform_indices = @transform_15, window_bounds = array<i64: 2000, 12>}, {transform_indices = @transform_16, window_bounds = array<i64: 2000, 12>}]} {
    %get3A = arith.constant 0 : index
    %get3A_0 = arith.constant 0 : index
    %get3A_1 = vector.load %arg2[%get3A, %get3A_0] : memref<2000x256xbf16, #tpu.memory_space<vmem>>, vector<2000x256xbf16>
    %convert_element_type3A = arith.extf %get3A_1 : vector<2000x256xbf16> to vector<2000x256xf32>
    %get3A_2 = arith.constant 0 : index
    %get3A_3 = arith.constant 0 : index
    %get3A_4 = vector.load %arg3[%get3A_2, %get3A_3] : memref<2000x4xbf16, #tpu.memory_space<vmem>>, vector<2000x4xbf16>
    %convert_element_type3A_5 = arith.extf %get3A_4 : vector<2000x4xbf16> to vector<2000x4xf32>
    %get3A_6 = arith.constant 0 : index
    %get3A_7 = arith.constant 0 : index
    %get3A_8 = vector.load %arg11[%get3A_6, %get3A_7] : memref<4x256xf32, #tpu.memory_space<vmem>>, vector<4x256xf32>
    %dot_general3A = arith.constant dense<0.000000e+00> : vector<2000x256xf32>
    %dot_general3A_9 = tpu.matmul %convert_element_type3A_5, %get3A_8, %dot_general3A {dimension_numbers = #tpu.dot_dimension_numbers<[1], [0], [0], [1], [0, 0, 1, 1], [], []>, transpose_lhs_hint = false} : vector<2000x4xf32>, vector<4x256xf32>, vector<2000x256xf32> -> vector<2000x256xf32>
    %add3A = arith.constant 9.99999971E-10 : f32
    %add3A_10 = vector.broadcast %add3A : f32 to vector<2000x256xf32>
    %add3A_11 = arith.addf %dot_general3A_9, %add3A_10 : vector<2000x256xf32>
    %div3A = arith.divf %convert_element_type3A, %add3A_11 : vector<2000x256xf32>
    %get3A_12 = arith.constant 0 : index
    %get3A_13 = arith.constant 0 : index
    %get3A_14 = vector.load %arg4[%get3A_12, %get3A_13] : memref<2000x256xbf16, #tpu.memory_space<vmem>>, vector<2000x256xbf16>
    %convert_element_type3A_15 = arith.extf %get3A_14 : vector<2000x256xbf16> to vector<2000x256xf32>
    %get3A_16 = arith.constant 0 : index
    %get3A_17 = arith.constant 0 : index
    %get3A_18 = vector.load %arg5[%get3A_16, %get3A_17] : memref<2000x4xbf16, #tpu.memory_space<vmem>>, vector<2000x4xbf16>
    %convert_element_type3A_19 = arith.extf %get3A_18 : vector<2000x4xbf16> to vector<2000x4xf32>
    %get3A_20 = arith.constant 0 : index
    %get3A_21 = arith.constant 0 : index
    %get3A_22 = vector.load %arg11[%get3A_20, %get3A_21] : memref<4x256xf32, #tpu.memory_space<vmem>>, vector<4x256xf32>
    %dot_general3A_23 = arith.constant dense<0.000000e+00> : vector<2000x256xf32>
    %dot_general3A_24 = tpu.matmul %convert_element_type3A_19, %get3A_22, %dot_general3A_23 {dimension_numbers = #tpu.dot_dimension_numbers<[1], [0], [0], [1], [0, 0, 1, 1], [], []>, transpose_lhs_hint = false} : vector<2000x4xf32>, vector<4x256xf32>, vector<2000x256xf32> -> vector<2000x256xf32>
    %add3A_25 = arith.constant 9.99999971E-10 : f32
    %add3A_26 = vector.broadcast %add3A_25 : f32 to vector<2000x256xf32>
    %add3A_27 = arith.addf %dot_general3A_24, %add3A_26 : vector<2000x256xf32>
    %div3A_28 = arith.divf %convert_element_type3A_15, %add3A_27 : vector<2000x256xf32>
    %get3A_29 = arith.constant 0 : index
    %get3A_30 = arith.constant 0 : index
    %get3A_31 = vector.load %arg1[%get3A_29, %get3A_30] : memref<2000x256xf32, #tpu.memory_space<vmem>>, vector<2000x256xf32>
    %get3A_32 = arith.constant 0 : index
    %get3A_33 = arith.constant 0 : index
    %get3A_34 = vector.load %arg7[%get3A_32, %get3A_33] : memref<256x256xf32, #tpu.memory_space<vmem>>, vector<256x256xf32>
    %dot_general3A_35 = arith.constant dense<0.000000e+00> : vector<2000x256xf32>
    %dot_general3A_36 = tpu.matmul %get3A_31, %get3A_34, %dot_general3A_35 {dimension_numbers = #tpu.dot_dimension_numbers<[1], [0], [0], [1], [0, 0, 1, 1], [], []>, transpose_lhs_hint = false} : vector<2000x256xf32>, vector<256x256xf32>, vector<2000x256xf32> -> vector<2000x256xf32>
    %get3A_37 = arith.constant 0 : index
    %get3A_38 = arith.constant 0 : index
    %get3A_39 = vector.load %arg8[%get3A_37, %get3A_38] : memref<256x256xf32, #tpu.memory_space<vmem>>, vector<256x256xf32>
    %dot_general3A_40 = arith.constant dense<0.000000e+00> : vector<2000x256xf32>
    %dot_general3A_41 = tpu.matmul %div3A, %get3A_39, %dot_general3A_40 {dimension_numbers = #tpu.dot_dimension_numbers<[1], [0], [0], [1], [0, 0, 1, 1], [], []>, transpose_lhs_hint = false} : vector<2000x256xf32>, vector<256x256xf32>, vector<2000x256xf32> -> vector<2000x256xf32>
    %add3A_42 = arith.addf %dot_general3A_36, %dot_general3A_41 : vector<2000x256xf32>
    %get3A_43 = arith.constant 0 : index
    %get3A_44 = arith.constant 0 : index
    %get3A_45 = vector.load %arg9[%get3A_43, %get3A_44] : memref<256x256xf32, #tpu.memory_space<vmem>>, vector<256x256xf32>
    %dot_general3A_46 = arith.constant dense<0.000000e+00> : vector<2000x256xf32>
    %dot_general3A_47 = tpu.matmul %div3A_28, %get3A_45, %dot_general3A_46 {dimension_numbers = #tpu.dot_dimension_numbers<[1], [0], [0], [1], [0, 0, 1, 1], [], []>, transpose_lhs_hint = false} : vector<2000x256xf32>, vector<256x256xf32>, vector<2000x256xf32> -> vector<2000x256xf32>
    %add3A_48 = arith.addf %add3A_42, %dot_general3A_47 : vector<2000x256xf32>
    %get3A_49 = arith.constant 0 : index
    %get3A_50 = arith.constant 0 : index
    %get3A_51 = vector.load %arg10[%get3A_49, %get3A_50] : memref<1x256xf32, #tpu.memory_space<vmem>>, vector<1x256xf32>
    %add3A_52 = vector.broadcast %get3A_51 : vector<1x256xf32> to vector<2000x256xf32>
    %add3A_53 = arith.addf %add3A_48, %add3A_52 : vector<2000x256xf32>
    %max3A = arith.constant 0.000000e+00 : f32
    %max3A_54 = vector.broadcast %max3A : f32 to vector<2000x256xf32>
    %max3A_55 = arith.maximumf %add3A_53, %max3A_54 : vector<2000x256xf32>
    %add3A_56 = arith.addf %get3A_31, %max3A_55 : vector<2000x256xf32>
    %swap3A = arith.constant 0 : index
    %swap3A_57 = arith.constant 0 : index
    %swap3A_58 = vector.load %arg15[%swap3A, %swap3A_57] : memref<2000x256xf32, #tpu.memory_space<vmem>>, vector<2000x256xf32>
    tpu.vector_store %arg15[%swap3A, %swap3A_57], %add3A_56 {strides = array<i32>} : memref<2000x256xf32, #tpu.memory_space<vmem>>, vector<2000x256xf32>,
    %get3A_59 = arith.constant 0 : index
    %get3A_60 = arith.constant 0 : index
    %get3A_61 = vector.load %arg6[%get3A_59, %get3A_60] : memref<2000x12xf32, #tpu.memory_space<vmem>>, vector<2000x12xf32>
    %get3A_62 = arith.constant 0 : index
    %get3A_63 = arith.constant 0 : index
    %get3A_64 = vector.load %arg12[%get3A_62, %get3A_63] : memref<12x12xf32, #tpu.memory_space<vmem>>, vector<12x12xf32>
    %dot_general3A_65 = arith.constant dense<0.000000e+00> : vector<2000x12xf32>
    %dot_general3A_66 = tpu.matmul %get3A_61, %get3A_64, %dot_general3A_65 {dimension_numbers = #tpu.dot_dimension_numbers<[1], [0], [0], [1], [0, 0, 1, 1], [], []>, transpose_lhs_hint = false} : vector<2000x12xf32>, vector<12x12xf32>, vector<2000x12xf32> -> vector<2000x12xf32>
    %swap3A_67 = arith.constant 0 : index
    %swap3A_68 = arith.constant 0 : index
    %swap3A_69 = vector.load %arg16[%swap3A_67, %swap3A_68] : memref<2000x12xf32, #tpu.memory_space<vmem>>, vector<2000x12xf32>
    tpu.vector_store %arg16[%swap3A_67, %swap3A_68], %dot_general3A_66 {strides = array<i32>} : memref<2000x12xf32, #tpu.memory_space<vmem>>, vector<2000x12xf32>,
    %mul3A = arith.mulf %dot_general3A_66, %dot_general3A_66 : vector<2000x12xf32>
    %get3A_70 = arith.constant 0 : index
    %get3A_71 = arith.constant 0 : index
    %get3A_72 = vector.load %arg13[%get3A_70, %get3A_71] : memref<12x4xf32, #tpu.memory_space<vmem>>, vector<12x4xf32>
    %dot_general3A_73 = arith.constant dense<0.000000e+00> : vector<2000x4xf32>
    %dot_general3A_74 = tpu.matmul %mul3A, %get3A_72, %dot_general3A_73 {dimension_numbers = #tpu.dot_dimension_numbers<[1], [0], [0], [1], [0, 0, 1, 1], [], []>, transpose_lhs_hint = false} : vector<2000x12xf32>, vector<12x4xf32>, vector<2000x4xf32> -> vector<2000x4xf32>
    %add3A_75 = arith.constant 9.99999993E-9 : f32
    %add3A_76 = vector.broadcast %add3A_75 : f32 to vector<2000x4xf32>
    %add3A_77 = arith.addf %dot_general3A_74, %add3A_76 : vector<2000x4xf32>
    %sqrt3A = math.sqrt %add3A_77 : vector<2000x4xf32>
    %div3A_78 = arith.constant 1.000000e+00 : f32
    %div3A_79 = vector.broadcast %div3A_78 : f32 to vector<2000x4xf32>
    %div3A_80 = arith.divf %div3A_79, %sqrt3A : vector<2000x4xf32>
    %get3A_81 = arith.constant 0 : index
    %get3A_82 = arith.constant 0 : index
    %get3A_83 = vector.load %arg14[%get3A_81, %get3A_82] : memref<4x12xf32, #tpu.memory_space<vmem>>, vector<4x12xf32>
    %dot_general3A_84 = arith.constant dense<0.000000e+00> : vector<2000x12xf32>
    %dot_general3A_85 = tpu.matmul %div3A_80, %get3A_83, %dot_general3A_84 {dimension_numbers = #tpu.dot_dimension_numbers<[1], [0], [0], [1], [0, 0, 1, 1], [], []>, transpose_lhs_hint = false} : vector<2000x4xf32>, vector<4x12xf32>, vector<2000x12xf32> -> vector<2000x12xf32>
    %mul3A_86 = arith.mulf %dot_general3A_66, %dot_general3A_85 : vector<2000x12xf32>
    %swap3A_87 = arith.constant 0 : index
    %swap3A_88 = arith.constant 0 : index
    %swap3A_89 = vector.load %arg17[%swap3A_87, %swap3A_88] : memref<2000x12xf32, #tpu.memory_space<vmem>>, vector<2000x12xf32>
    tpu.vector_store %arg17[%swap3A_87, %swap3A_88], %mul3A_86 {strides = array<i32>} : memref<2000x12xf32, #tpu.memory_space<vmem>>, vector<2000x12xf32>,
    return
  }
  func.func @transform_0(%arg0: i32) -> (i32, i32) {
    %c0_i32 = arith.constant 0 : i32
    %c0_i32_0 = arith.constant 0 : i32
    return %arg0, %c0_i32 : i32, i32
  }
  func.func @transform_1(%arg0: i32) -> (i32, i32) {
    %c0_i32 = arith.constant 0 : i32
    %c0_i32_0 = arith.constant 0 : i32
    return %arg0, %c0_i32 : i32, i32
  }
  func.func @transform_2(%arg0: i32) -> (i32, i32) {
    %c0_i32 = arith.constant 0 : i32
    %c0_i32_0 = arith.constant 0 : i32
    return %arg0, %c0_i32 : i32, i32
  }
  func.func @transform_3(%arg0: i32) -> (i32, i32) {
    %c0_i32 = arith.constant 0 : i32
    %c0_i32_0 = arith.constant 0 : i32
    return %arg0, %c0_i32 : i32, i32
  }
  func.func @transform_4(%arg0: i32) -> (i32, i32) {
    %c0_i32 = arith.constant 0 : i32
    %c0_i32_0 = arith.constant 0 : i32
    return %arg0, %c0_i32 : i32, i32
  }
  func.func @transform_5(%arg0: i32) -> (i32, i32) {
    %c0_i32 = arith.constant 0 : i32
    %c0_i32_0 = arith.constant 0 : i32
    return %arg0, %c0_i32 : i32, i32
  }
  func.func @transform_6(%arg0: i32) -> (i32, i32) {
    %c0_i32 = arith.constant 0 : i32
    %c0_i32_0 = arith.constant 0 : i32
    %c0_i32_1 = arith.constant 0 : i32
    return %c0_i32, %c0_i32_0 : i32, i32
  }
  func.func @transform_7(%arg0: i32) -> (i32, i32) {
    %c0_i32 = arith.constant 0 : i32
    %c0_i32_0 = arith.constant 0 : i32
    %c0_i32_1 = arith.constant 0 : i32
    return %c0_i32, %c0_i32_0 : i32, i32
  }
  func.func @transform_8(%arg0: i32) -> (i32, i32) {
    %c0_i32 = arith.constant 0 : i32
    %c0_i32_0 = arith.constant 0 : i32
    %c0_i32_1 = arith.constant 0 : i32
    return %c0_i32, %c0_i32_0 : i32, i32
  }
  func.func @transform_9(%arg0: i32) -> (i32, i32) {
    %c0_i32 = arith.constant 0 : i32
    %c0_i32_0 = arith.constant 0 : i32
    %c0_i32_1 = arith.constant 0 : i32
    return %c0_i32, %c0_i32_0 : i32, i32
  }
  func.func @transform_10(%arg0: i32) -> (i32, i32) {
    %c0_i32 = arith.constant 0 : i32
    %c0_i32_0 = arith.constant 0 : i32
    %c0_i32_1 = arith.constant 0 : i32
    return %c0_i32, %c0_i32_0 : i32, i32
  }
  func.func @transform_11(%arg0: i32) -> (i32, i32) {
    %c0_i32 = arith.constant 0 : i32
    %c0_i32_0 = arith.constant 0 : i32
    %c0_i32_1 = arith.constant 0 : i32
    return %c0_i32, %c0_i32_0 : i32, i32
  }
  func.func @transform_12(%arg0: i32) -> (i32, i32) {
    %c0_i32 = arith.constant 0 : i32
    %c0_i32_0 = arith.constant 0 : i32
    %c0_i32_1 = arith.constant 0 : i32
    return %c0_i32, %c0_i32_0 : i32, i32
  }
  func.func @transform_13(%arg0: i32) -> (i32, i32) {
    %c0_i32 = arith.constant 0 : i32
    %c0_i32_0 = arith.constant 0 : i32
    %c0_i32_1 = arith.constant 0 : i32
    return %c0_i32, %c0_i32_0 : i32, i32
  }
  func.func @transform_14(%arg0: i32) -> (i32, i32) {
    %c0_i32 = arith.constant 0 : i32
    %c0_i32_0 = arith.constant 0 : i32
    return %arg0, %c0_i32 : i32, i32
  }
  func.func @transform_15(%arg0: i32) -> (i32, i32) {
    %c0_i32 = arith.constant 0 : i32
    %c0_i32_0 = arith.constant 0 : i32
    return %arg0, %c0_i32 : i32, i32
  }
  func.func @transform_16(%arg0: i32) -> (i32, i32) {
    %c0_i32 = arith.constant 0 : i32
    %c0_i32_0 = arith.constant 0 : i32
    return %arg0, %c0_i32 : i32, i32
  }
}

module attributes {stable_mosaic.version = 14 : i64} {
  func.func @_edge_pp_body(%arg0: i32, %arg1: memref<2000x12xf32, #tpu.memory_space<vmem>>, %arg2: memref<2000x12xf32, #tpu.memory_space<vmem>>, %arg3: memref<2000x128xf32, #tpu.memory_space<vmem>>, %arg4: memref<128x128xf32, #tpu.memory_space<vmem>>, %arg5: memref<16x128xf32, #tpu.memory_space<vmem>>, %arg6: memref<1x128xf32, #tpu.memory_space<vmem>>, %arg7: memref<12x48xf32, #tpu.memory_space<vmem>>, %arg8: memref<12x48xf32, #tpu.memory_space<vmem>>, %arg9: memref<48x16xf32, #tpu.memory_space<vmem>>, %arg10: memref<2000x128xf32, #tpu.memory_space<vmem>>) attributes {dimension_semantics = [#tpu.dimension_semantics<arbitrary>], iteration_bounds = array<i64: 80>, scalar_prefetch = 0 : i64, scratch_operands = 0 : i64, tpu.core_type = #tpu.core_type<tc>, window_params = [{transform_indices = @transform_0, window_bounds = array<i64: 2000, 12>}, {transform_indices = @transform_1, window_bounds = array<i64: 2000, 12>}, {transform_indices = @transform_2, window_bounds = array<i64: 2000, 128>}, {pipeline_mode = #tpu.pipeline_mode<synchronous>, transform_indices = @transform_3, window_bounds = array<i64: 128, 128>}, {pipeline_mode = #tpu.pipeline_mode<synchronous>, transform_indices = @transform_4, window_bounds = array<i64: 16, 128>}, {pipeline_mode = #tpu.pipeline_mode<synchronous>, transform_indices = @transform_5, window_bounds = array<i64: 1, 128>}, {pipeline_mode = #tpu.pipeline_mode<synchronous>, transform_indices = @transform_6, window_bounds = array<i64: 12, 48>}, {pipeline_mode = #tpu.pipeline_mode<synchronous>, transform_indices = @transform_7, window_bounds = array<i64: 12, 48>}, {pipeline_mode = #tpu.pipeline_mode<synchronous>, transform_indices = @transform_8, window_bounds = array<i64: 48, 16>}, {transform_indices = @transform_9, window_bounds = array<i64: 2000, 128>}]} {
    %get3A = arith.constant 0 : index
    %get3A_0 = arith.constant 0 : index
    %get3A_1 = vector.load %arg1[%get3A, %get3A_0] : memref<2000x12xf32, #tpu.memory_space<vmem>>, vector<2000x12xf32>
    %get3A_2 = arith.constant 0 : index
    %get3A_3 = arith.constant 0 : index
    %get3A_4 = vector.load %arg7[%get3A_2, %get3A_3] : memref<12x48xf32, #tpu.memory_space<vmem>>, vector<12x48xf32>
    %dot_general3A = arith.constant dense<0.000000e+00> : vector<2000x48xf32>
    %dot_general3A_5 = tpu.matmul %get3A_1, %get3A_4, %dot_general3A {dimension_numbers = #tpu.dot_dimension_numbers<[1], [0], [0], [1], [0, 0, 1, 1], [], []>, transpose_lhs_hint = false} : vector<2000x12xf32>, vector<12x48xf32>, vector<2000x48xf32> -> vector<2000x48xf32>
    %get3A_6 = arith.constant 0 : index
    %get3A_7 = arith.constant 0 : index
    %get3A_8 = vector.load %arg2[%get3A_6, %get3A_7] : memref<2000x12xf32, #tpu.memory_space<vmem>>, vector<2000x12xf32>
    %get3A_9 = arith.constant 0 : index
    %get3A_10 = arith.constant 0 : index
    %get3A_11 = vector.load %arg8[%get3A_9, %get3A_10] : memref<12x48xf32, #tpu.memory_space<vmem>>, vector<12x48xf32>
    %dot_general3A_12 = arith.constant dense<0.000000e+00> : vector<2000x48xf32>
    %dot_general3A_13 = tpu.matmul %get3A_8, %get3A_11, %dot_general3A_12 {dimension_numbers = #tpu.dot_dimension_numbers<[1], [0], [0], [1], [0, 0, 1, 1], [], []>, transpose_lhs_hint = false} : vector<2000x12xf32>, vector<12x48xf32>, vector<2000x48xf32> -> vector<2000x48xf32>
    %mul3A = arith.mulf %dot_general3A_5, %dot_general3A_13 : vector<2000x48xf32>
    %get3A_14 = arith.constant 0 : index
    %get3A_15 = arith.constant 0 : index
    %get3A_16 = vector.load %arg9[%get3A_14, %get3A_15] : memref<48x16xf32, #tpu.memory_space<vmem>>, vector<48x16xf32>
    %dot_general3A_17 = arith.constant dense<0.000000e+00> : vector<2000x16xf32>
    %dot_general3A_18 = tpu.matmul %mul3A, %get3A_16, %dot_general3A_17 {dimension_numbers = #tpu.dot_dimension_numbers<[1], [0], [0], [1], [0, 0, 1, 1], [], []>, transpose_lhs_hint = false} : vector<2000x48xf32>, vector<48x16xf32>, vector<2000x16xf32> -> vector<2000x16xf32>
    %get3A_19 = arith.constant 0 : index
    %get3A_20 = arith.constant 0 : index
    %get3A_21 = vector.load %arg3[%get3A_19, %get3A_20] : memref<2000x128xf32, #tpu.memory_space<vmem>>, vector<2000x128xf32>
    %get3A_22 = arith.constant 0 : index
    %get3A_23 = arith.constant 0 : index
    %get3A_24 = vector.load %arg4[%get3A_22, %get3A_23] : memref<128x128xf32, #tpu.memory_space<vmem>>, vector<128x128xf32>
    %dot_general3A_25 = arith.constant dense<0.000000e+00> : vector<2000x128xf32>
    %dot_general3A_26 = tpu.matmul %get3A_21, %get3A_24, %dot_general3A_25 {dimension_numbers = #tpu.dot_dimension_numbers<[1], [0], [0], [1], [0, 0, 1, 1], [], []>, transpose_lhs_hint = false} : vector<2000x128xf32>, vector<128x128xf32>, vector<2000x128xf32> -> vector<2000x128xf32>
    %get3A_27 = arith.constant 0 : index
    %get3A_28 = arith.constant 0 : index
    %get3A_29 = vector.load %arg5[%get3A_27, %get3A_28] : memref<16x128xf32, #tpu.memory_space<vmem>>, vector<16x128xf32>
    %dot_general3A_30 = arith.constant dense<0.000000e+00> : vector<2000x128xf32>
    %dot_general3A_31 = tpu.matmul %dot_general3A_18, %get3A_29, %dot_general3A_30 {dimension_numbers = #tpu.dot_dimension_numbers<[1], [0], [0], [1], [0, 0, 1, 1], [], []>, transpose_lhs_hint = false} : vector<2000x16xf32>, vector<16x128xf32>, vector<2000x128xf32> -> vector<2000x128xf32>
    %add3A = arith.addf %dot_general3A_26, %dot_general3A_31 : vector<2000x128xf32>
    %get3A_32 = arith.constant 0 : index
    %get3A_33 = arith.constant 0 : index
    %get3A_34 = vector.load %arg6[%get3A_32, %get3A_33] : memref<1x128xf32, #tpu.memory_space<vmem>>, vector<1x128xf32>
    %add3A_35 = vector.broadcast %get3A_34 : vector<1x128xf32> to vector<2000x128xf32>
    %add3A_36 = arith.addf %add3A, %add3A_35 : vector<2000x128xf32>
    %swap3A = arith.constant 0 : index
    %swap3A_37 = arith.constant 0 : index
    %swap3A_38 = vector.load %arg10[%swap3A, %swap3A_37] : memref<2000x128xf32, #tpu.memory_space<vmem>>, vector<2000x128xf32>
    tpu.vector_store %arg10[%swap3A, %swap3A_37], %add3A_36 {strides = array<i32>} : memref<2000x128xf32, #tpu.memory_space<vmem>>, vector<2000x128xf32>,
    return
  }
  func.func @transform_0(%arg0: i32) -> (i32, i32) {
    %c0_i32 = arith.constant 0 : i32
    %c0_i32_0 = arith.constant 0 : i32
    return %arg0, %c0_i32 : i32, i32
  }
  func.func @transform_1(%arg0: i32) -> (i32, i32) {
    %c0_i32 = arith.constant 0 : i32
    %c0_i32_0 = arith.constant 0 : i32
    return %arg0, %c0_i32 : i32, i32
  }
  func.func @transform_2(%arg0: i32) -> (i32, i32) {
    %c0_i32 = arith.constant 0 : i32
    %c0_i32_0 = arith.constant 0 : i32
    return %arg0, %c0_i32 : i32, i32
  }
  func.func @transform_3(%arg0: i32) -> (i32, i32) {
    %c0_i32 = arith.constant 0 : i32
    %c0_i32_0 = arith.constant 0 : i32
    %c0_i32_1 = arith.constant 0 : i32
    return %c0_i32, %c0_i32_0 : i32, i32
  }
  func.func @transform_4(%arg0: i32) -> (i32, i32) {
    %c0_i32 = arith.constant 0 : i32
    %c0_i32_0 = arith.constant 0 : i32
    %c0_i32_1 = arith.constant 0 : i32
    return %c0_i32, %c0_i32_0 : i32, i32
  }
  func.func @transform_5(%arg0: i32) -> (i32, i32) {
    %c0_i32 = arith.constant 0 : i32
    %c0_i32_0 = arith.constant 0 : i32
    %c0_i32_1 = arith.constant 0 : i32
    return %c0_i32, %c0_i32_0 : i32, i32
  }
  func.func @transform_6(%arg0: i32) -> (i32, i32) {
    %c0_i32 = arith.constant 0 : i32
    %c0_i32_0 = arith.constant 0 : i32
    %c0_i32_1 = arith.constant 0 : i32
    return %c0_i32, %c0_i32_0 : i32, i32
  }
  func.func @transform_7(%arg0: i32) -> (i32, i32) {
    %c0_i32 = arith.constant 0 : i32
    %c0_i32_0 = arith.constant 0 : i32
    %c0_i32_1 = arith.constant 0 : i32
    return %c0_i32, %c0_i32_0 : i32, i32
  }
  func.func @transform_8(%arg0: i32) -> (i32, i32) {
    %c0_i32 = arith.constant 0 : i32
    %c0_i32_0 = arith.constant 0 : i32
    %c0_i32_1 = arith.constant 0 : i32
    return %c0_i32, %c0_i32_0 : i32, i32
  }
  func.func @transform_9(%arg0: i32) -> (i32, i32) {
    %c0_i32 = arith.constant 0 : i32
    %c0_i32_0 = arith.constant 0 : i32
    return %arg0, %c0_i32 : i32, i32
  }
}

module attributes {stable_mosaic.version = 14 : i64} {
  func.func @_edge_lp_body(%arg0: i32, %arg1: memref<2000x12xf32, #tpu.memory_space<vmem>>, %arg2: memref<2000x128xf32, #tpu.memory_space<vmem>>, %arg3: memref<2000x8xf32, #tpu.memory_space<vmem>>, %arg4: memref<2000x8xf32, #tpu.memory_space<vmem>>, %arg5: memref<128x128xf32, #tpu.memory_space<vmem>>, %arg6: memref<4x128xf32, #tpu.memory_space<vmem>>, %arg7: memref<1x128xf32, #tpu.memory_space<vmem>>, %arg8: memref<8x8xf32, #tpu.memory_space<vmem>>, %arg9: memref<8x12xf32, #tpu.memory_space<vmem>>, %arg10: memref<12x4xf32, #tpu.memory_space<vmem>>, %arg11: memref<2000x128xf32, #tpu.memory_space<vmem>>) attributes {dimension_semantics = [#tpu.dimension_semantics<arbitrary>], iteration_bounds = array<i64: 20>, scalar_prefetch = 0 : i64, scratch_operands = 0 : i64, tpu.core_type = #tpu.core_type<tc>, window_params = [{transform_indices = @transform_0, window_bounds = array<i64: 2000, 12>}, {transform_indices = @transform_1, window_bounds = array<i64: 2000, 128>}, {transform_indices = @transform_2, window_bounds = array<i64: 2000, 8>}, {transform_indices = @transform_3, window_bounds = array<i64: 2000, 8>}, {pipeline_mode = #tpu.pipeline_mode<synchronous>, transform_indices = @transform_4, window_bounds = array<i64: 128, 128>}, {pipeline_mode = #tpu.pipeline_mode<synchronous>, transform_indices = @transform_5, window_bounds = array<i64: 4, 128>}, {pipeline_mode = #tpu.pipeline_mode<synchronous>, transform_indices = @transform_6, window_bounds = array<i64: 1, 128>}, {pipeline_mode = #tpu.pipeline_mode<synchronous>, transform_indices = @transform_7, window_bounds = array<i64: 8, 8>}, {pipeline_mode = #tpu.pipeline_mode<synchronous>, transform_indices = @transform_8, window_bounds = array<i64: 8, 12>}, {pipeline_mode = #tpu.pipeline_mode<synchronous>, transform_indices = @transform_9, window_bounds = array<i64: 12, 4>}, {transform_indices = @transform_10, window_bounds = array<i64: 2000, 128>}]} {
    %get3A = arith.constant 0 : index
    %get3A_0 = arith.constant 0 : index
    %get3A_1 = vector.load %arg3[%get3A, %get3A_0] : memref<2000x8xf32, #tpu.memory_space<vmem>>, vector<2000x8xf32>
    %get3A_2 = arith.constant 0 : index
    %get3A_3 = arith.constant 0 : index
    %get3A_4 = vector.load %arg4[%get3A_2, %get3A_3] : memref<2000x8xf32, #tpu.memory_space<vmem>>, vector<2000x8xf32>
    %sub3A = arith.subf %get3A_1, %get3A_4 : vector<2000x8xf32>
    %mul3A = arith.mulf %sub3A, %sub3A : vector<2000x8xf32>
    %get3A_5 = arith.constant 0 : index
    %get3A_6 = arith.constant 0 : index
    %get3A_7 = vector.load %arg8[%get3A_5, %get3A_6] : memref<8x8xf32, #tpu.memory_space<vmem>>, vector<8x8xf32>
    %dot_general3A = arith.constant dense<0.000000e+00> : vector<2000x8xf32>
    %dot_general3A_8 = tpu.matmul %mul3A, %get3A_7, %dot_general3A {dimension_numbers = #tpu.dot_dimension_numbers<[1], [0], [0], [1], [0, 0, 1, 1], [], []>, transpose_lhs_hint = false} : vector<2000x8xf32>, vector<8x8xf32>, vector<2000x8xf32> -> vector<2000x8xf32>
    %add3A = arith.constant 9.99999993E-9 : f32
    %add3A_9 = vector.broadcast %add3A : f32 to vector<2000x8xf32>
    %add3A_10 = arith.addf %dot_general3A_8, %add3A_9 : vector<2000x8xf32>
    %sqrt3A = math.sqrt %add3A_10 : vector<2000x8xf32>
    %div3A = arith.divf %sub3A, %sqrt3A : vector<2000x8xf32>
    %get3A_11 = arith.constant 0 : index
    %get3A_12 = arith.constant 0 : index
    %get3A_13 = vector.load %arg9[%get3A_11, %get3A_12] : memref<8x12xf32, #tpu.memory_space<vmem>>, vector<8x12xf32>
    %dot_general3A_14 = arith.constant dense<0.000000e+00> : vector<2000x12xf32>
    %dot_general3A_15 = tpu.matmul %div3A, %get3A_13, %dot_general3A_14 {dimension_numbers = #tpu.dot_dimension_numbers<[1], [0], [0], [1], [0, 0, 1, 1], [], []>, transpose_lhs_hint = false} : vector<2000x8xf32>, vector<8x12xf32>, vector<2000x12xf32> -> vector<2000x12xf32>
    %get3A_16 = arith.constant 0 : index
    %get3A_17 = arith.constant 0 : index
    %get3A_18 = vector.load %arg1[%get3A_16, %get3A_17] : memref<2000x12xf32, #tpu.memory_space<vmem>>, vector<2000x12xf32>
    %mul3A_19 = arith.mulf %get3A_18, %dot_general3A_15 : vector<2000x12xf32>
    %get3A_20 = arith.constant 0 : index
    %get3A_21 = arith.constant 0 : index
    %get3A_22 = vector.load %arg10[%get3A_20, %get3A_21] : memref<12x4xf32, #tpu.memory_space<vmem>>, vector<12x4xf32>
    %dot_general3A_23 = arith.constant dense<0.000000e+00> : vector<2000x4xf32>
    %dot_general3A_24 = tpu.matmul %mul3A_19, %get3A_22, %dot_general3A_23 {dimension_numbers = #tpu.dot_dimension_numbers<[1], [0], [0], [1], [0, 0, 1, 1], [], []>, transpose_lhs_hint = false} : vector<2000x12xf32>, vector<12x4xf32>, vector<2000x4xf32> -> vector<2000x4xf32>
    %get3A_25 = arith.constant 0 : index
    %get3A_26 = arith.constant 0 : index
    %get3A_27 = vector.load %arg2[%get3A_25, %get3A_26] : memref<2000x128xf32, #tpu.memory_space<vmem>>, vector<2000x128xf32>
    %get3A_28 = arith.constant 0 : index
    %get3A_29 = arith.constant 0 : index
    %get3A_30 = vector.load %arg5[%get3A_28, %get3A_29] : memref<128x128xf32, #tpu.memory_space<vmem>>, vector<128x128xf32>
    %dot_general3A_31 = arith.constant dense<0.000000e+00> : vector<2000x128xf32>
    %dot_general3A_32 = tpu.matmul %get3A_27, %get3A_30, %dot_general3A_31 {dimension_numbers = #tpu.dot_dimension_numbers<[1], [0], [0], [1], [0, 0, 1, 1], [], []>, transpose_lhs_hint = false} : vector<2000x128xf32>, vector<128x128xf32>, vector<2000x128xf32> -> vector<2000x128xf32>
    %get3A_33 = arith.constant 0 : index
    %get3A_34 = arith.constant 0 : index
    %get3A_35 = vector.load %arg6[%get3A_33, %get3A_34] : memref<4x128xf32, #tpu.memory_space<vmem>>, vector<4x128xf32>
    %dot_general3A_36 = arith.constant dense<0.000000e+00> : vector<2000x128xf32>
    %dot_general3A_37 = tpu.matmul %dot_general3A_24, %get3A_35, %dot_general3A_36 {dimension_numbers = #tpu.dot_dimension_numbers<[1], [0], [0], [1], [0, 0, 1, 1], [], []>, transpose_lhs_hint = false} : vector<2000x4xf32>, vector<4x128xf32>, vector<2000x128xf32> -> vector<2000x128xf32>
    %add3A_38 = arith.addf %dot_general3A_32, %dot_general3A_37 : vector<2000x128xf32>
    %get3A_39 = arith.constant 0 : index
    %get3A_40 = arith.constant 0 : index
    %get3A_41 = vector.load %arg7[%get3A_39, %get3A_40] : memref<1x128xf32, #tpu.memory_space<vmem>>, vector<1x128xf32>
    %add3A_42 = vector.broadcast %get3A_41 : vector<1x128xf32> to vector<2000x128xf32>
    %add3A_43 = arith.addf %add3A_38, %add3A_42 : vector<2000x128xf32>
    %swap3A = arith.constant 0 : index
    %swap3A_44 = arith.constant 0 : index
    %swap3A_45 = vector.load %arg11[%swap3A, %swap3A_44] : memref<2000x128xf32, #tpu.memory_space<vmem>>, vector<2000x128xf32>
    tpu.vector_store %arg11[%swap3A, %swap3A_44], %add3A_43 {strides = array<i32>} : memref<2000x128xf32, #tpu.memory_space<vmem>>, vector<2000x128xf32>,
    return
  }
  func.func @transform_0(%arg0: i32) -> (i32, i32) {
    %c0_i32 = arith.constant 0 : i32
    %c0_i32_0 = arith.constant 0 : i32
    return %arg0, %c0_i32 : i32, i32
  }
  func.func @transform_1(%arg0: i32) -> (i32, i32) {
    %c0_i32 = arith.constant 0 : i32
    %c0_i32_0 = arith.constant 0 : i32
    return %arg0, %c0_i32 : i32, i32
  }
  func.func @transform_2(%arg0: i32) -> (i32, i32) {
    %c0_i32 = arith.constant 0 : i32
    %c0_i32_0 = arith.constant 0 : i32
    return %arg0, %c0_i32 : i32, i32
  }
  func.func @transform_3(%arg0: i32) -> (i32, i32) {
    %c0_i32 = arith.constant 0 : i32
    %c0_i32_0 = arith.constant 0 : i32
    return %arg0, %c0_i32 : i32, i32
  }
  func.func @transform_4(%arg0: i32) -> (i32, i32) {
    %c0_i32 = arith.constant 0 : i32
    %c0_i32_0 = arith.constant 0 : i32
    %c0_i32_1 = arith.constant 0 : i32
    return %c0_i32, %c0_i32_0 : i32, i32
  }
  func.func @transform_5(%arg0: i32) -> (i32, i32) {
    %c0_i32 = arith.constant 0 : i32
    %c0_i32_0 = arith.constant 0 : i32
    %c0_i32_1 = arith.constant 0 : i32
    return %c0_i32, %c0_i32_0 : i32, i32
  }
  func.func @transform_6(%arg0: i32) -> (i32, i32) {
    %c0_i32 = arith.constant 0 : i32
    %c0_i32_0 = arith.constant 0 : i32
    %c0_i32_1 = arith.constant 0 : i32
    return %c0_i32, %c0_i32_0 : i32, i32
  }
  func.func @transform_7(%arg0: i32) -> (i32, i32) {
    %c0_i32 = arith.constant 0 : i32
    %c0_i32_0 = arith.constant 0 : i32
    %c0_i32_1 = arith.constant 0 : i32
    return %c0_i32, %c0_i32_0 : i32, i32
  }
  func.func @transform_8(%arg0: i32) -> (i32, i32) {
    %c0_i32 = arith.constant 0 : i32
    %c0_i32_0 = arith.constant 0 : i32
    %c0_i32_1 = arith.constant 0 : i32
    return %c0_i32, %c0_i32_0 : i32, i32
  }
  func.func @transform_9(%arg0: i32) -> (i32, i32) {
    %c0_i32 = arith.constant 0 : i32
    %c0_i32_0 = arith.constant 0 : i32
    %c0_i32_1 = arith.constant 0 : i32
    return %c0_i32, %c0_i32_0 : i32, i32
  }
  func.func @transform_10(%arg0: i32) -> (i32, i32) {
    %c0_i32 = arith.constant 0 : i32
    %c0_i32_0 = arith.constant 0 : i32
    return %arg0, %c0_i32 : i32, i32
  }
}

</mosaic_0001>

<sc_bundles>
// kernel: gather_offload_async_start.1
scs
__scs_entry_jumppad:
0x0: {  	(pc) =	sbr.rel $0x88, $3  }
0x1: {  	(tag) =	ssettag $0x0;
	lr =	simm.s32 $0x1  }
0x2: {  	[smem:$0x3F8B] =	sst lr;
	_ =	strace $0xD0000000  }
0x3: {  	_ = 	snop  }
0x4: {  	_ = 	snop  }
0x5: {  	_ = 	snop  }
0x6: {  	_ = 	snop  }
0x7: {  	_ = 	snop  }
__scs_overlays_trampoline_lowered:
0x8: {  	[smem:$0x3F9A] =	sst s0  }
0x9: {  	[smem:$0x3F9B] =	sst s1  }
0xa: {  	[smem:$0x3F9C] =	sst s2  }
0xb: {  	[smem:$0x3F9D] =	sst s3  }
0xc: {  	[smem:$0x3F9E] =	sst s4  }
0xd: {  	[smem:$0x3F9F] =	sst s5  }
0xe: {  	[smem:$0x3FA0] =	sst s6  }
0xf: {  	[smem:$0x3FA1] =	sst s7  }
0x10: {  	[smem:$0x3FA2] =	sst s8  }
0x11: {  	[smem:$0x3FA3] =	sst s9;
	s0 =	simm.s32 @!p0 $0x0  }
0x12: {  	s1 =	sld [smem:$0x3F89];
	s0 =	simm.s32 @p0 $0x1  }
0x13: {  	[smem:$0x3FA4] =	sst s0;
	s0 =	simm.s32 @!p1 $0x0  }
0x14: {  	s2 =	sld [smem:$0x3F88];
	s0 =	simm.s32 @p1 $0x1  }
0x15: {  	[smem:$0x3FA5] =	sst s0;
	s0 =	simm.s32 @!p2 $0x0  }
0x16: {  	s3 =	sld [smem:$0x3FDB];
	s0 =	simm.s32 @p2 $0x1  }
0x17: {  	s4 =	simm.s32 $0x1BF5;
	[smem:$0x3FA7] =	sst s0  }
0x18: {  	s0 =	sld [smem:$0x3F8A];
	_ =	swait.ge [sflag:s4], $0x0  }
0x19: {  	s7 =	sld [smem:$0x3F8B]  }
0x1a: {  	s8 =	sadd.s32 $0xFFFFE003, lr  }
0x1b: {  	s9 =	sadd.s32 $0xFFFFFEF7, lr;
	s5 =	simm.s32 $0xFFFFFFFF;
	p2 =	slt.u32 s8, $0xFFFFF086  }
0x1c: {  	p1 =	slt.u32 s9, $0xF7A;
	s5 =	simm.s32 @!p2 $0x0  }
0x1d: {  	s5 =	simm.s32 @p1 $0x1;
	p0 =	seq.s32 s7, s2  }
0x1e: {  	s7 =	smul.u32 @!p0 $0xF7A, s2;
	p2 =	seq.s32 @!p0 s5, $0x0  }
0x1f: {  	s9 =	smul.u32 $0xF7A, s1;
	s8 =	simm.s32 @!p0 $0x1BF5;
	p2 =	por !p2, p0  }
0x20: {  	[sflag:s8] =	ssyncset.s32 @!p0 $0xFFFFF086;
	s6 =	sadd.s32 @!p0 s3, s7;
	s7 =	simm.s32 @!p0 $0x108  }
0x21: {  	s3 =	sadd.s32 s3, s9;
	s6 =	sadd.s32 @!p0 $0x88, s6;
	s7 =	simm.s32 @p2 $0x1082  }
0x22: {  	[simem:s7], [sflag:s8] =	dma.local @!p0 [hbm:s6], $0xF7A  }
0x23: {  	s9 =	sor.u32 $0xD0000000, s2;
	s6 =	simm.s32 $0x108;
	_ =	swait.ge @!p0 [sflag:s8], $0x0  }
0x24: {  	s3 =	sadd.s32 $0x88, s3;
	s6 =	simm.s32 @!p1 $0x1082;
	[sflag:s4] =	ssyncset.s32 $0xFFFFF086  }
0x25: {  	[simem:s6], [sflag:s4] =	dma.local [hbm:s3], $0xF7A  }
0x26: {  	[smem:$0x3F8B] =	sst s1;
	(tag) =	ssettag s2;
	_ =	strace s9  }
0x27: {  	s1 =	sld [smem:$0x3F9B]  }
0x28: {  	s2 =	sld [smem:$0x3F9C]  }
0x29: {  	s4 =	sld [smem:$0x3F9E]  }
0x2a: {  	p0 =	seq.s32 s5, $0x0;
	s5 =	sld [smem:$0x3F9F]  }
0x2b: {  	s6 =	sld [smem:$0x3FA0]  }
0x2c: {  	s7 =	sld [smem:$0x3FA1]  }
0x2d: {  	s3 =	simm.s32 $0x108;
	s8 =	sld [smem:$0x3FA2]  }
0x2e: {  	s3 =	simm.s32 @!p0 $0x1082;
	s9 =	sld [smem:$0x3FA3]  }
0x2f: {  	lr =	sadd.s32 s0, s3;
	s0 =	sld [smem:$0x3F9A]  }
0x30: {  	s3 =	sld [smem:$0x3F9D]  }
0x31: {  	[smem:$0x3FA6] =	sst s10  }
0x32: {  	s10 =	sld [smem:$0x3FA4];
	_ =	sdelay $0x3  }
0x33: {  	p0 =	seq.s32 s10, $0x1;
	s10 =	sld [smem:$0x3FA6];
	_ =	sdelay $0x3  }
0x34: {  	[smem:$0x3FA6] =	sst s10  }
0x35: {  	s10 =	sld [smem:$0x3FA5];
	_ =	sdelay $0x3  }
0x36: {  	p1 =	seq.s32 s10, $0x1;
	s10 =	sld [smem:$0x3FA6];
	_ =	sdelay $0x3  }
0x37: {  	[smem:$0x3FA6] =	sst s10  }
0x38: {  	s10 =	sld [smem:$0x3FA7]  }
0x39: {  	_ = 	snop;
	(pc) =	sbr.ind lr, $3  }
0x3a: {  	_ = 	snop  }
0x3b: {  	_ = 	snop  }
0x3c: {  	p2 =	seq.s32 s10, $0x1;
	s10 =	sld [smem:$0x3FA6]  }
0x3d: {  	_ =	shalt  }
0x3e: {  	_ =	shalt  }
0x3f: {  	_ =	shalt  }
0x40: {  	_ =	shalt  }
0x41: {  	_ =	shalt  }
0x42: {  	_ =	shalt  }
0x43: {  	_ =	shalt  }
0x44: {  	_ =	shalt  }
0x45: {  	_ =	shalt  }
0x46: {  	_ =	shalt  }
0x47: {  	_ =	shalt  }
0x48: {  	_ =	shalt  }
0x49: {  	_ =	shalt  }
0x4a: {  	_ =	shalt  }
0x4b: {  	_ =	shalt  }
0x4c: {  	_ =	shalt  }
0x4d: {  	_ =	shalt  }
0x4e: {  	_ =	shalt  }
0x4f: {  	_ =	shalt  }
0x50: {  	_ =	shalt  }
0x51: {  	_ =	shalt  }
0x52: {  	_ =	shalt  }
0x53: {  	_ =	shalt  }
0x54: {  	_ =	shalt  }
0x55: {  	_ =	shalt  }
0x56: {  	_ =	shalt  }
0x57: {  	_ =	shalt  }
0x58: {  	_ =	shalt  }
0x59: {  	_ =	shalt  }
0x5a: {  	_ =	shalt  }
0x5b: {  	_ =	shalt  }
0x5c: {  	_ =	shalt  }
0x5d: {  	_ =	shalt  }
0x5e: {  	_ =	shalt  }
0x5f: {  	_ =	shalt  }
0x60: {  	_ =	shalt  }
0x61: {  	_ =	shalt  }
0x62: {  	_ =	shalt  }
0x63: {  	_ =	shalt  }
0x64: {  	_ =	shalt  }
0x65: {  	_ =	shalt  }
0x66: {  	_ =	shalt  }
0x67: {  	_ =	shalt  }
0x68: {  	_ =	shalt  }
0x69: {  	_ =	shalt  }
0x6a: {  	_ =	shalt  }
0x6b: {  	_ =	shalt  }
0x6c: {  	_ =	shalt  }
0x6d: {  	_ =	shalt  }
0x6e: {  	_ =	shalt  }
0x6f: {  	_ =	shalt  }
0x70: {  	_ =	shalt  }
0x71: {  	_ =	shalt  }
0x72: {  	_ =	shalt  }
0x73: {  	_ =	shalt  }
0x74: {  	_ =	shalt  }
0x75: {  	_ =	shalt  }
0x76: {  	_ =	shalt  }
0x77: {  	_ =	shalt  }
0x78: {  	_ =	shalt  }
0x79: {  	_ =	shalt  }
0x7a: {  	_ =	shalt  }
0x7b: {  	_ =	shalt  }
0x7c: {  	_ =	shalt  }
0x7d: {  	_ =	shalt  }
0x7e: {  	_ =	shalt  }
0x7f: {  	_ =	shalt  }
0x80: {  	_ =	shalt  }
0x81: {  	_ =	shalt  }
0x82: {  	_ =	shalt  }
0x83: {  	_ =	shalt  }
0x84: {  	_ =	shalt  }
0x85: {  	_ =	shalt  }
0x86: {  	_ =	shalt  }
0x87: {  	_ =	shalt  }
.Lfunc_end0:
.L_simem_size_0:
called_computation.3_lowered:
.L_overlay_start_0:
0x88: {  	s2 =	sld [smem:$0x3FD9]  }
0x89: {  	s3 =	sld [smem:$0x3FFE];
	_ =	sdelay $0x1  }
0x8a: {  	s1 =	srdreg.scid  }
0x8b: {  	s0 =	sand.u32 $0x1, s1  }
0x8c: {  	s16 =	sshll.u32 s0, $0xA;
	s2 =	sadd.s32 s3, s2  }
0x8d: {  	s2 =	sadd.s32 s2, s16  }
0x8e: {  	[smem:$0x3FB2] =	sst s2  }
0x8f: {  	_ = 	snop  }
0x90: {  	(tm) =	ssettm $0x1  }
0x91: {  	s17 =	sld [smem:$0x3FFB];
	_ =	sdelay $0x3  }
0x92: {  	_ =	strace s17  }
0x93: {  	s2 =	sld [smem:$0x3FFC];
	_ =	sdelay $0x3  }
0x94: {  	_ =	strace s2  }
0x95: {  	s2 =	sld [smem:$0x3FFD];
	_ =	sdelay $0x3  }
0x96: {  	_ =	strace s2  }
0x97: {  	_ =	strace $0x8FFFFFFF  }
0x98: {  	s18 =	sld [smem:$0x3FDB];
	_ =	sdelay $0x1  }
0x99: {  	s19 =	simm.s32 $_scs_section_size  }
0x9a: {  	s4 =	simm.s32 $_size__tile_overlayer_lowered;
	s5 =	simm.s32 $_tile_overlayer_lowered  }
0x9b: {  	s22 =	simm.s32 $0x1BFF;
	s21 =	sshll.u32 s5, $0x1;
	s2 =	sadd.s32 s19, s18  }
0x9c: {  	s6 =	simm.s32 $0x0;
	s20 =	sshll.u32 s4, $0x1;
	s4 =	sadd.s32 s21, s2  }
0x9d: {  	[timem:s6], [sflag:s22] =	dma.local [hbm:s4], s20  }
0x9e: {  	_ =	swait.ge [sflag:s22], s20  }
0x9f: {  	s3 =	ssub.s32 $0x0, s20;
	[sflag:s22] =	ssyncset.done $0x0  }
0xa0: {  	[sflag:s22] =	ssyncadd.s32 s3;
	_ =	sdelay $0x1  }
0xa1: {  	s23 =	simm.s32 $0x1B8B  }
0xa2: {  	_ =	swait.ge [sflag:s23], $0x1  }
0xa3: {  	[sflag:s23] =	ssyncset.done $0x0  }
0xa4: {  	s25 =	simm.s32 $0x1B8E;
	s24 =	sld [smem:$0x3FFE];
	[sflag:s23] =	ssyncadd.s32 $0xFFFFFFFF  }
0xa5: {  	s26 =	simm.s32 $execute0_lowered;
	[smem:$0x3FD2] =	sst s25  }
0xa6: {  	s4 =	sshll.u32 s26, $0x1;
	_ =	strace $0x80000046;
	[dreg:$0x1] =	wrdreg $0xFFFFFFFF  }
0xa7: {  	s28 =	simm.s32 $_size_execute0_lowered;
	s2 =	sadd.s32 s2, s4;
	[dreg:$0x0] =	wrdreg $0x0  }
0xa8: {  	s4 =	sshll.u32 s28, $0x1;
	[dreg:$0x2] =	wrdreg s2  }
0xa9: {  	[dreg:$0x3] =	wrdreg s4  }
0xaa: {  	[dreg:$0x4] =	wrdreg $0xC0  }
0xab: {  	_ =	task [dreg:s6], $0x5FFFF  }
0xac: {  	[dreg:$0x1] =	wrdreg $0xFFFFFFFF  }
0xad: {  	[dreg:$0x0] =	wrdreg $0x60  }
0xae: {  	[dreg:$0x2] =	wrdreg s24  }
0xaf: {  	[dreg:$0x3] =	wrdreg $0xC  }
0xb0: {  	_ =	task.clear_ibuf [dreg:s6], $0x4FFFF;
	_ =	strace $0x90000046  }
0xb1: {  	s29 =	simm.s32 $0xC;
	_ =	strace $0x80000048  }
0xb2: {  	_ =	swait.ge [sflag:s29], $0x1  }
0xb3: {  	[sflag:s29] =	ssyncadd.s32 $0xFFFFFFFF  }
0xb4: {  	_ =	strace $0x90000048  }
0xb5: {  	_ =	sfence  }
0xb6: {  	s30 =	sld [smem:$0x0];
	_ =	sdelay $0x2  }
0xb7: {  	s31 =	sshll.u32 s1, $0xD;
	s1 =	sshrl.u32 s1, $0x2  }
0xb8: {  	s3 =	sand.u32 $0x4000, s31;
	s1 =	sadd.s32 s1, s30  }
0xb9: {  	s0 =	sor.u32 s3, s0;
	s1 =	sshll.u32 s1, $0x11  }
0xba: {  	s0 =	sor.u32 s1, s0  }
0xbb: {  	s0 =	sadd.s32 $0x8F2B, s0  }
0xbc: {  	[sflag:s0] =	ssyncadd.remote.s32 $0x1  }
0xbd: {  	_ =	sfence.sel $0xFFFF  }
0xbe: {  	[dreg:$0x0] =	wrdreg $0xFFFFFFFF;
	(pc) =	sbr.abs _section_cstart, $3  }
0xbf: {  	[dreg:$0x1] =	wrdreg $0xFFFFFFFF  }
0xc0: {  	_ =	task.clear_ibuf [dreg:s6], $0x2FFFF;
	_ =	strace $0x9FFFFFFF  }
0xc1: {  	(tm) =	ssettm $0x7FFFFFFF  }
tec
execute0_lowered:
.L_overlay_start_1:
0x0: {  	(tag) =	ssettag $0x1  }
0x1: {  	s0 =	srdreg.scid  }
0x2: {  	s1 =	sshll.u32 s0, $0x4  }
0x3: {  	s0 =	stileid.u32;
	s1 =	sand.u32 $0x10, s1  }
0x4: {  	s2 =	sor.u32 s0, s1  }
0x5: {  	s1 =	smul.u32 $0xF, s2  }
0x6: {  	s3 =	smin.u32 s2, $0x14  }
0x7: {  	s1 =	sadd.s32 s3, s1  }
0x8: {  	p0 =	slt.u32 s2, $0x14;
	s2 =	simm.s32 $0x1400;
	s1 =	smul.u32 $0x140, s1  }
0x9: {  	s2 =	simm.s32 @!p0 $0x12C0  }
0xa: {  	s2 =	sadd.s32 s2, s1  }
0xb: {  	s3 =	smin.u32 s2, $0x27100  }
0xc: {  	s4 =	ssub.s32 s3, s1  }
0xd: {  	p0 =	sgt.s32 s4, $0x0  }
0xe: {  	s4 =	simm.s32 @!p0 $0x0  }
0xf: {  	s9 =	rddreg [dreg:$0x0];
	s31 =	smulhi.u32 $0x66666667, s4  }
0x10: {  	s7 =	simm.s32 $0x1;
	s10 =	simm.s32 $0x3;
	s18 =	simm.s32 $0x0  }
0x11: {  	s11 =	simm.s32 $0xFFFFFFFF;
	s12 =	simm.s32 $0x0;
	s6 =	sshrl.u32 s31, $0x7  }
0x12: {  	s19 =	simm.s32 $0x0;
	s13 =	simm.s32 $0x0;
	s5 =	smul.u32 $0x140, s6  }
0x13: {  	s14 =	simm.s32 $0x0;
	s15 =	simm.s32 $0x0;
	s17 =	simm.s32 $0x0  }
0x14: {  	s8 =	sadd.s32 $0x8A00, s9;
	s16 =	smov.u32 s1;
	p0 =	sne.s32 s4, s5  }
.Ltmp0:
0x15: {  	s2 =	rddreg [dreg:$0x1];
	s7 =	simm.s32 @!p0 $0x0;
	(pc) =	sbr.rel .LBB2_1-.Ltmp0, $4  }
0x16: {  	vm0 =	vmmov $0xff;
	_ =	strace $0x80000047;
	s5 =	simm.s32 $0x1;
	s7 =	sadd.s32 s7, s6  }
0x17: {  	vm1 =	vcmask $0x3F20;
	v0 =	vimm.s32 $0x4;
	v1 =	vimm.s32 $0x0;
	[sflag:s5] =	ssyncpa.u1 $0x0;
	s6 =	simm.s32 $0x2;
	s7 =	smul.u32 $0x3, s7  }
0x18: {  	v2 =	vimm.s32 $0x1;
	v3 =	vimm.s32 $0x2;
	v4 =	vimm.s32 $0x3;
	s4 =	sadd.s32 $0x9DBA00, s9;
	s9 =	sadd.s32 $0x17A00, s9;
	[sflag:s6] =	ssyncpa.u1 $0x0  }
0x19: {  	v5 =	vimm.s32 $0x5;
	v6 =	vimm.s32 $0x6;
	v7 =	vimm.s32 $0x7;
	p0 =	por $0x0, $0x0;
	[sflag:s10] =	ssyncpa.u1 $0x0;
	s10 =	sadd.s32 $0x2, s7  }
.LBB2_11:
0x1a: {  	p1 =	slt.u32 s17, $0x3  }
0x1b: {  	s20 =	sadd.s32 $0x80, s15;
	s19 =	sadd.s32 $0x140, s16;
	s18 =	simm.s32 @!p1 $0x3  }
0x1c: {  	s21 =	smov.u32 s16;
	p2 =	sgt.s32 s20, $0x17F;
	_ =	swait.ge @!p1 [sflag:s18], $0x5000  }
0x1d: {  	s21 =	smov.u32 @p2 s19;
	[sflag:s18] =	ssyncset.done @!p1 $0x0  }
0x1e: {  	s22 =	smov.u32 s1;
	[sflag:s18] =	ssyncadd.s32 @!p1 $0xFFFFB000;
	p1 =	slt.s32 s21, s3  }
0x1f: {  	s22 =	smov.u32 @p1 s21;
	p1 =	sne.s32 s17, s10  }
.Ltmp1:
0x20: {  	_ = 	snop;
	(pc) =	sbr.rel @!p1 .LBB2_12-.Ltmp1, $4  }
0x21: {  	s31 =	sadd.s32 $0x1, s17;
	s12 =	sadd.s32 $0x140, s12;
	s11 =	sadd.s32 $0x1, s11  }
0x22: {  	p0 =	por !p0, !p0;
	s20 =	simm.s32 @p2 $0x0;
	s19 =	smov.u32 s14  }
0x23: {  	s14 =	smov.u32 s16;
	s18 =	smov.u32 s13;
	s13 =	smov.u32 s15  }
0x24: {  	s15 =	smov.u32 s20;
	s17 =	smov.u32 s31;
	s16 =	smov.u32 s22  }
.LBB2_1:
0x25: {  	p1 =	sge.u32 s17, s7  }
0x26: {  	s20 =	smulhi.u32 @!p1 $0xAAAAAAAB, s17;
	_ =	sdelay $0x1  }
0x27: {  	s20 =	sshrl.u32 @!p1 s20, $0x1  }
0x28: {  	s20 =	smul.u32 @!p1 $0x3, s20;
	_ =	sdelay $0x1  }
0x29: {  	s20 =	ssub.s32 @!p1 s17, s20  }
0x2a: {  	s20 =	smul.u32 @!p1 $0x500, s20  }
0x2b: {  	s21 =	sshrl.u32 @!p1 s16, $0x3  }
0x2c: {  	s22 =	sand.u32 @!p1 $0x7, s16;
	s21 =	sadd.s32 @!p1 s8, s21;
	s20 =	sshrl.u32 @!p1 s20, $0x2  }
0x2d: {  	[tilespmem:s20], [sflag:$0x1] =	stream.linear.gather @!p1 [hbm4b:s21+s22], $0x140, $0x38;
	[tilespmem:$0x1E3C0] =	vst v63  }
0x2e: {  	s21 =	sadd.s32 $0xFFFFFFFF, s17  }
0x2f: {  	p1 =	sge.u32 s21, s7  }
.Ltmp2:
0x30: {  	_ = 	snop;
	(pc) =	sbr.rel @p1 .LBB2_5-.Ltmp2, $1  }
0x31: {  	_ =	sdelay $0x3  }
0x32: {  	s20 =	smulhi.u32 $0xAAAAAAAB, s11;
	_ =	sdelay $0x1  }
0x33: {  	s20 =	sshrl.u32 s20, $0x1  }
0x34: {  	s20 =	smul.u32 $0xFFFFF100, s20;
	_ =	sdelay $0x1  }
0x35: {  	_ =	swait.ge [sflag:s5], $0x140;
	s20 =	sshra.s32 s20, $0x2  }
0x36: {  	[sflag:s5] =	ssyncset.done $0x0;
	s20 =	sadd.s32 s20, s12  }
0x37: {  	[sflag:s5] =	ssyncadd.s32 $0xFFFFFEC0;
	s22 =	sadd.s32 $0xFFFFFEC0, s20  }
0x38: {  	v8 =	vld.msk [tilespmem:s22+$0x0 ss:$0x1], $0xffff;
	_ =	sdelay $0x4  }
0x39: {  	vm2 =	vgt.s32 v8, $0x0  }
0x3a: {  	v8 =	vnsel vm2, $0x0, v8  }
0x3b: {  	v10 =	vmin.u32 v8, $0x270FF  }
0x3c: {  	v8 =	vshrl.u32 v10, $0x3  }
0x3d: {  	v9 =	vshll.u32 v10, $0x7;
	v8 =	vmul.u32 $0xC00, v8  }
0x3e: {  	s29 =	sshrl.u32 s13, $0x1;
	v9 =	vand.u32 $0x300, v9  }
0x3f: {  	s22 =	sand.u32 $0x7FFFFFC0, s29;
	v11 =	vor.u32 v9, v8  }
0x40: {  	v9 =	vmov s22;
	v8 =	vmov s20;
	v11 =	vshrl.u32 v11, $0x4  }
0x41: {  	v11 =	vadd.s32 v9, v11  }
0x42: {  	s21 =	sand.u32 $0x1, s21  }
0x43: {  	p1 =	seq.s32 s21, $0x1;
	s21 =	simm.s32 $0xA7C0  }
0x44: {  	s30 =	simm.s32 $0xFFFFFEC0;
	s21 =	simm.s32 @!p1 $0x7C0;
	v10 =	vand.u32 $0x1, v10  }
0x45: {  	s23 =	sadd.s32 $0xFFFFFC00, s21;
	[tilespmem:v8+s30+$0x0 ss:$0x1] =	vst.idx.msk $0xffff, v10  }
0x46: {  	[tilespmem:s23], [sflag:$0x2] =	stream.indirect_vreg.gather [hbm:s4], $0x80, v11, vm0, $0x38;
	[tilespmem:$0x1E3C0] =	vst v63  }
0x47: {  	s31 =	sadd.s32 $0xFFFFFED0, s20  }
0x48: {  	[tilespmem:s21], [sflag:$0x2] =	stream.indirect_vreg.gather [hbm:s4], $0x80, v11, vm1, $0x38;
	[tilespmem:$0x1E3C0] =	vst v63  }
0x49: {  	s22 =	simm.s32 $0xFFFFFED0;
	s23 =	simm.s32 $0xFFFFFB80;
	v10 =	vld.msk [tilespmem:s31+$0x0 ss:$0x1], $0xffff  }
.LBB2_3:
0x4a: {  	p1 =	sne.s32 s23, $0xFFFFFFC0;
	_ =	sdelay $0x4  }
0x4b: {  	vm2 =	vgt.s32 v10, $0x0  }
0x4c: {  	v10 =	vnsel vm2, $0x0, v10  }
0x4d: {  	v10 =	vmin.u32 v10, $0x270FF  }
0x4e: {  	v11 =	vshrl.u32 v10, $0x3  }
0x4f: {  	v12 =	vshll.u32 v10, $0x7;
	v11 =	vmul.u32 $0xC00, v11  }
0x50: {  	v12 =	vand.u32 $0x300, v12  }
0x51: {  	v11 =	vor.u32 v12, v11  }
0x52: {  	v11 =	vshrl.u32 v11, $0x4  }
0x53: {  	v11 =	vadd.s32 v9, v11;
	_ =	sdelay $0x2  }
0x54: {  	s21 =	sadd.s32 $0x800, s21  }
.Ltmp3:
0x55: {  	s24 =	sshra.s32 s23, $0x2;
	s25 =	sadd.s32 $0xFFFFFC00, s21;
	v10 =	vand.u32 $0x1, v10;
	(pc) =	sbr.rel @p1 .LBB2_3-.Ltmp3, $4  }
0x56: {  	[tilespmem:v8+s22+$0x0 ss:$0x1] =	vst.idx.msk $0xffff, v10;
	[tilespmem:s25], [sflag:$0x2] =	stream.indirect_vreg.gather [hbm:s4], $0x80, v11, vm0, $0x38  }
0x57: {  	s25 =	sadd.s32 s24, s20;
	s22 =	smov.u32 s24  }
0x58: {  	[tilespmem:s21], [sflag:$0x2] =	stream.indirect_vreg.gather [hbm:s4], $0x80, v11, vm1, $0x38;
	[tilespmem:$0x1E3C0] =	vst v63  }
0x59: {  	s23 =	sadd.s32 $0x40, s23;
	v10 =	vld.msk [tilespmem:s25+$0x0 ss:$0x1], $0xffff  }
0x5a: {  	_ =	sdelay $0x3  }
0x5b: {  	vm2 =	vgt.s32 v10, $0x0  }
0x5c: {  	v10 =	vnsel vm2, $0x0, v10  }
0x5d: {  	v10 =	vmin.u32 v10, $0x270FF  }
0x5e: {  	v11 =	vshrl.u32 v10, $0x3  }
0x5f: {  	v12 =	vshll.u32 v10, $0x7;
	v11 =	vmul.u32 $0xC00, v11  }
0x60: {  	v12 =	vand.u32 $0x300, v12  }
0x61: {  	v11 =	vor.u32 v12, v11  }
0x62: {  	v11 =	vshrl.u32 v11, $0x4  }
0x63: {  	v9 =	vadd.s32 v9, v11;
	_ =	sdelay $0x2  }
0x64: {  	s20 =	sadd.s32 $0x800, s21;
	v10 =	vand.u32 $0x1, v10  }
0x65: {  	s21 =	sadd.s32 $0xFFFFFC00, s20;
	[tilespmem:v8+s22+$0x0 ss:$0x1] =	vst.idx.msk $0xffff, v10  }
0x66: {  	[tilespmem:s21], [sflag:$0x2] =	stream.indirect_vreg.gather [hbm:s4], $0x80, v9, vm0, $0x38;
	[tilespmem:$0x1E3C0] =	vst v63  }
0x67: {  	_ = 	snop  }
0x68: {  	[tilespmem:s20], [sflag:$0x2] =	stream.indirect_vreg.gather [hbm:s4], $0x80, v9, vm1, $0x38;
	[tilespmem:$0x1E3C0] =	vst v63  }
.LBB2_5:
0x69: {  	p1 =	slt.u32 s17, $0x2  }
0x6a: {  	p2 =	sge.u32 @!p1 s17, s10  }
0x6b: {  	p1 =	por p1, p2  }
.Ltmp4:
0x6c: {  	_ = 	snop;
	(pc) =	sbr.rel @p1 .LBB2_11-.Ltmp4, $1  }
0x6d: {  	_ =	sdelay $0x3  }
0x6e: {  	s21 =	sadd.s32 $0xFFFFFFFE, s17  }
0x6f: {  	s22 =	smulhi.u32 $0xAAAAAAAB, s21  }
0x70: {  	s23 =	sand.u32 $0x1, s17  }
0x71: {  	s24 =	smul.u32 $0x28000, s23;
	s22 =	sshrl.u32 s22, $0x1  }
0x72: {  	s20 =	simm.s32 $0x1;
	_ =	swait.ge [sflag:s6], $0xA000;
	s22 =	smul.u32 $0x3, s22  }
0x73: {  	s20 =	simm.s32 @!p0 $0x0;
	s23 =	smul.u32 $0x14000, s23;
	[sflag:s6] =	ssyncset.done $0x0  }
0x74: {  	s20 =	smul.u32 $0x14000, s20;
	[sflag:s6] =	ssyncadd.s32 $0xFFFF6000;
	s21 =	ssub.s32 s21, s22  }
0x75: {  	s31 =	sshrl.u32 s24, $0x2;
	s23 =	sshrl.u32 s23, $0x2;
	s21 =	smul.u32 $0x500, s21  }
0x76: {  	s20 =	sshrl.u32 s20, $0x2;
	s24 =	sor.u32 $0x3C0, s31;
	s23 =	sadd.s32 $0x143C0, s23  }
0x77: {  	s20 =	sadd.s32 $0x143C0, s20;
	v8 =	vmov s24;
	v9 =	vmov s23;
	s22 =	simm.s32 $0x0;
	s21 =	sshrl.u32 s21, $0x2  }
.LBB2_7:
0x78: {  	s23 =	sshll.u32 s22, $0x3  }
0x79: {  	s23 =	sand.u32 $0x3FFFFFF8, s23  }
0x7a: {  	s23 =	sadd.s32 s23, s21  }
0x7b: {  	v10 =	vld.msk [tilespmem:s23+$0x0 ss:$0x1], $0xff  }
0x7c: {  	s28 =	sshll.u32 s22, $0xA  }
0x7d: {  	s25 =	sand.u32 $0x3FFFFC00, s28  }
0x7e: {  	v11 =	vld.idx.msk [tilespmem:v8+s25+$0x0 ss:$0x1], $0xffff  }
0x7f: {  	v12 =	vld.idx.msk [tilespmem:v8+s25+$0x80 ss:$0x1], $0xffff  }
0x80: {  	v10 =	vshll.u32 v10, $0x4  }
0x81: {  	v13 =	vperm.xlane v10, v2  }
0x82: {  	v15 =	vperm.xlane v10, v1  }
0x83: {  	v20 =	vsub.s32 $0x10, v13  }
0x84: {  	v11 =	vshrl.u32 v11, v15;
	v12 =	vshll.u32 v12, v20  }
0x85: {  	s29 =	sshll.u32 s22, $0x9;
	v14 =	vld.idx.msk [tilespmem:v8+s25+$0x10 ss:$0x1], $0xffff;
	v11 =	vand.u32 $0xFFFF, v11;
	v12 =	vand.u32 $0xFFFF0000, v12  }
0x86: {  	v17 =	vld.idx.msk [tilespmem:v8+s25+$0x90 ss:$0x1], $0xffff;
	s23 =	sand.u32 $0x3FFFFE00, s29;
	v11 =	vor.u32 v11, v12  }
0x87: {  	v63 =	vld.idx.msk [tilespmem:v8+s25+$0x20 ss:$0x1], $0xffff;
	[tilespmem:v9+s23+$0x0 ss:$0x1] =	vst.idx.msk $0xffff, v11  }
0x88: {  	v59 =	vld.idx.msk [tilespmem:v8+s25+$0x100 ss:$0x1], $0xffff  }
0x89: {  	v60 =	vld.idx.msk [tilespmem:v8+s25+$0x180 ss:$0x1], $0xffff  }
0x8a: {  	v25 =	vld.idx.msk [tilespmem:v8+s25+$0xA0 ss:$0x1], $0xffff  }
0x8b: {  	v23 =	vld.idx.msk [tilespmem:v8+s25+$0x30 ss:$0x1], $0xffff;
	v16 =	vperm.xlane v10, v4  }
0x8c: {  	v33 =	vld.idx.msk [tilespmem:v8+s25+$0x40 ss:$0x1], $0xffff;
	v11 =	vperm.xlane v10, v3  }
0x8d: {  	v38 =	vld.idx.msk [tilespmem:v8+s25+$0x50 ss:$0x1], $0xffff;
	v19 =	vsub.s32 $0x10, v16  }
0x8e: {  	v53 =	vld.idx.msk [tilespmem:v8+s25+$0x60 ss:$0x1], $0xffff;
	v61 =	vshrl.u32 v14, v15;
	v12 =	vshrl.u32 v59, v11;
	v13 =	vshll.u32 v60, v19  }
0x8f: {  	v54 =	vld.idx.msk [tilespmem:v8+s25+$0xE0 ss:$0x1], $0xffff;
	v62 =	vshll.u32 v17, v20;
	v12 =	vand.u32 $0xFFFF, v12;
	v13 =	vand.u32 $0xFFFF0000, v13  }
0x90: {  	v56 =	vld.idx.msk [tilespmem:v8+s25+$0x70 ss:$0x1], $0xffff;
	v18 =	vand.u32 $0xFFFF, v61;
	v24 =	vand.u32 $0xFFFF0000, v62;
	v12 =	vor.u32 v12, v13  }
0x91: {  	[tilespmem:v9+s23+$0x80 ss:$0x1] =	vst.idx.msk $0xffff, v12;
	v12 =	vor.u32 v18, v24;
	v24 =	vld.idx.msk [tilespmem:v8+s25+$0xB0 ss:$0x1], $0xffff  }
0x92: {  	v21 =	vld.idx.msk [tilespmem:v8+s25+$0x200 ss:$0x1], $0xffff  }
0x93: {  	v16 =	vshrl.u32 v63, v15;
	v14 =	vshll.u32 v25, v20;
	v26 =	vld.idx.msk [tilespmem:v8+s25+$0x280 ss:$0x1], $0xffff  }
0x94: {  	v57 =	vld.idx.msk [tilespmem:v8+s25+$0xF0 ss:$0x1], $0xffff;
	v16 =	vand.u32 $0xFFFF, v16;
	v14 =	vand.u32 $0xFFFF0000, v14;
	[tilespmem:v9+s23+$0x10 ss:$0x1] =	vst.idx.msk $0xffff, v12  }
0x95: {  	v14 =	vor.u32 v16, v14;
	v18 =	vperm.xlane v10, v5;
	v12 =	vld.idx.msk [tilespmem:v8+s25+$0x110 ss:$0x1], $0xffff  }
0x96: {  	v36 =	vshrl.u32 v23, v15;
	v17 =	vperm.xlane v10, v0;
	[tilespmem:v9+s23+$0x20 ss:$0x1] =	vst.idx.msk $0xffff, v14;
	v22 =	vld.idx.msk [tilespmem:v8+s25+$0x190 ss:$0x1], $0xffff  }
0x97: {  	v46 =	vshrl.u32 v38, v15;
	v39 =	vand.u32 $0xFFFF, v36;
	v29 =	vld.idx.msk [tilespmem:v8+s25+$0x120 ss:$0x1], $0xffff;
	v18 =	vsub.s32 $0x10, v18  }
0x98: {  	s24 =	sor.u32 $0x1, s22;
	v31 =	vld.idx.msk [tilespmem:v8+s25+$0x1A0 ss:$0x1], $0xffff;
	v37 =	vshll.u32 v24, v20;
	v21 =	vshrl.u32 v21, v17;
	v13 =	vshll.u32 v26, v18  }
0x99: {  	s30 =	sshll.u32 s24, $0xA;
	v25 =	vld.idx.msk [tilespmem:v8+s25+$0xC0 ss:$0x1], $0xffff;
	v23 =	vand.u32 $0xFFFF0000, v37;
	v27 =	vand.u32 $0xFFFF, v21;
	v13 =	vand.u32 $0xFFFF0000, v13  }
0x9a: {  	s28 =	sand.u32 $0x3FFFFC00, s30;
	v12 =	vshrl.u32 v12, v11;
	v23 =	vor.u32 v39, v23;
	v13 =	vor.u32 v27, v13;
	v27 =	vld.idx.msk [tilespmem:v8+s25+$0xD0 ss:$0x1], $0xffff  }
0x9b: {  	v28 =	vshll.u32 v22, v19;
	[tilespmem:v9+s23+$0x30 ss:$0x1] =	vst.idx.msk $0xffff, v23;
	v23 =	vand.u32 $0xFFFF, v46;
	v46 =	vld.idx.msk [tilespmem:v8+s28+$0x10 ss:$0x1], $0xffff  }
0x9c: {  	v16 =	vshrl.u32 v29, v11;
	v30 =	vand.u32 $0xFFFF, v12;
	v14 =	vand.u32 $0xFFFF0000, v28;
	v28 =	vld.idx.msk [tilespmem:v8+s25+$0x130 ss:$0x1], $0xffff  }
0x9d: {  	v21 =	vshll.u32 v31, v19;
	[tilespmem:v9+s23+$0x100 ss:$0x1] =	vst.idx.msk $0xffff, v13;
	v14 =	vor.u32 v30, v14;
	v43 =	vld.idx.msk [tilespmem:v8+s25+$0x1B0 ss:$0x1], $0xffff  }
0x9e: {  	v16 =	vand.u32 $0xFFFF, v16;
	v21 =	vand.u32 $0xFFFF0000, v21;
	v12 =	vld.idx.msk [tilespmem:v8+s25+$0x300 ss:$0x1], $0xffff;
	[tilespmem:v9+s23+$0x90 ss:$0x1] =	vst.idx.msk $0xffff, v14  }
0x9f: {  	v16 =	vor.u32 v16, v21;
	v14 =	vld.idx.msk [tilespmem:v8+s25+$0x210 ss:$0x1], $0xffff  }
0xa0: {  	v25 =	vshll.u32 v25, v20;
	v21 =	vshrl.u32 v33, v15;
	[tilespmem:v9+s23+$0xA0 ss:$0x1] =	vst.idx.msk $0xffff, v16;
	v32 =	vld.idx.msk [tilespmem:v8+s25+$0x290 ss:$0x1], $0xffff  }
0xa1: {  	v40 =	vand.u32 $0xFFFF0000, v25;
	v21 =	vand.u32 $0xFFFF, v21;
	v35 =	vld.idx.msk [tilespmem:v8+s25+$0x220 ss:$0x1], $0xffff  }
0xa2: {  	v26 =	vld.idx.msk [tilespmem:v8+s25+$0x2A0 ss:$0x1], $0xffff;
	v21 =	vor.u32 v21, v40  }
0xa3: {  	s26 =	sshll.u32 s24, $0x3;
	v13 =	vld.idx.msk [tilespmem:v8+s25+$0x380 ss:$0x1], $0xffff;
	[tilespmem:v9+s23+$0x40 ss:$0x1] =	vst.idx.msk $0xffff, v21;
	v47 =	vshll.u32 v27, v20  }
0xa4: {  	s26 =	sand.u32 $0x3FFFFFF8, s26;
	v45 =	vld.idx.msk [tilespmem:v8+s25+$0x140 ss:$0x1], $0xffff;
	v24 =	vand.u32 $0xFFFF0000, v47  }
0xa5: {  	s26 =	sadd.s32 s26, s21;
	v48 =	vld.idx.msk [tilespmem:v8+s25+$0x1C0 ss:$0x1], $0xffff;
	v50 =	vshll.u32 v43, v19;
	v23 =	vor.u32 v23, v24  }
0xa6: {  	v49 =	vshrl.u32 v28, v11;
	v43 =	vld.msk [tilespmem:s26+$0x0 ss:$0x1], $0xff;
	v24 =	vand.u32 $0xFFFF0000, v50;
	v14 =	vshrl.u32 v14, v17;
	[tilespmem:v9+s23+$0x50 ss:$0x1] =	vst.idx.msk $0xffff, v23  }
0xa7: {  	v34 =	vshll.u32 v32, v18;
	v22 =	vshrl.u32 v35, v17;
	v41 =	vshll.u32 v26, v18;
	v51 =	vld.idx.msk [tilespmem:v8+s25+$0x150 ss:$0x1], $0xffff  }
0xa8: {  	v23 =	vand.u32 $0xFFFF, v49;
	v22 =	vand.u32 $0xFFFF, v22;
	v42 =	vand.u32 $0xFFFF0000, v41;
	v52 =	vld.idx.msk [tilespmem:v8+s25+$0x1D0 ss:$0x1], $0xffff  }
0xa9: {  	v23 =	vor.u32 v23, v24;
	v44 =	vor.u32 v22, v42;
	v22 =	vshrl.u32 v45, v11;
	v45 =	vld.idx.msk [tilespmem:v8+s28+$0x80 ss:$0x1], $0xffff  }
0xaa: {  	v14 =	vand.u32 $0xFFFF, v14;
	v16 =	vand.u32 $0xFFFF0000, v34;
	v21 =	vshll.u32 v48, v19;
	[tilespmem:v9+s23+$0xB0 ss:$0x1] =	vst.idx.msk $0xffff, v23;
	v48 =	vld.idx.msk [tilespmem:v8+s28+$0x90 ss:$0x1], $0xffff  }
0xab: {  	v14 =	vor.u32 v14, v16;
	v29 =	vld.idx.msk [tilespmem:v8+s25+$0x230 ss:$0x1], $0xffff  }
0xac: {  	[tilespmem:v9+s23+$0x110 ss:$0x1] =	vst.idx.msk $0xffff, v14;
	v55 =	vld.idx.msk [tilespmem:v8+s25+$0x2B0 ss:$0x1], $0xffff  }
0xad: {  	[tilespmem:v9+s23+$0x120 ss:$0x1] =	vst.idx.msk $0xffff, v44;
	v44 =	vld.idx.msk [tilespmem:v8+s28+$0x0 ss:$0x1], $0xffff  }
0xae: {  	v16 =	vld.idx.msk [tilespmem:v8+s25+$0x310 ss:$0x1], $0xffff  }
0xaf: {  	v22 =	vand.u32 $0xFFFF, v22;
	v21 =	vand.u32 $0xFFFF0000, v21;
	v14 =	vld.idx.msk [tilespmem:v8+s25+$0x390 ss:$0x1], $0xffff  }
0xb0: {  	v24 =	vshrl.u32 v53, v15;
	v23 =	vshll.u32 v54, v20;
	v27 =	vld.idx.msk [tilespmem:v8+s25+$0x320 ss:$0x1], $0xffff;
	v21 =	vor.u32 v22, v21  }
0xb1: {  	v24 =	vand.u32 $0xFFFF, v24;
	v23 =	vand.u32 $0xFFFF0000, v23;
	v26 =	vld.idx.msk [tilespmem:v8+s25+$0x3A0 ss:$0x1], $0xffff;
	[tilespmem:v9+s23+$0xC0 ss:$0x1] =	vst.idx.msk $0xffff, v21  }
0xb2: {  	v15 =	vshrl.u32 v56, v15;
	v20 =	vshll.u32 v57, v20;
	v23 =	vor.u32 v24, v23;
	v21 =	vld.idx.msk [tilespmem:v8+s25+$0x240 ss:$0x1], $0xffff  }
0xb3: {  	v15 =	vand.u32 $0xFFFF, v15;
	v20 =	vand.u32 $0xFFFF0000, v20;
	[tilespmem:v9+s23+$0x60 ss:$0x1] =	vst.idx.msk $0xffff, v23;
	v30 =	vld.idx.msk [tilespmem:v8+s25+$0x2C0 ss:$0x1], $0xffff  }
0xb4: {  	v15 =	vor.u32 v15, v20;
	v61 =	vld.idx.msk [tilespmem:v8+s25+$0x160 ss:$0x1], $0xffff  }
0xb5: {  	[tilespmem:v9+s23+$0x70 ss:$0x1] =	vst.idx.msk $0xffff, v15;
	v25 =	vshrl.u32 v51, v11;
	v28 =	vshll.u32 v52, v19;
	v63 =	vld.idx.msk [tilespmem:v8+s25+$0x1E0 ss:$0x1], $0xffff  }
0xb6: {  	v39 =	vld.idx.msk [tilespmem:v8+s25+$0x170 ss:$0x1], $0xffff;
	v25 =	vand.u32 $0xFFFF, v25;
	v28 =	vand.u32 $0xFFFF0000, v28  }
0xb7: {  	v42 =	vld.idx.msk [tilespmem:v8+s25+$0x1F0 ss:$0x1], $0xffff;
	v25 =	vor.u32 v25, v28;
	v29 =	vshrl.u32 v29, v17;
	v22 =	vshll.u32 v55, v18  }
0xb8: {  	v51 =	vld.idx.msk [tilespmem:v8+s28+$0x20 ss:$0x1], $0xffff;
	[tilespmem:v9+s23+$0xD0 ss:$0x1] =	vst.idx.msk $0xffff, v25;
	v58 =	vand.u32 $0xFFFF, v29;
	v22 =	vand.u32 $0xFFFF0000, v22  }
0xb9: {  	v31 =	vld.idx.msk [tilespmem:v8+s25+$0x250 ss:$0x1], $0xffff;
	v22 =	vor.u32 v58, v22;
	v21 =	vshrl.u32 v21, v17;
	v60 =	vshll.u32 v30, v18  }
0xba: {  	v59 =	vld.idx.msk [tilespmem:v8+s25+$0x2D0 ss:$0x1], $0xffff;
	[tilespmem:v9+s23+$0x130 ss:$0x1] =	vst.idx.msk $0xffff, v22;
	v21 =	vand.u32 $0xFFFF, v21;
	v62 =	vand.u32 $0xFFFF0000, v60  }
0xbb: {  	v37 =	vshrl.u32 v61, v11;
	v38 =	vshll.u32 v63, v19;
	v33 =	vld.idx.msk [tilespmem:v8+s25+$0x330 ss:$0x1], $0xffff;
	v21 =	vor.u32 v21, v62  }
0xbc: {  	v32 =	vld.idx.msk [tilespmem:v8+s25+$0x3B0 ss:$0x1], $0xffff;
	v40 =	vand.u32 $0xFFFF, v37;
	v41 =	vand.u32 $0xFFFF0000, v38;
	[tilespmem:v9+s23+$0x140 ss:$0x1] =	vst.idx.msk $0xffff, v21  }
0xbd: {  	v11 =	vshrl.u32 v39, v11;
	v19 =	vshll.u32 v42, v19;
	v20 =	vor.u32 v40, v41;
	v30 =	vld.idx.msk [tilespmem:v8+s25+$0x340 ss:$0x1], $0xffff  }
0xbe: {  	v23 =	vand.u32 $0xFFFF, v11;
	v19 =	vand.u32 $0xFFFF0000, v19;
	v11 =	vshll.u32 v43, $0x4;
	[tilespmem:v9+s23+$0xE0 ss:$0x1] =	vst.idx.msk $0xffff, v20;
	v28 =	vld.idx.msk [tilespmem:v8+s25+$0x3C0 ss:$0x1], $0xffff  }
0xbf: {  	v19 =	vor.u32 v23, v19;
	v47 =	vperm.xlane v11, v2;
	v39 =	vperm.xlane v11, v1;
	v20 =	vld.idx.msk [tilespmem:v8+s25+$0x260 ss:$0x1], $0xffff  }
0xc0: {  	[tilespmem:v9+s23+$0xF0 ss:$0x1] =	vst.idx.msk $0xffff, v19;
	v25 =	vshrl.u32 v31, v17;
	v35 =	vshll.u32 v59, v18;
	v49 =	vld.idx.msk [tilespmem:v8+s25+$0x2E0 ss:$0x1], $0xffff  }
0xc1: {  	v19 =	vld.idx.msk [tilespmem:v8+s25+$0x270 ss:$0x1], $0xffff;
	v40 =	vsub.s32 $0x10, v47;
	v34 =	vand.u32 $0xFFFF, v25;
	v36 =	vand.u32 $0xFFFF0000, v35  }
0xc2: {  	v50 =	vshrl.u32 v44, v39;
	v54 =	vld.idx.msk [tilespmem:v8+s25+$0x2F0 ss:$0x1], $0xffff;
	v22 =	vshll.u32 v45, v40;
	v15 =	vor.u32 v34, v36  }
0xc3: {  	s24 =	sshll.u32 s24, $0x9;
	v23 =	vand.u32 $0xFFFF, v50;
	v22 =	vand.u32 $0xFFFF0000, v22;
	v34 =	vld.idx.msk [tilespmem:v8+s28+$0xA0 ss:$0x1], $0xffff;
	[tilespmem:v9+s23+$0x150 ss:$0x1] =	vst.idx.msk $0xffff, v15  }
0xc4: {  	s24 =	sand.u32 $0x3FFFFE00, s24;
	v21 =	vshrl.u32 v46, v39;
	v52 =	vshll.u32 v48, v40;
	v22 =	vor.u32 v23, v22;
	v15 =	vld.idx.msk [tilespmem:v8+s25+$0x350 ss:$0x1], $0xffff  }
0xc5: {  	v21 =	vand.u32 $0xFFFF, v21;
	v55 =	vand.u32 $0xFFFF0000, v52;
	v25 =	vld.idx.msk [tilespmem:v8+s25+$0x3D0 ss:$0x1], $0xffff;
	[tilespmem:v9+s24+$0x0 ss:$0x1] =	vst.idx.msk $0xffff, v22  }
0xc6: {  	v21 =	vor.u32 v21, v55;
	v57 =	vld.idx.msk [tilespmem:v8+s28+$0x100 ss:$0x1], $0xffff  }
0xc7: {  	[tilespmem:v9+s24+$0x10 ss:$0x1] =	vst.idx.msk $0xffff, v21;
	v58 =	vld.idx.msk [tilespmem:v8+s28+$0x180 ss:$0x1], $0xffff  }
0xc8: {  	v35 =	vld.idx.msk [tilespmem:v8+s28+$0x110 ss:$0x1], $0xffff  }
0xc9: {  	v62 =	vperm.xlane v11, v4;
	v20 =	vshrl.u32 v20, v17;
	v53 =	vshll.u32 v49, v18;
	v63 =	vld.idx.msk [tilespmem:v8+s28+$0x190 ss:$0x1], $0xffff  }
0xca: {  	v18 =	vshll.u32 v54, v18;
	v54 =	vld.idx.msk [tilespmem:v8+s28+$0xB0 ss:$0x1], $0xffff;
	v20 =	vand.u32 $0xFFFF, v20;
	v56 =	vand.u32 $0xFFFF0000, v53  }
0xcb: {  	v60 =	vshrl.u32 v51, v39;
	v59 =	vshrl.u32 v19, v17;
	v53 =	vld.idx.msk [tilespmem:v8+s28+$0x30 ss:$0x1], $0xffff;
	v20 =	vor.u32 v20, v56  }
0xcc: {  	v21 =	vand.u32 $0xFFFF, v59;
	v18 =	vand.u32 $0xFFFF0000, v18;
	v61 =	vshll.u32 v34, v40;
	v56 =	vld.idx.msk [tilespmem:v8+s28+$0x40 ss:$0x1], $0xffff;
	[tilespmem:v9+s23+$0x160 ss:$0x1] =	vst.idx.msk $0xffff, v20  }
0xcd: {  	v34 =	vand.u32 $0xFFFF, v60;
	v18 =	vor.u32 v21, v18;
	v19 =	vand.u32 $0xFFFF0000, v61;
	v17 =	vld.idx.msk [tilespmem:v8+s25+$0x360 ss:$0x1], $0xffff  }
0xce: {  	v37 =	vperm.xlane v11, v3;
	[tilespmem:v9+s23+$0x170 ss:$0x1] =	vst.idx.msk $0xffff, v18;
	v23 =	vor.u32 v34, v19;
	v19 =	vld.idx.msk [tilespmem:v8+s25+$0x3E0 ss:$0x1], $0xffff  }
0xcf: {  	v38 =	vsub.s32 $0x10, v62;
	v24 =	vld.idx.msk [tilespmem:v8+s25+$0x3F0 ss:$0x1], $0xffff  }
0xd0: {  	[tilespmem:v9+s24+$0x20 ss:$0x1] =	vst.idx.msk $0xffff, v23;
	v36 =	vshrl.u32 v57, v37;
	v41 =	vshll.u32 v58, v38;
	v23 =	vld.idx.msk [tilespmem:v8+s25+$0x370 ss:$0x1], $0xffff  }
0xd1: {  	v42 =	vld.idx.msk [tilespmem:v8+s28+$0x120 ss:$0x1], $0xffff;
	v43 =	vand.u32 $0xFFFF, v36;
	v44 =	vand.u32 $0xFFFF0000, v41  }
0xd2: {  	v46 =	vshrl.u32 v35, v37;
	v47 =	vshll.u32 v63, v38;
	v45 =	vld.idx.msk [tilespmem:v8+s28+$0x1A0 ss:$0x1], $0xffff;
	v18 =	vor.u32 v43, v44  }
0xd3: {  	v48 =	vand.u32 $0xFFFF, v46;
	v49 =	vand.u32 $0xFFFF0000, v47;
	v43 =	vld.idx.msk [tilespmem:v8+s28+$0xC0 ss:$0x1], $0xffff;
	[tilespmem:v9+s24+$0x80 ss:$0x1] =	vst.idx.msk $0xffff, v18  }
0xd4: {  	v18 =	vor.u32 v48, v49;
	v50 =	vld.idx.msk [tilespmem:v8+s28+$0x200 ss:$0x1], $0xffff  }
0xd5: {  	v52 =	vperm.xlane v11, v5;
	v51 =	vld.idx.msk [tilespmem:v8+s28+$0x280 ss:$0x1], $0xffff;
	[tilespmem:v9+s24+$0x90 ss:$0x1] =	vst.idx.msk $0xffff, v18  }
0xd6: {  	v34 =	vperm.xlane v11, v0;
	v18 =	vld.idx.msk [tilespmem:v8+s28+$0x210 ss:$0x1], $0xffff  }
0xd7: {  	v35 =	vsub.s32 $0x10, v52;
	v63 =	vperm.xlane v10, v7;
	v10 =	vperm.xlane v10, v6;
	v36 =	vld.idx.msk [tilespmem:v8+s28+$0x290 ss:$0x1], $0xffff  }
0xd8: {  	v58 =	vshrl.u32 v53, v39;
	v47 =	vld.idx.msk [tilespmem:v8+s28+$0x70 ss:$0x1], $0xffff;
	v22 =	vshrl.u32 v42, v37;
	v21 =	vshll.u32 v45, v38  }
0xd9: {  	v59 =	vand.u32 $0xFFFF, v58;
	v58 =	vld.idx.msk [tilespmem:v8+s28+$0x60 ss:$0x1], $0xffff;
	v22 =	vand.u32 $0xFFFF, v22;
	v21 =	vand.u32 $0xFFFF0000, v21  }
0xda: {  	v45 =	vld.idx.msk [tilespmem:v8+s28+$0xD0 ss:$0x1], $0xffff;
	v21 =	vor.u32 v22, v21;
	v29 =	vshrl.u32 v50, v34;
	v20 =	vshll.u32 v51, v35  }
0xdb: {  	[tilespmem:v9+s24+$0xA0 ss:$0x1] =	vst.idx.msk $0xffff, v21;
	v50 =	vshrl.u32 v56, v39;
	v51 =	vshll.u32 v43, v40;
	v29 =	vand.u32 $0xFFFF, v29  }
0xdc: {  	v41 =	vld.idx.msk [tilespmem:v8+s28+$0x220 ss:$0x1], $0xffff;
	v20 =	vand.u32 $0xFFFF0000, v20;
	v18 =	vshrl.u32 v18, v34;
	v55 =	vshll.u32 v36, v35  }
0xdd: {  	v42 =	vld.idx.msk [tilespmem:v8+s28+$0x2A0 ss:$0x1], $0xffff;
	v20 =	vor.u32 v29, v20;
	v18 =	vand.u32 $0xFFFF, v18;
	v57 =	vand.u32 $0xFFFF0000, v55  }
0xde: {  	v53 =	vand.u32 $0xFFFF, v50;
	v44 =	vand.u32 $0xFFFF0000, v51;
	[tilespmem:v9+s24+$0x100 ss:$0x1] =	vst.idx.msk $0xffff, v20;
	v18 =	vor.u32 v18, v57;
	v57 =	vld.idx.msk [tilespmem:v8+s28+$0x50 ss:$0x1], $0xffff  }
0xdf: {  	s31 =	sor.u32 $0x2, s22;
	v12 =	vshrl.u32 v12, v10;
	v21 =	vshll.u32 v54, v40;
	v54 =	vor.u32 v53, v44;
	v31 =	vld.idx.msk [tilespmem:v8+s28+$0x300 ss:$0x1], $0xffff  }
0xe0: {  	s29 =	sshll.u32 s31, $0x3;
	v27 =	vshrl.u32 v27, v10;
	v36 =	vsub.s32 $0x10, v63;
	[tilespmem:v9+s24+$0x40 ss:$0x1] =	vst.idx.msk $0xffff, v54;
	v29 =	vld.idx.msk [tilespmem:v8+s28+$0x380 ss:$0x1], $0xffff  }
0xe1: {  	s26 =	sand.u32 $0x3FFFFFF8, s29;
	v60 =	vand.u32 $0xFFFF0000, v21;
	v13 =	vshll.u32 v13, v36;
	v55 =	vshrl.u32 v16, v10;
	v56 =	vld.idx.msk [tilespmem:v8+s28+$0x1C0 ss:$0x1], $0xffff  }
0xe2: {  	s26 =	sadd.s32 s26, s21;
	v12 =	vand.u32 $0xFFFF, v12;
	v13 =	vand.u32 $0xFFFF0000, v13;
	[tilespmem:v9+s24+$0x110 ss:$0x1] =	vst.idx.msk $0xffff, v18;
	v18 =	vor.u32 v59, v60;
	v60 =	vld.idx.msk [tilespmem:v8+s28+$0xE0 ss:$0x1], $0xffff  }
0xe3: {  	v33 =	vshrl.u32 v33, v10;
	v12 =	vor.u32 v12, v13;
	v13 =	vand.u32 $0xFFFF, v55;
	v55 =	vld.msk [tilespmem:s26+$0x0 ss:$0x1], $0xff  }
0xe4: {  	v30 =	vshrl.u32 v30, v10;
	v15 =	vshrl.u32 v15, v10;
	v22 =	vld.idx.msk [tilespmem:v8+s28+$0x310 ss:$0x1], $0xffff;
	[tilespmem:v9+s24+$0x30 ss:$0x1] =	vst.idx.msk $0xffff, v18  }
0xe5: {  	v33 =	vand.u32 $0xFFFF, v33;
	v30 =	vand.u32 $0xFFFF, v30;
	v17 =	vshrl.u32 v17, v10;
	v49 =	vld.idx.msk [tilespmem:v8+s28+$0x130 ss:$0x1], $0xffff  }
0xe6: {  	v14 =	vshll.u32 v14, v36;
	v26 =	vshll.u32 v26, v36;
	v45 =	vshll.u32 v45, v40;
	v52 =	vld.idx.msk [tilespmem:v8+s28+$0x1B0 ss:$0x1], $0xffff  }
0xe7: {  	s30 =	sshll.u32 s31, $0xA;
	v14 =	vand.u32 $0xFFFF0000, v14;
	v20 =	vld.idx.msk [tilespmem:v8+s28+$0x390 ss:$0x1], $0xffff;
	v61 =	vshrl.u32 v41, v34;
	v62 =	vshll.u32 v42, v35  }
0xe8: {  	s26 =	sand.u32 $0x3FFFFC00, s30;
	v46 =	vor.u32 v13, v14;
	v42 =	vld.idx.msk [tilespmem:v8+s28+$0x140 ss:$0x1], $0xffff;
	v21 =	vand.u32 $0xFFFF, v61;
	v41 =	vand.u32 $0xFFFF0000, v62  }
0xe9: {  	[tilespmem:v9+s23+$0x190 ss:$0x1] =	vst.idx.msk $0xffff, v46;
	v46 =	vld.idx.msk [tilespmem:v8+s26+$0xD0 ss:$0x1], $0xffff;
	v48 =	vor.u32 v21, v41;
	v44 =	vshrl.u32 v57, v39  }
0xea: {  	v32 =	vshll.u32 v32, v36;
	v45 =	vand.u32 $0xFFFF0000, v45;
	[tilespmem:v9+s24+$0x120 ss:$0x1] =	vst.idx.msk $0xffff, v48;
	v44 =	vand.u32 $0xFFFF, v44;
	v48 =	vld.idx.msk [tilespmem:v8+s28+$0xF0 ss:$0x1], $0xffff  }
0xeb: {  	v21 =	vld.idx.msk [tilespmem:v8+s28+$0x320 ss:$0x1], $0xffff;
	v13 =	vor.u32 v44, v45;
	v41 =	vshrl.u32 v49, v37;
	v43 =	vshll.u32 v52, v38  }
0xec: {  	v26 =	vand.u32 $0xFFFF0000, v26;
	v18 =	vld.idx.msk [tilespmem:v8+s28+$0x3A0 ss:$0x1], $0xffff;
	[tilespmem:v9+s24+$0x50 ss:$0x1] =	vst.idx.msk $0xffff, v13;
	v41 =	vand.u32 $0xFFFF, v41;
	v43 =	vand.u32 $0xFFFF0000, v43  }
0xed: {  	v16 =	vshll.u32 v56, v38;
	v62 =	vshrl.u32 v42, v37;
	v51 =	vld.idx.msk [tilespmem:v8+s28+$0x150 ss:$0x1], $0xffff;
	v41 =	vor.u32 v41, v43  }
0xee: {  	v59 =	vand.u32 $0xFFFF, v27;
	v16 =	vand.u32 $0xFFFF0000, v16;
	v52 =	vld.idx.msk [tilespmem:v8+s28+$0x1D0 ss:$0x1], $0xffff;
	[tilespmem:v9+s24+$0xB0 ss:$0x1] =	vst.idx.msk $0xffff, v41;
	v41 =	vand.u32 $0xFFFF, v62  }
0xef: {  	v14 =	vshll.u32 v60, v40;
	v43 =	vshrl.u32 v58, v39;
	v61 =	vld.idx.msk [tilespmem:v8+s28+$0x230 ss:$0x1], $0xffff;
	v16 =	vor.u32 v41, v16  }
0xf0: {  	v14 =	vand.u32 $0xFFFF0000, v14;
	v39 =	vshrl.u32 v47, v39;
	v43 =	vand.u32 $0xFFFF, v43;
	v63 =	vld.idx.msk [tilespmem:v8+s28+$0x2B0 ss:$0x1], $0xffff;
	[tilespmem:v9+s24+$0xC0 ss:$0x1] =	vst.idx.msk $0xffff, v16  }
0xf1: {  	v41 =	vor.u32 v59, v26;
	v14 =	vor.u32 v43, v14;
	v26 =	vshll.u32 v48, v40;
	v49 =	vld.idx.msk [tilespmem:v8+s28+$0x240 ss:$0x1], $0xffff  }
0xf2: {  	v28 =	vshll.u32 v28, v36;
	v39 =	vand.u32 $0xFFFF, v39;
	[tilespmem:v9+s24+$0x60 ss:$0x1] =	vst.idx.msk $0xffff, v14;
	v40 =	vand.u32 $0xFFFF0000, v26;
	v50 =	vld.idx.msk [tilespmem:v8+s28+$0x2C0 ss:$0x1], $0xffff  }
0xf3: {  	v25 =	vshll.u32 v25, v36;
	v19 =	vshll.u32 v19, v36;
	v53 =	vld.idx.msk [tilespmem:v8+s28+$0x160 ss:$0x1], $0xffff;
	v40 =	vor.u32 v39, v40  }
0xf4: {  	v10 =	vshrl.u32 v23, v10;
	v32 =	vand.u32 $0xFFFF0000, v32;
	v28 =	vand.u32 $0xFFFF0000, v28;
	v54 =	vld.idx.msk [tilespmem:v8+s28+$0x1E0 ss:$0x1], $0xffff;
	[tilespmem:v9+s24+$0x70 ss:$0x1] =	vst.idx.msk $0xffff, v40  }
0xf5: {  	v57 =	vshrl.u32 v51, v37;
	v58 =	vld.idx.msk [tilespmem:v8+s28+$0x1F0 ss:$0x1], $0xffff;
	v27 =	vshrl.u32 v61, v34;
	v42 =	vshll.u32 v63, v35  }
0xf6: {  	v14 =	vshll.u32 v52, v38;
	v40 =	vld.idx.msk [tilespmem:v8+s28+$0x170 ss:$0x1], $0xffff;
	v27 =	vand.u32 $0xFFFF, v27;
	v42 =	vand.u32 $0xFFFF0000, v42  }
0xf7: {  	v59 =	vld.idx.msk [tilespmem:v8+s26+$0x0 ss:$0x1], $0xffff;
	v14 =	vand.u32 $0xFFFF0000, v14;
	v27 =	vor.u32 v27, v42;
	v16 =	vshrl.u32 v49, v34  }
0xf8: {  	v63 =	vld.idx.msk [tilespmem:v8+s26+$0x80 ss:$0x1], $0xffff;
	v13 =	vshll.u32 v50, v35;
	v42 =	vshrl.u32 v53, v37;
	[tilespmem:v9+s24+$0x130 ss:$0x1] =	vst.idx.msk $0xffff, v27  }
0xf9: {  	v56 =	vand.u32 $0xFFFF, v16;
	v16 =	vand.u32 $0xFFFF, v57;
	v27 =	vshll.u32 v54, v38;
	v26 =	vld.idx.msk [tilespmem:v8+s28+$0x330 ss:$0x1], $0xffff  }
0xfa: {  	v60 =	vor.u32 v16, v14;
	v62 =	vand.u32 $0xFFFF0000, v27;
	v27 =	vld.idx.msk [tilespmem:v8+s28+$0x3B0 ss:$0x1], $0xffff;
	v53 =	vshll.u32 v58, v38  }
0xfb: {  	v13 =	vand.u32 $0xFFFF0000, v13;
	v52 =	vshrl.u32 v40, v37;
	[tilespmem:v9+s24+$0xD0 ss:$0x1] =	vst.idx.msk $0xffff, v60;
	v37 =	vand.u32 $0xFFFF0000, v53;
	v53 =	vld.idx.msk [tilespmem:v8+s26+$0x10 ss:$0x1], $0xffff  }
0xfc: {  	v39 =	vor.u32 v33, v32;
	v61 =	vand.u32 $0xFFFF, v42;
	v48 =	vor.u32 v56, v13;
	v49 =	vld.idx.msk [tilespmem:v8+s28+$0x250 ss:$0x1], $0xffff  }
0xfd: {  	v16 =	vshll.u32 v55, $0x4;
	v47 =	vor.u32 v61, v62;
	[tilespmem:v9+s24+$0x140 ss:$0x1] =	vst.idx.msk $0xffff, v48;
	v33 =	vand.u32 $0xFFFF, v52;
	v51 =	vld.idx.msk [tilespmem:v8+s28+$0x2D0 ss:$0x1], $0xffff  }
0xfe: {  	v50 =	vperm.xlane v16, v2;
	[tilespmem:v9+s24+$0xE0 ss:$0x1] =	vst.idx.msk $0xffff, v47;
	v37 =	vor.u32 v33, v37;
	v33 =	vld.idx.msk [tilespmem:v8+s28+$0x340 ss:$0x1], $0xffff  }
0xff: {  	v25 =	vand.u32 $0xFFFF0000, v25;
	v19 =	vand.u32 $0xFFFF0000, v19;
	v13 =	vperm.xlane v16, v1;
	v54 =	vld.idx.msk [tilespmem:v8+s28+$0x260 ss:$0x1], $0xffff  }
0x100: {  	v10 =	vand.u32 $0xFFFF, v10;
	v61 =	vand.u32 $0xFFFF, v15;
	v14 =	vsub.s32 $0x10, v50;
	v55 =	vld.idx.msk [tilespmem:v8+s28+$0x2E0 ss:$0x1], $0xffff;
	[tilespmem:v9+s24+$0xF0 ss:$0x1] =	vst.idx.msk $0xffff, v37  }
0x101: {  	v40 =	vor.u32 v61, v25;
	v56 =	vshrl.u32 v59, v13;
	v42 =	vshll.u32 v63, v14;
	v59 =	vld.idx.msk [tilespmem:v8+s28+$0x270 ss:$0x1], $0xffff  }
0x102: {  	s25 =	sshll.u32 s31, $0x9;
	v57 =	vand.u32 $0xFFFF, v56;
	v63 =	vld.idx.msk [tilespmem:v8+s28+$0x2F0 ss:$0x1], $0xffff;
	v58 =	vand.u32 $0xFFFF0000, v42;
	v42 =	vor.u32 v30, v28  }
0x103: {  	s25 =	sand.u32 $0x3FFFFE00, s25;
	v56 =	vld.idx.msk [tilespmem:v8+s26+$0x90 ss:$0x1], $0xffff;
	v60 =	vor.u32 v57, v58;
	[tilespmem:v9+s23+$0x1C0 ss:$0x1] =	vst.idx.msk $0xffff, v42;
	v42 =	vshll.u32 v46, v14  }
0x104: {  	v62 =	vshrl.u32 v49, v34;
	[tilespmem:v9+s25+$0x0 ss:$0x1] =	vst.idx.msk $0xffff, v60;
	v48 =	vshll.u32 v51, v35;
	v42 =	vand.u32 $0xFFFF0000, v42  }
0x105: {  	[tilespmem:v9+s23+$0x180 ss:$0x1] =	vst.idx.msk $0xffff, v12;
	v15 =	vand.u32 $0xFFFF, v62;
	v49 =	vld.idx.msk [tilespmem:v8+s26+$0x100 ss:$0x1], $0xffff;
	v30 =	vand.u32 $0xFFFF0000, v48;
	v50 =	vshrl.u32 v54, v34  }
0x106: {  	v12 =	vshll.u32 v55, v35;
	v51 =	vld.idx.msk [tilespmem:v8+s26+$0x180 ss:$0x1], $0xffff;
	v55 =	vperm.xlane v16, v4;
	v48 =	vand.u32 $0xFFFF, v17  }
0x107: {  	v37 =	vld.idx.msk [tilespmem:v8+s28+$0x3C0 ss:$0x1], $0xffff;
	v17 =	vperm.xlane v11, v6;
	v15 =	vor.u32 v15, v30;
	v52 =	vand.u32 $0xFFFF, v50  }
0x108: {  	v12 =	vand.u32 $0xFFFF0000, v12;
	v28 =	vshrl.u32 v59, v34;
	v32 =	vshll.u32 v63, v35;
	[tilespmem:v9+s24+$0x150 ss:$0x1] =	vst.idx.msk $0xffff, v15  }
0x109: {  	v54 =	vor.u32 v52, v12;
	v12 =	vperm.xlane v16, v3;
	v15 =	vsub.s32 $0x10, v55;
	v55 =	vld.idx.msk [tilespmem:v8+s26+$0xA0 ss:$0x1], $0xffff  }
0x10a: {  	v59 =	vshrl.u32 v53, v13;
	v60 =	vshll.u32 v56, v14;
	v28 =	vand.u32 $0xFFFF, v28;
	v34 =	vld.idx.msk [tilespmem:v8+s28+$0x350 ss:$0x1], $0xffff  }
0x10b: {  	v35 =	vand.u32 $0xFFFF0000, v32;
	v32 =	vld.idx.msk [tilespmem:v8+s28+$0x3D0 ss:$0x1], $0xffff;
	v58 =	vshrl.u32 v49, v12;
	v38 =	vshll.u32 v51, v15  }
0x10c: {  	[tilespmem:v9+s24+$0x160 ss:$0x1] =	vst.idx.msk $0xffff, v54;
	v57 =	vor.u32 v28, v35;
	v54 =	vld.idx.msk [tilespmem:v8+s26+$0x20 ss:$0x1], $0xffff;
	v35 =	vand.u32 $0xFFFF, v58;
	v38 =	vand.u32 $0xFFFF0000, v38  }
0x10d: {  	v61 =	vand.u32 $0xFFFF, v59;
	v62 =	vand.u32 $0xFFFF0000, v60;
	v58 =	vld.idx.msk [tilespmem:v8+s26+$0x30 ss:$0x1], $0xffff;
	v35 =	vor.u32 v35, v38  }
0x10e: {  	v50 =	vshll.u32 v24, v36;
	[tilespmem:v9+s25+$0x80 ss:$0x1] =	vst.idx.msk $0xffff, v35;
	v35 =	vor.u32 v61, v62;
	v61 =	vld.idx.msk [tilespmem:v8+s26+$0xB0 ss:$0x1], $0xffff  }
0x10f: {  	v11 =	vperm.xlane v11, v7;
	v19 =	vor.u32 v48, v19;
	v23 =	vand.u32 $0xFFFF0000, v50;
	v62 =	vld.idx.msk [tilespmem:v8+s26+$0x40 ss:$0x1], $0xffff  }
0x110: {  	v52 =	vperm.xlane v16, v5;
	v31 =	vshrl.u32 v31, v17;
	v22 =	vshrl.u32 v22, v17;
	v63 =	vld.idx.msk [tilespmem:v8+s26+$0x200 ss:$0x1], $0xffff  }
0x111: {  	v21 =	vshrl.u32 v21, v17;
	v26 =	vshrl.u32 v26, v17;
	v49 =	vld.idx.msk [tilespmem:v8+s26+$0x280 ss:$0x1], $0xffff;
	[tilespmem:v9+s25+$0x10 ss:$0x1] =	vst.idx.msk $0xffff, v35  }
0x112: {  	[tilespmem:v9+s23+$0x1A0 ss:$0x1] =	vst.idx.msk $0xffff, v41;
	v31 =	vand.u32 $0xFFFF, v31;
	v22 =	vand.u32 $0xFFFF, v22;
	v38 =	vor.u32 v10, v23;
	v51 =	vld.idx.msk [tilespmem:v8+s26+$0x110 ss:$0x1], $0xffff  }
0x113: {  	[tilespmem:v9+s24+$0x170 ss:$0x1] =	vst.idx.msk $0xffff, v57;
	v10 =	vperm.xlane v16, v0;
	v23 =	vsub.s32 $0x10, v11;
	v11 =	vsub.s32 $0x10, v52;
	v53 =	vld.idx.msk [tilespmem:v8+s26+$0x190 ss:$0x1], $0xffff  }
0x114: {  	v28 =	vld.idx.msk [tilespmem:v8+s28+$0x360 ss:$0x1], $0xffff;
	v29 =	vshll.u32 v29, v23;
	v50 =	vshrl.u32 v54, v13;
	v44 =	vshrl.u32 v58, v13  }
0x115: {  	v30 =	vld.idx.msk [tilespmem:v8+s28+$0x3E0 ss:$0x1], $0xffff;
	v44 =	vand.u32 $0xFFFF, v44;
	v43 =	vshll.u32 v61, v14;
	v41 =	vshrl.u32 v62, v13  }
0x116: {  	v25 =	vld.idx.msk [tilespmem:v8+s28+$0x370 ss:$0x1], $0xffff;
	v56 =	vshrl.u32 v63, v10;
	v57 =	vshll.u32 v49, v11;
	v63 =	vand.u32 $0xFFFF0000, v29  }
0x117: {  	[tilespmem:v9+s23+$0x1B0 ss:$0x1] =	vst.idx.msk $0xffff, v39;
	v62 =	vld.idx.msk [tilespmem:v8+s26+$0x50 ss:$0x1], $0xffff;
	v43 =	vand.u32 $0xFFFF0000, v43;
	v59 =	vand.u32 $0xFFFF, v56;
	v60 =	vand.u32 $0xFFFF0000, v57  }
0x118: {  	v49 =	vld.idx.msk [tilespmem:v8+s26+$0xC0 ss:$0x1], $0xffff;
	v24 =	vshrl.u32 v51, v12;
	v36 =	vshll.u32 v53, v15;
	v43 =	vor.u32 v44, v43  }
0x119: {  	v29 =	vld.idx.msk [tilespmem:v8+s28+$0x3F0 ss:$0x1], $0xffff;
	v39 =	vor.u32 v59, v60;
	v24 =	vand.u32 $0xFFFF, v24;
	v48 =	vand.u32 $0xFFFF0000, v36;
	[tilespmem:v9+s25+$0x30 ss:$0x1] =	vst.idx.msk $0xffff, v43  }
0x11a: {  	v35 =	vshll.u32 v55, v14;
	[tilespmem:v9+s25+$0x100 ss:$0x1] =	vst.idx.msk $0xffff, v39;
	v24 =	vor.u32 v24, v48;
	v55 =	vld.idx.msk [tilespmem:v8+s26+$0x130 ss:$0x1], $0xffff  }
0x11b: {  	v21 =	vand.u32 $0xFFFF, v21;
	v35 =	vand.u32 $0xFFFF0000, v35;
	v39 =	vand.u32 $0xFFFF, v50;
	v56 =	vld.idx.msk [tilespmem:v8+s26+$0x1B0 ss:$0x1], $0xffff;
	[tilespmem:v9+s25+$0x90 ss:$0x1] =	vst.idx.msk $0xffff, v24  }
0x11c: {  	v20 =	vshll.u32 v20, v23;
	v18 =	vshll.u32 v18, v23;
	v35 =	vor.u32 v39, v35;
	v51 =	vld.idx.msk [tilespmem:v8+s26+$0x210 ss:$0x1], $0xffff  }
0x11d: {  	v27 =	vshll.u32 v27, v23;
	v20 =	vand.u32 $0xFFFF0000, v20;
	v18 =	vand.u32 $0xFFFF0000, v18;
	[tilespmem:v9+s25+$0x20 ss:$0x1] =	vst.idx.msk $0xffff, v35;
	v52 =	vld.idx.msk [tilespmem:v8+s26+$0x290 ss:$0x1], $0xffff  }
0x11e: {  	v20 =	vor.u32 v22, v20;
	v18 =	vor.u32 v21, v18;
	v36 =	vshll.u32 v49, v14;
	v53 =	vld.idx.msk [tilespmem:v8+s26+$0x120 ss:$0x1], $0xffff  }
0x11f: {  	v41 =	vand.u32 $0xFFFF, v41;
	v31 =	vor.u32 v31, v63;
	v54 =	vld.idx.msk [tilespmem:v8+s26+$0x1A0 ss:$0x1], $0xffff;
	v36 =	vand.u32 $0xFFFF0000, v36  }
0x120: {  	v44 =	vld.idx.msk [tilespmem:v8+s26+$0xE0 ss:$0x1], $0xffff;
	v36 =	vor.u32 v41, v36;
	v41 =	vshrl.u32 v55, v12;
	v22 =	vshll.u32 v56, v15  }
0x121: {  	v24 =	vld.idx.msk [tilespmem:v8+s26+$0x300 ss:$0x1], $0xffff;
	[tilespmem:v9+s25+$0x40 ss:$0x1] =	vst.idx.msk $0xffff, v36;
	v47 =	vand.u32 $0xFFFF, v41;
	v22 =	vand.u32 $0xFFFF0000, v22;
	v57 =	vshrl.u32 v51, v10  }
0x122: {  	v58 =	vld.idx.msk [tilespmem:v8+s26+$0x140 ss:$0x1], $0xffff;
	v35 =	vshll.u32 v52, v11;
	v21 =	vor.u32 v47, v22;
	v51 =	vshrl.u32 v62, v13  }
0x123: {  	v59 =	vld.idx.msk [tilespmem:v8+s26+$0x1C0 ss:$0x1], $0xffff;
	v36 =	vand.u32 $0xFFFF, v57;
	v35 =	vand.u32 $0xFFFF0000, v35;
	v60 =	vshrl.u32 v53, v12  }
0x124: {  	v61 =	vshll.u32 v54, v15;
	[tilespmem:v9+s25+$0xB0 ss:$0x1] =	vst.idx.msk $0xffff, v21;
	v35 =	vor.u32 v36, v35;
	v36 =	vld.idx.msk [tilespmem:v8+s26+$0x380 ss:$0x1], $0xffff  }
0x125: {  	v41 =	vand.u32 $0xFFFF, v51;
	v53 =	vand.u32 $0xFFFF, v26;
	v54 =	vand.u32 $0xFFFF0000, v27;
	v50 =	vld.idx.msk [tilespmem:v8+s26+$0x230 ss:$0x1], $0xffff  }
0x126: {  	[tilespmem:v9+s23+$0x1D0 ss:$0x1] =	vst.idx.msk $0xffff, v40;
	v63 =	vand.u32 $0xFFFF, v60;
	v45 =	vand.u32 $0xFFFF0000, v61;
	v52 =	vld.idx.msk [tilespmem:v8+s26+$0x2B0 ss:$0x1], $0xffff;
	v55 =	vor.u32 v41, v42  }
0x127: {  	v42 =	vor.u32 v53, v54;
	v53 =	vshll.u32 v44, v14;
	v44 =	vld.idx.msk [tilespmem:v8+s26+$0x70 ss:$0x1], $0xffff;
	[tilespmem:v9+s25+$0x110 ss:$0x1] =	vst.idx.msk $0xffff, v35  }
0x128: {  	v34 =	vshrl.u32 v34, v17;
	v35 =	vor.u32 v63, v45;
	[tilespmem:v9+s25+$0x50 ss:$0x1] =	vst.idx.msk $0xffff, v55;
	v63 =	vld.idx.msk [tilespmem:v8+s26+$0x60 ss:$0x1], $0xffff  }
0x129: {  	v28 =	vshrl.u32 v28, v17;
	v30 =	vshll.u32 v30, v23;
	[tilespmem:v9+s25+$0xA0 ss:$0x1] =	vst.idx.msk $0xffff, v35;
	v27 =	vld.idx.msk [tilespmem:v8+s26+$0x150 ss:$0x1], $0xffff  }
0x12a: {  	[tilespmem:v9+s23+$0x1E0 ss:$0x1] =	vst.idx.msk $0xffff, v19;
	v32 =	vshll.u32 v32, v23;
	v28 =	vand.u32 $0xFFFF, v28;
	v30 =	vand.u32 $0xFFFF0000, v30;
	v48 =	vld.idx.msk [tilespmem:v8+s26+$0x220 ss:$0x1], $0xffff  }
0x12b: {  	v28 =	vor.u32 v28, v30;
	v39 =	vshrl.u32 v58, v12;
	v40 =	vshll.u32 v59, v15;
	v49 =	vld.idx.msk [tilespmem:v8+s26+$0x2A0 ss:$0x1], $0xffff  }
0x12c: {  	[tilespmem:v9+s23+$0x1F0 ss:$0x1] =	vst.idx.msk $0xffff, v38;
	v57 =	vshrl.u32 v33, v17;
	v35 =	vld.idx.msk [tilespmem:v8+s26+$0x310 ss:$0x1], $0xffff;
	v39 =	vand.u32 $0xFFFF, v39;
	v40 =	vand.u32 $0xFFFF0000, v40  }
0x12d: {  	s31 =	sor.u32 $0x3, s22;
	v17 =	vshrl.u32 v25, v17;
	v59 =	vshll.u32 v37, v23;
	v60 =	vld.idx.msk [tilespmem:v8+s26+$0x1D0 ss:$0x1], $0xffff;
	v39 =	vor.u32 v39, v40  }
0x12e: {  	s29 =	sshll.u32 s31, $0x3;
	v37 =	vand.u32 $0xFFFF0000, v53;
	[tilespmem:v9+s25+$0xC0 ss:$0x1] =	vst.idx.msk $0xffff, v39;
	v61 =	vshrl.u32 v50, v10;
	v62 =	vshll.u32 v52, v11  }
0x12f: {  	s23 =	sand.u32 $0x3FFFFFF8, s29;
	v56 =	vld.idx.msk [tilespmem:v8+s26+$0x240 ss:$0x1], $0xffff;
	v43 =	vand.u32 $0xFFFF0000, v62;
	v52 =	vshrl.u32 v63, v13;
	v22 =	vshrl.u32 v48, v10  }
0x130: {  	s30 =	sshll.u32 s31, $0xA;
	s23 =	sadd.s32 s23, s21;
	v58 =	vld.idx.msk [tilespmem:v8+s26+$0x2C0 ss:$0x1], $0xffff;
	v21 =	vshll.u32 v49, v11;
	v48 =	vshrl.u32 v27, v12;
	v27 =	vand.u32 $0xFFFF, v52  }
0x131: {  	[tilespmem:v9+s24+$0x1A0 ss:$0x1] =	vst.idx.msk $0xffff, v18;
	v62 =	vld.msk [tilespmem:s23+$0x0 ss:$0x1], $0xff;
	s23 =	sand.u32 $0x3FFFFC00, s30;
	v22 =	vand.u32 $0xFFFF, v22;
	v21 =	vand.u32 $0xFFFF0000, v21;
	v27 =	vor.u32 v27, v37  }
0x132: {  	v40 =	vand.u32 $0xFFFF, v61;
	v50 =	vand.u32 $0xFFFF, v48;
	v48 =	vld.idx.msk [tilespmem:v8+s23+$0x80 ss:$0x1], $0xffff;
	v21 =	vor.u32 v22, v21;
	[tilespmem:v9+s25+$0x60 ss:$0x1] =	vst.idx.msk $0xffff, v27  }
0x133: {  	v32 =	vand.u32 $0xFFFF0000, v32;
	v19 =	vand.u32 $0xFFFF, v57;
	[tilespmem:v9+s25+$0x120 ss:$0x1] =	vst.idx.msk $0xffff, v21;
	v21 =	vor.u32 v40, v43;
	v40 =	vld.idx.msk [tilespmem:v8+s26+$0x390 ss:$0x1], $0xffff  }
0x134: {  	[tilespmem:v9+s24+$0x180 ss:$0x1] =	vst.idx.msk $0xffff, v31;
	v54 =	vand.u32 $0xFFFF, v34;
	v33 =	vand.u32 $0xFFFF0000, v59;
	v59 =	vperm.xlane v16, v7;
	v57 =	vld.idx.msk [tilespmem:v8+s26+$0x160 ss:$0x1], $0xffff  }
0x135: {  	v31 =	vor.u32 v54, v32;
	[tilespmem:v9+s24+$0x1B0 ss:$0x1] =	vst.idx.msk $0xffff, v42;
	v49 =	vshll.u32 v60, v15;
	v60 =	vld.idx.msk [tilespmem:v8+s26+$0x1E0 ss:$0x1], $0xffff  }
0x136: {  	v33 =	vor.u32 v19, v33;
	v18 =	vsub.s32 $0x10, v59;
	v26 =	vshll.u32 v58, v11;
	v41 =	vld.idx.msk [tilespmem:v8+s26+$0x320 ss:$0x1], $0xffff  }
0x137: {  	v34 =	vshrl.u32 v44, v13;
	v45 =	vshrl.u32 v56, v10;
	v47 =	vand.u32 $0xFFFF0000, v26;
	v26 =	vld.idx.msk [tilespmem:v8+s26+$0x3A0 ss:$0x1], $0xffff  }
0x138: {  	v61 =	vand.u32 $0xFFFF, v17;
	v17 =	vperm.xlane v16, v6;
	[tilespmem:v9+s25+$0x130 ss:$0x1] =	vst.idx.msk $0xffff, v21;
	v46 =	vand.u32 $0xFFFF, v45;
	v45 =	vld.idx.msk [tilespmem:v8+s26+$0xF0 ss:$0x1], $0xffff  }
0x139: {  	v42 =	vshll.u32 v36, v18;
	v51 =	vand.u32 $0xFFFF0000, v49;
	v19 =	vor.u32 v46, v47;
	v22 =	vld.idx.msk [tilespmem:v8+s26+$0x330 ss:$0x1], $0xffff  }
0x13a: {  	v34 =	vand.u32 $0xFFFF, v34;
	v21 =	vld.idx.msk [tilespmem:v8+s26+$0x3B0 ss:$0x1], $0xffff;
	[tilespmem:v9+s25+$0x140 ss:$0x1] =	vst.idx.msk $0xffff, v19;
	v19 =	vor.u32 v50, v51  }
0x13b: {  	v63 =	vshrl.u32 v24, v17;
	v35 =	vshrl.u32 v35, v17;
	v46 =	vld.idx.msk [tilespmem:v8+s23+$0x0 ss:$0x1], $0xffff;
	[tilespmem:v9+s25+$0xD0 ss:$0x1] =	vst.idx.msk $0xffff, v19  }
0x13c: {  	v52 =	vand.u32 $0xFFFF0000, v42;
	v55 =	vld.idx.msk [tilespmem:v8+s26+$0x250 ss:$0x1], $0xffff;
	v32 =	vshrl.u32 v57, v12;
	v25 =	vshll.u32 v60, v15  }
0x13d: {  	[tilespmem:v9+s24+$0x190 ss:$0x1] =	vst.idx.msk $0xffff, v20;
	v58 =	vshll.u32 v29, v23;
	v56 =	vld.idx.msk [tilespmem:v8+s26+$0x2D0 ss:$0x1], $0xffff;
	v47 =	vand.u32 $0xFFFF, v32;
	v25 =	vand.u32 $0xFFFF0000, v25  }
0x13e: {  	[tilespmem:v9+s24+$0x1E0 ss:$0x1] =	vst.idx.msk $0xffff, v28;
	v16 =	vshll.u32 v62, $0x4;
	v29 =	vand.u32 $0xFFFF0000, v58;
	v51 =	vld.idx.msk [tilespmem:v8+s23+$0x10 ss:$0x1], $0xffff;
	v50 =	vor.u32 v47, v25  }
0x13f: {  	v54 =	vperm.xlane v16, v2;
	v19 =	vld.idx.msk [tilespmem:v8+s26+$0x340 ss:$0x1], $0xffff;
	v14 =	vshll.u32 v45, v14;
	[tilespmem:v9+s25+$0xE0 ss:$0x1] =	vst.idx.msk $0xffff, v50  }
0x140: {  	v13 =	vperm.xlane v16, v1;
	v29 =	vor.u32 v61, v29;
	v36 =	vand.u32 $0xFFFF0000, v14;
	v58 =	vld.idx.msk [tilespmem:v8+s26+$0x2E0 ss:$0x1], $0xffff  }
0x141: {  	v60 =	vshll.u32 v40, v18;
	v57 =	vor.u32 v34, v36;
	v43 =	vshrl.u32 v55, v10;
	v55 =	vld.idx.msk [tilespmem:v8+s23+$0x90 ss:$0x1], $0xffff  }
0x142: {  	v49 =	vand.u32 $0xFFFF, v63;
	v14 =	vsub.s32 $0x10, v54;
	[tilespmem:v9+s25+$0x70 ss:$0x1] =	vst.idx.msk $0xffff, v57;
	v27 =	vshll.u32 v56, v11;
	v56 =	vld.idx.msk [tilespmem:v8+s26+$0x260 ss:$0x1], $0xffff  }
0x143: {  	v59 =	vshrl.u32 v46, v13;
	v46 =	vperm.xlane v16, v4;
	v32 =	vshll.u32 v48, v14;
	v61 =	vld.idx.msk [tilespmem:v8+s26+$0x170 ss:$0x1], $0xffff  }
0x144: {  	s28 =	sshll.u32 s31, $0x9;
	[tilespmem:v9+s24+$0x1D0 ss:$0x1] =	vst.idx.msk $0xffff, v31;
	v36 =	vand.u32 $0xFFFF, v59;
	v25 =	vshrl.u32 v51, v13;
	v32 =	vand.u32 $0xFFFF0000, v32;
	v62 =	vld.idx.msk [tilespmem:v8+s26+$0x1F0 ss:$0x1], $0xffff  }
0x145: {  	s28 =	sand.u32 $0x3FFFFE00, s28;
	[tilespmem:v9+s24+$0x1C0 ss:$0x1] =	vst.idx.msk $0xffff, v33;
	v20 =	vld.idx.msk [tilespmem:v8+s26+$0x3C0 ss:$0x1], $0xffff;
	v32 =	vor.u32 v36, v32;
	v30 =	vand.u32 $0xFFFF, v43;
	v27 =	vand.u32 $0xFFFF0000, v27  }
0x146: {  	v53 =	vand.u32 $0xFFFF, v35;
	v48 =	vld.idx.msk [tilespmem:v8+s23+$0x20 ss:$0x1], $0xffff;
	v25 =	vand.u32 $0xFFFF, v25;
	[tilespmem:v9+s28+$0x0 ss:$0x1] =	vst.idx.msk $0xffff, v32;
	v27 =	vor.u32 v30, v27  }
0x147: {  	v63 =	vld.idx.msk [tilespmem:v8+s23+$0x100 ss:$0x1], $0xffff;
	[tilespmem:v9+s25+$0x150 ss:$0x1] =	vst.idx.msk $0xffff, v27;
	v27 =	vor.u32 v49, v52;
	v34 =	vshll.u32 v58, v11  }
0x148: {  	v40 =	vld.idx.msk [tilespmem:v8+s23+$0x180 ss:$0x1], $0xffff;
	v35 =	vshll.u32 v55, v14;
	v31 =	vshrl.u32 v56, v10;
	v44 =	vand.u32 $0xFFFF0000, v34  }
0x149: {  	v51 =	vld.idx.msk [tilespmem:v8+s23+$0xA0 ss:$0x1], $0xffff;
	v36 =	vshrl.u32 v61, v12;
	v15 =	vshll.u32 v62, v15;
	v35 =	vand.u32 $0xFFFF0000, v35  }
0x14a: {  	v23 =	vld.idx.msk [tilespmem:v8+s26+$0x350 ss:$0x1], $0xffff;
	v12 =	vperm.xlane v16, v3;
	v43 =	vand.u32 $0xFFFF, v31;
	v25 =	vor.u32 v25, v35  }
0x14b: {  	v24 =	vld.idx.msk [tilespmem:v8+s26+$0x3D0 ss:$0x1], $0xffff;
	v49 =	vand.u32 $0xFFFF, v36;
	v50 =	vand.u32 $0xFFFF0000, v15;
	v28 =	vor.u32 v43, v44;
	[tilespmem:v9+s28+$0x10 ss:$0x1] =	vst.idx.msk $0xffff, v25  }
0x14c: {  	v15 =	vsub.s32 $0x10, v46;
	[tilespmem:v9+s25+$0x160 ss:$0x1] =	vst.idx.msk $0xffff, v28;
	v28 =	vor.u32 v49, v50;
	v50 =	vld.idx.msk [tilespmem:v8+s23+$0xB0 ss:$0x1], $0xffff  }
0x14d: {  	v37 =	vand.u32 $0xFFFF0000, v60;
	v33 =	vshrl.u32 v63, v12;
	v35 =	vshll.u32 v40, v15;
	v45 =	vld.idx.msk [tilespmem:v8+s23+$0x110 ss:$0x1], $0xffff  }
0x14e: {  	v30 =	vor.u32 v53, v37;
	v52 =	vand.u32 $0xFFFF, v33;
	v53 =	vand.u32 $0xFFFF0000, v35;
	v47 =	vld.idx.msk [tilespmem:v8+s23+$0x190 ss:$0x1], $0xffff;
	[tilespmem:v9+s25+$0xF0 ss:$0x1] =	vst.idx.msk $0xffff, v28  }
0x14f: {  	v28 =	vor.u32 v52, v53;
	v57 =	vld.idx.msk [tilespmem:v8+s26+$0x2F0 ss:$0x1], $0xffff  }
0x150: {  	v38 =	vld.idx.msk [tilespmem:v8+s26+$0x360 ss:$0x1], $0xffff;
	[tilespmem:v9+s28+$0x80 ss:$0x1] =	vst.idx.msk $0xffff, v28  }
0x151: {  	v42 =	vshrl.u32 v41, v17;
	v26 =	vshll.u32 v26, v18;
	v32 =	vshrl.u32 v48, v13;
	v61 =	vld.idx.msk [tilespmem:v8+s23+$0x280 ss:$0x1], $0xffff  }
0x152: {  	v22 =	vshrl.u32 v22, v17;
	v62 =	vand.u32 $0xFFFF, v32;
	v31 =	vshll.u32 v51, v14;
	v54 =	vld.idx.msk [tilespmem:v8+s26+$0x270 ss:$0x1], $0xffff  }
0x153: {  	v40 =	vperm.xlane v16, v5;
	v36 =	vld.idx.msk [tilespmem:v8+s26+$0x3E0 ss:$0x1], $0xffff;
	v55 =	vshrl.u32 v45, v12;
	v56 =	vshll.u32 v47, v15  }
0x154: {  	v60 =	vld.idx.msk [tilespmem:v8+s23+$0x200 ss:$0x1], $0xffff;
	v58 =	vand.u32 $0xFFFF, v55;
	v59 =	vand.u32 $0xFFFF0000, v56;
	v11 =	vshll.u32 v57, v11  }
0x155: {  	v47 =	vld.idx.msk [tilespmem:v8+s23+$0x30 ss:$0x1], $0xffff;
	v28 =	vor.u32 v58, v59;
	v44 =	vand.u32 $0xFFFF0000, v11;
	v11 =	vsub.s32 $0x10, v40  }
0x156: {  	v31 =	vand.u32 $0xFFFF0000, v31;
	v25 =	vand.u32 $0xFFFF, v42;
	[tilespmem:v9+s28+$0x90 ss:$0x1] =	vst.idx.msk $0xffff, v28;
	v33 =	vshll.u32 v61, v11;
	v61 =	vld.idx.msk [tilespmem:v8+s23+$0x40 ss:$0x1], $0xffff  }
0x157: {  	v42 =	vshrl.u32 v54, v10;
	v10 =	vperm.xlane v16, v0;
	v28 =	vor.u32 v62, v31;
	v63 =	vld.idx.msk [tilespmem:v8+s23+$0x210 ss:$0x1], $0xffff  }
0x158: {  	v21 =	vshll.u32 v21, v18;
	v22 =	vand.u32 $0xFFFF, v22;
	v41 =	vld.idx.msk [tilespmem:v8+s23+$0x290 ss:$0x1], $0xffff;
	[tilespmem:v9+s28+$0x20 ss:$0x1] =	vst.idx.msk $0xffff, v28  }
0x159: {  	v21 =	vand.u32 $0xFFFF0000, v21;
	v46 =	vshrl.u32 v60, v10;
	v28 =	vand.u32 $0xFFFF, v42;
	v43 =	vld.idx.msk [tilespmem:v8+s23+$0x120 ss:$0x1], $0xffff  }
0x15a: {  	v48 =	vand.u32 $0xFFFF, v46;
	v49 =	vand.u32 $0xFFFF0000, v33;
	v45 =	vld.idx.msk [tilespmem:v8+s23+$0x1A0 ss:$0x1], $0xffff;
	v28 =	vor.u32 v28, v44  }
0x15b: {  	v20 =	vshll.u32 v20, v18;
	[tilespmem:v9+s25+$0x170 ss:$0x1] =	vst.idx.msk $0xffff, v28;
	v28 =	vor.u32 v48, v49;
	v48 =	vld.idx.msk [tilespmem:v8+s23+$0xD0 ss:$0x1], $0xffff  }
0x15c: {  	[tilespmem:v9+s24+$0x1F0 ss:$0x1] =	vst.idx.msk $0xffff, v29;
	v26 =	vand.u32 $0xFFFF0000, v26;
	v21 =	vor.u32 v22, v21;
	v20 =	vand.u32 $0xFFFF0000, v20;
	v49 =	vld.idx.msk [tilespmem:v8+s23+$0x60 ss:$0x1], $0xffff  }
0x15d: {  	[tilespmem:v9+s25+$0x1B0 ss:$0x1] =	vst.idx.msk $0xffff, v21;
	v33 =	vshll.u32 v50, v14;
	v34 =	vshrl.u32 v47, v13;
	v51 =	vld.idx.msk [tilespmem:v8+s26+$0x370 ss:$0x1], $0xffff  }
0x15e: {  	[tilespmem:v9+s25+$0x190 ss:$0x1] =	vst.idx.msk $0xffff, v30;
	v25 =	vor.u32 v25, v26;
	v60 =	vand.u32 $0xFFFF0000, v33;
	v59 =	vand.u32 $0xFFFF, v34;
	v53 =	vld.idx.msk [tilespmem:v8+s26+$0x3F0 ss:$0x1], $0xffff  }
0x15f: {  	v23 =	vshrl.u32 v23, v17;
	[tilespmem:v9+s28+$0x100 ss:$0x1] =	vst.idx.msk $0xffff, v28;
	v62 =	vor.u32 v59, v60;
	v59 =	vld.idx.msk [tilespmem:v8+s23+$0x70 ss:$0x1], $0xffff  }
0x160: {  	v56 =	vshrl.u32 v19, v17;
	v40 =	vand.u32 $0xFFFF, v23;
	v44 =	vshll.u32 v36, v18;
	v29 =	vld.idx.msk [tilespmem:v8+s23+$0x300 ss:$0x1], $0xffff  }
0x161: {  	[tilespmem:v9+s25+$0x180 ss:$0x1] =	vst.idx.msk $0xffff, v27;
	v47 =	vand.u32 $0xFFFF0000, v44;
	v28 =	vand.u32 $0xFFFF, v56;
	v33 =	vshrl.u32 v61, v13;
	v61 =	vld.idx.msk [tilespmem:v8+s23+$0xF0 ss:$0x1], $0xffff  }
0x162: {  	[tilespmem:v9+s28+$0x30 ss:$0x1] =	vst.idx.msk $0xffff, v62;
	v20 =	vor.u32 v28, v20;
	v26 =	vshrl.u32 v63, v10;
	v63 =	vld.idx.msk [tilespmem:v8+s23+$0xC0 ss:$0x1], $0xffff  }
0x163: {  	v52 =	vshll.u32 v41, v11;
	v41 =	vshll.u32 v24, v18;
	v42 =	vld.idx.msk [tilespmem:v8+s23+$0x130 ss:$0x1], $0xffff;
	v50 =	vand.u32 $0xFFFF, v33  }
0x164: {  	[tilespmem:v9+s25+$0x1A0 ss:$0x1] =	vst.idx.msk $0xffff, v25;
	v54 =	vand.u32 $0xFFFF, v26;
	v55 =	vand.u32 $0xFFFF0000, v52;
	v58 =	vshrl.u32 v43, v12;
	v26 =	vld.idx.msk [tilespmem:v8+s23+$0x380 ss:$0x1], $0xffff  }
0x165: {  	v31 =	vshll.u32 v45, v15;
	v23 =	vand.u32 $0xFFFF0000, v41;
	v43 =	vshrl.u32 v38, v17;
	v45 =	vld.idx.msk [tilespmem:v8+s23+$0x50 ss:$0x1], $0xffff  }
0x166: {  	v57 =	vor.u32 v54, v55;
	v22 =	vand.u32 $0xFFFF, v58;
	v17 =	vshrl.u32 v51, v17;
	v51 =	vld.idx.msk [tilespmem:v8+s23+$0xE0 ss:$0x1], $0xffff  }
0x167: {  	v31 =	vand.u32 $0xFFFF0000, v31;
	v46 =	vand.u32 $0xFFFF, v43;
	[tilespmem:v9+s28+$0x110 ss:$0x1] =	vst.idx.msk $0xffff, v57;
	v18 =	vshll.u32 v53, v18;
	v53 =	vld.idx.msk [tilespmem:v8+s23+$0x1B0 ss:$0x1], $0xffff  }
0x168: {  	v30 =	vshll.u32 v48, v14;
	v60 =	vshrl.u32 v49, v13;
	v22 =	vor.u32 v22, v31;
	v19 =	vld.idx.msk [tilespmem:v8+s23+$0x310 ss:$0x1], $0xffff  }
0x169: {  	[tilespmem:v9+s28+$0xA0 ss:$0x1] =	vst.idx.msk $0xffff, v22;
	v22 =	vor.u32 v40, v23;
	v17 =	vand.u32 $0xFFFF, v17;
	v27 =	vshll.u32 v63, v14  }
0x16a: {  	[tilespmem:v9+s25+$0x1C0 ss:$0x1] =	vst.idx.msk $0xffff, v20;
	v18 =	vand.u32 $0xFFFF0000, v18;
	v23 =	vor.u32 v46, v47;
	v41 =	vld.idx.msk [tilespmem:v8+s23+$0x390 ss:$0x1], $0xffff;
	v27 =	vand.u32 $0xFFFF0000, v27  }
0x16b: {  	v39 =	vld.idx.msk [tilespmem:v8+s23+$0x220 ss:$0x1], $0xffff;
	[tilespmem:v9+s25+$0x1D0 ss:$0x1] =	vst.idx.msk $0xffff, v22;
	v55 =	vshrl.u32 v45, v13;
	v52 =	vor.u32 v50, v27  }
0x16c: {  	v58 =	vand.u32 $0xFFFF0000, v30;
	v18 =	vor.u32 v17, v18;
	v54 =	vld.idx.msk [tilespmem:v8+s23+$0x2A0 ss:$0x1], $0xffff;
	v57 =	vand.u32 $0xFFFF, v55;
	[tilespmem:v9+s28+$0x40 ss:$0x1] =	vst.idx.msk $0xffff, v52  }
0x16d: {  	[tilespmem:v9+s25+$0x1E0 ss:$0x1] =	vst.idx.msk $0xffff, v23;
	v24 =	vor.u32 v57, v58;
	v32 =	vshll.u32 v51, v14;
	v21 =	vld.idx.msk [tilespmem:v8+s23+$0x140 ss:$0x1], $0xffff  }
0x16e: {  	v28 =	vand.u32 $0xFFFF, v60;
	v56 =	vshrl.u32 v42, v12;
	[tilespmem:v9+s28+$0x50 ss:$0x1] =	vst.idx.msk $0xffff, v24;
	v62 =	vld.idx.msk [tilespmem:v8+s23+$0x1C0 ss:$0x1], $0xffff;
	v32 =	vand.u32 $0xFFFF0000, v32  }
0x16f: {  	[tilespmem:v9+s25+$0x1F0 ss:$0x1] =	vst.idx.msk $0xffff, v18;
	v25 =	vshll.u32 v53, v15;
	v34 =	vor.u32 v28, v32;
	v35 =	vld.idx.msk [tilespmem:v8+s23+$0x150 ss:$0x1], $0xffff  }
0x170: {  	v20 =	vand.u32 $0xFFFF, v56;
	v13 =	vshrl.u32 v59, v13;
	v63 =	vand.u32 $0xFFFF0000, v25;
	v36 =	vld.idx.msk [tilespmem:v8+s23+$0x1D0 ss:$0x1], $0xffff;
	[tilespmem:v9+s28+$0x60 ss:$0x1] =	vst.idx.msk $0xffff, v34  }
0x171: {  	v14 =	vshll.u32 v61, v14;
	v20 =	vor.u32 v20, v63;
	v38 =	vshrl.u32 v39, v10;
	v39 =	vld.idx.msk [tilespmem:v8+s23+$0x160 ss:$0x1], $0xffff  }
0x172: {  	v13 =	vand.u32 $0xFFFF, v13;
	v14 =	vand.u32 $0xFFFF0000, v14;
	[tilespmem:v9+s28+$0xB0 ss:$0x1] =	vst.idx.msk $0xffff, v20;
	v40 =	vld.idx.msk [tilespmem:v8+s23+$0x1E0 ss:$0x1], $0xffff  }
0x173: {  	v13 =	vor.u32 v13, v14;
	v42 =	vld.idx.msk [tilespmem:v8+s23+$0x230 ss:$0x1], $0xffff;
	v21 =	vshrl.u32 v21, v12;
	v24 =	vshll.u32 v62, v15  }
0x174: {  	v17 =	vperm.xlane v16, v6;
	[tilespmem:v9+s28+$0x70 ss:$0x1] =	vst.idx.msk $0xffff, v13;
	v44 =	vld.idx.msk [tilespmem:v8+s23+$0x2B0 ss:$0x1], $0xffff;
	v21 =	vand.u32 $0xFFFF, v21;
	v43 =	vand.u32 $0xFFFF0000, v24  }
0x175: {  	v48 =	vld.idx.msk [tilespmem:v8+s23+$0x170 ss:$0x1], $0xffff;
	v45 =	vshrl.u32 v35, v12;
	v47 =	vshll.u32 v36, v15;
	v21 =	vor.u32 v21, v43  }
0x176: {  	v16 =	vperm.xlane v16, v7;
	v51 =	vld.idx.msk [tilespmem:v8+s23+$0x1F0 ss:$0x1], $0xffff;
	v46 =	vand.u32 $0xFFFF, v45;
	[tilespmem:v9+s28+$0xC0 ss:$0x1] =	vst.idx.msk $0xffff, v21;
	v21 =	vand.u32 $0xFFFF0000, v47  }
0x177: {  	v49 =	vshrl.u32 v39, v12;
	v50 =	vshll.u32 v40, v15;
	v13 =	vor.u32 v46, v21;
	v52 =	vld.idx.msk [tilespmem:v8+s23+$0x240 ss:$0x1], $0xffff  }
0x178: {  	v27 =	vshll.u32 v54, v11;
	v53 =	vand.u32 $0xFFFF, v49;
	v54 =	vand.u32 $0xFFFF0000, v50;
	v56 =	vld.idx.msk [tilespmem:v8+s23+$0x2C0 ss:$0x1], $0xffff;
	[tilespmem:v9+s28+$0xD0 ss:$0x1] =	vst.idx.msk $0xffff, v13  }
0x179: {  	v37 =	vshrl.u32 v29, v17;
	v16 =	vsub.s32 $0x10, v16;
	v21 =	vor.u32 v53, v54;
	v57 =	vld.idx.msk [tilespmem:v8+s23+$0x250 ss:$0x1], $0xffff  }
0x17a: {  	v26 =	vshll.u32 v26, v16;
	v55 =	vand.u32 $0xFFFF, v38;
	v27 =	vand.u32 $0xFFFF0000, v27;
	[tilespmem:v9+s28+$0xE0 ss:$0x1] =	vst.idx.msk $0xffff, v21;
	v58 =	vld.idx.msk [tilespmem:v8+s23+$0x2D0 ss:$0x1], $0xffff  }
0x17b: {  	v12 =	vshrl.u32 v48, v12;
	v15 =	vshll.u32 v51, v15;
	v13 =	vor.u32 v55, v27;
	v59 =	vld.idx.msk [tilespmem:v8+s23+$0x260 ss:$0x1], $0xffff  }
0x17c: {  	v25 =	vand.u32 $0xFFFF, v37;
	v12 =	vand.u32 $0xFFFF, v12;
	v15 =	vand.u32 $0xFFFF0000, v15;
	[tilespmem:v9+s28+$0x120 ss:$0x1] =	vst.idx.msk $0xffff, v13;
	v61 =	vld.idx.msk [tilespmem:v8+s23+$0x2E0 ss:$0x1], $0xffff  }
0x17d: {  	v14 =	vshrl.u32 v42, v10;
	v23 =	vshll.u32 v44, v11;
	v12 =	vor.u32 v12, v15;
	v62 =	vld.idx.msk [tilespmem:v8+s23+$0x320 ss:$0x1], $0xffff  }
0x17e: {  	v26 =	vand.u32 $0xFFFF0000, v26;
	v14 =	vand.u32 $0xFFFF, v14;
	v60 =	vand.u32 $0xFFFF0000, v23;
	[tilespmem:v9+s28+$0xF0 ss:$0x1] =	vst.idx.msk $0xffff, v12;
	v63 =	vld.idx.msk [tilespmem:v8+s23+$0x3A0 ss:$0x1], $0xffff  }
0x17f: {  	v13 =	vor.u32 v14, v60;
	v31 =	vld.idx.msk [tilespmem:v8+s23+$0x270 ss:$0x1], $0xffff;
	v18 =	vshrl.u32 v52, v10;
	v24 =	vshll.u32 v56, v11  }
0x180: {  	v19 =	vshrl.u32 v19, v17;
	[tilespmem:v9+s28+$0x130 ss:$0x1] =	vst.idx.msk $0xffff, v13;
	v34 =	vld.idx.msk [tilespmem:v8+s23+$0x2F0 ss:$0x1], $0xffff;
	v28 =	vand.u32 $0xFFFF, v18;
	v29 =	vand.u32 $0xFFFF0000, v24  }
0x181: {  	v35 =	vld.idx.msk [tilespmem:v8+s23+$0x330 ss:$0x1], $0xffff;
	v30 =	vshrl.u32 v57, v10;
	v12 =	vor.u32 v28, v29;
	v33 =	vshll.u32 v58, v11  }
0x182: {  	v19 =	vand.u32 $0xFFFF, v19;
	v37 =	vld.idx.msk [tilespmem:v8+s23+$0x3B0 ss:$0x1], $0xffff;
	v32 =	vand.u32 $0xFFFF, v30;
	v18 =	vand.u32 $0xFFFF0000, v33;
	[tilespmem:v9+s28+$0x140 ss:$0x1] =	vst.idx.msk $0xffff, v12  }
0x183: {  	v27 =	vshrl.u32 v59, v10;
	v23 =	vshll.u32 v61, v11;
	v36 =	vor.u32 v32, v18;
	v40 =	vld.idx.msk [tilespmem:v8+s23+$0x340 ss:$0x1], $0xffff  }
0x184: {  	v20 =	vshll.u32 v41, v16;
	v38 =	vand.u32 $0xFFFF, v27;
	v23 =	vand.u32 $0xFFFF0000, v23;
	v41 =	vld.idx.msk [tilespmem:v8+s23+$0x3C0 ss:$0x1], $0xffff;
	[tilespmem:v9+s28+$0x150 ss:$0x1] =	vst.idx.msk $0xffff, v36  }
0x185: {  	v10 =	vshrl.u32 v31, v10;
	v11 =	vshll.u32 v34, v11;
	v39 =	vor.u32 v38, v23;
	v42 =	vld.idx.msk [tilespmem:v8+s23+$0x350 ss:$0x1], $0xffff  }
0x186: {  	v20 =	vand.u32 $0xFFFF0000, v20;
	v10 =	vand.u32 $0xFFFF, v10;
	v11 =	vand.u32 $0xFFFF0000, v11;
	v43 =	vld.idx.msk [tilespmem:v8+s23+$0x3D0 ss:$0x1], $0xffff;
	[tilespmem:v9+s28+$0x160 ss:$0x1] =	vst.idx.msk $0xffff, v39  }
0x187: {  	v25 =	vor.u32 v25, v26;
	v19 =	vor.u32 v19, v20;
	v10 =	vor.u32 v10, v11;
	v46 =	vld.idx.msk [tilespmem:v8+s23+$0x360 ss:$0x1], $0xffff  }
0x188: {  	v44 =	vshrl.u32 v62, v17;
	v45 =	vshll.u32 v63, v16;
	[tilespmem:v9+s28+$0x170 ss:$0x1] =	vst.idx.msk $0xffff, v10;
	v49 =	vld.idx.msk [tilespmem:v8+s23+$0x3E0 ss:$0x1], $0xffff  }
0x189: {  	[tilespmem:v9+s28+$0x180 ss:$0x1] =	vst.idx.msk $0xffff, v25;
	v47 =	vand.u32 $0xFFFF0000, v45;
	v50 =	vshll.u32 v37, v16;
	v11 =	vand.u32 $0xFFFF, v44;
	v51 =	vld.idx.msk [tilespmem:v8+s23+$0x370 ss:$0x1], $0xffff  }
0x18a: {  	v48 =	vshrl.u32 v35, v17;
	v12 =	vand.u32 $0xFFFF0000, v50;
	v10 =	vor.u32 v11, v47;
	v54 =	vld.idx.msk [tilespmem:v8+s23+$0x3F0 ss:$0x1], $0xffff  }
0x18b: {  	[tilespmem:v9+s28+$0x190 ss:$0x1] =	vst.idx.msk $0xffff, v19;
	v11 =	vand.u32 $0xFFFF, v48;
	v52 =	vshrl.u32 v40, v17;
	v53 =	vshll.u32 v41, v16  }
0x18c: {  	v11 =	vor.u32 v11, v12;
	[tilespmem:v9+s28+$0x1A0 ss:$0x1] =	vst.idx.msk $0xffff, v10;
	v55 =	vand.u32 $0xFFFF, v52;
	v56 =	vand.u32 $0xFFFF0000, v53  }
0x18d: {  	v12 =	vor.u32 v55, v56;
	v57 =	vshrl.u32 v42, v17;
	v58 =	vshll.u32 v43, v16  }
0x18e: {  	p1 =	slt.u32 s22, $0x24;
	[tilespmem:v9+s28+$0x1B0 ss:$0x1] =	vst.idx.msk $0xffff, v11;
	v10 =	vand.u32 $0xFFFF, v57;
	v59 =	vand.u32 $0xFFFF0000, v58;
	v15 =	vshrl.u32 v46, v17  }
.Ltmp5:
0x18f: {  	v60 =	vshll.u32 v49, v16;
	v13 =	vshrl.u32 v51, v17;
	v62 =	vshll.u32 v54, v16;
	(pc) =	sbr.rel @p1 .LBB2_7-.Ltmp5, $4  }
0x190: {  	[tilespmem:v9+s28+$0x1C0 ss:$0x1] =	vst.idx.msk $0xffff, v12;
	v10 =	vor.u32 v10, v59;
	v11 =	vand.u32 $0xFFFF, v15;
	v61 =	vand.u32 $0xFFFF0000, v60  }
0x191: {  	v63 =	vand.u32 $0xFFFF0000, v62;
	[tilespmem:v9+s28+$0x1D0 ss:$0x1] =	vst.idx.msk $0xffff, v10;
	v10 =	vor.u32 v11, v61;
	v11 =	vand.u32 $0xFFFF, v13  }
0x192: {  	s31 =	sadd.s32 $0x4, s22;
	[tilespmem:v9+s28+$0x1E0 ss:$0x1] =	vst.idx.msk $0xffff, v10;
	v10 =	vor.u32 v11, v63  }
0x193: {  	s22 =	smov.u32 s31;
	[tilespmem:v9+s28+$0x1F0 ss:$0x1] =	vst.idx.msk $0xffff, v10  }
0x194: {  	s21 =	sshrl.u32 s19, $0x3  }
0x195: {  	s21 =	smul.u32 $0xC0, s21  }
0x196: {  	s18 =	sshrl.u32 s18, $0x1  }
0x197: {  	s31 =	sshll.u32 s19, $0x3;
	s18 =	sand.u32 $0x7FFFFFC0, s18;
	s21 =	sadd.s32 s21, s9  }
0x198: {  	s19 =	sand.u32 $0x38, s31;
	s18 =	sadd.s32 s18, s21  }
0x199: {  	s18 =	sadd.s32 s19, s18  }
0x19a: {  	s21 =	sadd.s32 $0x200, s20;
	s19 =	simm.s32 $0xC0;
	s22 =	sadd.s32 $0x0, s18  }
.LBB2_9:
0x19b: {  	[hbm:s22] =	stream.linear.scatter [tilespmem:s20], [sflag:$0x3], $0x200, $0x38;
	[tilespmem:$0x1E3C0] =	vst v63  }
0x19c: {  	s22 =	smov.u32 s19;
	s20 =	smov.u32 s21;
	p1 =	sne.s32 s19, $0x1D40  }
.Ltmp6:
0x19d: {  	s19 =	sadd.s32 $0xC0, s19;
	(pc) =	sbr.rel @p1 .LBB2_9-.Ltmp6, $2  }
0x19e: {  	_ =	sdelay $0x2  }
0x19f: {  	s21 =	sadd.s32 $0x200, s21;
	s22 =	sadd.s32 s22, s18  }
.Ltmp7:
0x1a0: {  	(pc) =	sbr.rel .LBB2_11-.Ltmp7, $2  }
0x1a1: {  	_ =	sdelay $0x2  }
0x1a2: {  	[hbm:s22] =	stream.linear.scatter [tilespmem:s20], [sflag:$0x3], $0x200, $0x38;
	[tilespmem:$0x1E3C0] =	vst v63  }
.LBB2_12:
0x1a3: {  	_ =	sfence.sel $0x180000  }
0x1a4: {  	s1 =	simm.s32 $0x1;
	[bflag:$0x0] =	sbarrier.arrive $0xFFFF  }
0x1a5: {  	s30 =	simm.s32 $0x2;
	[sflag:s1] =	ssyncpa.u1 $0x1  }
0x1a6: {  	s31 =	simm.s32 $0x3;
	[sflag:s30] =	ssyncpa.u1 $0x1  }
0x1a7: {  	[sflag:s31] =	ssyncpa.u1 $0x1  }
0x1a8: {  	p0 =	sne.s32 s0, $0x0;
	_ =	strace $0x90000047  }
0x1a9: {  	s0 =	sadd.s32 @!p0 $0x100000, s2;
	[bflag:$0x2] =	sbarrier.arrive $0xFFFF  }
0x1aa: {  	[sflag:s0] =	ssyncadd.tile.s32 @!p0 $0x1;
	_ =	shalt  }
.Lfunc_end2:
_tile_overlayer_lowered:
.L_overlay_start_2:
0x1ab: {  	(tag) =	ssettag $0x2  }
0x1ac: {  	s0 =	rddreg [dreg:$0x0];
	s2 =	stileid.u32  }
0x1ad: {  	s1 =	rddreg [dreg:$0x1];
	p0 =	sne.s32 s2, $0x0  }
0x1ae: {  	s3 =	rddreg [dreg:$0x2];
	[bflag:$0x3] =	sbarrier.arrive $0xFFFF;
	s2 =	simm.s32 @!p0 $0x1C01  }
0x1af: {  	[timem:s3], [sflag:s2] =	dma.local @!p0 [hbm:s0], s1  }
0x1b0: {  	s0 =	simm.s32 @!p0 $0x1  }
0x1b1: {  	_ =	swait.ge @!p0 [sflag:s0], s1  }
0x1b2: {  	s1 =	ssub.s32 @!p0 $0x0, s1;
	[sflag:s0] =	ssyncset.done @!p0 $0x0  }
0x1b3: {  	[sflag:s0] =	ssyncadd.s32 @!p0 s1  }
0x1b4: {  	[bflag:$0x3] =	sbarrier.arrive $0xFFFF  }
0x1b5: {  	_ =	shalt  }

// kernel: gather_offload_async_start
scs
__scs_entry_jumppad:
0x0: {  	(pc) =	sbr.rel $0x88, $3  }
0x1: {  	(tag) =	ssettag $0x0;
	lr =	simm.s32 $0x1  }
0x2: {  	[smem:$0x3F8B] =	sst lr;
	_ =	strace $0xD0000000  }
0x3: {  	_ = 	snop  }
0x4: {  	_ = 	snop  }
0x5: {  	_ = 	snop  }
0x6: {  	_ = 	snop  }
0x7: {  	_ = 	snop  }
__scs_overlays_trampoline_lowered:
0x8: {  	[smem:$0x3F9A] =	sst s0  }
0x9: {  	[smem:$0x3F9B] =	sst s1  }
0xa: {  	[smem:$0x3F9C] =	sst s2  }
0xb: {  	[smem:$0x3F9D] =	sst s3  }
0xc: {  	[smem:$0x3F9E] =	sst s4  }
0xd: {  	[smem:$0x3F9F] =	sst s5  }
0xe: {  	[smem:$0x3FA0] =	sst s6  }
0xf: {  	[smem:$0x3FA1] =	sst s7  }
0x10: {  	[smem:$0x3FA2] =	sst s8  }
0x11: {  	[smem:$0x3FA3] =	sst s9;
	s0 =	simm.s32 @!p0 $0x0  }
0x12: {  	s1 =	sld [smem:$0x3F89];
	s0 =	simm.s32 @p0 $0x1  }
0x13: {  	[smem:$0x3FA4] =	sst s0;
	s0 =	simm.s32 @!p1 $0x0  }
0x14: {  	s2 =	sld [smem:$0x3F88];
	s0 =	simm.s32 @p1 $0x1  }
0x15: {  	[smem:$0x3FA5] =	sst s0;
	s0 =	simm.s32 @!p2 $0x0  }
0x16: {  	s3 =	sld [smem:$0x3FDB];
	s0 =	simm.s32 @p2 $0x1  }
0x17: {  	s4 =	simm.s32 $0x1BF5;
	[smem:$0x3FA7] =	sst s0  }
0x18: {  	s0 =	sld [smem:$0x3F8A];
	_ =	swait.ge [sflag:s4], $0x0  }
0x19: {  	s7 =	sld [smem:$0x3F8B]  }
0x1a: {  	s8 =	sadd.s32 $0xFFFFE003, lr  }
0x1b: {  	s9 =	sadd.s32 $0xFFFFFEF7, lr;
	s5 =	simm.s32 $0xFFFFFFFF;
	p2 =	slt.u32 s8, $0xFFFFF086  }
0x1c: {  	p1 =	slt.u32 s9, $0xF7A;
	s5 =	simm.s32 @!p2 $0x0  }
0x1d: {  	s5 =	simm.s32 @p1 $0x1;
	p0 =	seq.s32 s7, s2  }
0x1e: {  	s7 =	smul.u32 @!p0 $0xF7A, s2;
	p2 =	seq.s32 @!p0 s5, $0x0  }
0x1f: {  	s9 =	smul.u32 $0xF7A, s1;
	s8 =	simm.s32 @!p0 $0x1BF5;
	p2 =	por !p2, p0  }
0x20: {  	[sflag:s8] =	ssyncset.s32 @!p0 $0xFFFFF086;
	s6 =	sadd.s32 @!p0 s3, s7;
	s7 =	simm.s32 @!p0 $0x108  }
0x21: {  	s3 =	sadd.s32 s3, s9;
	s6 =	sadd.s32 @!p0 $0x88, s6;
	s7 =	simm.s32 @p2 $0x1082  }
0x22: {  	[simem:s7], [sflag:s8] =	dma.local @!p0 [hbm:s6], $0xF7A  }
0x23: {  	s9 =	sor.u32 $0xD0000000, s2;
	s6 =	simm.s32 $0x108;
	_ =	swait.ge @!p0 [sflag:s8], $0x0  }
0x24: {  	s3 =	sadd.s32 $0x88, s3;
	s6 =	simm.s32 @!p1 $0x1082;
	[sflag:s4] =	ssyncset.s32 $0xFFFFF086  }
0x25: {  	[simem:s6], [sflag:s4] =	dma.local [hbm:s3], $0xF7A  }
0x26: {  	[smem:$0x3F8B] =	sst s1;
	(tag) =	ssettag s2;
	_ =	strace s9  }
0x27: {  	s1 =	sld [smem:$0x3F9B]  }
0x28: {  	s2 =	sld [smem:$0x3F9C]  }
0x29: {  	s4 =	sld [smem:$0x3F9E]  }
0x2a: {  	p0 =	seq.s32 s5, $0x0;
	s5 =	sld [smem:$0x3F9F]  }
0x2b: {  	s6 =	sld [smem:$0x3FA0]  }
0x2c: {  	s7 =	sld [smem:$0x3FA1]  }
0x2d: {  	s3 =	simm.s32 $0x108;
	s8 =	sld [smem:$0x3FA2]  }
0x2e: {  	s3 =	simm.s32 @!p0 $0x1082;
	s9 =	sld [smem:$0x3FA3]  }
0x2f: {  	lr =	sadd.s32 s0, s3;
	s0 =	sld [smem:$0x3F9A]  }
0x30: {  	s3 =	sld [smem:$0x3F9D]  }
0x31: {  	[smem:$0x3FA6] =	sst s10  }
0x32: {  	s10 =	sld [smem:$0x3FA4];
	_ =	sdelay $0x3  }
0x33: {  	p0 =	seq.s32 s10, $0x1;
	s10 =	sld [smem:$0x3FA6];
	_ =	sdelay $0x3  }
0x34: {  	[smem:$0x3FA6] =	sst s10  }
0x35: {  	s10 =	sld [smem:$0x3FA5];
	_ =	sdelay $0x3  }
0x36: {  	p1 =	seq.s32 s10, $0x1;
	s10 =	sld [smem:$0x3FA6];
	_ =	sdelay $0x3  }
0x37: {  	[smem:$0x3FA6] =	sst s10  }
0x38: {  	s10 =	sld [smem:$0x3FA7]  }
0x39: {  	_ = 	snop;
	(pc) =	sbr.ind lr, $3  }
0x3a: {  	_ = 	snop  }
0x3b: {  	_ = 	snop  }
0x3c: {  	p2 =	seq.s32 s10, $0x1;
	s10 =	sld [smem:$0x3FA6]  }
0x3d: {  	_ =	shalt  }
0x3e: {  	_ =	shalt  }
0x3f: {  	_ =	shalt  }
0x40: {  	_ =	shalt  }
0x41: {  	_ =	shalt  }
0x42: {  	_ =	shalt  }
0x43: {  	_ =	shalt  }
0x44: {  	_ =	shalt  }
0x45: {  	_ =	shalt  }
0x46: {  	_ =	shalt  }
0x47: {  	_ =	shalt  }
0x48: {  	_ =	shalt  }
0x49: {  	_ =	shalt  }
0x4a: {  	_ =	shalt  }
0x4b: {  	_ =	shalt  }
0x4c: {  	_ =	shalt  }
0x4d: {  	_ =	shalt  }
0x4e: {  	_ =	shalt  }
0x4f: {  	_ =	shalt  }
0x50: {  	_ =	shalt  }
0x51: {  	_ =	shalt  }
0x52: {  	_ =	shalt  }
0x53: {  	_ =	shalt  }
0x54: {  	_ =	shalt  }
0x55: {  	_ =	shalt  }
0x56: {  	_ =	shalt  }
0x57: {  	_ =	shalt  }
0x58: {  	_ =	shalt  }
0x59: {  	_ =	shalt  }
0x5a: {  	_ =	shalt  }
0x5b: {  	_ =	shalt  }
0x5c: {  	_ =	shalt  }
0x5d: {  	_ =	shalt  }
0x5e: {  	_ =	shalt  }
0x5f: {  	_ =	shalt  }
0x60: {  	_ =	shalt  }
0x61: {  	_ =	shalt  }
0x62: {  	_ =	shalt  }
0x63: {  	_ =	shalt  }
0x64: {  	_ =	shalt  }
0x65: {  	_ =	shalt  }
0x66: {  	_ =	shalt  }
0x67: {  	_ =	shalt  }
0x68: {  	_ =	shalt  }
0x69: {  	_ =	shalt  }
0x6a: {  	_ =	shalt  }
0x6b: {  	_ =	shalt  }
0x6c: {  	_ =	shalt  }
0x6d: {  	_ =	shalt  }
0x6e: {  	_ =	shalt  }
0x6f: {  	_ =	shalt  }
0x70: {  	_ =	shalt  }
0x71: {  	_ =	shalt  }
0x72: {  	_ =	shalt  }
0x73: {  	_ =	shalt  }
0x74: {  	_ =	shalt  }
0x75: {  	_ =	shalt  }
0x76: {  	_ =	shalt  }
0x77: {  	_ =	shalt  }
0x78: {  	_ =	shalt  }
0x79: {  	_ =	shalt  }
0x7a: {  	_ =	shalt  }
0x7b: {  	_ =	shalt  }
0x7c: {  	_ =	shalt  }
0x7d: {  	_ =	shalt  }
0x7e: {  	_ =	shalt  }
0x7f: {  	_ =	shalt  }
0x80: {  	_ =	shalt  }
0x81: {  	_ =	shalt  }
0x82: {  	_ =	shalt  }
0x83: {  	_ =	shalt  }
0x84: {  	_ =	shalt  }
0x85: {  	_ =	shalt  }
0x86: {  	_ =	shalt  }
0x87: {  	_ =	shalt  }
.Lfunc_end0:
.L_simem_size_0:
called_computation.2_lowered:
.L_overlay_start_0:
0x88: {  	s2 =	sld [smem:$0x3FD9]  }
0x89: {  	s3 =	sld [smem:$0x3FFE];
	_ =	sdelay $0x1  }
0x8a: {  	s1 =	srdreg.scid  }
0x8b: {  	s0 =	sand.u32 $0x1, s1  }
0x8c: {  	s15 =	sshll.u32 s0, $0xA;
	s2 =	sadd.s32 s3, s2  }
0x8d: {  	s2 =	sadd.s32 s2, s15  }
0x8e: {  	[smem:$0x3FB2] =	sst s2  }
0x8f: {  	_ = 	snop  }
0x90: {  	s2 =	sld [smem:$0x3FD0];
	_ =	sdelay $0x2  }
0x91: {  	s16 =	simm.s32 $0xE;
	s4 =	simm.s32 $0x10  }
0x92: {  	[smem:s4], [sflag:s16] =	dma.local [hbm:s2], $0x1  }
0x93: {  	_ =	swait.eq [sflag:s16], $0x1  }
0x94: {  	[sflag:s16] =	ssyncset.done $0x0  }
0x95: {  	[sflag:s16] =	ssyncadd.s32 $0xFFFFFFFF  }
0x96: {  	s17 =	sld [smem:$0x13];
	(tm) =	ssettm $0x1  }
0x97: {  	s18 =	sld [smem:$0x3FFB];
	_ =	sdelay $0x3  }
0x98: {  	_ =	strace s18  }
0x99: {  	s2 =	sld [smem:$0x3FFC];
	_ =	sdelay $0x3  }
0x9a: {  	_ =	strace s2  }
0x9b: {  	s2 =	sld [smem:$0x3FFD];
	_ =	sdelay $0x3  }
0x9c: {  	_ =	strace s2  }
0x9d: {  	_ =	strace $0x8FFFFFFF  }
0x9e: {  	s19 =	sld [smem:$0x3FDB];
	_ =	sdelay $0x1  }
0x9f: {  	s20 =	simm.s32 $_scs_section_size  }
0xa0: {  	s5 =	simm.s32 $_size__tile_overlayer_lowered;
	s6 =	simm.s32 $_tile_overlayer_lowered  }
0xa1: {  	s7 =	simm.s32 $0x1BFF;
	s21 =	sshll.u32 s6, $0x1;
	s4 =	sadd.s32 s20, s19  }
0xa2: {  	s22 =	simm.s32 $0x0;
	s5 =	sshll.u32 s5, $0x1;
	s6 =	sadd.s32 s21, s4  }
0xa3: {  	[timem:s22], [sflag:s7] =	dma.local [hbm:s6], s5  }
0xa4: {  	_ =	swait.ge [sflag:s7], s5  }
0xa5: {  	s5 =	ssub.s32 $0x0, s5;
	[sflag:s7] =	ssyncset.done $0x0  }
0xa6: {  	[sflag:s7] =	ssyncadd.s32 s5;
	_ =	sdelay $0x1  }
0xa7: {  	s23 =	simm.s32 $0x1B8B  }
0xa8: {  	_ =	swait.ge [sflag:s23], $0x1  }
0xa9: {  	[sflag:s23] =	ssyncset.done $0x0  }
0xaa: {  	[sflag:s23] =	ssyncadd.s32 $0xFFFFFFFF  }
0xab: {  	s5 =	sld [smem:$0x0]  }
0xac: {  	s6 =	sand.u32 $0xFFFFFFFE, s1  }
0xad: {  	p0 =	sne.s32 s1, s6  }
0xae: {  	s6 =	sshll.u32 @p0 s6, $0xE  }
0xaf: {  	s6 =	sadd.s32 @p0 $0x11B8D, s6;
	s7 =	sshll.u32 @p0 s5, $0x11  }
0xb0: {  	s6 =	sor.u32 @p0 s7, s6  }
0xb1: {  	[sflag:s6] =	ssyncadd.remote.s32 @p0 $0x1;
	_ =	sdelay $0x1  }
0xb2: {  	s6 =	simm.s32 @p0 $0x1B8D  }
0xb3: {  	_ =	swait.eq @p0 [sflag:s6], $0x1  }
0xb4: {  	[sflag:s6] =	ssyncadd.s32 @p0 $0xFFFFFFFF  }
0xb5: {  	s7 =	sshll.u32 @!p0 s1, $0xE  }
0xb6: {  	s7 =	sor.u32 @!p0 $0x4000, s7;
	s6 =	simm.s32 @!p0 $0x1B8D  }
0xb7: {  	s5 =	sshll.u32 @!p0 s5, $0x11;
	s7 =	sadd.s32 @!p0 $0x11B8D, s7;
	_ =	swait.eq @!p0 [sflag:s6], $0x1  }
0xb8: {  	s5 =	sor.u32 @!p0 s5, s7;
	[sflag:s6] =	ssyncadd.s32 @!p0 $0xFFFFFFFF  }
0xb9: {  	s25 =	simm.s32 $0x1B8E;
	s24 =	sld [smem:$0x3FFE];
	[sflag:s5] =	ssyncadd.remote.s32 @!p0 $0x1  }
0xba: {  	s26 =	simm.s32 $execute0_lowered;
	[smem:$0x3FD2] =	sst s25  }
0xbb: {  	s6 =	sshll.u32 s26, $0x1;
	_ =	strace $0x80000049;
	[dreg:$0x1] =	wrdreg $0xFFFFFFFF  }
0xbc: {  	s28 =	simm.s32 $_size_execute0_lowered;
	s4 =	sadd.s32 s4, s6;
	[dreg:$0x0] =	wrdreg $0x0  }
0xbd: {  	s6 =	sshll.u32 s28, $0x1;
	[dreg:$0x2] =	wrdreg s4  }
0xbe: {  	[dreg:$0x3] =	wrdreg s6  }
0xbf: {  	[dreg:$0x4] =	wrdreg $0xC0  }
0xc0: {  	_ =	task [dreg:s22], $0x5FFFF  }
0xc1: {  	[dreg:$0x1] =	wrdreg $0xFFFFFFFF  }
0xc2: {  	[dreg:$0x0] =	wrdreg $0x60  }
0xc3: {  	[dreg:$0x2] =	wrdreg s17  }
0xc4: {  	[dreg:$0x3] =	wrdreg s24  }
0xc5: {  	[dreg:$0x4] =	wrdreg $0xB  }
0xc6: {  	_ =	task.clear_ibuf [dreg:s22], $0x5FFFF;
	_ =	strace $0x90000049  }
0xc7: {  	s29 =	simm.s32 $0xB;
	_ =	strace $0x8000004B  }
0xc8: {  	_ =	swait.ge [sflag:s29], $0x1  }
0xc9: {  	[sflag:s29] =	ssyncadd.s32 $0xFFFFFFFF  }
0xca: {  	_ =	strace $0x9000004B  }
0xcb: {  	_ =	sfence  }
0xcc: {  	s30 =	sld [smem:$0x0];
	_ =	sdelay $0x2  }
0xcd: {  	s31 =	sshll.u32 s1, $0xD;
	s1 =	sshrl.u32 s1, $0x2  }
0xce: {  	s4 =	sand.u32 $0x4000, s31;
	s1 =	sadd.s32 s1, s30  }
0xcf: {  	s0 =	sor.u32 s4, s0;
	s1 =	sshll.u32 s1, $0x11  }
0xd0: {  	s0 =	sor.u32 s1, s0  }
0xd1: {  	s0 =	sadd.s32 $0x8F2B, s0  }
0xd2: {  	[sflag:s0] =	ssyncadd.remote.s32 $0x1  }
0xd3: {  	_ =	sfence.sel $0xFFFF  }
0xd4: {  	[dreg:$0x0] =	wrdreg $0xFFFFFFFF;
	(pc) =	sbr.abs _section_cstart, $3  }
0xd5: {  	[dreg:$0x1] =	wrdreg $0xFFFFFFFF  }
0xd6: {  	_ =	task.clear_ibuf [dreg:s22], $0x2FFFF;
	_ =	strace $0x9FFFFFFF  }
0xd7: {  	(tm) =	ssettm $0x7FFFFFFF  }
tec
execute0_lowered:
.L_overlay_start_1:
0x0: {  	(tag) =	ssettag $0x1  }
0x1: {  	s0 =	srdreg.scid  }
0x2: {  	s1 =	sshll.u32 s0, $0x4  }
0x3: {  	s0 =	stileid.u32;
	s1 =	sand.u32 $0x10, s1  }
0x4: {  	s2 =	sor.u32 s0, s1  }
0x5: {  	s1 =	smul.u32 $0x3, s2  }
0x6: {  	s3 =	smin.u32 s2, $0x4  }
0x7: {  	s1 =	sadd.s32 s3, s1  }
0x8: {  	p0 =	slt.u32 s2, $0x4;
	s2 =	simm.s32 $0x640;
	s1 =	smul.u32 $0x190, s1  }
0x9: {  	s2 =	simm.s32 @!p0 $0x4B0  }
0xa: {  	s2 =	sadd.s32 s2, s1  }
0xb: {  	s3 =	smin.u32 s2, $0x9C40  }
0xc: {  	s7 =	ssub.s32 s3, s1  }
0xd: {  	p0 =	sgt.s32 s7, $0x0  }
0xe: {  	s7 =	simm.s32 @!p0 $0x0  }
0xf: {  	s31 =	sand.u32 $0xFFF0, s7  }
0x10: {  	s2 =	sshrl.u32 s31, $0x4  }
0x11: {  	s4 =	rddreg [dreg:$0x0];
	s2 =	smul.u32 $0xA3E, s2  }
0x12: {  	s9 =	rddreg [dreg:$0x1];
	s6 =	simm.s32 $0x1  }
0x13: {  	s11 =	simm.s32 $0x3;
	s13 =	simm.s32 $0x0;
	s8 =	sshrl.u32 s2, $0x10  }
0x14: {  	s12 =	simm.s32 $0x0;
	s5 =	sadd.s32 $0x3C2600, s9;
	s10 =	smul.u32 $0x190, s8  }
.Ltmp0:
0x15: {  	s9 =	sadd.s32 $0x3C6200, s9;
	s2 =	rddreg [dreg:$0x2];
	(pc) =	sbr.rel .LBB2_1-.Ltmp0, $4  }
0x16: {  	_ =	strace $0x8000004A;
	p0 =	sne.s32 s7, s10;
	s10 =	simm.s32 $0x1  }
0x17: {  	[sflag:s6] =	ssyncpa.u1 $0x0;
	s7 =	simm.s32 $0x2;
	s10 =	simm.s32 @!p0 $0x0  }
0x18: {  	[sflag:s7] =	ssyncpa.u1 $0x0;
	p0 =	por $0x0, $0x0;
	s8 =	sadd.s32 s8, s10  }
0x19: {  	vm0 =	vmmov $0xff;
	vm1 =	vcmask $0x3F20;
	[sflag:s11] =	ssyncpa.u1 $0x0;
	s11 =	smov.u32 s1;
	s10 =	sadd.s32 $0x1, s8  }
.LBB2_6:
0x1a: {  	[hbm:s17] =	stream.linear.scatter [tilespmem:s14], [sflag:$0x3], $0x400, $0x38;
	[tilespmem:$0x19320] =	vst v63  }
.LBB2_7:
0x1b: {  	s13 =	sadd.s32 $0x190, s11  }
0x1c: {  	s15 =	smov.u32 s1;
	p2 =	slt.s32 s13, s3  }
0x1d: {  	s15 =	smov.u32 @p2 s13;
	p2 =	sne.s32 s12, s10  }
.Ltmp1:
0x1e: {  	p1 =	slt.u32 s12, $0x2;
	(pc) =	sbr.rel @!p2 .LBB2_8-.Ltmp1, $4  }
0x1f: {  	s14 =	simm.s32 @!p1 $0x3  }
0x20: {  	s16 =	sadd.s32 $0x1, s12;
	_ =	swait.ge @!p1 [sflag:s14], $0xC800  }
0x21: {  	p0 =	por !p0, !p0;
	s13 =	smov.u32 s11;
	[sflag:s14] =	ssyncset.done @!p1 $0x0  }
0x22: {  	s12 =	smov.u32 s16;
	s11 =	smov.u32 s15;
	[sflag:s14] =	ssyncadd.s32 @!p1 $0xFFFF3800  }
.LBB2_1:
0x23: {  	p1 =	sge.u32 s12, s8  }
0x24: {  	s14 =	sxor.u32 @!p1 $0xFFFFFFFF, s12  }
0x25: {  	s14 =	sand.u32 @!p1 $0x1, s14  }
0x26: {  	s14 =	smul.u32 @!p1 $0x640, s14  }
0x27: {  	s31 =	sadd.s32 $0xFFFFFFFF, s12;
	s15 =	sshrl.u32 @!p1 s11, $0x3  }
0x28: {  	s16 =	sand.u32 @!p1 $0x7, s11;
	s15 =	sadd.s32 @!p1 s5, s15;
	s14 =	sshrl.u32 @!p1 s14, $0x2  }
0x29: {  	[tilespmem:s14], [sflag:$0x2] =	stream.linear.gather @!p1 [hbm4b:s15+s16], $0x190, $0x38;
	[tilespmem:$0x19320] =	vst v63  }
0x2a: {  	p1 =	sge.u32 s31, s8  }
.Ltmp2:
0x2b: {  	_ = 	snop;
	(pc) =	sbr.rel @p1 .LBB2_7-.Ltmp2, $1  }
0x2c: {  	_ =	sdelay $0x3  }
0x2d: {  	s14 =	simm.s32 $0x1  }
0x2e: {  	s14 =	simm.s32 @!p0 $0x0  }
0x2f: {  	s15 =	smul.u32 $0x640, s14  }
0x30: {  	_ =	swait.ge [sflag:s7], $0x190  }
0x31: {  	[sflag:s7] =	ssyncset.done $0x0;
	s16 =	sshrl.u32 s15, $0x2  }
0x32: {  	[sflag:s7] =	ssyncadd.s32 $0xFFFFFE70;
	s15 =	sadd.s32 $0x0, s16  }
0x33: {  	v0 =	vld.msk [tilespmem:s15+$0x0 ss:$0x1], $0xffff;
	_ =	sdelay $0x4  }
0x34: {  	v1 =	vshrl.u32 v0, $0xE  }
0x35: {  	vm2 =	veq.s32 v0, $0x80000000;
	v0 =	vshll.u32 v0, $0x9;
	v1 =	vand.u32 $0x3, v1  }
0x36: {  	v0 =	vand.u32 $0x7FFE00, v0;
	v1 =	vsel vm2, $0xFFFFFFFF, v1  }
0x37: {  	v0 =	vsel vm2, $0xFFFFFE00, v0;
	v2 =	vand.u32 $0xFFFFFE00, v1;
	v1 =	vshll.u32 v1, $0x7  }
0x38: {  	v0 =	vadd.s32 v0, v2;
	v1 =	vand.u32 $0x180, v1  }
0x39: {  	v0 =	vor.u32 v1, v0  }
0x3a: {  	v0 =	vshrl.u32 v0, $0x3  }
0x3b: {  	s14 =	smul.u32 $0x32000, s14;
	_ =	sdelay $0x1  }
0x3c: {  	s14 =	sshrl.u32 s14, $0x2  }
0x3d: {  	s14 =	sor.u32 $0x320, s14  }
0x3e: {  	[tilespmem:s14], [sflag:$0x1] =	stream.indirect_vreg.gather [hbm:s4], $0x80, v0, vm0, $0x38;
	[tilespmem:$0x19320] =	vst v63  }
0x3f: {  	s17 =	sadd.s32 $0x10, s16;
	s15 =	sadd.s32 $0x400, s14  }
0x40: {  	[tilespmem:s15], [sflag:$0x1] =	stream.indirect_vreg.gather [hbm:s4], $0x80, v0, vm1, $0x38;
	[tilespmem:$0x19320] =	vst v63  }
0x41: {  	s18 =	simm.s32 $0x80;
	v0 =	vld.msk [tilespmem:s17+$0x0 ss:$0x1], $0xffff;
	s17 =	smov.u32 s14  }
.LBB2_3:
0x42: {  	p1 =	sne.s32 s18, $0x600;
	_ =	sdelay $0x4  }
0x43: {  	v1 =	vshrl.u32 v0, $0xE  }
0x44: {  	vm2 =	veq.s32 v0, $0x80000000;
	v0 =	vshll.u32 v0, $0x9;
	v1 =	vand.u32 $0x3, v1  }
0x45: {  	v0 =	vand.u32 $0x7FFE00, v0;
	v1 =	vsel vm2, $0xFFFFFFFF, v1  }
0x46: {  	v0 =	vsel vm2, $0xFFFFFE00, v0;
	v2 =	vand.u32 $0xFFFFFE00, v1;
	v1 =	vshll.u32 v1, $0x7  }
0x47: {  	v0 =	vadd.s32 v0, v2;
	v1 =	vand.u32 $0x180, v1  }
0x48: {  	v0 =	vor.u32 v1, v0  }
0x49: {  	v0 =	vshrl.u32 v0, $0x3;
	_ =	sdelay $0x3  }
.Ltmp3:
0x4a: {  	s19 =	sshra.s32 s18, $0x2;
	s17 =	sadd.s32 $0x800, s17;
	(pc) =	sbr.rel @p1 .LBB2_3-.Ltmp3, $4  }
0x4b: {  	[tilespmem:s17], [sflag:$0x1] =	stream.indirect_vreg.gather [hbm:s4], $0x80, v0, vm0, $0x38;
	[tilespmem:$0x19320] =	vst v63  }
0x4c: {  	s19 =	sadd.s32 s19, s16;
	s20 =	sadd.s32 $0x400, s17  }
0x4d: {  	[tilespmem:s20], [sflag:$0x1] =	stream.indirect_vreg.gather [hbm:s4], $0x80, v0, vm1, $0x38;
	[tilespmem:$0x19320] =	vst v63  }
0x4e: {  	s18 =	sadd.s32 $0x40, s18;
	v0 =	vld.msk [tilespmem:s19+$0x0 ss:$0x1], $0xffff  }
0x4f: {  	_ =	sdelay $0x3  }
0x50: {  	v1 =	vshrl.u32 v0, $0xE  }
0x51: {  	vm2 =	veq.s32 v0, $0x80000000;
	v63 =	vshll.u32 v0, $0x9;
	v1 =	vand.u32 $0x3, v1  }
0x52: {  	v0 =	vand.u32 $0x7FFE00, v63;
	v1 =	vsel vm2, $0xFFFFFFFF, v1  }
0x53: {  	v0 =	vsel vm2, $0xFFFFFE00, v0;
	v2 =	vand.u32 $0xFFFFFE00, v1;
	v1 =	vshll.u32 v1, $0x7  }
0x54: {  	v0 =	vadd.s32 v0, v2;
	v1 =	vand.u32 $0x180, v1  }
0x55: {  	v0 =	vor.u32 v1, v0  }
0x56: {  	v0 =	vshrl.u32 v0, $0x3;
	_ =	sdelay $0x3  }
0x57: {  	s16 =	sadd.s32 $0x800, s17  }
0x58: {  	[tilespmem:s16], [sflag:$0x1] =	stream.indirect_vreg.gather [hbm:s4], $0x80, v0, vm0, $0x38;
	[tilespmem:$0x19320] =	vst v63  }
0x59: {  	s16 =	sadd.s32 $0x400, s16  }
0x5a: {  	[tilespmem:s16], [sflag:$0x1] =	stream.indirect_vreg.gather [hbm:s4], $0x80, v0, vm1, $0x38;
	[tilespmem:$0x19320] =	vst v63  }
0x5b: {  	s13 =	sshll.u32 s13, $0x4;
	_ =	swait.ge [sflag:s6], $0xC800  }
0x5c: {  	s13 =	sadd.s32 s13, s9;
	[sflag:s6] =	ssyncset.done $0x0  }
0x5d: {  	s17 =	sadd.s32 $0x0, s13;
	s16 =	simm.s32 $0x80;
	[sflag:s6] =	ssyncadd.s32 $0xFFFF3800  }
.LBB2_5:
0x5e: {  	[hbm:s17] =	stream.linear.scatter [tilespmem:s14], [sflag:$0x3], $0x400, $0x38;
	[tilespmem:$0x19320] =	vst v63  }
0x5f: {  	s17 =	smov.u32 s16;
	s14 =	smov.u32 s15;
	p1 =	sne.s32 s16, $0x1880  }
.Ltmp4:
0x60: {  	s16 =	sadd.s32 $0x80, s16;
	(pc) =	sbr.rel @p1 .LBB2_5-.Ltmp4, $2  }
0x61: {  	_ =	sdelay $0x2  }
0x62: {  	s15 =	sadd.s32 $0x400, s15;
	s17 =	sadd.s32 s17, s13  }
.Ltmp5:
0x63: {  	_ = 	snop;
	(pc) =	sbr.rel .LBB2_6-.Ltmp5, $1  }
0x64: {  	_ =	sdelay $0x3  }
.LBB2_8:
0x65: {  	_ =	sfence.sel $0x180000  }
0x66: {  	s1 =	simm.s32 $0x2;
	[bflag:$0x0] =	sbarrier.arrive $0xFFFF  }
0x67: {  	s30 =	simm.s32 $0x3;
	[sflag:s1] =	ssyncpa.u1 $0x1  }
0x68: {  	s31 =	simm.s32 $0x1;
	[sflag:s30] =	ssyncpa.u1 $0x1  }
0x69: {  	[sflag:s31] =	ssyncpa.u1 $0x1  }
0x6a: {  	p0 =	sne.s32 s0, $0x0;
	_ =	strace $0x9000004A  }
0x6b: {  	s0 =	sadd.s32 @!p0 $0x100000, s2;
	[bflag:$0x2] =	sbarrier.arrive $0xFFFF  }
0x6c: {  	[sflag:s0] =	ssyncadd.tile.s32 @!p0 $0x1;
	_ =	shalt  }
.Lfunc_end2:
_tile_overlayer_lowered:
.L_overlay_start_2:
0x6d: {  	(tag) =	ssettag $0x2  }
0x6e: {  	s0 =	rddreg [dreg:$0x0];
	s2 =	stileid.u32  }
0x6f: {  	s1 =	rddreg [dreg:$0x1];
	p0 =	sne.s32 s2, $0x0  }
0x70: {  	s3 =	rddreg [dreg:$0x2];
	[bflag:$0x3] =	sbarrier.arrive $0xFFFF;
	s2 =	simm.s32 @!p0 $0x1C01  }
0x71: {  	[timem:s3], [sflag:s2] =	dma.local @!p0 [hbm:s0], s1  }
0x72: {  	s0 =	simm.s32 @!p0 $0x1  }
0x73: {  	_ =	swait.ge @!p0 [sflag:s0], s1  }
0x74: {  	s1 =	ssub.s32 @!p0 $0x0, s1;
	[sflag:s0] =	ssyncset.done @!p0 $0x0  }
0x75: {  	[sflag:s0] =	ssyncadd.s32 @!p0 s1  }
0x76: {  	[bflag:$0x3] =	sbarrier.arrive $0xFFFF  }
0x77: {  	_ =	shalt  }

// kernel: scatter_offload_async_start.1
scs
__scs_entry_jumppad:
0x0: {  	(pc) =	sbr.rel $0x88, $3  }
0x1: {  	(tag) =	ssettag $0x0;
	lr =	simm.s32 $0x1  }
0x2: {  	[smem:$0x3F8B] =	sst lr;
	_ =	strace $0xD0000000  }
0x3: {  	_ = 	snop  }
0x4: {  	_ = 	snop  }
0x5: {  	_ = 	snop  }
0x6: {  	_ = 	snop  }
0x7: {  	_ = 	snop  }
__scs_overlays_trampoline_lowered:
0x8: {  	[smem:$0x3F9A] =	sst s0  }
0x9: {  	[smem:$0x3F9B] =	sst s1  }
0xa: {  	[smem:$0x3F9C] =	sst s2  }
0xb: {  	[smem:$0x3F9D] =	sst s3  }
0xc: {  	[smem:$0x3F9E] =	sst s4  }
0xd: {  	[smem:$0x3F9F] =	sst s5  }
0xe: {  	[smem:$0x3FA0] =	sst s6  }
0xf: {  	[smem:$0x3FA1] =	sst s7  }
0x10: {  	[smem:$0x3FA2] =	sst s8  }
0x11: {  	[smem:$0x3FA3] =	sst s9;
	s0 =	simm.s32 @!p0 $0x0  }
0x12: {  	s1 =	sld [smem:$0x3F89];
	s0 =	simm.s32 @p0 $0x1  }
0x13: {  	[smem:$0x3FA4] =	sst s0;
	s0 =	simm.s32 @!p1 $0x0  }
0x14: {  	s2 =	sld [smem:$0x3F88];
	s0 =	simm.s32 @p1 $0x1  }
0x15: {  	[smem:$0x3FA5] =	sst s0;
	s0 =	simm.s32 @!p2 $0x0  }
0x16: {  	s3 =	sld [smem:$0x3FDB];
	s0 =	simm.s32 @p2 $0x1  }
0x17: {  	s4 =	simm.s32 $0x1BF5;
	[smem:$0x3FA7] =	sst s0  }
0x18: {  	s0 =	sld [smem:$0x3F8A];
	_ =	swait.ge [sflag:s4], $0x0  }
0x19: {  	s7 =	sld [smem:$0x3F8B]  }
0x1a: {  	s8 =	sadd.s32 $0xFFFFE003, lr  }
0x1b: {  	s9 =	sadd.s32 $0xFFFFFEF7, lr;
	s5 =	simm.s32 $0xFFFFFFFF;
	p2 =	slt.u32 s8, $0xFFFFF086  }
0x1c: {  	p1 =	slt.u32 s9, $0xF7A;
	s5 =	simm.s32 @!p2 $0x0  }
0x1d: {  	s5 =	simm.s32 @p1 $0x1;
	p0 =	seq.s32 s7, s2  }
0x1e: {  	s7 =	smul.u32 @!p0 $0xF7A, s2;
	p2 =	seq.s32 @!p0 s5, $0x0  }
0x1f: {  	s9 =	smul.u32 $0xF7A, s1;
	s8 =	simm.s32 @!p0 $0x1BF5;
	p2 =	por !p2, p0  }
0x20: {  	[sflag:s8] =	ssyncset.s32 @!p0 $0xFFFFF086;
	s6 =	sadd.s32 @!p0 s3, s7;
	s7 =	simm.s32 @!p0 $0x108  }
0x21: {  	s3 =	sadd.s32 s3, s9;
	s6 =	sadd.s32 @!p0 $0x88, s6;
	s7 =	simm.s32 @p2 $0x1082  }
0x22: {  	[simem:s7], [sflag:s8] =	dma.local @!p0 [hbm:s6], $0xF7A  }
0x23: {  	s9 =	sor.u32 $0xD0000000, s2;
	s6 =	simm.s32 $0x108;
	_ =	swait.ge @!p0 [sflag:s8], $0x0  }
0x24: {  	s3 =	sadd.s32 $0x88, s3;
	s6 =	simm.s32 @!p1 $0x1082;
	[sflag:s4] =	ssyncset.s32 $0xFFFFF086  }
0x25: {  	[simem:s6], [sflag:s4] =	dma.local [hbm:s3], $0xF7A  }
0x26: {  	[smem:$0x3F8B] =	sst s1;
	(tag) =	ssettag s2;
	_ =	strace s9  }
0x27: {  	s1 =	sld [smem:$0x3F9B]  }
0x28: {  	s2 =	sld [smem:$0x3F9C]  }
0x29: {  	s4 =	sld [smem:$0x3F9E]  }
0x2a: {  	p0 =	seq.s32 s5, $0x0;
	s5 =	sld [smem:$0x3F9F]  }
0x2b: {  	s6 =	sld [smem:$0x3FA0]  }
0x2c: {  	s7 =	sld [smem:$0x3FA1]  }
0x2d: {  	s3 =	simm.s32 $0x108;
	s8 =	sld [smem:$0x3FA2]  }
0x2e: {  	s3 =	simm.s32 @!p0 $0x1082;
	s9 =	sld [smem:$0x3FA3]  }
0x2f: {  	lr =	sadd.s32 s0, s3;
	s0 =	sld [smem:$0x3F9A]  }
0x30: {  	s3 =	sld [smem:$0x3F9D]  }
0x31: {  	[smem:$0x3FA6] =	sst s10  }
0x32: {  	s10 =	sld [smem:$0x3FA4];
	_ =	sdelay $0x3  }
0x33: {  	p0 =	seq.s32 s10, $0x1;
	s10 =	sld [smem:$0x3FA6];
	_ =	sdelay $0x3  }
0x34: {  	[smem:$0x3FA6] =	sst s10  }
0x35: {  	s10 =	sld [smem:$0x3FA5];
	_ =	sdelay $0x3  }
0x36: {  	p1 =	seq.s32 s10, $0x1;
	s10 =	sld [smem:$0x3FA6];
	_ =	sdelay $0x3  }
0x37: {  	[smem:$0x3FA6] =	sst s10  }
0x38: {  	s10 =	sld [smem:$0x3FA7]  }
0x39: {  	_ = 	snop;
	(pc) =	sbr.ind lr, $3  }
0x3a: {  	_ = 	snop  }
0x3b: {  	_ = 	snop  }
0x3c: {  	p2 =	seq.s32 s10, $0x1;
	s10 =	sld [smem:$0x3FA6]  }
0x3d: {  	_ =	shalt  }
0x3e: {  	_ =	shalt  }
0x3f: {  	_ =	shalt  }
0x40: {  	_ =	shalt  }
0x41: {  	_ =	shalt  }
0x42: {  	_ =	shalt  }
0x43: {  	_ =	shalt  }
0x44: {  	_ =	shalt  }
0x45: {  	_ =	shalt  }
0x46: {  	_ =	shalt  }
0x47: {  	_ =	shalt  }
0x48: {  	_ =	shalt  }
0x49: {  	_ =	shalt  }
0x4a: {  	_ =	shalt  }
0x4b: {  	_ =	shalt  }
0x4c: {  	_ =	shalt  }
0x4d: {  	_ =	shalt  }
0x4e: {  	_ =	shalt  }
0x4f: {  	_ =	shalt  }
0x50: {  	_ =	shalt  }
0x51: {  	_ =	shalt  }
0x52: {  	_ =	shalt  }
0x53: {  	_ =	shalt  }
0x54: {  	_ =	shalt  }
0x55: {  	_ =	shalt  }
0x56: {  	_ =	shalt  }
0x57: {  	_ =	shalt  }
0x58: {  	_ =	shalt  }
0x59: {  	_ =	shalt  }
0x5a: {  	_ =	shalt  }
0x5b: {  	_ =	shalt  }
0x5c: {  	_ =	shalt  }
0x5d: {  	_ =	shalt  }
0x5e: {  	_ =	shalt  }
0x5f: {  	_ =	shalt  }
0x60: {  	_ =	shalt  }
0x61: {  	_ =	shalt  }
0x62: {  	_ =	shalt  }
0x63: {  	_ =	shalt  }
0x64: {  	_ =	shalt  }
0x65: {  	_ =	shalt  }
0x66: {  	_ =	shalt  }
0x67: {  	_ =	shalt  }
0x68: {  	_ =	shalt  }
0x69: {  	_ =	shalt  }
0x6a: {  	_ =	shalt  }
0x6b: {  	_ =	shalt  }
0x6c: {  	_ =	shalt  }
0x6d: {  	_ =	shalt  }
0x6e: {  	_ =	shalt  }
0x6f: {  	_ =	shalt  }
0x70: {  	_ =	shalt  }
0x71: {  	_ =	shalt  }
0x72: {  	_ =	shalt  }
0x73: {  	_ =	shalt  }
0x74: {  	_ =	shalt  }
0x75: {  	_ =	shalt  }
0x76: {  	_ =	shalt  }
0x77: {  	_ =	shalt  }
0x78: {  	_ =	shalt  }
0x79: {  	_ =	shalt  }
0x7a: {  	_ =	shalt  }
0x7b: {  	_ =	shalt  }
0x7c: {  	_ =	shalt  }
0x7d: {  	_ =	shalt  }
0x7e: {  	_ =	shalt  }
0x7f: {  	_ =	shalt  }
0x80: {  	_ =	shalt  }
0x81: {  	_ =	shalt  }
0x82: {  	_ =	shalt  }
0x83: {  	_ =	shalt  }
0x84: {  	_ =	shalt  }
0x85: {  	_ =	shalt  }
0x86: {  	_ =	shalt  }
0x87: {  	_ =	shalt  }
.Lfunc_end0:
.L_simem_size_0:
called_computation.1_lowered:
.L_overlay_start_0:
0x88: {  	s2 =	sld [smem:$0x3FD9]  }
0x89: {  	s3 =	sld [smem:$0x3FFE];
	_ =	sdelay $0x1  }
0x8a: {  	s1 =	srdreg.scid  }
0x8b: {  	s0 =	sand.u32 $0x1, s1  }
0x8c: {  	s10 =	sshll.u32 s0, $0xA;
	s2 =	sadd.s32 s3, s2  }
0x8d: {  	s2 =	sadd.s32 s2, s10  }
0x8e: {  	[smem:$0x3FB2] =	sst s2  }
0x8f: {  	_ = 	snop  }
0x90: {  	s2 =	sld [smem:$0x3FD0];
	_ =	sdelay $0x2  }
0x91: {  	s11 =	simm.s32 $0xE;
	s4 =	simm.s32 $0x10  }
0x92: {  	[smem:s4], [sflag:s11] =	dma.local [hbm:s2], $0x1  }
0x93: {  	_ =	swait.eq [sflag:s11], $0x1  }
0x94: {  	[sflag:s11] =	ssyncset.done $0x0  }
0x95: {  	s5 =	sld [smem:$0x10];
	[sflag:s11] =	ssyncadd.s32 $0xFFFFFFFF  }
0x96: {  	s12 =	sld [smem:$0x12];
	(tm) =	ssettm $0x1  }
0x97: {  	s13 =	sld [smem:$0x3FFB];
	_ =	sdelay $0x3  }
0x98: {  	_ =	strace s13  }
0x99: {  	s2 =	sld [smem:$0x3FFC];
	_ =	sdelay $0x3  }
0x9a: {  	_ =	strace s2  }
0x9b: {  	s2 =	sld [smem:$0x3FFD];
	_ =	sdelay $0x3  }
0x9c: {  	_ =	strace s2  }
0x9d: {  	_ =	strace $0x8FFFFFFF  }
0x9e: {  	s14 =	sld [smem:$0x3FDB];
	_ =	sdelay $0x1  }
0x9f: {  	s15 =	simm.s32 $_scs_section_size  }
0xa0: {  	s6 =	simm.s32 $_size__tile_overlayer_lowered;
	s7 =	simm.s32 $_tile_overlayer_lowered  }
0xa1: {  	s19 =	simm.s32 $0x1BFF;
	s17 =	sshll.u32 s7, $0x1;
	s8 =	sadd.s32 s15, s14  }
0xa2: {  	s20 =	simm.s32 $0x0;
	s16 =	sshll.u32 s6, $0x1;
	s18 =	sadd.s32 s17, s8  }
0xa3: {  	[timem:s20], [sflag:s19] =	dma.local [hbm:s18], s16  }
0xa4: {  	_ =	swait.ge [sflag:s19], s16  }
0xa5: {  	s4 =	ssub.s32 $0x0, s16;
	[sflag:s19] =	ssyncset.done $0x0  }
0xa6: {  	[sflag:s19] =	ssyncadd.s32 s4;
	_ =	sdelay $0x1  }
0xa7: {  	s21 =	simm.s32 $0x1B8B  }
0xa8: {  	_ =	swait.ge [sflag:s21], $0x1  }
0xa9: {  	[sflag:s21] =	ssyncset.done $0x0  }
0xaa: {  	[sflag:s21] =	ssyncadd.s32 $0xFFFFFFFF  }
0xab: {  	s4 =	sld [smem:$0x0]  }
0xac: {  	s6 =	sand.u32 $0xFFFFFFFE, s1  }
0xad: {  	p0 =	sne.s32 s1, s6  }
0xae: {  	s6 =	sshll.u32 @p0 s6, $0xE  }
0xaf: {  	s7 =	sadd.s32 @p0 $0x11B8D, s6;
	s9 =	sshll.u32 @p0 s4, $0x11  }
0xb0: {  	s7 =	sor.u32 @p0 s9, s7  }
0xb1: {  	[sflag:s7] =	ssyncadd.remote.s32 @p0 $0x1;
	_ =	sdelay $0x1  }
0xb2: {  	s7 =	simm.s32 @p0 $0x1B8D  }
0xb3: {  	_ =	swait.eq @p0 [sflag:s7], $0x1  }
0xb4: {  	[sflag:s7] =	ssyncadd.s32 @p0 $0xFFFFFFFF  }
0xb5: {  	s9 =	sshll.u32 @!p0 s1, $0xE  }
0xb6: {  	s9 =	sor.u32 @!p0 $0x4000, s9;
	s7 =	simm.s32 @!p0 $0x1B8D  }
0xb7: {  	s11 =	sshll.u32 @!p0 s4, $0x11;
	s10 =	sadd.s32 @!p0 $0x11B8D, s9;
	_ =	swait.eq @!p0 [sflag:s7], $0x1  }
0xb8: {  	[sflag:s7] =	ssyncadd.s32 @!p0 $0xFFFFFFFF;
	s7 =	sor.u32 @!p0 s11, s10  }
0xb9: {  	s23 =	simm.s32 $0x1B8E;
	s22 =	sld [smem:$0x3FFE];
	[sflag:s7] =	ssyncadd.remote.s32 @!p0 $0x1  }
0xba: {  	s24 =	simm.s32 $execute0_lowered;
	[smem:$0x3FD2] =	sst s23  }
0xbb: {  	s10 =	sshll.u32 s24, $0x1;
	_ =	strace $0x8000004C;
	[dreg:$0x1] =	wrdreg $0xFFFFFFFF  }
0xbc: {  	s25 =	simm.s32 $_size_execute0_lowered;
	s10 =	sadd.s32 s8, s10;
	[dreg:$0x0] =	wrdreg $0x0  }
0xbd: {  	s11 =	sshll.u32 s25, $0x1;
	[dreg:$0x2] =	wrdreg s10  }
0xbe: {  	[dreg:$0x3] =	wrdreg s11  }
0xbf: {  	[dreg:$0x4] =	wrdreg $0xC0  }
0xc0: {  	s26 =	simm.s32 $execute1_lowered;
	_ =	task [dreg:s20], $0x5FFFF  }
0xc1: {  	s10 =	sshll.u32 s26, $0x1;
	[dreg:$0x1] =	wrdreg $0xFFFFFFFF  }
0xc2: {  	s8 =	sadd.s32 s8, s10;
	[dreg:$0x0] =	wrdreg $0x60  }
0xc3: {  	[dreg:$0x2] =	wrdreg s8  }
0xc4: {  	[dreg:$0x3] =	wrdreg s5  }
0xc5: {  	[dreg:$0x4] =	wrdreg s22  }
0xc6: {  	[dreg:$0x5] =	wrdreg $0x9  }
0xc7: {  	_ =	task.clear_ibuf [dreg:s20], $0x6FFFF;
	_ =	strace $0x9000004C  }
0xc8: {  	s28 =	simm.s32 $0x9;
	_ =	strace $0x8000004E  }
0xc9: {  	_ =	swait.ge [sflag:s28], $0x1  }
0xca: {  	[sflag:s28] =	ssyncadd.s32 $0xFFFFFFFF  }
0xcb: {  	_ =	strace $0x9000004E  }
0xcc: {  	s5 =	sld [smem:$0x0];
	_ =	sdelay $0x3  }
0xcd: {  	s6 =	sadd.s32 @p0 $0x11BF3, s6;
	s8 =	sshll.u32 @p0 s5, $0x11  }
0xce: {  	s6 =	sor.u32 @p0 s8, s6  }
0xcf: {  	[sflag:s6] =	ssyncadd.remote.s32 @p0 $0x1;
	_ =	sdelay $0x1  }
0xd0: {  	s6 =	simm.s32 @p0 $0x1BF3  }
0xd1: {  	_ =	swait.eq @p0 [sflag:s6], $0x1  }
0xd2: {  	[sflag:s6] =	ssyncadd.s32 @p0 $0xFFFFFFFF;
	_ =	sdelay $0x1  }
0xd3: {  	s6 =	simm.s32 @!p0 $0x1BF3  }
0xd4: {  	s5 =	sshll.u32 @!p0 s5, $0x11;
	s8 =	sadd.s32 @!p0 $0x11BF3, s9;
	_ =	swait.eq @!p0 [sflag:s6], $0x1  }
0xd5: {  	s5 =	sor.u32 @!p0 s5, s8;
	[sflag:s6] =	ssyncadd.s32 @!p0 $0xFFFFFFFF  }
0xd6: {  	[sflag:s5] =	ssyncadd.remote.s32 @!p0 $0x1  }
0xd7: {  	_ =	strace $0x8000004F;
	[dreg:$0x1] =	wrdreg $0xFFFFFFFF  }
0xd8: {  	[dreg:$0x0] =	wrdreg $0x2030  }
0xd9: {  	[dreg:$0x2] =	wrdreg s22  }
0xda: {  	[dreg:$0x3] =	wrdreg s12  }
0xdb: {  	[dreg:$0x4] =	wrdreg s1  }
0xdc: {  	[dreg:$0x5] =	wrdreg s4  }
0xdd: {  	[dreg:$0x6] =	wrdreg $0xA  }
0xde: {  	_ =	task.clear_ibuf [dreg:s20], $0x7FFFF;
	_ =	strace $0x9000004F  }
0xdf: {  	s29 =	simm.s32 $0xA;
	_ =	strace $0x80000051  }
0xe0: {  	_ =	swait.ge [sflag:s29], $0x1  }
0xe1: {  	[sflag:s29] =	ssyncadd.s32 $0xFFFFFFFF  }
0xe2: {  	_ =	strace $0x90000051  }
0xe3: {  	_ =	sfence  }
0xe4: {  	s30 =	sld [smem:$0x0];
	_ =	sdelay $0x2  }
0xe5: {  	s31 =	sshll.u32 s1, $0xD;
	s1 =	sshrl.u32 s1, $0x2  }
0xe6: {  	s4 =	sand.u32 $0x4000, s31;
	s1 =	sadd.s32 s1, s30  }
0xe7: {  	s0 =	sor.u32 s4, s0;
	s1 =	sshll.u32 s1, $0x11  }
0xe8: {  	s0 =	sor.u32 s1, s0  }
0xe9: {  	s0 =	sadd.s32 $0x8F2B, s0  }
0xea: {  	[sflag:s0] =	ssyncadd.remote.s32 $0x1  }
0xeb: {  	_ =	sfence.sel $0xFFFF  }
0xec: {  	[dreg:$0x0] =	wrdreg $0xFFFFFFFF;
	(pc) =	sbr.abs _section_cstart, $3  }
0xed: {  	[dreg:$0x1] =	wrdreg $0xFFFFFFFF  }
0xee: {  	_ =	task.clear_ibuf [dreg:s20], $0x2FFFF;
	_ =	strace $0x9FFFFFFF  }
0xef: {  	(tm) =	ssettm $0x7FFFFFFF  }
tec
execute0_lowered:
.L_overlay_start_1:
0x0: {  	(tag) =	ssettag $0x1  }
0x1: {  	s3 =	rddreg [dreg:$0x0]  }
0x2: {  	s2 =	rddreg [dreg:$0x1]  }
0x3: {  	s5 =	rddreg [dreg:$0x2];
	s4 =	stileid.u32;
	[bflag:$0x3] =	sbarrier.arrive $0xFFFF  }
0x4: {  	s1 =	simm.s32 $_size_execute1_lowered;
	s29 =	srdreg.scid;
	p0 =	sne.s32 s4, $0x0  }
0x5: {  	s1 =	sshll.u32 s1, $0x1;
	s6 =	simm.s32 @!p0 $0x1C3F;
	s7 =	simm.s32 @!p0 $0x4060  }
0x6: {  	[timem:s7], [sflag:s6] =	dma.local @!p0 [hbm:s3], s1  }
0x7: {  	s31 =	simm.s32 $0x2;
	s14 =	simm.s32 $0x0;
	s3 =	sshll.u32 s29, $0x8  }
0x8: {  	s15 =	simm.s32 $0x0;
	s4 =	sshll.u32 s4, $0x9;
	s3 =	sand.u32 $0x100, s3  }
0x9: {  	s9 =	simm.s32 $0x0;
	s11 =	simm.s32 $0x0;
	s3 =	sor.u32 s4, s3  }
.Ltmp0:
0xa: {  	s10 =	simm.s32 $0x0;
	s30 =	ssub.s32 $0x2700, s3;
	(pc) =	sbr.rel .LBB2_1-.Ltmp0, $4  }
0xb: {  	_ =	strace $0x8000004D;
	s4 =	simm.s32 $0x1;
	s6 =	sshrl.u32 s30, $0xD  }
0xc: {  	s13 =	simm.s32 $0x0;
	[sflag:s4] =	ssyncpa.u1 $0x0;
	s8 =	smul.u32 $0x3, s6  }
0xd: {  	s5 =	sadd.s32 $0x462600, s5;
	s12 =	smov.u32 s3;
	[sflag:s31] =	ssyncpa.u1 $0x0  }
0xe: {  	s6 =	sadd.s32 $0x3, s8;
	s7 =	sor.u32 $0x4, s8;
	s8 =	simm.s32 $0x600  }
.LBB2_8:
0xf: {  	s0 =	sshrl.u32 s11, $0x3  }
0x10: {  	s18 =	sshll.u32 s9, $0x3;
	s0 =	smul.u32 $0xC00, s0  }
0x11: {  	s19 =	sshll.u32 s11, $0x7;
	s18 =	sand.u32 $0xFFFFFC00, s18  }
0x12: {  	s25 =	sshll.u32 s9, $0x1;
	s24 =	sand.u32 $0x300, s19;
	s0 =	sadd.s32 s0, s18  }
0x13: {  	s26 =	sand.u32 $0xFE, s25;
	s0 =	sor.u32 s24, s0  }
0x14: {  	s0 =	sor.u32 s26, s0  }
0x15: {  	s28 =	sand.u32 $0x1, s11;
	s29 =	smulhi.u32 $0xAAAAAAAB, s0  }
0x16: {  	s0 =	sor.u32 s28, s0  }
0x17: {  	s18 =	smulhi.u32 $0xAAAAAAAB, s0;
	s19 =	sshrl.u32 s29, $0x8  }
0x18: {  	s20 =	smulhi.u32 $0x1A36E3, s19  }
0x19: {  	s18 =	sshrl.u32 s18, $0x8  }
0x1a: {  	s18 =	smul.u32 $0x180, s18;
	s20 =	sshrl.u32 s20, $0x2  }
0x1b: {  	s20 =	smul.u32 $0x2710, s20;
	_ =	sdelay $0x1  }
0x1c: {  	s0 =	ssub.s32 s0, s18;
	s30 =	ssub.s32 s19, s20  }
0x1d: {  	s31 =	sshrl.u32 s0, $0x4;
	s0 =	sshll.u32 s0, $0x11;
	s18 =	smul.u32 $0x18, s30  }
0x1e: {  	s19 =	sadd.s32 s5, s31;
	s0 =	sand.u32 $0x1C0000, s0  }
0x1f: {  	s17 =	sor.u32 $0x8000, s17;
	s0 =	sor.u32 $0x200, s0;
	s18 =	sadd.s32 s18, s19  }
0x20: {  	[hbm4b:s18+s0] =	stream.strided.scatter [tilespmem:s17], [sflag:$0x2], s16, s8, s0, $0x38;
	[tilespmem:$0x10000] =	vst v63  }
.LBB2_9:
0x21: {  	p1 =	slt.u32 s13, $0x2  }
0x22: {  	s16 =	smov.u32 s15;
	p2 =	sgt.s32 @!p1 s15, $0x2610;
	s0 =	sshra.s32 @!p1 s15, $0x1F  }
0x23: {  	p3 =	sgt.s32 @!p1 s14, $0x100;
	s17 =	sshra.s32 @!p1 s14, $0x1F;
	p2 =	por !p2, p1  }
0x24: {  	s0 =	sand.u32 @!p1 s0, s15;
	p3 =	por !p3, p1;
	s15 =	smov.u32 s14  }
0x25: {  	s14 =	sand.u32 @!p1 s17, s14;
	s16 =	simm.s32 @p2 $0x2610;
	s15 =	simm.s32 @p3 $0x100  }
0x26: {  	s0 =	ssub.s32 @!p1 s16, s0;
	s14 =	ssub.s32 @!p1 s15, s14  }
0x27: {  	s18 =	smov.u32 s12;
	s15 =	sadd.s32 @!p1 $0xFFFFD9F0, s0;
	s16 =	sadd.s32 @!p1 $0xFFFFFF00, s14  }
0x28: {  	s0 =	ssub.s32 @!p1 $0x2710, s0;
	p2 =	sgt.s32 @!p1 s15, $0xFF;
	p3 =	sgt.s32 @!p1 s16, $0x7F  }
0x29: {  	s14 =	ssub.s32 @!p1 $0x180, s14;
	p2 =	por !p2, p1;
	p3 =	por !p3, p1  }
0x2a: {  	s16 =	sadd.s32 $0x80, s10;
	s0 =	simm.s32 @!p2 $0x0;
	s14 =	simm.s32 @!p3 $0x0  }
0x2b: {  	p2 =	sgt.s32 s16, $0x17F;
	s0 =	smul.u32 @!p1 s0, s14;
	s14 =	sadd.s32 $0x2000, s12  }
0x2c: {  	s18 =	smov.u32 @p2 s14  }
0x2d: {  	s16 =	simm.s32 @p2 $0x0;
	p2 =	sgt.s32 s18, $0x270F  }
0x2e: {  	s18 =	smov.u32 @p2 s3;
	p2 =	sne.s32 s13, s7  }
.Ltmp1:
0x2f: {  	s17 =	simm.s32 @!p1 $0x2;
	s0 =	sshrl.u32 @!p1 s0, $0x1;
	(pc) =	sbr.rel @!p2 .LBB2_10-.Ltmp1, $4  }
0x30: {  	s15 =	smov.u32 s11;
	s11 =	smov.u32 s12;
	s0 =	sand.u32 @!p1 $0x3FFFFFFF, s0  }
0x31: {  	s14 =	smov.u32 s9;
	s9 =	smov.u32 s10;
	_ =	swait.ge @!p1 [sflag:s17], s0  }
0x32: {  	s10 =	smov.u32 s16;
	s0 =	ssub.s32 @!p1 $0x0, s0;
	[sflag:s17] =	ssyncset.done @!p1 $0x0  }
0x33: {  	s13 =	sadd.s32 $0x1, s13;
	s12 =	smov.u32 s18;
	[sflag:s17] =	ssyncadd.s32 @!p1 s0  }
.LBB2_1:
0x34: {  	p1 =	sge.u32 s13, s6;
	s19 =	smov.u32 s12  }
0x35: {  	s16 =	sshrl.u32 @!p1 s12, $0x3;
	s17 =	sshll.u32 @!p1 s10, $0x3;
	s18 =	sshll.u32 @!p1 s12, $0x7  }
0x36: {  	p2 =	sgt.s32 @!p1 s12, $0x2610;
	s20 =	sshra.s32 @!p1 s12, $0x1F;
	s21 =	sshra.s32 @!p1 s10, $0x1F  }
0x37: {  	s16 =	smul.u32 @!p1 $0xC00, s16;
	s17 =	sand.u32 @!p1 $0xFFFFFC00, s17;
	p2 =	por !p2, p1  }
0x38: {  	s20 =	sand.u32 @!p1 s20, s12;
	s21 =	sand.u32 @!p1 s21, s10;
	s19 =	simm.s32 @p2 $0x2610  }
0x39: {  	p2 =	sgt.s32 @!p1 s10, $0x100;
	s16 =	sadd.s32 @!p1 s16, s17;
	s17 =	sand.u32 @!p1 $0x300, s18  }
0x3a: {  	s18 =	sshll.u32 @!p1 s10, $0x1;
	s19 =	ssub.s32 @!p1 s19, s20;
	p2 =	por !p2, p1  }
0x3b: {  	s20 =	smov.u32 s10;
	s16 =	sor.u32 @!p1 s17, s16;
	s17 =	sand.u32 @!p1 $0xFE, s18  }
0x3c: {  	s18 =	sand.u32 @!p1 $0x1, s12;
	s22 =	sadd.s32 @!p1 $0xFFFFD9F0, s19;
	s16 =	sor.u32 @!p1 s17, s16  }
0x3d: {  	s20 =	simm.s32 @p2 $0x100;
	s17 =	sor.u32 @!p1 s18, s16;
	s16 =	smulhi.u32 @!p1 $0xAAAAAAAB, s16  }
0x3e: {  	s19 =	ssub.s32 @!p1 $0x2710, s19;
	p2 =	sgt.s32 @!p1 s22, $0xFF;
	s20 =	ssub.s32 @!p1 s20, s21  }
0x3f: {  	p2 =	por !p2, p1;
	s18 =	smulhi.u32 @!p1 $0xAAAAAAAB, s17;
	s16 =	sshrl.u32 @!p1 s16, $0x8  }
0x40: {  	s21 =	sadd.s32 @!p1 $0xFFFFFF00, s20;
	s20 =	ssub.s32 @!p1 $0x180, s20;
	s22 =	smulhi.u32 @!p1 $0x1A36E3, s16  }
0x41: {  	p3 =	sgt.s32 @!p1 s21, $0x7F;
	s19 =	simm.s32 @!p2 $0x0;
	s18 =	sshrl.u32 @!p1 s18, $0x8  }
0x42: {  	p2 =	por !p3, p1;
	s18 =	smul.u32 @!p1 $0x180, s18;
	s21 =	sshrl.u32 @!p1 s22, $0x2  }
0x43: {  	s20 =	simm.s32 @!p2 $0x0;
	s21 =	smul.u32 @!p1 $0x2710, s21  }
0x44: {  	s19 =	smul.u32 @!p1 s19, s20  }
0x45: {  	s20 =	sxor.u32 @!p1 $0xFFFFFFFF, s13;
	s17 =	ssub.s32 @!p1 s17, s18;
	s16 =	ssub.s32 @!p1 s16, s21  }
0x46: {  	s18 =	sshrl.u32 @!p1 s19, $0x1;
	s19 =	sshrl.u32 @!p1 s17, $0x4;
	s16 =	smul.u32 @!p1 $0x18, s16  }
0x47: {  	s18 =	sand.u32 @!p1 $0x3FFFFFFF, s18;
	s17 =	sshll.u32 @!p1 s17, $0x11;
	s19 =	sadd.s32 @!p1 s2, s19  }
0x48: {  	s17 =	sand.u32 @!p1 $0x1C0000, s17;
	s16 =	sadd.s32 @!p1 s16, s19;
	s19 =	sshll.u32 @!p1 s20, $0xE  }
0x49: {  	s17 =	sor.u32 @!p1 $0x200, s17;
	s20 =	simm.s32 @!p1 $0x600;
	s19 =	sand.u32 @!p1 $0x4000, s19  }
0x4a: {  	[tilespmem:s19], [sflag:$0x1] =	stream.strided.gather @!p1 [hbm4b:s16+s17], s18, s20, s17, $0x38;
	[tilespmem:$0x10000] =	vst v63  }
0x4b: {  	p1 =	seq.s32 s13, $0x0  }
0x4c: {  	p2 =	sge.u32 @!p1 s13, s7  }
0x4d: {  	p1 =	por p1, p2  }
.Ltmp2:
0x4e: {  	_ = 	snop;
	(pc) =	sbr.rel @p1 .LBB2_9-.Ltmp2, $1  }
0x4f: {  	_ =	sdelay $0x3  }
0x50: {  	p1 =	sgt.s32 s11, $0x2610  }
0x51: {  	s16 =	smov.u32 s11;
	s17 =	sshra.s32 s11, $0x1F;
	s18 =	smov.u32 s9  }
0x52: {  	s19 =	sshra.s32 s9, $0x1F;
	s16 =	simm.s32 @!p1 $0x2610;
	p1 =	sgt.s32 s9, $0x100  }
0x53: {  	s17 =	sand.u32 s17, s11;
	s28 =	sand.u32 s19, s9;
	s18 =	simm.s32 @!p1 $0x100  }
0x54: {  	s16 =	ssub.s32 s16, s17;
	s17 =	ssub.s32 s18, s28  }
0x55: {  	s29 =	sadd.s32 $0xFFFFD9F0, s16;
	s16 =	ssub.s32 $0x2710, s16;
	s18 =	sadd.s32 $0xFFFFFF00, s17  }
0x56: {  	p1 =	sgt.s32 s29, $0xFF;
	s17 =	ssub.s32 $0x180, s17;
	p2 =	sgt.s32 s18, $0x7F  }
0x57: {  	s16 =	simm.s32 @p1 $0x0;
	s17 =	simm.s32 @p2 $0x0  }
0x58: {  	s16 =	smul.u32 s16, s17;
	s17 =	sadd.s32 $0x100, s11  }
0x59: {  	p1 =	slt.s32 s17, $0x2710  }
0x5a: {  	s17 =	simm.s32 @!p1 $0x2710  }
0x5b: {  	s18 =	ssub.s32 s17, s11  }
0x5c: {  	p1 =	slt.s32 s18, $0x1  }
.Ltmp3:
0x5d: {  	s16 =	sshrl.u32 s16, $0x1;
	(pc) =	sbr.rel @p1 .LBB2_8-.Ltmp3, $4  }
0x5e: {  	s16 =	sand.u32 $0x3FFFFFFF, s16  }
0x5f: {  	s20 =	sshll.u32 s13, $0xF;
	_ =	swait.ge [sflag:s4], s16  }
0x60: {  	s31 =	sand.u32 $0x8000, s20;
	s30 =	ssub.s32 $0x0, s16;
	[sflag:s4] =	ssyncset.done $0x0  }
0x61: {  	s17 =	sshrl.u32 s31, $0x1;
	[sflag:s4] =	ssyncadd.s32 s30  }
0x62: {  	s19 =	sadd.s32 $0x80, s9  }
0x63: {  	p1 =	slt.s32 s19, $0x180  }
0x64: {  	s19 =	simm.s32 @!p1 $0x180  }
.Ltmp4:
0x65: {  	s19 =	ssub.s32 s19, s9;
	(pc) =	sbr.rel .LBB2_4-.Ltmp4, $4  }
0x66: {  	s25 =	sadd.s32 $0xF, s19  }
0x67: {  	s21 =	sor.u32 $0x8000, s17;
	s24 =	simm.s32 $0x0;
	s19 =	sand.u32 $0xFFFFFFF0, s25  }
0x68: {  	s20 =	sand.u32 $0xFFFFFF00, s25;
	s23 =	sshrl.u32 s25, $0x8;
	p1 =	slt.s32 s25, $0x100  }
0x69: {  	v0 =	vmov s17;
	v1 =	vmov s21;
	s22 =	sshll.u32 s23, $0x9;
	s23 =	sshll.u32 s23, $0xA;
	p2 =	sge.s32 s20, s19  }
.LBB2_7:
0x6a: {  	s24 =	sadd.s32 $0x2, s24  }
0x6b: {  	p3 =	slt.s32 s24, s18  }
.Ltmp5:
0x6c: {  	_ = 	snop;
	(pc) =	sbr.rel @!p3 .LBB2_8-.Ltmp5, $1  }
0x6d: {  	_ =	sdelay $0x3  }
.LBB2_4:
0x6e: {  	_ = 	snop  }
0x6f: {  	s25 =	sshll.u32 @!p1 s24, $0x8  }
0x70: {  	s25 =	sand.u32 @!p1 $0xFE00, s25  }
0x71: {  	s26 =	sshrl.u32 @!p1 s25, $0x2  }
0x72: {  	v2 =	vld.idx.msk @!p1 [tilespmem:v0+s26+$0x0 ss:$0x1], $0xffff  }
0x73: {  	v3 =	vld.idx.msk @!p1 [tilespmem:v0+s26+$0x10 ss:$0x1], $0xffff  }
0x74: {  	s25 =	sor.u32 @!p1 $0x100, s25;
	v4 =	vld.idx.msk @!p1 [tilespmem:v0+s26+$0x20 ss:$0x1], $0xffff  }
0x75: {  	s25 =	sshrl.u32 @!p1 s25, $0x2;
	v5 =	vld.idx.msk @!p1 [tilespmem:v0+s26+$0x30 ss:$0x1], $0xffff  }
0x76: {  	v6 =	vld.idx.msk @!p1 [tilespmem:v0+s25+$0x0 ss:$0x1], $0xffff  }
0x77: {  	v7 =	vld.idx.msk @!p1 [tilespmem:v0+s25+$0x10 ss:$0x1], $0xffff;
	[tilespmem:v1+s26+$0x0 ss:$0x1] =	vst.idx.msk @!p1 $0xffff, v2  }
0x78: {  	v2 =	vld.idx.msk @!p1 [tilespmem:v0+s25+$0x20 ss:$0x1], $0xffff;
	[tilespmem:v1+s26+$0x10 ss:$0x1] =	vst.idx.msk @!p1 $0xffff, v3  }
0x79: {  	v3 =	vld.idx.msk @!p1 [tilespmem:v0+s25+$0x30 ss:$0x1], $0xffff;
	[tilespmem:v1+s26+$0x20 ss:$0x1] =	vst.idx.msk @!p1 $0xffff, v4  }
.Ltmp6:
0x7a: {  	[tilespmem:v1+s26+$0x30 ss:$0x1] =	vst.idx.msk @!p1 $0xffff, v5;
	(pc) =	sbr.rel @p2 .LBB2_7-.Ltmp6, $4  }
0x7b: {  	[tilespmem:v1+s25+$0x0 ss:$0x1] =	vst.idx.msk @!p1 $0xffff, v6  }
0x7c: {  	[tilespmem:v1+s25+$0x10 ss:$0x1] =	vst.idx.msk @!p1 $0xffff, v7  }
0x7d: {  	[tilespmem:v1+s25+$0x20 ss:$0x1] =	vst.idx.msk @!p1 $0xffff, v2  }
0x7e: {  	[tilespmem:v1+s25+$0x30 ss:$0x1] =	vst.idx.msk @!p1 $0xffff, v3  }
0x7f: {  	s25 =	sshll.u32 s24, $0x8;
	s26 =	smov.u32 s23  }
0x80: {  	s28 =	smov.u32 s22;
	s29 =	smov.u32 s20;
	s25 =	sand.u32 $0xFE00, s25  }
.LBB2_6:
0x81: {  	s30 =	sand.u32 $0x100, s26  }
0x82: {  	s30 =	sor.u32 s25, s30  }
0x83: {  	s31 =	sshrl.u32 s28, $0x1;
	s30 =	sshrl.u32 s30, $0x2  }
0x84: {  	s31 =	sand.u32 $0x30, s31;
	s0 =	sadd.s32 s30, s17  }
0x85: {  	s29 =	sadd.s32 $0x10, s29;
	s0 =	sadd.s32 s31, s0  }
0x86: {  	p3 =	slt.s32 s29, s19;
	v2 =	vld [tilespmem:s0+$0x0]  }
.Ltmp7:
0x87: {  	_ = 	snop;
	(pc) =	sbr.rel @p3 .LBB2_6-.Ltmp7, $4  }
0x88: {  	_ = 	snop  }
0x89: {  	s30 =	sadd.s32 s30, s21  }
0x8a: {  	s0 =	sadd.s32 s31, s30  }
0x8b: {  	s28 =	sadd.s32 $0x20, s28;
	s26 =	sadd.s32 $0x40, s26;
	[tilespmem:s0+$0x0] =	vst v2  }
.Ltmp8:
0x8c: {  	_ = 	snop;
	(pc) =	sbr.rel .LBB2_7-.Ltmp8, $1  }
0x8d: {  	_ =	sdelay $0x3  }
.LBB2_10:
0x8e: {  	_ =	sfence.sel $0x180000  }
0x8f: {  	s0 =	simm.s32 $0x1;
	[bflag:$0x0] =	sbarrier.arrive $0xFFFF  }
0x90: {  	s31 =	simm.s32 $0x2;
	[sflag:s0] =	ssyncpa.u1 $0x1  }
0x91: {  	[sflag:s31] =	ssyncpa.u1 $0x1  }
0x92: {  	_ =	strace $0x9000004D  }
0x93: {  	[bflag:$0x2] =	sbarrier.arrive $0xFFFF  }
0x94: {  	s0 =	rddreg [dreg:$0x3]  }
0x95: {  	s0 =	sadd.s32 @!p0 $0x100000, s0  }
0x96: {  	[sflag:s0] =	ssyncadd.tile.s32 @!p0 $0x1;
	s0 =	simm.s32 @!p0 $0x3F  }
0x97: {  	_ =	swait.ge @!p0 [sflag:s0], s1  }
0x98: {  	s1 =	ssub.s32 @!p0 $0x0, s1;
	[sflag:s0] =	ssyncset.done @!p0 $0x0  }
0x99: {  	[sflag:s0] =	ssyncadd.s32 @!p0 s1  }
0x9a: {  	[bflag:$0x3] =	sbarrier.arrive $0xFFFF  }
0x9b: {  	_ =	shalt  }
.Lfunc_end2:
execute1_lowered:
.L_overlay_start_2:
0x9c: {  	(tag) =	ssettag $0x2  }
0x9d: {  	s2 =	rddreg [dreg:$0x0]  }
0x9e: {  	s5 =	rddreg [dreg:$0x1];
	_ =	strace $0x80000050;
	s0 =	simm.s32 $0x1  }
0x9f: {  	v0 =	vimm.s32 $0x0;
	[sflag:s0] =	ssyncpa.u1 $0x0;
	s0 =	simm.s32 $0x308  }
0xa0: {  	[tilespmem:s0+$0x70] =	vst v0  }
0xa1: {  	[tilespmem:s0+$0x60] =	vst v0  }
0xa2: {  	[tilespmem:s0+$0x50] =	vst v0  }
0xa3: {  	[tilespmem:s0+$0x40] =	vst v0  }
0xa4: {  	[tilespmem:s0+$0x30] =	vst v0  }
0xa5: {  	[tilespmem:s0+$0x20] =	vst v0  }
0xa6: {  	s1 =	sadd.s32 $0x462600, s2;
	s22 =	sadd.s32 $0x3C1200, s2;
	s2 =	simm.s32 $0x40;
	[tilespmem:s0+$0x10] =	vst v0  }
.LBB3_1:
0xa7: {  	s2 =	sadd.s32 $0x40, s2;
	[tilespmem:s0+$0x0] =	vst v0;
	s0 =	sadd.s32 $0x80, s0  }
0xa8: {  	p0 =	slt.u32 s2, $0x48C0;
	[tilespmem:s0+$0x70] =	vst v0  }
0xa9: {  	[tilespmem:s0+$0x60] =	vst v0  }
.Ltmp9:
0xaa: {  	[tilespmem:s0+$0x50] =	vst v0;
	(pc) =	sbr.rel @p0 .LBB3_1-.Ltmp9, $4  }
0xab: {  	[tilespmem:s0+$0x40] =	vst v0  }
0xac: {  	[tilespmem:s0+$0x30] =	vst v0  }
0xad: {  	[tilespmem:s0+$0x20] =	vst v0  }
0xae: {  	[tilespmem:s0+$0x10] =	vst v0  }
0xaf: {  	s2 =	srdreg.scid  }
0xb0: {  	s2 =	sshll.u32 s2, $0x4  }
0xb1: {  	s6 =	stileid.u32;
	s2 =	sand.u32 $0x10, s2  }
0xb2: {  	s2 =	sor.u32 s6, s2  }
0xb3: {  	s3 =	simm.s32 $0x1;
	p0 =	sne.s32 s2, $0x0;
	s4 =	smul.u32 $0xD, s2  }
0xb4: {  	s3 =	simm.s32 @!p0 $0x0  }
0xb5: {  	s3 =	sadd.s32 s3, s4  }
0xb6: {  	p0 =	seq.s32 s2, $0x0;
	s2 =	simm.s32 $0x540;
	s23 =	smul.u32 $0x60, s3  }
0xb7: {  	s2 =	simm.s32 @!p0 $0x4E0  }
0xb8: {  	s2 =	sadd.s32 s2, s23  }
0xb9: {  	s8 =	smin.u32 s2, $0x9C60  }
0xba: {  	s2 =	ssub.s32 s8, s23  }
0xbb: {  	p0 =	sgt.s32 s2, $0x0  }
0xbc: {  	s2 =	simm.s32 @!p0 $0x0  }
0xbd: {  	s28 =	smul.u32 $0xAAAB, s2  }
0xbe: {  	[tilespmem:s0+$0x0] =	vst v0;
	s29 =	simm.s32 $0x2;
	s10 =	simm.s32 $0x9;
	s0 =	simm.s32 $0x1  }
0xbf: {  	s11 =	simm.s32 $0x1;
	s31 =	smul.u32 $0xC00, s6;
	s3 =	sshrl.u32 s28, $0x16  }
0xc0: {  	p1 =	por $0x0, $0x0;
	s25 =	simm.s32 $0xA;
	s30 =	smul.u32 $0x60, s3  }
.Ltmp10:
0xc1: {  	s15 =	simm.s32 $0x80;
	s16 =	simm.s32 $0x40;
	(pc) =	sbr.rel .LBB3_3-.Ltmp10, $4  }
0xc2: {  	v0 =	vimm.s32 $0xFFFFFFFF;
	s18 =	simm.s32 $0x0;
	[dreg:$0x5] =	wrdreg s22;
	[sflag:s29] =	ssyncpa.u1 $0x0  }
0xc3: {  	[tilespmem:$0x12608] =	vst v0;
	[sflag:s10] =	ssyncpa.u1 $0x0;
	s13 =	sshrl.u32 s31, $0x2;
	p0 =	sne.s32 s2, s30  }
0xc4: {  	s17 =	smov.u32 s23;
	[dreg:$0x6] =	wrdreg s23;
	s0 =	simm.s32 @!p0 $0x0  }
0xc5: {  	v1 =	vimm.f32 $0.0e+00;
	v0 =	vlaneseq.u32;
	p0 =	por $0x1, $0x1;
	s12 =	sadd.s32 s3, s0;
	s0 =	simm.s32 $0x0  }
.LBB3_41:
0xc6: {  	s22 =	rddreg [dreg:$0x5]  }
0xc7: {  	s0 =	sshrl.u32 s24, $0x2;
	s23 =	rddreg [dreg:$0x6];
	s25 =	simm.s32 $0xA  }
.LBB3_43:
0xc8: {  	_ =	swait.ge [sflag:s25], s0;
	v2 =	vmov s2;
	vm0 =	veq.s32 v0, $0x0  }
0xc9: {  	s31 =	ssub.s32 $0x0, s0;
	vm14 =	veq.s32 v0, $0x2;
	[sflag:s25] =	ssyncset.done $0x0;
	v2 =	vsel vm0, s21, v2  }
0xca: {  	vm15 =	veq.s32 v0, $0x3;
	[sflag:s25] =	ssyncadd.s32 s31;
	v2 =	vsel vm14, s28, v2  }
0xcb: {  	[sflag:s25] =	ssyncpa.u1 $0x1;
	v2 =	vsel vm15, s30, v2  }
0xcc: {  	[tilespmem:$0x12608] =	vst v2  }
.LBB3_44:
0xcd: {  	s0 =	sadd.s32 $0x60, s17  }
0xce: {  	s2 =	smov.u32 s23;
	p2 =	slt.s32 s0, s8  }
0xcf: {  	s2 =	smov.u32 @p2 s0;
	p2 =	sne.s32 s18, s12  }
.Ltmp11:
0xd0: {  	_ = 	snop;
	(pc) =	sbr.rel @!p2 .LBB3_45-.Ltmp11, $3  }
0xd1: {  	_ =	sdelay $0x1  }
0xd2: {  	s3 =	sadd.s32 $0x1, s18;
	p0 =	por !p0, !p0;
	p1 =	por !p1, !p1  }
0xd3: {  	s0 =	smov.u32 s17;
	s18 =	smov.u32 s3;
	s17 =	smov.u32 s2  }
.LBB3_3:
0xd4: {  	p2 =	sge.u32 s18, s12  }
0xd5: {  	p3 =	sgt.s32 @!p2 s17, $0x9C00  }
0xd6: {  	s2 =	smov.u32 s17;
	s3 =	sshra.s32 @!p2 s17, $0x1F;
	p3 =	por !p3, p2  }
0xd7: {  	s3 =	sand.u32 @!p2 s3, s17;
	s2 =	simm.s32 @p3 $0x9C00  }
0xd8: {  	s2 =	ssub.s32 @!p2 s2, s3;
	s3 =	sxor.u32 @!p2 $0xFFFFFFFF, s18  }
0xd9: {  	s2 =	sadd.s32 @!p2 $0xFFFF6400, s2;
	s3 =	sand.u32 @!p2 $0x1, s3  }
0xda: {  	s4 =	sshll.u32 @!p2 s2, $0x2;
	p3 =	sgt.s32 @!p2 s2, $0x5F;
	s3 =	smul.u32 @!p2 $0x180, s3  }
0xdb: {  	s6 =	sand.u32 @!p2 $0x7, s17;
	s2 =	ssub.s32 @!p2 $0x180, s4;
	p3 =	por !p3, p2  }
0xdc: {  	s4 =	sshrl.u32 @!p2 s17, $0x3;
	s2 =	sshrl.u32 @!p2 s2, $0x2;
	s3 =	sshrl.u32 @!p2 s3, $0x2  }
0xdd: {  	s4 =	sadd.s32 @!p2 s22, s4;
	s2 =	simm.s32 @!p3 $0x0;
	s3 =	sadd.s32 @!p2 $0x15648, s3  }
0xde: {  	[tilespmem:s3], [sflag:$0x9] =	stream.linear.gather @!p2 [hbm4b:s4+s6], s2, $0x38;
	[tilespmem:$0x1E708] =	vst v63  }
0xdf: {  	s2 =	ssub.s32 @!p2 $0x9C40, s17  }
0xe0: {  	p3 =	slt.s32 @!p2 s2, $0x1  }
0xe1: {  	p3 =	por p2, p3  }
.Ltmp12:
0xe2: {  	_ = 	snop;
	(pc) =	sbr.rel @p3 .LBB3_10-.Ltmp12, $1  }
0xe3: {  	_ =	sdelay $0x3  }
0xe4: {  	p3 =	sgt.s32 @!p2 s2, $0x0  }
0xe5: {  	s3 =	simm.s32 $0x1;
	p3 =	por !p3, p2  }
0xe6: {  	s3 =	simm.s32 @!p0 $0x0;
	s2 =	simm.s32 @p3 $0x0  }
0xe7: {  	s6 =	smul.u32 $0x12000, s3;
	s3 =	smin.u32 @!p2 s2, $0x60  }
0xe8: {  	s4 =	sadd.s32 $0x0, s17;
	p3 =	sgt.u32 s3, $0x2  }
.Ltmp13:
0xe9: {  	s30 =	sshrl.u32 s4, $0x3;
	(pc) =	sbr.rel @!p3 .LBB3_5-.Ltmp13, $4  }
0xea: {  	s4 =	sshll.u32 s17, $0x7;
	s7 =	smul.u32 $0xC00, s30  }
0xeb: {  	s31 =	sand.u32 $0x300, s4  }
0xec: {  	s6 =	sshrl.u32 s6, $0x2;
	s7 =	sor.u32 s31, s7  }
0xed: {  	p2 =	por $0x0, $0x0;
	s2 =	sadd.s32 $0x15708, s6;
	s9 =	sshrl.u32 s7, $0x4  }
0xee: {  	s6 =	sadd.s32 $0x2, s17;
	s7 =	sadd.s32 s5, s9;
	p3 =	sgt.u32 s3, $0x4  }
0xef: {  	[tilespmem:s2], [sflag:$0x9] =	stream.strided.gather [hbm:s7], $0x180, s16, s15, $0x38;
	[tilespmem:$0x1E708] =	vst v63  }
.Ltmp14:
0xf0: {  	s6 =	sshrl.u32 s6, $0x3;
	(pc) =	sbr.rel @!p3 .LBB3_7-.Ltmp14, $4  }
0xf1: {  	s4 =	sadd.s32 $0x100, s4;
	s6 =	smul.u32 $0xC00, s6  }
0xf2: {  	s31 =	sand.u32 $0x300, s4  }
0xf3: {  	p2 =	por $0x1, $0x1;
	s6 =	sor.u32 s31, s6  }
0xf4: {  	s7 =	simm.s32 $0x4;
	s9 =	sshrl.u32 s6, $0x4;
	s6 =	smov.u32 s2  }
.LBB3_8:
0xf5: {  	s14 =	sadd.s32 s7, s17  }
0xf6: {  	s9 =	sadd.s32 s5, s9;
	s6 =	sadd.s32 $0x180, s6;
	s7 =	sadd.s32 $0x2, s7  }
0xf7: {  	[tilespmem:s6], [sflag:$0x9] =	stream.strided.gather [hbm:s9], $0x180, s16, s15, $0x38;
	[tilespmem:$0x1E708] =	vst v63  }
0xf8: {  	p3 =	slt.u32 s7, s3  }
.Ltmp15:
0xf9: {  	s9 =	sshrl.u32 s14, $0x3;
	(pc) =	sbr.rel @p3 .LBB3_8-.Ltmp15, $4  }
0xfa: {  	s4 =	sadd.s32 $0x100, s4;
	s9 =	smul.u32 $0xC00, s9  }
0xfb: {  	s14 =	sand.u32 $0x300, s4  }
0xfc: {  	s9 =	sor.u32 s14, s9  }
0xfd: {  	s9 =	sshrl.u32 s9, $0x4  }
.LBB3_9:
0xfe: {  	s3 =	sadd.s32 @p2 $0x180, s6  }
0xff: {  	s4 =	sadd.s32 s5, s9;
	s2 =	smov.u32 @p2 s3  }
0x100: {  	[tilespmem:s2], [sflag:$0x9] =	stream.strided.gather [hbm:s4], $0x180, s16, s15, $0x38;
	[tilespmem:$0x1E708] =	vst v63  }
.LBB3_10:
0x101: {  	p2 =	seq.s32 s18, $0x0  }
.Ltmp16:
0x102: {  	_ = 	snop;
	(pc) =	sbr.rel @p2 .LBB3_44-.Ltmp16, $1  }
0x103: {  	_ =	sdelay $0x3  }
0x104: {  	s2 =	ssub.s32 $0x9C40, s0;
	p2 =	sgt.s32 s0, $0x9C00  }
0x105: {  	s3 =	smov.u32 s0;
	s4 =	sshra.s32 s0, $0x1F;
	p3 =	sgt.s32 s2, $0x0  }
0x106: {  	s3 =	simm.s32 @!p2 $0x9C00;
	s4 =	sand.u32 s4, s0;
	s2 =	simm.s32 @!p3 $0x0  }
0x107: {  	s3 =	ssub.s32 s3, s4;
	s26 =	smin.u32 s2, $0x60  }
0x108: {  	s3 =	sadd.s32 $0xFFFF6400, s3;
	s4 =	smul.u32 $0xC0, s26  }
0x109: {  	s6 =	sshll.u32 s3, $0x2  }
0x10a: {  	p2 =	sgt.s32 s3, $0x5F;
	s29 =	ssub.s32 $0x180, s6;
	_ =	swait.ge [sflag:s10], s4  }
0x10b: {  	s4 =	ssub.s32 $0x0, s4;
	s3 =	sshrl.u32 s29, $0x2;
	[sflag:s10] =	ssyncset.done $0x0  }
0x10c: {  	s3 =	simm.s32 @p2 $0x0;
	[sflag:s10] =	ssyncadd.s32 s4  }
0x10d: {  	_ =	swait.ge [sflag:s10], s3  }
0x10e: {  	s3 =	ssub.s32 $0x0, s3;
	[sflag:s10] =	ssyncset.done $0x0  }
0x10f: {  	[sflag:s10] =	ssyncadd.s32 s3  }
0x110: {  	v2 =	vld [tilespmem:$0x12608];
	_ =	sdelay $0x4  }
0x111: {  	(v2sf) =	vpush v2, $0x0  }
0x112: {  	(v2sf) =	vpush v2, $0x1  }
0x113: {  	(v2sf) =	vpush v2, $0x2  }
0x114: {  	(v2sf) =	vpush v2, $0x3;
	_ =	sdelay $0x3  }
0x115: {  	s3 =	sadd.s32 $0x60, s0  }
0x116: {  	p2 =	slt.s32 s8, s3  }
0x117: {  	s3 =	smov.u32 @p2 s8  }
0x118: {  	s19 =	ssub.s32 s3, s0  }
0x119: {  	p2 =	slt.s32 s2, s19  }
0x11a: {  	s19 =	smov.u32 @p2 s2  }
0x11b: {  	s6 =	simm.s32 $0x1;
	p2 =	slt.s32 s19, $0x1  }
.Ltmp17:
0x11c: {  	s6 =	simm.s32 @!p1 $0x0;
	(pc) =	sbr.rel @p2 .LBB3_15-.Ltmp17, $4  }
0x11d: {  	s31 =	smul.u32 $0x180, s6;
	s4 =	spop (v2sf)  }
0x11e: {  	s9 =	spop (v2sf)  }
0x11f: {  	s0 =	sshrl.u32 s31, $0x2;
	s28 =	spop (v2sf)  }
0x120: {  	s3 =	sadd.s32 $0x15648, s0;
	s30 =	spop (v2sf)  }
0x121: {  	s0 =	smin.u32 s19, $0x10  }
0x122: {  	v2 =	vmov s0  }
0x123: {  	vm1 =	vgt.u32 v2, v0;
	_ =	sdelay $0x2  }
0x124: {  	p3 =	sgt.s32 s19, $0x10  }
.Ltmp18:
0x125: {  	_ = 	snop;
	(pc) =	sbr.rel @!p3 .LBB3_14-.Ltmp18, $3  }
0x126: {  	_ = 	snop  }
0x127: {  	v2 =	vld.msk [tilespmem:s3+$0x0 ss:$0x1], vm1;
	_ =	sdelay $0x1  }
0x128: {  	s2 =	simm.s32 $0x10;
	s20 =	sadd.s32 $0xFFFFFFF0, s19;
	s0 =	smov.u32 s3;
	vm0 =	vmmov vm1  }
.LBB3_13:
0x129: {  	s6 =	smin.u32 s20, $0x10;
	s2 =	sadd.s32 $0x10, s2  }
0x12a: {  	v3 =	vmov s6;
	p3 =	slt.s32 s2, s19  }
0x12b: {  	vm1 =	vgt.u32 v3, v0;
	v3 =	vshrl.u32 v2, $0x3  }
0x12c: {  	v4 =	vshll.u32 v2, $0x7;
	v3 =	vmul.u32 $0xC00, v3  }
0x12d: {  	v4 =	vand.u32 $0x300, v4  }
0x12e: {  	v2 =	vand.u32 $0x1, v2;
	v3 =	vor.u32 v4, v3  }
0x12f: {  	v2 =	vor.u32 v2, v3  }
.Ltmp19:
0x130: {  	[tilespmem:s0+$0x0] =	vst.msk vm0, v2;
	s0 =	sadd.s32 $0x10, s0;
	vm0 =	vmmov vm1;
	(pc) =	sbr.rel @p3 .LBB3_13-.Ltmp19, $2  }
0x131: {  	v2 =	vld.msk [tilespmem:s0+$0x0 ss:$0x1], vm1;
	_ =	sdelay $0x2  }
0x132: {  	s20 =	sadd.s32 $0xFFFFFFF0, s20  }
.LBB3_14:
0x133: {  	_ =	sdelay $0x1  }
0x134: {  	v3 =	vshrl.u32 v2, $0x3  }
0x135: {  	v4 =	vshll.u32 v2, $0x7;
	v3 =	vmul.u32 $0xC00, v3  }
0x136: {  	v4 =	vand.u32 $0x300, v4  }
0x137: {  	v2 =	vand.u32 $0x1, v2;
	v3 =	vor.u32 v4, v3  }
0x138: {  	v2 =	vor.u32 v2, v3  }
0x139: {  	[tilespmem:s0+$0x0] =	vst.msk vm0, v2  }
.LBB3_15:
0x13a: {  	s0 =	sand.u32 $0x1, s18  }
0x13b: {  	s24 =	smul.u32 $0x60, s0  }
0x13c: {  	p3 =	sne.s32 s9, $0xFFFFFFFF  }
0x13d: {  	v2 =	vld.msk @!p3 [tilespmem:s24+$0x15648], $0x1;
	_ =	sdelay $0x4  }
0x13e: {  	(v2sf) =	vpush @!p3 v2, $0x0;
	_ =	sdelay $0xc  }
.Ltmp20:
0x13f: {  	_ = 	snop;
	(pc) =	sbr.rel @p2 .LBB3_42-.Ltmp20, $4  }
0x140: {  	_ = 	snop  }
0x141: {  	s21 =	spop @!p3 (v2sf)  }
0x142: {  	s30 =	simm.s32 @!p3 $0x1;
	s28 =	simm.s32 @!p3 $0x0;
	s2 =	smov.u32 s21  }
0x143: {  	[sflag:s25] =	ssyncpa.u1 $0x0;
	s21 =	smov.u32 @p3 s4;
	s2 =	smov.u32 @p3 s9  }
0x144: {  	v2 =	vld.msk [tilespmem:s3+$0x0], $0x1;
	_ =	sdelay $0x4  }
0x145: {  	(v2sf) =	vpush v2, $0x0;
	_ =	sdelay $0xe  }
0x146: {  	s20 =	spop (v2sf)  }
0x147: {  	s4 =	sxor.u32 s21, s20  }
0x148: {  	p2 =	slt.u32 s4, $0x2  }
0x149: {  	s22 =	simm.s32 $0x0;
	s6 =	smov.u32 s21;
	p3 =	sgt.s32 @!p2 s21, $0x0  }
0x14a: {  	s3 =	sadd.s32 $0x1, s3;
	s7 =	smul.u32 @!p2 $0x600, s22;
	p3 =	por !p3, p2  }
0x14b: {  	s4 =	sadd.s32 $0xFFFFFFFF, s19;
	s23 =	simm.s32 @!p2 $0x1;
	s6 =	simm.s32 @p3 $0x0  }
0x14c: {  	s7 =	sshra.s32 @!p2 s7, $0x2;
	p3 =	sne.s32 s4, $0x0;
	s6 =	smin.u32 @!p2 s6, $0x3A8F01  }
0x14d: {  	s14 =	sadd.s32 @!p2 $0x9488, s7;
	s9 =	sshrl.u32 @!p2 s6, $0x1;
	s6 =	sshrl.u32 @!p2 s6, $0x4  }
.Ltmp21:
0x14e: {  	s25 =	sadd.s32 @!p2 s1, s6;
	s6 =	sand.u32 @!p2 $0x7, s9;
	(pc) =	sbr.rel @!p3 .LBB3_18-.Ltmp21, $4  }
0x14f: {  	[tilespmem:s14], [sflag:$0x2] =	stream.linear.gather @!p2 [hbm4b:s25+s6], $0x80, $0x38;
	[tilespmem:$0x1E708] =	vst v63  }
0x150: {  	s23 =	smov.u32 @p2 s22;
	s9 =	sadd.s32 @!p2 $0x9508, s7;
	s14 =	sadd.s32 @!p2 $0x40, s25  }
0x151: {  	[tilespmem:s9], [sflag:$0x2] =	stream.linear.gather @!p2 [hbm4b:s14+s6], $0x80, $0x38;
	[tilespmem:$0x1E708] =	vst v63  }
0x152: {  	s7 =	sadd.s32 @!p2 $0x9588, s7;
	s9 =	sadd.s32 $0x15648, s24;
	s14 =	sadd.s32 @!p2 $0x80, s25  }
.LBB3_17:
0x153: {  	s24 =	smov.u32 s23  }
0x154: {  	[tilespmem:s7], [sflag:$0x2] =	stream.linear.gather @!p2 [hbm4b:s14+s6], $0x80, $0x38;
	[tilespmem:$0x1E708] =	vst v63  }
0x155: {  	s4 =	sadd.s32 $0xFFFFFFFF, s4;
	s6 =	smov.u32 s20;
	v2 =	vld.msk [tilespmem:s3+$0x0], $0x1  }
0x156: {  	p3 =	sne.s32 s4, $0x0;
	_ =	sdelay $0x3  }
0x157: {  	(v2sf) =	vpush v2, $0x0;
	_ =	sdelay $0xe  }
0x158: {  	s20 =	spop (v2sf)  }
0x159: {  	s7 =	sxor.u32 s6, s20  }
0x15a: {  	p2 =	slt.u32 s7, $0x2  }
0x15b: {  	p4 =	sgt.s32 @!p2 s6, $0x0;
	s7 =	smul.u32 @!p2 $0x600, s23;
	s23 =	sadd.s32 @!p2 $0x1, s23  }
0x15c: {  	p4 =	por !p4, p2;
	s23 =	smov.u32 @p2 s24  }
0x15d: {  	s6 =	simm.s32 @p4 $0x0;
	s7 =	sshra.s32 @!p2 s7, $0x2  }
0x15e: {  	s6 =	smin.u32 @!p2 s6, $0x3A8F01;
	s14 =	sadd.s32 @!p2 $0x9488, s7;
	s24 =	sadd.s32 @!p2 $0x9508, s7  }
0x15f: {  	s7 =	sadd.s32 @!p2 $0x9588, s7;
	s25 =	sshrl.u32 @!p2 s6, $0x1;
	s6 =	sshrl.u32 @!p2 s6, $0x4  }
.Ltmp22:
0x160: {  	s26 =	sadd.s32 @!p2 s1, s6;
	s6 =	sand.u32 @!p2 $0x7, s25;
	(pc) =	sbr.rel @p3 .LBB3_17-.Ltmp22, $4  }
0x161: {  	[tilespmem:s14], [sflag:$0x2] =	stream.linear.gather @!p2 [hbm4b:s26+s6], $0x80, $0x38;
	[tilespmem:$0x1E708] =	vst v63  }
0x162: {  	s25 =	sadd.s32 @!p2 $0x40, s26;
	s14 =	sadd.s32 @!p2 $0x80, s26  }
0x163: {  	[tilespmem:s24], [sflag:$0x2] =	stream.linear.gather @!p2 [hbm4b:s25+s6], $0x80, $0x38;
	[tilespmem:$0x1E708] =	vst v63  }
0x164: {  	s3 =	sadd.s32 $0x1, s3  }
.LBB3_18:
0x165: {  	s3 =	smul.u32 $0x600, s23  }
0x166: {  	[tilespmem:s7], [sflag:$0x2] =	stream.linear.gather @!p2 [hbm4b:s14+s6], $0x80, $0x38;
	[tilespmem:$0x1E708] =	vst v63  }
0x167: {  	s0 =	smul.u32 $0x12000, s0  }
.Ltmp23:
0x168: {  	_ = 	snop;
	(pc) =	sbr.rel .LBB3_19-.Ltmp23, $4  }
0x169: {  	s4 =	simm.s32 $0x2;
	s3 =	sshrl.u32 s3, $0x2;
	s0 =	sshrl.u32 s0, $0x2  }
0x16a: {  	_ =	swait.ge [sflag:s4], s3;
	s0 =	sadd.s32 $0x15708, s0  }
0x16b: {  	s23 =	sand.u32 $0xFFFFFFFE, s2;
	s3 =	ssub.s32 $0x0, s3;
	[sflag:s4] =	ssyncset.done $0x0;
	v3 =	vmov s0  }
0x16c: {  	v2 =	vmov s9;
	s24 =	simm.s32 $0x0;
	s25 =	simm.s32 $0x0;
	[sflag:s4] =	ssyncadd.s32 s3  }
.LBB3_40:
0x16d: {  	s25 =	sadd.s32 $0x1, s25  }
0x16e: {  	p2 =	sne.s32 s25, s19  }
.Ltmp24:
0x16f: {  	_ = 	snop;
	(pc) =	sbr.rel @!p2 .LBB3_41-.Ltmp24, $1  }
0x170: {  	_ =	sdelay $0x3  }
.LBB3_19:
0x171: {  	_ =	sdelay $0x3  }
0x172: {  	v4 =	vld.idx.msk [tilespmem:v2+s25+$0x0 ss:$0x1], $0x1;
	_ =	sdelay $0x4  }
0x173: {  	(v2sf) =	vpush v4, $0x0;
	_ =	sdelay $0xe  }
0x174: {  	s20 =	smov.u32 s21;
	s21 =	spop (v2sf)  }
0x175: {  	p2 =	sne.s32 s20, s21  }
.Ltmp25:
0x176: {  	s0 =	sshrl.u32 s25, $0x1;
	(pc) =	sbr.rel @p2 .LBB3_22-.Ltmp25, $3  }
0x177: {  	s29 =	smul.u32 $0x300, s0;
	_ =	sdelay $0x1  }
0x178: {  	s0 =	sshrl.u32 s29, $0x1  }
0x179: {  	s26 =	sadd.s32 $0x100, s0  }
0x17a: {  	_ =	sdelay $0x3  }
0x17b: {  	v4 =	vld.idx.msk [tilespmem:v3+s0+$0x0 ss:$0x1], $0xffff;
	_ =	sdelay $0x1  }
0x17c: {  	v5 =	vld.idx.msk [tilespmem:v3+s0+$0x10 ss:$0x1], $0xffff;
	_ =	sdelay $0x1  }
0x17d: {  	s3 =	sand.u32 $0x1, s25;
	s4 =	smul.u32 $0x600, s28  }
0x17e: {  	p2 =	seq.s32 s3, $0x0;
	v6 =	vunpack.i.u.bf16.f32 v4;
	v4 =	vunpack.i.l.bf16.f32 v4  }
0x17f: {  	s3 =	sshra.s32 s4, $0x2;
	v4 =	vpsel p2, v4, v6  }
0x180: {  	[tilespmem:s3+$0x308] =	vst.add.f32.msk $0xffff, v4;
	v4 =	vunpack.i.u.bf16.f32 v5;
	v5 =	vunpack.i.l.bf16.f32 v5  }
0x181: {  	v4 =	vpsel p2, v5, v4;
	v5 =	vld.idx.msk [tilespmem:v3+s0+$0x20 ss:$0x1], $0xffff  }
0x182: {  	[tilespmem:s3+$0x318] =	vst.add.f32.msk $0xffff, v4  }
0x183: {  	v4 =	vld.idx.msk [tilespmem:v3+s0+$0x30 ss:$0x1], $0xffff  }
0x184: {  	v50 =	vld.idx.msk [tilespmem:v3+s0+$0x40 ss:$0x1], $0xffff  }
0x185: {  	v7 =	vld.idx.msk [tilespmem:v3+s0+$0x50 ss:$0x1], $0xffff  }
0x186: {  	v9 =	vld.idx.msk [tilespmem:v3+s0+$0x60 ss:$0x1], $0xffff;
	v8 =	vunpack.i.u.bf16.f32 v5;
	v5 =	vunpack.i.l.bf16.f32 v5  }
0x187: {  	v51 =	vld.idx.msk [tilespmem:v3+s0+$0x70 ss:$0x1], $0xffff;
	s31 =	sadd.s32 $0x100, s29;
	v5 =	vpsel p2, v5, v8  }
0x188: {  	s0 =	sshrl.u32 s31, $0x1;
	[tilespmem:s3+$0x328] =	vst.add.f32.msk $0xffff, v5;
	v5 =	vunpack.i.u.bf16.f32 v4;
	v4 =	vunpack.i.l.bf16.f32 v4  }
0x189: {  	s4 =	sadd.s32 $0x120, s29;
	v4 =	vpsel p2, v4, v5;
	v5 =	vld.idx.msk [tilespmem:v3+s0+$0x0 ss:$0x1], $0xffff  }
0x18a: {  	v6 =	vunpack.i.l.bf16.f32 v50;
	s0 =	sshrl.u32 s4, $0x1;
	[tilespmem:s3+$0x338] =	vst.add.f32.msk $0xffff, v4;
	v4 =	vunpack.i.u.bf16.f32 v50  }
0x18b: {  	s6 =	sadd.s32 $0x140, s29;
	v52 =	vld.idx.msk [tilespmem:v3+s0+$0x0 ss:$0x1], $0xffff;
	v4 =	vpsel p2, v6, v4  }
0x18c: {  	s0 =	sshrl.u32 s6, $0x1;
	[tilespmem:s3+$0x348] =	vst.add.f32.msk $0xffff, v4;
	v4 =	vunpack.i.u.bf16.f32 v7;
	v7 =	vunpack.i.l.bf16.f32 v7  }
0x18d: {  	s7 =	sadd.s32 $0x160, s29;
	v53 =	vld.idx.msk [tilespmem:v3+s0+$0x0 ss:$0x1], $0xffff;
	v4 =	vpsel p2, v7, v4  }
0x18e: {  	s0 =	sshrl.u32 s7, $0x1;
	[tilespmem:s3+$0x358] =	vst.add.f32.msk $0xffff, v4;
	v4 =	vunpack.i.u.bf16.f32 v9;
	v9 =	vunpack.i.l.bf16.f32 v9  }
0x18f: {  	s9 =	sadd.s32 $0x180, s29;
	v54 =	vld.idx.msk [tilespmem:v3+s0+$0x0 ss:$0x1], $0xffff;
	v4 =	vpsel p2, v9, v4  }
0x190: {  	v8 =	vunpack.i.l.bf16.f32 v51;
	s0 =	sshrl.u32 s9, $0x1;
	[tilespmem:s3+$0x368] =	vst.add.f32.msk $0xffff, v4;
	v4 =	vunpack.i.u.bf16.f32 v51  }
0x191: {  	s14 =	sadd.s32 $0x1A0, s29;
	v55 =	vld.idx.msk [tilespmem:v3+s0+$0x0 ss:$0x1], $0xffff;
	v4 =	vpsel p2, v8, v4  }
0x192: {  	s0 =	sshrl.u32 s14, $0x1;
	[tilespmem:s3+$0x378] =	vst.add.f32.msk $0xffff, v4;
	v4 =	vunpack.i.u.bf16.f32 v5;
	v5 =	vunpack.i.l.bf16.f32 v5  }
0x193: {  	s20 =	sadd.s32 $0x1C0, s29;
	v4 =	vpsel p2, v5, v4;
	v5 =	vld.idx.msk [tilespmem:v3+s0+$0x0 ss:$0x1], $0xffff  }
0x194: {  	s29 =	sadd.s32 $0x1E0, s29;
	s0 =	sshrl.u32 s20, $0x1;
	[tilespmem:s3+$0x388] =	vst.add.f32.msk $0xffff, v4  }
0x195: {  	s31 =	sshrl.u32 s29, $0x1;
	v6 =	vunpack.i.l.bf16.f32 v52;
	v4 =	vunpack.i.u.bf16.f32 v52;
	v10 =	vld.idx.msk [tilespmem:v3+s0+$0x0 ss:$0x1], $0xffff  }
0x196: {  	v11 =	vld.idx.msk [tilespmem:v3+s31+$0x0 ss:$0x1], $0xffff;
	v56 =	vunpack.i.u.bf16.f32 v53;
	v7 =	vunpack.i.l.bf16.f32 v53;
	v4 =	vpsel p2, v6, v4  }
0x197: {  	v57 =	vunpack.i.u.bf16.f32 v54;
	v58 =	vunpack.i.l.bf16.f32 v54;
	[tilespmem:s3+$0x398] =	vst.add.f32.msk $0xffff, v4;
	v4 =	vpsel p2, v7, v56  }
0x198: {  	v59 =	vunpack.i.u.bf16.f32 v55;
	v60 =	vunpack.i.l.bf16.f32 v55;
	[tilespmem:s3+$0x3A8] =	vst.add.f32.msk $0xffff, v4;
	v4 =	vpsel p2, v58, v57  }
0x199: {  	[tilespmem:s3+$0x3B8] =	vst.add.f32.msk $0xffff, v4;
	v4 =	vpsel p2, v60, v59;
	v61 =	vunpack.i.u.bf16.f32 v5;
	v5 =	vunpack.i.l.bf16.f32 v5  }
0x19a: {  	[tilespmem:s3+$0x3C8] =	vst.add.f32.msk $0xffff, v4;
	v4 =	vpsel p2, v5, v61;
	v5 =	vunpack.i.u.bf16.f32 v10;
	v62 =	vunpack.i.l.bf16.f32 v10  }
0x19b: {  	v63 =	vunpack.i.l.bf16.f32 v11;
	[tilespmem:s3+$0x3D8] =	vst.add.f32.msk $0xffff, v4;
	v4 =	vpsel p2, v62, v5;
	v5 =	vunpack.i.u.bf16.f32 v11  }
0x19c: {  	[tilespmem:s3+$0x3E8] =	vst.add.f32.msk $0xffff, v4;
	v4 =	vpsel p2, v63, v5  }
0x19d: {  	s0 =	sadd.s32 $0x408, s3;
	[tilespmem:s3+$0x3F8] =	vst.add.f32.msk $0xffff, v4;
	s3 =	simm.s32 $0xF0  }
.LBB3_21:
0x19e: {  	s4 =	sadd.s32 s3, s26  }
0x19f: {  	s4 =	sadd.s32 $0xFFFFFF10, s4  }
0x1a0: {  	s4 =	sand.u32 $0x7FFFFFF0, s4  }
0x1a1: {  	v4 =	vld.idx.msk [tilespmem:v3+s4+$0x0 ss:$0x1], $0xffff  }
0x1a2: {  	s3 =	sadd.s32 $0x10, s3  }
0x1a3: {  	p3 =	slt.u32 s3, $0x170  }
.Ltmp26:
0x1a4: {  	_ = 	snop;
	(pc) =	sbr.rel @p3 .LBB3_21-.Ltmp26, $4  }
0x1a5: {  	_ = 	snop  }
0x1a6: {  	v5 =	vunpack.i.u.bf16.f32 v4;
	v4 =	vunpack.i.l.bf16.f32 v4  }
0x1a7: {  	v4 =	vpsel p2, v4, v5  }
0x1a8: {  	[tilespmem:s0+$0x0] =	vst.add.f32.msk $0xffff, v4;
	s0 =	sadd.s32 $0x10, s0  }
.Ltmp27:
0x1a9: {  	_ = 	snop;
	(pc) =	sbr.rel .LBB3_40-.Ltmp27, $1  }
0x1aa: {  	_ =	sdelay $0x3  }
.LBB3_22:
0x1ab: {  	s9 =	sand.u32 $0xFFFFFFFE, s20;
	s3 =	sand.u32 $0xFFFFFFFE, s21  }
0x1ac: {  	p2 =	sne.s32 s9, s3  }
.Ltmp28:
0x1ad: {  	_ = 	snop;
	(pc) =	sbr.rel @p2 .LBB3_26-.Ltmp28, $3  }
0x1ae: {  	_ =	sdelay $0x1  }
0x1af: {  	s3 =	sadd.s32 $0x1, s28  }
0x1b0: {  	s4 =	smulhi.u32 $0xAAAAAAAB, s3  }
0x1b1: {  	_ =	sdelay $0x3  }
0x1b2: {  	v4 =	vld.idx.msk [tilespmem:v3+s0+$0x0 ss:$0x1], $0xffff;
	s4 =	sshrl.u32 s4, $0x6  }
0x1b3: {  	v5 =	vld.idx.msk [tilespmem:v3+s0+$0x10 ss:$0x1], $0xffff;
	s6 =	smul.u32 $0x60, s4  }
0x1b4: {  	v6 =	vld.idx.msk [tilespmem:v3+s0+$0x20 ss:$0x1], $0xffff  }
0x1b5: {  	v7 =	vld.idx.msk [tilespmem:v3+s0+$0x30 ss:$0x1], $0xffff;
	s3 =	ssub.s32 s3, s6  }
0x1b6: {  	s9 =	sand.u32 $0x1, s25;
	v8 =	vld.idx.msk [tilespmem:v3+s0+$0x40 ss:$0x1], $0xffff;
	s7 =	smul.u32 $0x600, s3  }
0x1b7: {  	v10 =	vld.idx.msk [tilespmem:v3+s0+$0x50 ss:$0x1], $0xffff;
	p2 =	seq.s32 s9, $0x0;
	v9 =	vunpack.i.u.bf16.f32 v4;
	v4 =	vunpack.i.l.bf16.f32 v4  }
0x1b8: {  	v11 =	vld.idx.msk [tilespmem:v3+s0+$0x60 ss:$0x1], $0xffff;
	s14 =	sadd.s32 $0x100, s29;
	v42 =	vunpack.i.u.bf16.f32 v5;
	v5 =	vunpack.i.l.bf16.f32 v5;
	v4 =	vpsel p2, v4, v9;
	s9 =	sshra.s32 s7, $0x2  }
0x1b9: {  	v43 =	vld.idx.msk [tilespmem:v3+s0+$0x70 ss:$0x1], $0xffff;
	s31 =	sadd.s32 $0x120, s29;
	s20 =	sshrl.u32 s14, $0x1;
	[tilespmem:s9+$0x308] =	vst v4;
	v4 =	vpsel p2, v5, v42;
	v5 =	vunpack.i.u.bf16.f32 v6;
	v6 =	vunpack.i.l.bf16.f32 v6  }
0x1ba: {  	s14 =	sadd.s32 $0x140, s29;
	v45 =	vld.idx.msk [tilespmem:v3+s20+$0x0 ss:$0x1], $0xffff;
	v44 =	vunpack.i.l.bf16.f32 v7;
	s7 =	sshrl.u32 s31, $0x1;
	[tilespmem:s9+$0x318] =	vst v4;
	v4 =	vpsel p2, v6, v5;
	v5 =	vunpack.i.u.bf16.f32 v7  }
0x1bb: {  	s20 =	sshrl.u32 s14, $0x1;
	v46 =	vunpack.i.l.bf16.f32 v8;
	s31 =	sadd.s32 $0x160, s29;
	v47 =	vld.idx.msk [tilespmem:v3+s7+$0x0 ss:$0x1], $0xffff;
	[tilespmem:s9+$0x328] =	vst v4;
	v4 =	vpsel p2, v44, v5;
	v5 =	vunpack.i.u.bf16.f32 v8  }
0x1bc: {  	s14 =	sadd.s32 $0x180, s29;
	v49 =	vld.idx.msk [tilespmem:v3+s20+$0x0 ss:$0x1], $0xffff;
	v48 =	vunpack.i.l.bf16.f32 v10;
	s7 =	sshrl.u32 s31, $0x1;
	[tilespmem:s9+$0x338] =	vst v4;
	v4 =	vpsel p2, v46, v5;
	v5 =	vunpack.i.u.bf16.f32 v10  }
0x1bd: {  	s20 =	sshrl.u32 s14, $0x1;
	v50 =	vunpack.i.l.bf16.f32 v11;
	s31 =	sadd.s32 $0x1A0, s29;
	v51 =	vld.idx.msk [tilespmem:v3+s7+$0x0 ss:$0x1], $0xffff;
	[tilespmem:s9+$0x348] =	vst v4;
	v4 =	vpsel p2, v48, v5;
	v5 =	vunpack.i.u.bf16.f32 v11  }
0x1be: {  	v53 =	vld.idx.msk [tilespmem:v3+s20+$0x0 ss:$0x1], $0xffff;
	v52 =	vunpack.i.l.bf16.f32 v43;
	s6 =	sshrl.u32 s31, $0x1;
	s7 =	sadd.s32 $0x1C0, s29;
	[tilespmem:s9+$0x358] =	vst v4;
	v4 =	vpsel p2, v50, v5;
	v5 =	vunpack.i.u.bf16.f32 v43  }
0x1bf: {  	s20 =	sadd.s32 $0x1E0, s29;
	v54 =	vunpack.i.l.bf16.f32 v45;
	v12 =	vld.idx.msk [tilespmem:v3+s6+$0x0 ss:$0x1], $0xffff;
	s14 =	sshrl.u32 s7, $0x1;
	[tilespmem:s9+$0x368] =	vst v4;
	v4 =	vpsel p2, v52, v5;
	v5 =	vunpack.i.u.bf16.f32 v45  }
0x1c0: {  	s29 =	sshrl.u32 s20, $0x1;
	v56 =	vld.idx.msk [tilespmem:v3+s14+$0x0 ss:$0x1], $0xffff;
	v55 =	vunpack.i.l.bf16.f32 v47;
	[tilespmem:s9+$0x378] =	vst v4;
	v4 =	vpsel p2, v54, v5;
	v5 =	vunpack.i.u.bf16.f32 v47  }
0x1c1: {  	v57 =	vunpack.i.l.bf16.f32 v49;
	v58 =	vld.idx.msk [tilespmem:v3+s29+$0x0 ss:$0x1], $0xffff;
	[tilespmem:s9+$0x388] =	vst v4;
	v4 =	vpsel p2, v55, v5;
	v5 =	vunpack.i.u.bf16.f32 v49  }
0x1c2: {  	v59 =	vunpack.i.l.bf16.f32 v51;
	[tilespmem:s9+$0x398] =	vst v4;
	v4 =	vpsel p2, v57, v5;
	v5 =	vunpack.i.u.bf16.f32 v51  }
0x1c3: {  	s4 =	smul.u32 $0x24000, s4;
	v60 =	vunpack.i.l.bf16.f32 v53;
	[tilespmem:s9+$0x3A8] =	vst v4;
	v4 =	vpsel p2, v59, v5;
	v5 =	vunpack.i.u.bf16.f32 v53  }
0x1c4: {  	s31 =	smul.u32 $0x600, s28;
	v61 =	vunpack.i.l.bf16.f32 v12;
	[tilespmem:s9+$0x3B8] =	vst v4;
	v4 =	vpsel p2, v60, v5;
	v5 =	vunpack.i.u.bf16.f32 v12  }
0x1c5: {  	v62 =	vunpack.i.l.bf16.f32 v56;
	[tilespmem:s9+$0x3C8] =	vst v4;
	v4 =	vpsel p2, v61, v5;
	v5 =	vunpack.i.u.bf16.f32 v56  }
0x1c6: {  	s0 =	ssub.s32 s31, s4;
	v63 =	vunpack.i.l.bf16.f32 v58;
	[tilespmem:s9+$0x3D8] =	vst v4;
	v4 =	vpsel p2, v62, v5;
	v5 =	vunpack.i.u.bf16.f32 v58  }
0x1c7: {  	s0 =	sshra.s32 s0, $0x2;
	[tilespmem:s9+$0x3E8] =	vst v4;
	v4 =	vpsel p2, v63, v5  }
0x1c8: {  	s4 =	simm.s32 $0xF0;
	s0 =	sadd.s32 $0x588, s0;
	[tilespmem:s9+$0x3F8] =	vst v4  }
.LBB3_24:
0x1c9: {  	s6 =	sadd.s32 s4, s26  }
0x1ca: {  	s6 =	sadd.s32 $0xFFFFFF10, s6  }
0x1cb: {  	s6 =	sand.u32 $0x7FFFFFF0, s6  }
0x1cc: {  	v4 =	vld.idx.msk [tilespmem:v3+s6+$0x0 ss:$0x1], $0xffff  }
0x1cd: {  	s4 =	sadd.s32 $0x10, s4  }
0x1ce: {  	p3 =	slt.u32 s4, $0x170  }
.Ltmp29:
0x1cf: {  	_ = 	snop;
	(pc) =	sbr.rel @p3 .LBB3_24-.Ltmp29, $4  }
0x1d0: {  	_ = 	snop  }
0x1d1: {  	v5 =	vunpack.i.u.bf16.f32 v4;
	v4 =	vunpack.i.l.bf16.f32 v4  }
0x1d2: {  	v4 =	vpsel p2, v4, v5  }
0x1d3: {  	[tilespmem:s0+$0x0] =	vst v4;
	s0 =	sadd.s32 $0x10, s0  }
.Ltmp30:
0x1d4: {  	(pc) =	sbr.rel .LBB3_40-.Ltmp30, $2  }
0x1d5: {  	_ =	sdelay $0x2  }
0x1d6: {  	s30 =	sadd.s32 $0x1, s30;
	s28 =	smov.u32 s3  }
.LBB3_26:
0x1d7: {  	p2 =	sne.s32 s30, $0x2  }
.Ltmp31:
0x1d8: {  	_ = 	snop;
	(pc) =	sbr.rel @p2 .LBB3_30-.Ltmp31, $3  }
0x1d9: {  	_ = 	snop  }
0x1da: {  	s31 =	smul.u32 $0x600, s28;
	_ =	sdelay $0x1  }
0x1db: {  	s30 =	sshra.s32 s31, $0x2  }
0x1dc: {  	s6 =	sadd.s32 $0x5F, s28  }
0x1dd: {  	s6 =	smulhi.u32 $0xAAAAAAAB, s6;
	_ =	sdelay $0x1  }
0x1de: {  	s6 =	sshrl.u32 s6, $0x6  }
0x1df: {  	s6 =	smul.u32 $0x24000, s6;
	_ =	sdelay $0x1  }
0x1e0: {  	s6 =	ssub.s32 $0x23A00, s6  }
0x1e1: {  	s6 =	sshra.s32 s6, $0x2  }
0x1e2: {  	v4 =	vmov s6;
	_ =	sdelay $0x2  }
0x1e3: {  	s6 =	sadd.s32 $0x308, s30  }
0x1e4: {  	v6 =	vld [tilespmem:s6+$0x0]  }
0x1e5: {  	v5 =	vld.idx.msk [tilespmem:v4+s6+$0x0 ss:$0x1], $0xffff;
	_ =	sdelay $0x4  }
0x1e6: {  	s7 =	simm.s32 $0x0;
	v5 =	vpack.i.f32.bf16 v6, v5  }
.LBB3_28:
0x1e7: {  	s7 =	sadd.s32 $0x10, s7;
	[tilespmem:s6+$0x0] =	vst v5;
	s6 =	sadd.s32 $0x10, s6  }
0x1e8: {  	v5 =	vld.idx.msk [tilespmem:v4+s6+$0x0 ss:$0x1], $0xffff;
	p2 =	slt.u32 s7, $0x170  }
0x1e9: {  	v6 =	vld [tilespmem:s6+$0x0]  }
.Ltmp32:
0x1ea: {  	(pc) =	sbr.rel @p2 .LBB3_28-.Ltmp32, $2  }
0x1eb: {  	_ =	sdelay $0x2  }
0x1ec: {  	v5 =	vpack.i.f32.bf16 v6, v5  }
.Ltmp33:
0x1ed: {  	(pc) =	sbr.rel .LBB3_33-.Ltmp33, $2  }
0x1ee: {  	_ =	sdelay $0x2  }
0x1ef: {  	[tilespmem:s6+$0x0] =	vst v5  }
.LBB3_30:
0x1f0: {  	s6 =	sand.u32 $0x1, s20  }
0x1f1: {  	p2 =	seq.s32 s6, $0x0  }
.Ltmp34:
0x1f2: {  	_ = 	snop;
	(pc) =	sbr.rel @!p2 .LBB3_31-.Ltmp34, $2  }
0x1f3: {  	_ =	sdelay $0x2  }
0x1f4: {  	v4 =	vld [tilespmem:s30+$0x308]  }
0x1f5: {  	v5 =	vld [tilespmem:s30+$0x318]  }
0x1f6: {  	v6 =	vld [tilespmem:s30+$0x328]  }
0x1f7: {  	v7 =	vld [tilespmem:s30+$0x338]  }
0x1f8: {  	v8 =	vld [tilespmem:s30+$0x348]  }
0x1f9: {  	v9 =	vld [tilespmem:s30+$0x358];
	v4 =	vpack.i.f32.bf16 v1, v4  }
0x1fa: {  	[tilespmem:s30+$0x308] =	vst v4;
	v4 =	vpack.i.f32.bf16 v1, v5;
	v5 =	vld [tilespmem:s30+$0x368]  }
0x1fb: {  	v50 =	vld [tilespmem:s30+$0x378];
	[tilespmem:s30+$0x318] =	vst v4;
	v4 =	vpack.i.f32.bf16 v1, v6  }
0x1fc: {  	v51 =	vld [tilespmem:s30+$0x388];
	[tilespmem:s30+$0x328] =	vst v4;
	v4 =	vpack.i.f32.bf16 v1, v7  }
0x1fd: {  	v52 =	vld [tilespmem:s30+$0x398];
	[tilespmem:s30+$0x338] =	vst v4;
	v4 =	vpack.i.f32.bf16 v1, v8  }
0x1fe: {  	v53 =	vld [tilespmem:s30+$0x3A8];
	[tilespmem:s30+$0x348] =	vst v4;
	v4 =	vpack.i.f32.bf16 v1, v9  }
0x1ff: {  	[tilespmem:s30+$0x358] =	vst v4;
	v4 =	vpack.i.f32.bf16 v1, v5;
	v5 =	vld [tilespmem:s30+$0x3B8]  }
0x200: {  	v54 =	vld [tilespmem:s30+$0x3C8];
	[tilespmem:s30+$0x368] =	vst v4;
	v4 =	vpack.i.f32.bf16 v1, v50  }
0x201: {  	v55 =	vld [tilespmem:s30+$0x3D8];
	[tilespmem:s30+$0x378] =	vst v4;
	v4 =	vpack.i.f32.bf16 v1, v51  }
0x202: {  	v56 =	vld [tilespmem:s30+$0x3E8];
	[tilespmem:s30+$0x388] =	vst v4;
	v4 =	vpack.i.f32.bf16 v1, v52  }
0x203: {  	v57 =	vld [tilespmem:s30+$0x3F8];
	[tilespmem:s30+$0x398] =	vst v4;
	v4 =	vpack.i.f32.bf16 v1, v53  }
0x204: {  	[tilespmem:s30+$0x3A8] =	vst v4;
	v4 =	vpack.i.f32.bf16 v1, v5;
	v5 =	vld [tilespmem:s30+$0x408]  }
0x205: {  	v58 =	vld [tilespmem:s30+$0x418];
	[tilespmem:s30+$0x3B8] =	vst v4;
	v4 =	vpack.i.f32.bf16 v1, v54  }
0x206: {  	v59 =	vld [tilespmem:s30+$0x428];
	[tilespmem:s30+$0x3C8] =	vst v4;
	v4 =	vpack.i.f32.bf16 v1, v55  }
0x207: {  	v60 =	vld [tilespmem:s30+$0x438];
	[tilespmem:s30+$0x3D8] =	vst v4;
	v4 =	vpack.i.f32.bf16 v1, v56  }
0x208: {  	v61 =	vld [tilespmem:s30+$0x448];
	[tilespmem:s30+$0x3E8] =	vst v4;
	v4 =	vpack.i.f32.bf16 v1, v57  }
0x209: {  	[tilespmem:s30+$0x3F8] =	vst v4;
	v4 =	vpack.i.f32.bf16 v1, v5;
	v5 =	vld [tilespmem:s30+$0x458]  }
0x20a: {  	v62 =	vld [tilespmem:s30+$0x468];
	[tilespmem:s30+$0x408] =	vst v4;
	v4 =	vpack.i.f32.bf16 v1, v58  }
0x20b: {  	v63 =	vld [tilespmem:s30+$0x478];
	[tilespmem:s30+$0x418] =	vst v4;
	v4 =	vpack.i.f32.bf16 v1, v59  }
0x20c: {  	[tilespmem:s30+$0x428] =	vst v4;
	v4 =	vpack.i.f32.bf16 v1, v60  }
.Ltmp35:
0x20d: {  	[tilespmem:s30+$0x438] =	vst v4;
	v4 =	vpack.i.f32.bf16 v1, v61;
	(pc) =	sbr.rel .LBB3_33-.Ltmp35, $4  }
0x20e: {  	[tilespmem:s30+$0x448] =	vst v4;
	v4 =	vpack.i.f32.bf16 v1, v5  }
0x20f: {  	[tilespmem:s30+$0x458] =	vst v4;
	v4 =	vpack.i.f32.bf16 v1, v62  }
0x210: {  	[tilespmem:s30+$0x468] =	vst v4;
	v4 =	vpack.i.f32.bf16 v1, v63  }
0x211: {  	[tilespmem:s30+$0x478] =	vst v4  }
.LBB3_31:
0x212: {  	v5 =	vld [tilespmem:s30+$0x318]  }
0x213: {  	v6 =	vld [tilespmem:s30+$0x328]  }
0x214: {  	v7 =	vld [tilespmem:s30+$0x338]  }
0x215: {  	v8 =	vld [tilespmem:s30+$0x348]  }
0x216: {  	v9 =	vld [tilespmem:s30+$0x358];
	v4 =	vpack.i.f32.bf16 v4, v1  }
0x217: {  	[tilespmem:s30+$0x308] =	vst v4;
	v4 =	vpack.i.f32.bf16 v5, v1;
	v5 =	vld [tilespmem:s30+$0x368]  }
0x218: {  	v50 =	vld [tilespmem:s30+$0x378];
	[tilespmem:s30+$0x318] =	vst v4;
	v4 =	vpack.i.f32.bf16 v6, v1  }
0x219: {  	v51 =	vld [tilespmem:s30+$0x388];
	[tilespmem:s30+$0x328] =	vst v4;
	v4 =	vpack.i.f32.bf16 v7, v1  }
0x21a: {  	v52 =	vld [tilespmem:s30+$0x398];
	[tilespmem:s30+$0x338] =	vst v4;
	v4 =	vpack.i.f32.bf16 v8, v1  }
0x21b: {  	v53 =	vld [tilespmem:s30+$0x3A8];
	[tilespmem:s30+$0x348] =	vst v4;
	v4 =	vpack.i.f32.bf16 v9, v1  }
0x21c: {  	[tilespmem:s30+$0x358] =	vst v4;
	v4 =	vpack.i.f32.bf16 v5, v1;
	v5 =	vld [tilespmem:s30+$0x3B8]  }
0x21d: {  	v54 =	vld [tilespmem:s30+$0x3C8];
	[tilespmem:s30+$0x368] =	vst v4;
	v4 =	vpack.i.f32.bf16 v50, v1  }
0x21e: {  	v55 =	vld [tilespmem:s30+$0x3D8];
	[tilespmem:s30+$0x378] =	vst v4;
	v4 =	vpack.i.f32.bf16 v51, v1  }
0x21f: {  	v56 =	vld [tilespmem:s30+$0x3E8];
	[tilespmem:s30+$0x388] =	vst v4;
	v4 =	vpack.i.f32.bf16 v52, v1  }
0x220: {  	v57 =	vld [tilespmem:s30+$0x3F8];
	[tilespmem:s30+$0x398] =	vst v4;
	v4 =	vpack.i.f32.bf16 v53, v1  }
0x221: {  	[tilespmem:s30+$0x3A8] =	vst v4;
	v4 =	vpack.i.f32.bf16 v5, v1;
	v5 =	vld [tilespmem:s30+$0x408]  }
0x222: {  	v58 =	vld [tilespmem:s30+$0x418];
	[tilespmem:s30+$0x3B8] =	vst v4;
	v4 =	vpack.i.f32.bf16 v54, v1  }
0x223: {  	v59 =	vld [tilespmem:s30+$0x428];
	[tilespmem:s30+$0x3C8] =	vst v4;
	v4 =	vpack.i.f32.bf16 v55, v1  }
0x224: {  	v60 =	vld [tilespmem:s30+$0x438];
	[tilespmem:s30+$0x3D8] =	vst v4;
	v4 =	vpack.i.f32.bf16 v56, v1  }
0x225: {  	v61 =	vld [tilespmem:s30+$0x448];
	[tilespmem:s30+$0x3E8] =	vst v4;
	v4 =	vpack.i.f32.bf16 v57, v1  }
0x226: {  	[tilespmem:s30+$0x3F8] =	vst v4;
	v4 =	vpack.i.f32.bf16 v5, v1;
	v5 =	vld [tilespmem:s30+$0x458]  }
0x227: {  	v62 =	vld [tilespmem:s30+$0x468];
	[tilespmem:s30+$0x408] =	vst v4;
	v4 =	vpack.i.f32.bf16 v58, v1  }
0x228: {  	v63 =	vld [tilespmem:s30+$0x478];
	[tilespmem:s30+$0x418] =	vst v4;
	v4 =	vpack.i.f32.bf16 v59, v1  }
0x229: {  	[tilespmem:s30+$0x428] =	vst v4;
	v4 =	vpack.i.f32.bf16 v60, v1  }
0x22a: {  	[tilespmem:s30+$0x438] =	vst v4;
	v4 =	vpack.i.f32.bf16 v61, v1  }
0x22b: {  	[tilespmem:s30+$0x448] =	vst v4;
	v4 =	vpack.i.f32.bf16 v5, v1  }
0x22c: {  	[tilespmem:s30+$0x458] =	vst v4;
	v4 =	vpack.i.f32.bf16 v62, v1  }
0x22d: {  	[tilespmem:s30+$0x468] =	vst v4;
	v4 =	vpack.i.f32.bf16 v63, v1  }
0x22e: {  	[tilespmem:s30+$0x478] =	vst v4  }
.LBB3_33:
0x22f: {  	p2 =	seq.s32 s9, s23  }
.Ltmp36:
0x230: {  	_ = 	snop;
	(pc) =	sbr.rel @!p2 .LBB3_34-.Ltmp36, $1  }
0x231: {  	_ =	sdelay $0x3  }
.Ltmp37:
0x232: {  	s6 =	sadd.s32 $0x308, s30;
	(pc) =	sbr.rel .LBB3_37-.Ltmp37, $4  }
0x233: {  	[spmem:s13] =	stream.linear.scatter [tilespmem:s6], [sflag:$0x1], $0x180, $0x38;
	[tilespmem:$0x1E708] =	vst v63  }
0x234: {  	_ =	swait.ge [sflag:s11], $0x180  }
0x235: {  	[sflag:s11] =	ssyncset.done $0x0  }
0x236: {  	[sflag:s11] =	ssyncadd.s32 $0xFFFFFE80  }
.LBB3_34:
0x237: {  	s6 =	smul.u32 $0x600, s22;
	_ =	sdelay $0x1  }
0x238: {  	s14 =	sadd.s32 $0x308, s30;
	s6 =	sshra.s32 s6, $0x2  }
0x239: {  	v5 =	vld [tilespmem:s14+$0x0];
	s7 =	sadd.s32 $0x9488, s6  }
0x23a: {  	v4 =	vld [tilespmem:s7+$0x0];
	_ =	sdelay $0x3  }
0x23b: {  	v7 =	vunpack.i.u.bf16.f32 v5  }
0x23c: {  	v5 =	vunpack.i.l.bf16.f32 v5;
	v6 =	vunpack.i.u.bf16.f32 v4;
	v4 =	vunpack.i.l.bf16.f32 v4  }
0x23d: {  	v6 =	vadd.f32 v7, v6;
	v4 =	vadd.f32 v5, v4;
	_ =	sdelay $0x1  }
0x23e: {  	v4 =	vpack.i.f32.bf16 v6, v4  }
0x23f: {  	s28 =	smov.u32 s14;
	s6 =	simm.s32 $0x0;
	s7 =	sadd.s32 $0x10, s7;
	[tilespmem:s14+$0x0] =	vst v4  }
.LBB3_35:
0x240: {  	v4 =	vld [tilespmem:s7+$0x0];
	s28 =	sadd.s32 $0x10, s28  }
0x241: {  	s6 =	sadd.s32 $0x10, s6;
	v5 =	vld [tilespmem:s28+$0x0]  }
0x242: {  	p2 =	slt.u32 s6, $0x170;
	_ =	sdelay $0x2  }
0x243: {  	v6 =	vunpack.i.u.bf16.f32 v4  }
.Ltmp38:
0x244: {  	v4 =	vunpack.i.l.bf16.f32 v4;
	v7 =	vunpack.i.u.bf16.f32 v5;
	v5 =	vunpack.i.l.bf16.f32 v5;
	(pc) =	sbr.rel @p2 .LBB3_35-.Ltmp38, $3  }
0x245: {  	v6 =	vadd.f32 v7, v6;
	v4 =	vadd.f32 v5, v4;
	_ =	sdelay $0x1  }
0x246: {  	v4 =	vpack.i.f32.bf16 v6, v4  }
0x247: {  	s7 =	sadd.s32 $0x10, s7;
	[tilespmem:s28+$0x0] =	vst v4  }
0x248: {  	p2 =	slt.s32 s20, $0x0;
	p3 =	sgt.s32 s9, $0x3A8F01  }
0x249: {  	p2 =	por p2, p3  }
0x24a: {  	s6 =	sshrl.u32 @!p2 s20, $0x1;
	s7 =	sshrl.u32 @!p2 s20, $0x4  }
0x24b: {  	s7 =	sadd.s32 @!p2 s1, s7;
	s6 =	sand.u32 @!p2 $0x7, s6  }
0x24c: {  	[hbm4b:s7+s6] =	stream.linear.scatter @!p2 [tilespmem:s14], [sflag:$0xA], $0x80, $0x38;
	[tilespmem:$0x1E708] =	vst v63  }
0x24d: {  	s9 =	sadd.s32 @!p2 $0x388, s30;
	s14 =	sadd.s32 @!p2 $0x40, s7  }
0x24e: {  	[hbm4b:s14+s6] =	stream.linear.scatter @!p2 [tilespmem:s9], [sflag:$0xA], $0x80, $0x38;
	[tilespmem:$0x1E708] =	vst v63  }
0x24f: {  	s9 =	simm.s32 $0x0  }
0x250: {  	s7 =	sadd.s32 @!p2 $0x80, s7;
	s14 =	sadd.s32 @!p2 $0x408, s30;
	s9 =	simm.s32 @!p2 $0x600  }
0x251: {  	[hbm4b:s7+s6] =	stream.linear.scatter @!p2 [tilespmem:s14], [sflag:$0xA], $0x80, $0x38;
	[tilespmem:$0x1E708] =	vst v63  }
0x252: {  	s24 =	sadd.s32 s24, s9  }
.LBB3_37:
0x253: {  	_ =	sdelay $0x3  }
0x254: {  	s4 =	sshrl.u32 s4, $0x6;
	v4 =	vld.idx.msk [tilespmem:v3+s0+$0x0 ss:$0x1], $0xffff  }
0x255: {  	v5 =	vld.idx.msk [tilespmem:v3+s0+$0x10 ss:$0x1], $0xffff;
	s6 =	smul.u32 $0x60, s4  }
0x256: {  	v6 =	vld.idx.msk [tilespmem:v3+s0+$0x20 ss:$0x1], $0xffff  }
0x257: {  	v7 =	vld.idx.msk [tilespmem:v3+s0+$0x30 ss:$0x1], $0xffff;
	s28 =	ssub.s32 s3, s6  }
0x258: {  	s30 =	sand.u32 $0x1, s25;
	v8 =	vld.idx.msk [tilespmem:v3+s0+$0x40 ss:$0x1], $0xffff;
	s6 =	smul.u32 $0x600, s28  }
0x259: {  	v10 =	vld.idx.msk [tilespmem:v3+s0+$0x50 ss:$0x1], $0xffff;
	p2 =	seq.s32 s30, $0x0;
	v9 =	vunpack.i.u.bf16.f32 v4;
	v4 =	vunpack.i.l.bf16.f32 v4  }
0x25a: {  	v11 =	vld.idx.msk [tilespmem:v3+s0+$0x60 ss:$0x1], $0xffff;
	s7 =	sadd.s32 $0x100, s29;
	v42 =	vunpack.i.u.bf16.f32 v5;
	v5 =	vunpack.i.l.bf16.f32 v5;
	v4 =	vpsel p2, v4, v9;
	s3 =	sshra.s32 s6, $0x2  }
0x25b: {  	v43 =	vld.idx.msk [tilespmem:v3+s0+$0x70 ss:$0x1], $0xffff;
	s14 =	sadd.s32 $0x120, s29;
	s9 =	sshrl.u32 s7, $0x1;
	[tilespmem:s3+$0x308] =	vst v4;
	v4 =	vpsel p2, v5, v42;
	v5 =	vunpack.i.u.bf16.f32 v6;
	v6 =	vunpack.i.l.bf16.f32 v6  }
0x25c: {  	s20 =	sshrl.u32 s14, $0x1;
	s30 =	sadd.s32 $0x140, s29;
	v45 =	vld.idx.msk [tilespmem:v3+s9+$0x0 ss:$0x1], $0xffff;
	v44 =	vunpack.i.l.bf16.f32 v7;
	[tilespmem:s3+$0x318] =	vst v4;
	v4 =	vpsel p2, v6, v5;
	v5 =	vunpack.i.u.bf16.f32 v7  }
0x25d: {  	s7 =	sadd.s32 $0x160, s29;
	v47 =	vld.idx.msk [tilespmem:v3+s20+$0x0 ss:$0x1], $0xffff;
	v46 =	vunpack.i.l.bf16.f32 v8;
	s6 =	sshrl.u32 s30, $0x1;
	[tilespmem:s3+$0x328] =	vst v4;
	v4 =	vpsel p2, v44, v5;
	v5 =	vunpack.i.u.bf16.f32 v8  }
0x25e: {  	s14 =	sadd.s32 $0x180, s29;
	s9 =	sshrl.u32 s7, $0x1;
	v48 =	vunpack.i.l.bf16.f32 v10;
	v49 =	vld.idx.msk [tilespmem:v3+s6+$0x0 ss:$0x1], $0xffff;
	[tilespmem:s3+$0x338] =	vst v4;
	v4 =	vpsel p2, v46, v5;
	v5 =	vunpack.i.u.bf16.f32 v10  }
0x25f: {  	s20 =	sshrl.u32 s14, $0x1;
	v51 =	vld.idx.msk [tilespmem:v3+s9+$0x0 ss:$0x1], $0xffff;
	v50 =	vunpack.i.l.bf16.f32 v11;
	s30 =	sadd.s32 $0x1A0, s29;
	[tilespmem:s3+$0x348] =	vst v4;
	v4 =	vpsel p2, v48, v5;
	v5 =	vunpack.i.u.bf16.f32 v11  }
0x260: {  	v53 =	vld.idx.msk [tilespmem:v3+s20+$0x0 ss:$0x1], $0xffff;
	s9 =	sadd.s32 $0x1C0, s29;
	v52 =	vunpack.i.l.bf16.f32 v43;
	s7 =	sshrl.u32 s30, $0x1;
	[tilespmem:s3+$0x358] =	vst v4;
	v4 =	vpsel p2, v50, v5;
	v5 =	vunpack.i.u.bf16.f32 v43  }
0x261: {  	s20 =	sadd.s32 $0x1E0, s29;
	s14 =	sshrl.u32 s9, $0x1;
	v54 =	vunpack.i.l.bf16.f32 v45;
	v12 =	vld.idx.msk [tilespmem:v3+s7+$0x0 ss:$0x1], $0xffff;
	[tilespmem:s3+$0x368] =	vst v4;
	v4 =	vpsel p2, v52, v5;
	v5 =	vunpack.i.u.bf16.f32 v45  }
0x262: {  	v56 =	vld.idx.msk [tilespmem:v3+s14+$0x0 ss:$0x1], $0xffff;
	s29 =	sshrl.u32 s20, $0x1;
	v55 =	vunpack.i.l.bf16.f32 v47;
	[tilespmem:s3+$0x378] =	vst v4;
	v4 =	vpsel p2, v54, v5;
	v5 =	vunpack.i.u.bf16.f32 v47  }
0x263: {  	v58 =	vld.idx.msk [tilespmem:v3+s29+$0x0 ss:$0x1], $0xffff;
	v57 =	vunpack.i.l.bf16.f32 v49;
	[tilespmem:s3+$0x388] =	vst v4;
	v4 =	vpsel p2, v55, v5;
	v5 =	vunpack.i.u.bf16.f32 v49  }
0x264: {  	v59 =	vunpack.i.l.bf16.f32 v51;
	[tilespmem:s3+$0x398] =	vst v4;
	v4 =	vpsel p2, v57, v5;
	v5 =	vunpack.i.u.bf16.f32 v51  }
0x265: {  	v60 =	vunpack.i.l.bf16.f32 v53;
	[tilespmem:s3+$0x3A8] =	vst v4;
	v4 =	vpsel p2, v59, v5;
	v5 =	vunpack.i.u.bf16.f32 v53  }
0x266: {  	s30 =	smul.u32 $0x24000, s4;
	v61 =	vunpack.i.l.bf16.f32 v12;
	[tilespmem:s3+$0x3B8] =	vst v4;
	v4 =	vpsel p2, v60, v5;
	v5 =	vunpack.i.u.bf16.f32 v12  }
0x267: {  	v62 =	vunpack.i.l.bf16.f32 v56;
	[tilespmem:s3+$0x3C8] =	vst v4;
	v4 =	vpsel p2, v61, v5;
	v5 =	vunpack.i.u.bf16.f32 v56  }
0x268: {  	s0 =	ssub.s32 s31, s30;
	v63 =	vunpack.i.l.bf16.f32 v58;
	[tilespmem:s3+$0x3D8] =	vst v4;
	v4 =	vpsel p2, v62, v5;
	v5 =	vunpack.i.u.bf16.f32 v58  }
0x269: {  	s0 =	sshra.s32 s0, $0x2;
	[tilespmem:s3+$0x3E8] =	vst v4;
	v4 =	vpsel p2, v63, v5  }
0x26a: {  	s0 =	sadd.s32 $0x588, s0;
	[tilespmem:s3+$0x3F8] =	vst v4;
	s3 =	simm.s32 $0xF0  }
.LBB3_38:
0x26b: {  	s4 =	sadd.s32 s3, s26  }
0x26c: {  	s4 =	sadd.s32 $0xFFFFFF10, s4  }
0x26d: {  	s4 =	sand.u32 $0x7FFFFFF0, s4  }
0x26e: {  	v4 =	vld.idx.msk [tilespmem:v3+s4+$0x0 ss:$0x1], $0xffff  }
0x26f: {  	s3 =	sadd.s32 $0x10, s3  }
0x270: {  	p3 =	slt.u32 s3, $0x170  }
.Ltmp39:
0x271: {  	_ = 	snop;
	(pc) =	sbr.rel @p3 .LBB3_38-.Ltmp39, $4  }
0x272: {  	_ = 	snop  }
0x273: {  	v5 =	vunpack.i.u.bf16.f32 v4;
	v4 =	vunpack.i.l.bf16.f32 v4  }
0x274: {  	v4 =	vpsel p2, v4, v5  }
0x275: {  	[tilespmem:s0+$0x0] =	vst v4;
	s0 =	sadd.s32 $0x10, s0  }
.Ltmp40:
0x276: {  	(pc) =	sbr.rel .LBB3_40-.Ltmp40, $2  }
0x277: {  	_ =	sdelay $0x2  }
0x278: {  	s22 =	sadd.s32 $0x1, s22;
	s30 =	simm.s32 $0x1  }
.LBB3_42:
.Ltmp41:
0x279: {  	(pc) =	sbr.rel .LBB3_43-.Ltmp41, $4  }
0x27a: {  	_ = 	snop  }
0x27b: {  	s0 =	simm.s32 $0x2  }
0x27c: {  	_ =	swait.ge [sflag:s0], $0x0  }
0x27d: {  	[sflag:s0] =	ssyncset.done $0x0;
	s0 =	simm.s32 $0x0  }
.LBB3_5:
.Ltmp42:
0x27e: {  	(pc) =	sbr.rel .LBB3_9-.Ltmp42, $2  }
0x27f: {  	_ =	sdelay $0x2  }
0x280: {  	s6 =	smov.u32 s2  }
.LBB3_7:
.Ltmp43:
0x281: {  	(pc) =	sbr.rel .LBB3_9-.Ltmp43, $2  }
0x282: {  	_ =	sdelay $0x2  }
0x283: {  	s6 =	smov.u32 s2  }
.LBB3_45:
0x284: {  	_ =	sfence.sel $0x180000  }
0x285: {  	s0 =	simm.s32 $0x9;
	[bflag:$0x0] =	sbarrier.arrive $0xFFFF  }
0x286: {  	s2 =	simm.s32 $0x2;
	[sflag:s0] =	ssyncpa.u1 $0x1  }
0x287: {  	[sflag:s2] =	ssyncpa.u1 $0x1  }
0x288: {  	v0 =	vld [tilespmem:$0x12608];
	_ =	sdelay $0x4  }
0x289: {  	(v2sf) =	vpush v0, $0x0  }
0x28a: {  	(v2sf) =	vpush v0, $0x1;
	_ =	sdelay $0x2  }
0x28b: {  	(v2sf) =	vpush v0, $0x2;
	_ =	sdelay $0xa  }
0x28c: {  	s4 =	spop (v2sf)  }
0x28d: {  	s30 =	spop (v2sf)  }
0x28e: {  	s0 =	sxor.u32 s30, s4  }
0x28f: {  	p0 =	sgt.u32 s0, $0x1;
	s0 =	smov.u32 s4  }
0x290: {  	s5 =	spop (v2sf);
	s0 =	simm.s32 @!p0 $0xFFFFFFFF  }
0x291: {  	v2 =	vimm.s32 $0x1;
	v3 =	vlaneseq.u32;
	p1 =	seq.s32 s5, $0xFFFFFFFF;
	v1 =	vmov s0  }
.Ltmp44:
0x292: {  	v2 =	vperm.xlane v0, v2;
	v1 =	vperm.xlane v1, v3;
	(pc) =	sbr.rel @p1 .LBB3_54-.Ltmp44, $4  }
0x293: {  	vm0 =	vcmask $0x3F04;
	s17 =	stileid.u32  }
0x294: {  	s6 =	simm.s32 $0x12608;
	s3 =	sshll.u32 s17, $0x1;
	v1 =	vsel vm0, v1, v2  }
0x295: {  	s31 =	sor.u32 $0x3000, s3;
	s18 =	rddreg [dreg:$0x2];
	s0 =	simm.s32 $0x1;
	[tilespmem:$0x12608] =	vst v1  }
0x296: {  	[spmem:s31] =	stream.linear.scatter [tilespmem:s6], [sflag:$0x1], $0x2, $0x38;
	[tilespmem:$0x1E708] =	vst v63  }
0x297: {  	(v2sf) =	vpush v0, $0x3;
	_ =	sdelay $0xe  }
0x298: {  	s2 =	simm.s32 $0x1;
	s6 =	spop (v2sf)  }
0x299: {  	s2 =	simm.s32 @!p0 $0x0;
	p0 =	sne.s32 s6, $0x2  }
.Ltmp45:
0x29a: {  	_ = 	snop;
	(pc) =	sbr.rel @p0 .LBB3_50-.Ltmp45, $2  }
0x29b: {  	_ =	sdelay $0x2  }
0x29c: {  	s2 =	sor.u32 s2, s3;
	s3 =	smul.u32 $0x600, s5  }
0x29d: {  	s3 =	sadd.s32 $0x5F, s5  }
0x29e: {  	s3 =	smulhi.u32 $0xAAAAAAAB, s3;
	_ =	sdelay $0x1  }
0x29f: {  	s3 =	sshrl.u32 s3, $0x6  }
0x2a0: {  	s3 =	smul.u32 $0x24000, s3;
	_ =	sdelay $0x1  }
0x2a1: {  	s3 =	ssub.s32 $0x23A00, s3  }
0x2a2: {  	s3 =	sshra.s32 s3, $0x2  }
0x2a3: {  	v0 =	vmov s3;
	s3 =	smul.u32 $0x600, s5;
	_ =	sdelay $0x1  }
0x2a4: {  	s4 =	sshra.s32 s3, $0x2  }
0x2a5: {  	s4 =	sadd.s32 $0x308, s4  }
0x2a6: {  	v2 =	vld [tilespmem:s4+$0x0]  }
0x2a7: {  	v1 =	vld.idx.msk [tilespmem:v0+s4+$0x0 ss:$0x1], $0xffff;
	_ =	sdelay $0x4  }
0x2a8: {  	s5 =	simm.s32 $0x0;
	v1 =	vpack.i.f32.bf16 v2, v1  }
.LBB3_48:
0x2a9: {  	s5 =	sadd.s32 $0x10, s5;
	[tilespmem:s4+$0x0] =	vst v1;
	s4 =	sadd.s32 $0x10, s4  }
0x2aa: {  	v1 =	vld.idx.msk [tilespmem:v0+s4+$0x0 ss:$0x1], $0xffff;
	p0 =	slt.u32 s5, $0x170  }
0x2ab: {  	v2 =	vld [tilespmem:s4+$0x0]  }
.Ltmp46:
0x2ac: {  	(pc) =	sbr.rel @p0 .LBB3_48-.Ltmp46, $2  }
0x2ad: {  	_ =	sdelay $0x2  }
0x2ae: {  	v1 =	vpack.i.f32.bf16 v2, v1  }
.Ltmp47:
0x2af: {  	(pc) =	sbr.rel .LBB3_53-.Ltmp47, $2  }
0x2b0: {  	_ =	sdelay $0x2  }
0x2b1: {  	[tilespmem:s4+$0x0] =	vst v1  }
.LBB3_50:
0x2b2: {  	s4 =	sand.u32 $0x1, s4  }
0x2b3: {  	p0 =	seq.s32 s4, $0x0  }
.Ltmp48:
0x2b4: {  	_ = 	snop;
	(pc) =	sbr.rel @!p0 .LBB3_51-.Ltmp48, $3  }
0x2b5: {  	_ =	sdelay $0x1  }
0x2b6: {  	s4 =	sshra.s32 s3, $0x2  }
0x2b7: {  	v0 =	vld [tilespmem:s4+$0x308]  }
0x2b8: {  	v1 =	vld [tilespmem:s4+$0x318]  }
0x2b9: {  	v2 =	vld [tilespmem:s4+$0x328]  }
0x2ba: {  	v3 =	vld [tilespmem:s4+$0x338]  }
0x2bb: {  	v4 =	vimm.f32 $0.0e+00;
	v5 =	vld [tilespmem:s4+$0x348]  }
0x2bc: {  	v6 =	vld [tilespmem:s4+$0x358];
	v0 =	vpack.i.f32.bf16 v4, v0  }
0x2bd: {  	v24 =	vld [tilespmem:s4+$0x368];
	[tilespmem:s4+$0x308] =	vst v0;
	v23 =	vpack.i.f32.bf16 v4, v1  }
0x2be: {  	v26 =	vld [tilespmem:s4+$0x378];
	v25 =	vpack.i.f32.bf16 v4, v2;
	[tilespmem:s4+$0x318] =	vst v23  }
0x2bf: {  	v28 =	vld [tilespmem:s4+$0x388];
	v27 =	vpack.i.f32.bf16 v4, v3;
	[tilespmem:s4+$0x328] =	vst v25  }
0x2c0: {  	v30 =	vld [tilespmem:s4+$0x398];
	v29 =	vpack.i.f32.bf16 v4, v5;
	[tilespmem:s4+$0x338] =	vst v27  }
0x2c1: {  	v32 =	vld [tilespmem:s4+$0x3A8];
	v31 =	vpack.i.f32.bf16 v4, v6;
	[tilespmem:s4+$0x348] =	vst v29  }
0x2c2: {  	v34 =	vld [tilespmem:s4+$0x3B8];
	v33 =	vpack.i.f32.bf16 v4, v24;
	[tilespmem:s4+$0x358] =	vst v31  }
0x2c3: {  	v36 =	vld [tilespmem:s4+$0x3C8];
	v35 =	vpack.i.f32.bf16 v4, v26;
	[tilespmem:s4+$0x368] =	vst v33  }
0x2c4: {  	v38 =	vld [tilespmem:s4+$0x3D8];
	v37 =	vpack.i.f32.bf16 v4, v28;
	[tilespmem:s4+$0x378] =	vst v35  }
0x2c5: {  	v40 =	vld [tilespmem:s4+$0x3E8];
	v39 =	vpack.i.f32.bf16 v4, v30;
	[tilespmem:s4+$0x388] =	vst v37  }
0x2c6: {  	v42 =	vld [tilespmem:s4+$0x3F8];
	v41 =	vpack.i.f32.bf16 v4, v32;
	[tilespmem:s4+$0x398] =	vst v39  }
0x2c7: {  	v44 =	vld [tilespmem:s4+$0x408];
	v43 =	vpack.i.f32.bf16 v4, v34;
	[tilespmem:s4+$0x3A8] =	vst v41  }
0x2c8: {  	v46 =	vld [tilespmem:s4+$0x418];
	v45 =	vpack.i.f32.bf16 v4, v36;
	[tilespmem:s4+$0x3B8] =	vst v43  }
0x2c9: {  	v48 =	vld [tilespmem:s4+$0x428];
	v47 =	vpack.i.f32.bf16 v4, v38;
	[tilespmem:s4+$0x3C8] =	vst v45  }
0x2ca: {  	v50 =	vld [tilespmem:s4+$0x438];
	v49 =	vpack.i.f32.bf16 v4, v40;
	[tilespmem:s4+$0x3D8] =	vst v47  }
0x2cb: {  	v52 =	vld [tilespmem:s4+$0x448];
	v51 =	vpack.i.f32.bf16 v4, v42;
	[tilespmem:s4+$0x3E8] =	vst v49  }
0x2cc: {  	v54 =	vld [tilespmem:s4+$0x458];
	v53 =	vpack.i.f32.bf16 v4, v44;
	[tilespmem:s4+$0x3F8] =	vst v51  }
0x2cd: {  	v56 =	vld [tilespmem:s4+$0x468];
	v55 =	vpack.i.f32.bf16 v4, v46;
	[tilespmem:s4+$0x408] =	vst v53  }
0x2ce: {  	v58 =	vld [tilespmem:s4+$0x478];
	v57 =	vpack.i.f32.bf16 v4, v48;
	[tilespmem:s4+$0x418] =	vst v55  }
0x2cf: {  	v59 =	vpack.i.f32.bf16 v4, v50;
	[tilespmem:s4+$0x428] =	vst v57  }
.Ltmp49:
0x2d0: {  	v60 =	vpack.i.f32.bf16 v4, v52;
	[tilespmem:s4+$0x438] =	vst v59;
	(pc) =	sbr.rel .LBB3_53-.Ltmp49, $4  }
0x2d1: {  	v61 =	vpack.i.f32.bf16 v4, v54;
	[tilespmem:s4+$0x448] =	vst v60  }
0x2d2: {  	v62 =	vpack.i.f32.bf16 v4, v56;
	[tilespmem:s4+$0x458] =	vst v61  }
0x2d3: {  	v63 =	vpack.i.f32.bf16 v4, v58;
	[tilespmem:s4+$0x468] =	vst v62  }
0x2d4: {  	[tilespmem:s4+$0x478] =	vst v63  }
.LBB3_51:
0x2d5: {  	v1 =	vld [tilespmem:s4+$0x318]  }
0x2d6: {  	v2 =	vld [tilespmem:s4+$0x328]  }
0x2d7: {  	v3 =	vld [tilespmem:s4+$0x338]  }
0x2d8: {  	v4 =	vimm.f32 $0.0e+00;
	v5 =	vld [tilespmem:s4+$0x348]  }
0x2d9: {  	v6 =	vld [tilespmem:s4+$0x358];
	v0 =	vpack.i.f32.bf16 v0, v4  }
0x2da: {  	v24 =	vld [tilespmem:s4+$0x368];
	[tilespmem:s4+$0x308] =	vst v0;
	v23 =	vpack.i.f32.bf16 v1, v4  }
0x2db: {  	v26 =	vld [tilespmem:s4+$0x378];
	v25 =	vpack.i.f32.bf16 v2, v4;
	[tilespmem:s4+$0x318] =	vst v23  }
0x2dc: {  	v28 =	vld [tilespmem:s4+$0x388];
	v27 =	vpack.i.f32.bf16 v3, v4;
	[tilespmem:s4+$0x328] =	vst v25  }
0x2dd: {  	v30 =	vld [tilespmem:s4+$0x398];
	v29 =	vpack.i.f32.bf16 v5, v4;
	[tilespmem:s4+$0x338] =	vst v27  }
0x2de: {  	v32 =	vld [tilespmem:s4+$0x3A8];
	v31 =	vpack.i.f32.bf16 v6, v4;
	[tilespmem:s4+$0x348] =	vst v29  }
0x2df: {  	v34 =	vld [tilespmem:s4+$0x3B8];
	v33 =	vpack.i.f32.bf16 v24, v4;
	[tilespmem:s4+$0x358] =	vst v31  }
0x2e0: {  	v36 =	vld [tilespmem:s4+$0x3C8];
	v35 =	vpack.i.f32.bf16 v26, v4;
	[tilespmem:s4+$0x368] =	vst v33  }
0x2e1: {  	v38 =	vld [tilespmem:s4+$0x3D8];
	v37 =	vpack.i.f32.bf16 v28, v4;
	[tilespmem:s4+$0x378] =	vst v35  }
0x2e2: {  	v40 =	vld [tilespmem:s4+$0x3E8];
	v39 =	vpack.i.f32.bf16 v30, v4;
	[tilespmem:s4+$0x388] =	vst v37  }
0x2e3: {  	v42 =	vld [tilespmem:s4+$0x3F8];
	v41 =	vpack.i.f32.bf16 v32, v4;
	[tilespmem:s4+$0x398] =	vst v39  }
0x2e4: {  	v44 =	vld [tilespmem:s4+$0x408];
	v43 =	vpack.i.f32.bf16 v34, v4;
	[tilespmem:s4+$0x3A8] =	vst v41  }
0x2e5: {  	v46 =	vld [tilespmem:s4+$0x418];
	v45 =	vpack.i.f32.bf16 v36, v4;
	[tilespmem:s4+$0x3B8] =	vst v43  }
0x2e6: {  	v48 =	vld [tilespmem:s4+$0x428];
	v47 =	vpack.i.f32.bf16 v38, v4;
	[tilespmem:s4+$0x3C8] =	vst v45  }
0x2e7: {  	v50 =	vld [tilespmem:s4+$0x438];
	v49 =	vpack.i.f32.bf16 v40, v4;
	[tilespmem:s4+$0x3D8] =	vst v47  }
0x2e8: {  	v52 =	vld [tilespmem:s4+$0x448];
	v51 =	vpack.i.f32.bf16 v42, v4;
	[tilespmem:s4+$0x3E8] =	vst v49  }
0x2e9: {  	v54 =	vld [tilespmem:s4+$0x458];
	v53 =	vpack.i.f32.bf16 v44, v4;
	[tilespmem:s4+$0x3F8] =	vst v51  }
0x2ea: {  	v56 =	vld [tilespmem:s4+$0x468];
	v55 =	vpack.i.f32.bf16 v46, v4;
	[tilespmem:s4+$0x408] =	vst v53  }
0x2eb: {  	v58 =	vld [tilespmem:s4+$0x478];
	v57 =	vpack.i.f32.bf16 v48, v4;
	[tilespmem:s4+$0x418] =	vst v55  }
0x2ec: {  	v59 =	vpack.i.f32.bf16 v50, v4;
	[tilespmem:s4+$0x428] =	vst v57  }
0x2ed: {  	v60 =	vpack.i.f32.bf16 v52, v4;
	[tilespmem:s4+$0x438] =	vst v59  }
0x2ee: {  	v61 =	vpack.i.f32.bf16 v54, v4;
	[tilespmem:s4+$0x448] =	vst v60  }
0x2ef: {  	v62 =	vpack.i.f32.bf16 v56, v4;
	[tilespmem:s4+$0x458] =	vst v61  }
0x2f0: {  	v63 =	vpack.i.f32.bf16 v58, v4;
	[tilespmem:s4+$0x468] =	vst v62  }
0x2f1: {  	[tilespmem:s4+$0x478] =	vst v63  }
.LBB3_53:
0x2f2: {  	s2 =	smul.u32 $0x600, s2  }
0x2f3: {  	s3 =	sshra.s32 s3, $0x2  }
0x2f4: {  	s3 =	sadd.s32 $0x308, s3;
	s2 =	sshrl.u32 s2, $0x2  }
0x2f5: {  	[spmem:s2] =	stream.linear.scatter [tilespmem:s3], [sflag:$0x1], $0x180, $0x38;
	[tilespmem:$0x1E708] =	vst v63  }
0x2f6: {  	s2 =	simm.s32 $0x182  }
.LBB3_54:
0x2f7: {  	_ =	swait.ge [sflag:s0], s2  }
0x2f8: {  	s28 =	ssub.s32 $0x0, s2;
	[sflag:s0] =	ssyncset.done $0x0  }
0x2f9: {  	p0 =	sne.s32 s17, $0x0;
	[sflag:s0] =	ssyncadd.s32 s28  }
.Ltmp50:
0x2fa: {  	_ =	sfence.stream.spmem;
	(pc) =	sbr.rel @p0 .LBB3_77-.Ltmp50, $4  }
0x2fb: {  	s29 =	simm.s32 $0x3;
	[bflag:$0x0] =	sbarrier.arrive $0xFFFF  }
0x2fc: {  	s30 =	simm.s32 $0x4;
	[sflag:s29] =	ssyncpa.u1 $0x1  }
0x2fd: {  	s31 =	simm.s32 $0x3C;
	[sflag:s30] =	ssyncpa.u1 $0x1  }
0x2fe: {  	s5 =	sand.u32 $0x1, s18;
	[sflag:s31] =	ssyncpa.u1 $0x1  }
0x2ff: {  	_ =	sfence.stream.spmem;
	s0 =	simm.s32 $0x5  }
0x300: {  	s2 =	simm.s32 $0x3000;
	s3 =	simm.s32 $0x12618;
	[sflag:s0] =	ssyncpa.u1 $0x0  }
0x301: {  	[tilespmem:s3], [sflag:$0x5] =	stream.linear.gather [spmem:s2], $0x20, $0x38;
	[tilespmem:$0x1E708] =	vst v63  }
0x302: {  	s26 =	simm.s32 $0x0;
	s28 =	simm.s32 $0x12638  }
0x303: {  	[tilespmem:s28], [sflag:$0x5] =	stream.linear.gather [spmem:s26], $0x3000, $0x38;
	[tilespmem:$0x1E708] =	vst v63  }
0x304: {  	_ =	swait.ge [sflag:s0], $0x3020  }
0x305: {  	[sflag:s0] =	ssyncset.done $0x0  }
0x306: {  	s29 =	simm.s32 $0x0;
	[sflag:s0] =	ssyncadd.s32 $0xFFFFCFE0  }
0x307: {  	v0 =	vld.msk [tilespmem:s29+$0x12618], $0x1;
	_ =	sdelay $0x1  }
0x308: {  	s30 =	simm.s32 $0x1  }
0x309: {  	v1 =	vld.msk [tilespmem:s30+$0x12618], $0x1;
	_ =	sdelay $0x1  }
0x30a: {  	(v2sf) =	vpush v0, $0x0;
	_ =	sdelay $0x2  }
0x30b: {  	(v2sf) =	vpush v1, $0x0;
	_ =	sdelay $0x2  }
0x30c: {  	s31 =	simm.s32 $0x2  }
0x30d: {  	v0 =	vld.msk [tilespmem:s31+$0x12618], $0x1;
	_ =	sdelay $0x2  }
0x30e: {  	s3 =	simm.s32 $0xFFFFFFFF;
	s2 =	simm.s32 $0xFFFFFFFF;
	s0 =	simm.s32 $0xC  }
.LBB3_56:
0x30f: {  	s4 =	smov.u32 s2;
	s6 =	smov.u32 s3  }
0x310: {  	s2 =	sshra.s32 s0, $0x2;
	p1 =	sne.s32 s0, $0x7C;
	s0 =	sadd.s32 $0x4, s0;
	(v2sf) =	vpush v0, $0x0  }
0x311: {  	v0 =	vld.msk [tilespmem:s2+$0x12618], $0x1  }
.Ltmp51:
0x312: {  	(pc) =	sbr.rel @p1 .LBB3_56-.Ltmp51, $4  }
0x313: {  	s2 =	spop (v2sf)  }
0x314: {  	p2 =	sne.s32 s3, $0xFFFFFFFF;
	s3 =	smov.u32 s2  }
0x315: {  	p3 =	seq.s32 s2, $0xFFFFFFFF;
	s3 =	smov.u32 @p2 s6  }
0x316: {  	s2 =	smov.u32 @p3 s4;
	s3 =	smov.u32 @p3 s6  }
0x317: {  	(v2sf) =	vpush v0, $0x0;
	_ =	sdelay $0x8  }
0x318: {  	s0 =	spop (v2sf)  }
0x319: {  	p1 =	sne.s32 s3, $0xFFFFFFFF;
	s4 =	smov.u32 s0  }
0x31a: {  	p2 =	seq.s32 s0, $0xFFFFFFFF;
	s4 =	smov.u32 @p1 s3  }
0x31b: {  	s4 =	smov.u32 @p2 s3;
	s3 =	spop (v2sf)  }
0x31c: {  	s7 =	simm.s32 $0x12508;
	p1 =	sne.s32 s4, $0xFFFFFFFF;
	s6 =	smov.u32 s3  }
0x31d: {  	s8 =	simm.s32 $0x12588;
	s6 =	smov.u32 @p1 s4;
	p1 =	seq.s32 s3, $0xFFFFFFFF  }
0x31e: {  	s0 =	smov.u32 @p2 s2;
	s6 =	smov.u32 @p1 s4;
	s4 =	spop (v2sf)  }
.Ltmp52:
0x31f: {  	p2 =	sne.s32 s6, $0xFFFFFFFF;
	s2 =	smov.u32 s4;
	(pc) =	sbr.rel .LBB3_58-.Ltmp52, $4  }
0x320: {  	s3 =	smov.u32 @p1 s0;
	p1 =	seq.s32 s4, $0xFFFFFFFF;
	s2 =	smov.u32 @p2 s6  }
0x321: {  	s9 =	simm.s32 $0x0;
	s0 =	simm.s32 $0x0;
	s2 =	smov.u32 @p1 s6  }
0x322: {  	s4 =	smov.u32 @p1 s3;
	s3 =	sand.u32 $0xFFFFFFFE, s2;
	s2 =	simm.s32 $0x6  }
0x323: {  	s6 =	sand.u32 $0xFFFFFFFE, s4;
	s4 =	simm.s32 $0x12638;
	[sflag:s2] =	ssyncpa.u1 $0x0  }
.LBB3_66:
0x324: {  	s10 =	smul.u32 $0x600, s9  }
.LBB3_70:
0x325: {  	_ = 	snop  }
0x326: {  	[tilespmem:s0+$0x12618] =	vst.msk $0x1, v0;
	s10 =	sshra.s32 s10, $0x2  }
0x327: {  	v0 =	vld [tilespmem:s10+$0x12638];
	_ =	sdelay $0x1  }
0x328: {  	s11 =	smul.u32 $0x600, s0;
	_ =	sdelay $0x1  }
0x329: {  	s11 =	sshra.s32 s11, $0x2  }
0x32a: {  	[tilespmem:s11+$0x12638] =	vst v0  }
0x32b: {  	v0 =	vld [tilespmem:s10+$0x12648];
	_ =	sdelay $0x4  }
0x32c: {  	[tilespmem:s11+$0x12648] =	vst v0  }
0x32d: {  	v0 =	vld [tilespmem:s10+$0x12658];
	_ =	sdelay $0x4  }
0x32e: {  	[tilespmem:s11+$0x12658] =	vst v0  }
0x32f: {  	v0 =	vld [tilespmem:s10+$0x12668];
	_ =	sdelay $0x4  }
0x330: {  	[tilespmem:s11+$0x12668] =	vst v0  }
0x331: {  	v0 =	vld [tilespmem:s10+$0x12678];
	_ =	sdelay $0x4  }
0x332: {  	[tilespmem:s11+$0x12678] =	vst v0  }
0x333: {  	v0 =	vld [tilespmem:s10+$0x12688];
	_ =	sdelay $0x4  }
0x334: {  	[tilespmem:s11+$0x12688] =	vst v0  }
0x335: {  	v0 =	vld [tilespmem:s10+$0x12698];
	_ =	sdelay $0x4  }
0x336: {  	[tilespmem:s11+$0x12698] =	vst v0  }
0x337: {  	v0 =	vld [tilespmem:s10+$0x126A8];
	_ =	sdelay $0x4  }
0x338: {  	[tilespmem:s11+$0x126A8] =	vst v0  }
0x339: {  	v0 =	vld [tilespmem:s10+$0x126B8];
	_ =	sdelay $0x4  }
0x33a: {  	[tilespmem:s11+$0x126B8] =	vst v0  }
0x33b: {  	v0 =	vld [tilespmem:s10+$0x126C8];
	_ =	sdelay $0x4  }
0x33c: {  	[tilespmem:s11+$0x126C8] =	vst v0  }
0x33d: {  	v0 =	vld [tilespmem:s10+$0x126D8];
	_ =	sdelay $0x4  }
0x33e: {  	[tilespmem:s11+$0x126D8] =	vst v0  }
0x33f: {  	v0 =	vld [tilespmem:s10+$0x126E8];
	_ =	sdelay $0x4  }
0x340: {  	[tilespmem:s11+$0x126E8] =	vst v0  }
0x341: {  	v0 =	vld [tilespmem:s10+$0x126F8];
	_ =	sdelay $0x4  }
0x342: {  	[tilespmem:s11+$0x126F8] =	vst v0  }
0x343: {  	v0 =	vld [tilespmem:s10+$0x12708];
	_ =	sdelay $0x4  }
0x344: {  	[tilespmem:s11+$0x12708] =	vst v0  }
0x345: {  	v0 =	vld [tilespmem:s10+$0x12718];
	_ =	sdelay $0x4  }
0x346: {  	[tilespmem:s11+$0x12718] =	vst v0  }
0x347: {  	v0 =	vld [tilespmem:s10+$0x12728];
	_ =	sdelay $0x4  }
0x348: {  	[tilespmem:s11+$0x12728] =	vst v0  }
0x349: {  	v0 =	vld [tilespmem:s10+$0x12738];
	_ =	sdelay $0x4  }
0x34a: {  	[tilespmem:s11+$0x12738] =	vst v0  }
0x34b: {  	v0 =	vld [tilespmem:s10+$0x12748];
	_ =	sdelay $0x4  }
0x34c: {  	[tilespmem:s11+$0x12748] =	vst v0  }
0x34d: {  	v0 =	vld [tilespmem:s10+$0x12758];
	_ =	sdelay $0x4  }
0x34e: {  	[tilespmem:s11+$0x12758] =	vst v0  }
0x34f: {  	v0 =	vld [tilespmem:s10+$0x12768];
	_ =	sdelay $0x4  }
0x350: {  	[tilespmem:s11+$0x12768] =	vst v0  }
0x351: {  	v0 =	vld [tilespmem:s10+$0x12778];
	_ =	sdelay $0x4  }
0x352: {  	[tilespmem:s11+$0x12778] =	vst v0  }
0x353: {  	v0 =	vld [tilespmem:s10+$0x12788];
	_ =	sdelay $0x4  }
0x354: {  	[tilespmem:s11+$0x12788] =	vst v0  }
0x355: {  	v0 =	vld [tilespmem:s10+$0x12798];
	_ =	sdelay $0x4  }
0x356: {  	[tilespmem:s11+$0x12798] =	vst v0  }
0x357: {  	v0 =	vld [tilespmem:s10+$0x127A8];
	_ =	sdelay $0x4  }
0x358: {  	s0 =	sadd.s32 $0x1, s0;
	[tilespmem:s11+$0x127A8] =	vst v0  }
.LBB3_71:
0x359: {  	s9 =	sadd.s32 $0x1, s9  }
0x35a: {  	p1 =	sne.s32 s9, $0x20  }
.Ltmp53:
0x35b: {  	_ = 	snop;
	(pc) =	sbr.rel @!p1 .LBB3_72-.Ltmp53, $2  }
0x35c: {  	_ =	sdelay $0x2  }
0x35d: {  	s4 =	sadd.s32 $0x180, s4  }
.LBB3_58:
0x35e: {  	v0 =	vld.msk [tilespmem:s9+$0x12618], $0x1;
	_ =	sdelay $0x4  }
0x35f: {  	(v2sf) =	vpush v0, $0x0;
	_ =	sdelay $0xe  }
0x360: {  	s10 =	spop (v2sf)  }
0x361: {  	p1 =	seq.s32 s10, $0xFFFFFFFF  }
.Ltmp54:
0x362: {  	_ = 	snop;
	(pc) =	sbr.rel @p1 .LBB3_71-.Ltmp54, $1  }
0x363: {  	_ =	sdelay $0x3  }
0x364: {  	p1 =	slt.s32 s0, $0x1  }
.Ltmp55:
0x365: {  	_ = 	snop;
	(pc) =	sbr.rel @p1 .LBB3_65-.Ltmp55, $2  }
0x366: {  	_ =	sdelay $0x2  }
0x367: {  	s11 =	sand.u32 $0xFFFFFFFE, s10  }
0x368: {  	s12 =	simm.s32 $0x12618;
	p1 =	por $0x0, $0x0  }
0x369: {  	v1 =	vld.msk @!p1 [tilespmem:s12+$0x0], $0x1;
	_ =	sdelay $0x4  }
0x36a: {  	(v2sf) =	vpush @!p1 v1, $0x0;
	_ =	sdelay $0xe  }
0x36b: {  	p3 =	sne.s32 s0, $0x1;
	s13 =	spop @!p1 (v2sf)  }
.Ltmp56:
0x36c: {  	s13 =	sand.u32 @!p1 $0xFFFFFFFE, s13;
	(pc) =	sbr.rel @!p3 .LBB3_62-.Ltmp56, $4  }
0x36d: {  	p2 =	seq.s32 @!p1 s11, s13  }
0x36e: {  	s13 =	simm.s32 $0x0;
	p2 =	por !p2, p1  }
0x36f: {  	s15 =	simm.s32 $0xFFFFFFFF;
	s13 =	simm.s32 @p2 $0xFFFFFFFF  }
0x370: {  	s14 =	simm.s32 $0x1;
	s13 =	smov.u32 @p1 s15  }
.LBB3_61:
0x371: {  	s15 =	smov.u32 s13;
	p1 =	sne.s32 s13, $0xFFFFFFFF  }
0x372: {  	s12 =	sadd.s32 $0x1, s12;
	s13 =	smov.u32 s14;
	s14 =	sadd.s32 $0x1, s14  }
0x373: {  	p2 =	sne.s32 s0, s14;
	v1 =	vld.msk @!p1 [tilespmem:s12+$0x0], $0x1;
	_ =	sdelay $0x4  }
0x374: {  	(v2sf) =	vpush @!p1 v1, $0x0;
	_ =	sdelay $0xe  }
0x375: {  	s16 =	spop @!p1 (v2sf)  }
.Ltmp57:
0x376: {  	s16 =	sand.u32 @!p1 $0xFFFFFFFE, s16;
	(pc) =	sbr.rel @p2 .LBB3_61-.Ltmp57, $4  }
0x377: {  	p3 =	seq.s32 @!p1 s11, s16  }
0x378: {  	p3 =	por !p3, p1  }
0x379: {  	s13 =	simm.s32 @p3 $0xFFFFFFFF  }
0x37a: {  	s13 =	smov.u32 @p1 s15  }
.LBB3_62:
0x37b: {  	p1 =	seq.s32 s13, $0xFFFFFFFF  }
.Ltmp58:
0x37c: {  	_ = 	snop;
	(pc) =	sbr.rel @p1 .LBB3_65-.Ltmp58, $1  }
0x37d: {  	_ =	sdelay $0x3  }
0x37e: {  	s10 =	smul.u32 $0x600, s13;
	_ =	sdelay $0x1  }
0x37f: {  	s10 =	sshra.s32 s10, $0x2  }
0x380: {  	v0 =	vld [tilespmem:s4+$0x0];
	s10 =	sadd.s32 $0x12638, s10  }
0x381: {  	v1 =	vld [tilespmem:s10+$0x0];
	_ =	sdelay $0x3  }
0x382: {  	v2 =	vunpack.i.u.bf16.f32 v0  }
0x383: {  	v0 =	vunpack.i.l.bf16.f32 v0;
	v3 =	vunpack.i.u.bf16.f32 v1;
	v1 =	vunpack.i.l.bf16.f32 v1  }
0x384: {  	v2 =	vadd.f32 v3, v2;
	v0 =	vadd.f32 v1, v0;
	_ =	sdelay $0x1  }
0x385: {  	v0 =	vpack.i.f32.bf16 v2, v0  }
0x386: {  	s11 =	simm.s32 $0x0;
	s12 =	sadd.s32 $0x10, s4;
	[tilespmem:s10+$0x0] =	vst v0  }
.LBB3_64:
0x387: {  	v0 =	vld [tilespmem:s12+$0x0];
	s10 =	sadd.s32 $0x10, s10  }
0x388: {  	s11 =	sadd.s32 $0x10, s11;
	v1 =	vld [tilespmem:s10+$0x0]  }
0x389: {  	p1 =	slt.u32 s11, $0x170;
	_ =	sdelay $0x2  }
0x38a: {  	v2 =	vunpack.i.u.bf16.f32 v0  }
.Ltmp59:
0x38b: {  	v0 =	vunpack.i.l.bf16.f32 v0;
	v3 =	vunpack.i.u.bf16.f32 v1;
	v1 =	vunpack.i.l.bf16.f32 v1;
	(pc) =	sbr.rel @p1 .LBB3_64-.Ltmp59, $3  }
0x38c: {  	v2 =	vadd.f32 v3, v2;
	v0 =	vadd.f32 v1, v0;
	_ =	sdelay $0x1  }
0x38d: {  	v0 =	vpack.i.f32.bf16 v2, v0  }
0x38e: {  	s12 =	sadd.s32 $0x10, s12;
	[tilespmem:s10+$0x0] =	vst v0  }
.Ltmp60:
0x38f: {  	_ = 	snop;
	(pc) =	sbr.rel .LBB3_71-.Ltmp60, $1  }
0x390: {  	_ =	sdelay $0x3  }
.LBB3_65:
0x391: {  	p1 =	sgt.u32 s10, $0x3A8F01  }
0x392: {  	p2 =	seq.s32 @!p1 s11, s3  }
0x393: {  	p1 =	por p1, p2  }
0x394: {  	p2 =	sne.s32 @!p1 s11, s6  }
0x395: {  	p1 =	por p1, !p2  }
.Ltmp61:
0x396: {  	_ = 	snop;
	(pc) =	sbr.rel @p1 .LBB3_66-.Ltmp61, $1  }
0x397: {  	_ =	sdelay $0x3  }
0x398: {  	s11 =	sshrl.u32 s10, $0x1;
	s31 =	sshrl.u32 s10, $0x4  }
0x399: {  	s12 =	simm.s32 $0x12488;
	s10 =	sadd.s32 s1, s31;
	s11 =	sand.u32 $0x7, s11  }
0x39a: {  	[tilespmem:s12], [sflag:$0x6] =	stream.linear.gather [hbm4b:s10+s11], $0x80, $0x38;
	[tilespmem:$0x1E708] =	vst v63  }
0x39b: {  	s13 =	sadd.s32 $0x40, s10  }
0x39c: {  	[tilespmem:s7], [sflag:$0x6] =	stream.linear.gather [hbm4b:s13+s11], $0x80, $0x38;
	[tilespmem:$0x1E708] =	vst v63  }
0x39d: {  	s10 =	sadd.s32 $0x80, s10  }
0x39e: {  	[tilespmem:s8], [sflag:$0x6] =	stream.linear.gather [hbm4b:s10+s11], $0x80, $0x38;
	[tilespmem:$0x1E708] =	vst v63  }
0x39f: {  	_ =	swait.ge [sflag:s2], $0x180  }
0x3a0: {  	[sflag:s2] =	ssyncset.done $0x0  }
0x3a1: {  	[sflag:s2] =	ssyncadd.s32 $0xFFFFFE80  }
0x3a2: {  	v1 =	vld [tilespmem:s12+$0x0]  }
0x3a3: {  	v2 =	vld [tilespmem:s4+$0x0];
	_ =	sdelay $0x3  }
0x3a4: {  	v3 =	vunpack.i.u.bf16.f32 v1  }
0x3a5: {  	v1 =	vunpack.i.l.bf16.f32 v1;
	v4 =	vunpack.i.u.bf16.f32 v2;
	v2 =	vunpack.i.l.bf16.f32 v2  }
0x3a6: {  	v3 =	vadd.f32 v4, v3;
	v1 =	vadd.f32 v2, v1  }
0x3a7: {  	s13 =	simm.s32 $0x12498  }
0x3a8: {  	s10 =	smul.u32 $0x600, s9;
	s11 =	simm.s32 $0x0;
	s12 =	smov.u32 s4;
	v1 =	vpack.i.f32.bf16 v3, v1  }
.LBB3_68:
0x3a9: {  	v2 =	vld [tilespmem:s13+$0x0];
	[tilespmem:s12+$0x0] =	vst v1;
	s12 =	sadd.s32 $0x10, s12  }
0x3aa: {  	s11 =	sadd.s32 $0x10, s11;
	v1 =	vld [tilespmem:s12+$0x0]  }
0x3ab: {  	p1 =	slt.u32 s11, $0x170;
	_ =	sdelay $0x2  }
.Ltmp62:
0x3ac: {  	v3 =	vunpack.i.u.bf16.f32 v2;
	(pc) =	sbr.rel @p1 .LBB3_68-.Ltmp62, $3  }
0x3ad: {  	v2 =	vunpack.i.l.bf16.f32 v2;
	v4 =	vunpack.i.u.bf16.f32 v1;
	v1 =	vunpack.i.l.bf16.f32 v1  }
0x3ae: {  	v3 =	vadd.f32 v4, v3;
	v1 =	vadd.f32 v1, v2;
	_ =	sdelay $0x1  }
0x3af: {  	s13 =	sadd.s32 $0x10, s13;
	v1 =	vpack.i.f32.bf16 v3, v1  }
.Ltmp63:
0x3b0: {  	(pc) =	sbr.rel .LBB3_70-.Ltmp63, $2  }
0x3b1: {  	_ =	sdelay $0x2  }
0x3b2: {  	[tilespmem:s12+$0x0] =	vst v1  }
.LBB3_72:
0x3b3: {  	s2 =	simm.s32 $0x6;
	p1 =	seq.s32 s0, $0x0  }
0x3b4: {  	[sflag:s2] =	ssyncpa.u1 $0x1;
	v0 =	vimm.s32 @p1 $0xFFFFFFFF  }
0x3b5: {  	s2 =	sadd.s32 $0xFFFFFFFF, s0;
	[tilespmem:$0x15638] =	vst @p1 v0  }
0x3b6: {  	v0 =	vld.msk @!p1 [tilespmem:s2+$0x12618], $0x1;
	_ =	sdelay $0x1  }
0x3b7: {  	v1 =	vld.msk @!p1 [tilespmem:$0x12618], $0x1;
	_ =	sdelay $0x2  }
0x3b8: {  	p2 =	seq.s32 @!p1 s2, $0x0;
	v0 =	vbroadcast @!p1 v0, $0x0  }
0x3b9: {  	vm0 =	vmmov @!p1 $0x1;
	p3 =	por !p2, p1  }
0x3ba: {  	p2 =	sne.s32 @!p1 s3, s6;
	v1 =	vnsel @!p1 vm0, $0xFFFFFFFF, v1;
	vm0 =	vcmask @!p1 $0x308;
	v0 =	vpsel !p3, $0xFFFFFFFF, v0  }
0x3bb: {  	p3 =	por !p2, p1;
	v0 =	vsel @!p1 vm0, v1, v0  }
0x3bc: {  	s4 =	simm.s32 @!p1 $0x0;
	s3 =	simm.s32 @!p1 $0x12638;
	s6 =	smul.u32 @!p3 $0x600, s2;
	[tilespmem:$0x15638] =	vst @!p1 v0  }
0x3bd: {  	[spmem:s4] =	stream.linear.scatter @!p1 [tilespmem:s3], [sflag:$0x1], $0x180, $0x38;
	[tilespmem:$0x1E708] =	vst v63  }
0x3be: {  	s3 =	sshra.s32 @!p3 s6, $0x2  }
0x3bf: {  	s4 =	simm.s32 @!p3 $0x180;
	s3 =	sadd.s32 @!p3 $0x12638, s3  }
0x3c0: {  	[spmem:s4] =	stream.linear.scatter @!p3 [tilespmem:s3], [sflag:$0x1], $0x180, $0x38;
	[tilespmem:$0x1E708] =	vst v63  }
0x3c1: {  	s3 =	simm.s32 @!p3 $0x1  }
0x3c2: {  	_ =	swait.ge @!p3 [sflag:s3], $0x300  }
0x3c3: {  	p1 =	por p2, p1;
	[sflag:s3] =	ssyncset.done @!p3 $0x0  }
0x3c4: {  	[sflag:s3] =	ssyncadd.s32 @!p3 $0xFFFFFD00;
	s3 =	simm.s32 @!p1 $0x1  }
0x3c5: {  	_ =	swait.ge @!p1 [sflag:s3], $0x180  }
0x3c6: {  	s29 =	simm.s32 $0x15638;
	[sflag:s3] =	ssyncset.done @!p1 $0x0  }
0x3c7: {  	s30 =	simm.s32 $0x3000;
	s31 =	simm.s32 $0x1;
	[sflag:s3] =	ssyncadd.s32 @!p1 $0xFFFFFE80  }
0x3c8: {  	[spmem:s30] =	stream.linear.scatter [tilespmem:s29], [sflag:$0x1], $0x10, $0x38;
	[tilespmem:$0x1E708] =	vst v63  }
0x3c9: {  	_ =	swait.ge [sflag:s31], $0x10  }
0x3ca: {  	[sflag:s31] =	ssyncset.done $0x0  }
0x3cb: {  	p1 =	seq.s32 s5, $0x0;
	[sflag:s31] =	ssyncadd.s32 $0xFFFFFFF0  }
0x3cc: {  	s4 =	sshll.u32 @p1 s18, $0xE;
	s9 =	rddreg [dreg:$0x3]  }
0x3cd: {  	s3 =	sadd.s32 @p1 $0x15C3C, s4;
	s4 =	sshll.u32 @p1 s9, $0x11  }
0x3ce: {  	_ =	sfence.stream.spmem;
	s3 =	sor.u32 @p1 s4, s3  }
0x3cf: {  	[sflag:s3] =	ssyncadd.remote.s32 @p1 $0x1;
	s3 =	simm.s32 @p1 $0x4  }
0x3d0: {  	s6 =	simm.s32 @!p1 $0x3C;
	s4 =	sand.u32 $0xFFFFFFFE, s18;
	_ =	swait.ge @p1 [sflag:s3], $0x62  }
0x3d1: {  	s7 =	simm.s32 @!p1 $0x0;
	s4 =	sadd.s32 @!p1 $0x4, s4;
	[sflag:s3] =	ssyncset.done @p1 $0x0  }
0x3d2: {  	s8 =	simm.s32 @!p1 $0x300;
	[sflag:s3] =	ssyncadd.s32 @p1 $0xFFFFFF9E;
	s3 =	sshll.u32 @!p1 s4, $0x1A  }
0x3d3: {  	s4 =	sshll.u32 @!p1 s4, $0xD;
	s3 =	sor.u32 @!p1 s3, s9;
	_ =	swait.eq @!p1 [sflag:s6], $0x1  }
0x3d4: {  	s4 =	sor.u32 @!p1 $0x1C04, s4;
	s6 =	simm.s32 @!p1 $0x1C03;
	s3 =	sor.u32 @!p1 $0x80004000, s3  }
0x3d5: {  	[spmem:s8], [sflag:s4] =	dma.general @!p1 [spmem:s7], [sflag:s6], length:$0x60, [dreg:$0x0], stride_count:$0x0, ici_dest:s3, dma_misc:DstOpCode:WRITE  }
0x3d6: {  	p2 =	slt.s32 s2, $0x2;
	s7 =	simm.s32 @!p1 $0x600;
	s8 =	simm.s32 @!p1 $0x602  }
0x3d7: {  	[spmem:s8], [sflag:s4] =	dma.general @!p1 [spmem:s7], [sflag:s6], length:$0x2, [dreg:$0x0], stride_count:$0x0, ici_dest:s3, dma_misc:DstOpCode:WRITE  }
.Ltmp64:
0x3d8: {  	s3 =	simm.s32 @!p1 $0x3;
	(pc) =	sbr.rel @p2 .LBB3_76-.Ltmp64, $4  }
0x3d9: {  	s4 =	sshll.u32 @!p1 s18, $0xE;
	_ =	swait.ge @!p1 [sflag:s3], $0x62  }
0x3da: {  	s6 =	sshll.u32 @!p1 s9, $0x11;
	s4 =	sadd.s32 @!p1 $0x11C3C, s4;
	[sflag:s3] =	ssyncset.done @!p1 $0x0  }
0x3db: {  	[sflag:s3] =	ssyncadd.s32 @!p1 $0xFFFFFF9E;
	s3 =	sor.u32 @!p1 s6, s4  }
0x3dc: {  	s2 =	simm.s32 $0x0;
	[sflag:s3] =	ssyncadd.remote.s32 @!p1 $0xFFFFFFFF  }
0x3dd: {  	s2 =	simm.s32 $0x12619  }
0x3de: {  	v0 =	vld.msk [tilespmem:s2+$0x0], $0x1;
	_ =	sdelay $0x4  }
0x3df: {  	(v2sf) =	vpush v0, $0x0;
	_ =	sdelay $0xe  }
0x3e0: {  	s2 =	spop (v2sf)  }
0x3e1: {  	p1 =	sgt.u32 s2, $0x3A8F01  }
0x3e2: {  	s3 =	sadd.s32 $0xFFFFFFFE, s0;
	s4 =	sshrl.u32 @!p1 s2, $0x1;
	s2 =	sshrl.u32 @!p1 s2, $0x4  }
0x3e3: {  	s0 =	simm.s32 $0x127B8;
	s6 =	sadd.s32 @!p1 s1, s2;
	s4 =	sand.u32 @!p1 $0x7, s4  }
0x3e4: {  	[hbm4b:s6+s4] =	stream.linear.scatter @!p1 [tilespmem:s0], [sflag:$0x5], $0x80, $0x38;
	[tilespmem:$0x1E708] =	vst v63  }
0x3e5: {  	s2 =	simm.s32 @!p1 $0x12838;
	s8 =	sadd.s32 @!p1 $0x40, s6  }
0x3e6: {  	[hbm4b:s8+s4] =	stream.linear.scatter @!p1 [tilespmem:s2], [sflag:$0x5], $0x80, $0x38;
	[tilespmem:$0x1E708] =	vst v63  }
0x3e7: {  	s2 =	sadd.s32 $0xFFFFFFFF, s3  }
0x3e8: {  	p2 =	sne.s32 s2, $0x0  }
.Ltmp65:
0x3e9: {  	_ = 	snop;
	(pc) =	sbr.rel @!p2 .LBB3_75-.Ltmp65, $4  }
0x3ea: {  	s7 =	simm.s32 $0x0  }
0x3eb: {  	s7 =	simm.s32 @!p1 $0x600;
	s6 =	sadd.s32 @!p1 $0x80, s6;
	s3 =	simm.s32 @!p1 $0x128B8  }
0x3ec: {  	[hbm4b:s6+s4] =	stream.linear.scatter @!p1 [tilespmem:s3], [sflag:$0x5], $0x80, $0x38;
	[tilespmem:$0x1E708] =	vst v63  }
0x3ed: {  	s3 =	sadd.s32 $0x0, s7;
	s4 =	simm.s32 $0x1261A  }
.LBB3_74:
0x3ee: {  	v0 =	vld.msk [tilespmem:s4+$0x0], $0x1;
	s2 =	sadd.s32 $0xFFFFFFFF, s2  }
0x3ef: {  	p1 =	sne.s32 s2, $0x0;
	_ =	sdelay $0x3  }
0x3f0: {  	(v2sf) =	vpush v0, $0x0;
	_ =	sdelay $0xe  }
0x3f1: {  	s6 =	spop (v2sf)  }
0x3f2: {  	s7 =	simm.s32 $0x0;
	p2 =	sgt.u32 s6, $0x3A8F01  }
0x3f3: {  	s7 =	simm.s32 @!p2 $0x600;
	s8 =	sshrl.u32 @!p2 s6, $0x1;
	s6 =	sshrl.u32 @!p2 s6, $0x4  }
0x3f4: {  	s0 =	sadd.s32 $0x180, s0;
	s6 =	sadd.s32 @!p2 s1, s6;
	s8 =	sand.u32 @!p2 $0x7, s8  }
0x3f5: {  	[hbm4b:s6+s8] =	stream.linear.scatter @!p2 [tilespmem:s0], [sflag:$0x5], $0x80, $0x38;
	[tilespmem:$0x1E708] =	vst v63  }
.Ltmp66:
0x3f6: {  	_ = 	snop;
	(pc) =	sbr.rel @p1 .LBB3_74-.Ltmp66, $4  }
0x3f7: {  	s9 =	sadd.s32 @!p2 $0x80, s0;
	s3 =	sadd.s32 s3, s7;
	s10 =	sadd.s32 @!p2 $0x40, s6  }
0x3f8: {  	[hbm4b:s10+s8] =	stream.linear.scatter @!p2 [tilespmem:s9], [sflag:$0x5], $0x80, $0x38;
	[tilespmem:$0x1E708] =	vst v63  }
0x3f9: {  	s4 =	sadd.s32 $0x1, s4;
	s7 =	sadd.s32 @!p2 $0x100, s0;
	s6 =	sadd.s32 @!p2 $0x80, s6  }
0x3fa: {  	[hbm4b:s6+s8] =	stream.linear.scatter @!p2 [tilespmem:s7], [sflag:$0x5], $0x80, $0x38;
	[tilespmem:$0x1E708] =	vst v63  }
.LBB3_75:
0x3fb: {  	s2 =	sshrl.u32 s3, $0x2  }
.LBB3_76:
0x3fc: {  	s0 =	simm.s32 $0x5  }
0x3fd: {  	_ =	swait.ge [sflag:s0], s2  }
0x3fe: {  	s31 =	ssub.s32 $0x0, s2;
	[sflag:s0] =	ssyncset.done $0x0  }
0x3ff: {  	[sflag:s0] =	ssyncadd.s32 s31  }
0x400: {  	[sflag:s0] =	ssyncpa.u1 $0x1  }
.LBB3_77:
0x401: {  	s0 =	sor.u32 s5, s17  }
0x402: {  	p1 =	sne.s32 s0, $0x0  }
.Ltmp67:
0x403: {  	_ = 	snop;
	(pc) =	sbr.rel @p1 .LBB3_98-.Ltmp67, $3  }
0x404: {  	_ =	sdelay $0x1  }
0x405: {  	[bflag:$0x0] =	sbarrier.arrive $0xFFFF  }
0x406: {  	_ =	sfence  }
0x407: {  	s3 =	simm.s32 $0x7  }
0x408: {  	s0 =	simm.s32 $0x3000;
	s2 =	simm.s32 $0x12618;
	[sflag:s3] =	ssyncpa.u1 $0x0  }
0x409: {  	[tilespmem:s2], [sflag:$0x7] =	stream.linear.gather [spmem:s0], $0x20, $0x38;
	[tilespmem:$0x1E708] =	vst v63  }
0x40a: {  	s0 =	simm.s32 $0x0;
	s2 =	simm.s32 $0x12638  }
0x40b: {  	[tilespmem:s2], [sflag:$0x7] =	stream.linear.gather [spmem:s0], $0x3000, $0x38;
	[tilespmem:$0x1E708] =	vst v63  }
.Ltmp68:
0x40c: {  	_ = 	snop;
	(pc) =	sbr.rel .LBB3_79-.Ltmp68, $4  }
0x40d: {  	_ =	swait.ge [sflag:s3], $0x3020  }
0x40e: {  	[sflag:s3] =	ssyncset.done $0x0  }
0x40f: {  	s4 =	simm.s32 $0x12508;
	[sflag:s3] =	ssyncadd.s32 $0xFFFFCFE0;
	s3 =	simm.s32 $0x8  }
0x410: {  	s5 =	simm.s32 $0x12588;
	s6 =	simm.s32 $0x0;
	[sflag:s3] =	ssyncpa.u1 $0x0  }
.LBB3_87:
0x411: {  	s7 =	smul.u32 $0x600, s6  }
.LBB3_91:
0x412: {  	_ = 	snop  }
0x413: {  	[tilespmem:s0+$0x12618] =	vst.msk $0x1, v0;
	s7 =	sshra.s32 s7, $0x2  }
0x414: {  	v0 =	vld [tilespmem:s7+$0x12638];
	_ =	sdelay $0x1  }
0x415: {  	s8 =	smul.u32 $0x600, s0;
	_ =	sdelay $0x1  }
0x416: {  	s8 =	sshra.s32 s8, $0x2  }
0x417: {  	[tilespmem:s8+$0x12638] =	vst v0  }
0x418: {  	v0 =	vld [tilespmem:s7+$0x12648];
	_ =	sdelay $0x4  }
0x419: {  	[tilespmem:s8+$0x12648] =	vst v0  }
0x41a: {  	v0 =	vld [tilespmem:s7+$0x12658];
	_ =	sdelay $0x4  }
0x41b: {  	[tilespmem:s8+$0x12658] =	vst v0  }
0x41c: {  	v0 =	vld [tilespmem:s7+$0x12668];
	_ =	sdelay $0x4  }
0x41d: {  	[tilespmem:s8+$0x12668] =	vst v0  }
0x41e: {  	v0 =	vld [tilespmem:s7+$0x12678];
	_ =	sdelay $0x4  }
0x41f: {  	[tilespmem:s8+$0x12678] =	vst v0  }
0x420: {  	v0 =	vld [tilespmem:s7+$0x12688];
	_ =	sdelay $0x4  }
0x421: {  	[tilespmem:s8+$0x12688] =	vst v0  }
0x422: {  	v0 =	vld [tilespmem:s7+$0x12698];
	_ =	sdelay $0x4  }
0x423: {  	[tilespmem:s8+$0x12698] =	vst v0  }
0x424: {  	v0 =	vld [tilespmem:s7+$0x126A8];
	_ =	sdelay $0x4  }
0x425: {  	[tilespmem:s8+$0x126A8] =	vst v0  }
0x426: {  	v0 =	vld [tilespmem:s7+$0x126B8];
	_ =	sdelay $0x4  }
0x427: {  	[tilespmem:s8+$0x126B8] =	vst v0  }
0x428: {  	v0 =	vld [tilespmem:s7+$0x126C8];
	_ =	sdelay $0x4  }
0x429: {  	[tilespmem:s8+$0x126C8] =	vst v0  }
0x42a: {  	v0 =	vld [tilespmem:s7+$0x126D8];
	_ =	sdelay $0x4  }
0x42b: {  	[tilespmem:s8+$0x126D8] =	vst v0  }
0x42c: {  	v0 =	vld [tilespmem:s7+$0x126E8];
	_ =	sdelay $0x4  }
0x42d: {  	[tilespmem:s8+$0x126E8] =	vst v0  }
0x42e: {  	v0 =	vld [tilespmem:s7+$0x126F8];
	_ =	sdelay $0x4  }
0x42f: {  	[tilespmem:s8+$0x126F8] =	vst v0  }
0x430: {  	v0 =	vld [tilespmem:s7+$0x12708];
	_ =	sdelay $0x4  }
0x431: {  	[tilespmem:s8+$0x12708] =	vst v0  }
0x432: {  	v0 =	vld [tilespmem:s7+$0x12718];
	_ =	sdelay $0x4  }
0x433: {  	[tilespmem:s8+$0x12718] =	vst v0  }
0x434: {  	v0 =	vld [tilespmem:s7+$0x12728];
	_ =	sdelay $0x4  }
0x435: {  	[tilespmem:s8+$0x12728] =	vst v0  }
0x436: {  	v0 =	vld [tilespmem:s7+$0x12738];
	_ =	sdelay $0x4  }
0x437: {  	[tilespmem:s8+$0x12738] =	vst v0  }
0x438: {  	v0 =	vld [tilespmem:s7+$0x12748];
	_ =	sdelay $0x4  }
0x439: {  	[tilespmem:s8+$0x12748] =	vst v0  }
0x43a: {  	v0 =	vld [tilespmem:s7+$0x12758];
	_ =	sdelay $0x4  }
0x43b: {  	[tilespmem:s8+$0x12758] =	vst v0  }
0x43c: {  	v0 =	vld [tilespmem:s7+$0x12768];
	_ =	sdelay $0x4  }
0x43d: {  	[tilespmem:s8+$0x12768] =	vst v0  }
0x43e: {  	v0 =	vld [tilespmem:s7+$0x12778];
	_ =	sdelay $0x4  }
0x43f: {  	[tilespmem:s8+$0x12778] =	vst v0  }
0x440: {  	v0 =	vld [tilespmem:s7+$0x12788];
	_ =	sdelay $0x4  }
0x441: {  	[tilespmem:s8+$0x12788] =	vst v0  }
0x442: {  	v0 =	vld [tilespmem:s7+$0x12798];
	_ =	sdelay $0x4  }
0x443: {  	[tilespmem:s8+$0x12798] =	vst v0  }
0x444: {  	v0 =	vld [tilespmem:s7+$0x127A8];
	_ =	sdelay $0x4  }
0x445: {  	s0 =	sadd.s32 $0x1, s0;
	[tilespmem:s8+$0x127A8] =	vst v0  }
.LBB3_92:
0x446: {  	s6 =	sadd.s32 $0x1, s6  }
0x447: {  	p1 =	sne.s32 s6, $0x20  }
.Ltmp69:
0x448: {  	_ = 	snop;
	(pc) =	sbr.rel @!p1 .LBB3_93-.Ltmp69, $2  }
0x449: {  	_ =	sdelay $0x2  }
0x44a: {  	s2 =	sadd.s32 $0x180, s2  }
.LBB3_79:
0x44b: {  	v0 =	vld.msk [tilespmem:s6+$0x12618], $0x1;
	_ =	sdelay $0x4  }
0x44c: {  	(v2sf) =	vpush v0, $0x0;
	_ =	sdelay $0xe  }
0x44d: {  	s7 =	spop (v2sf)  }
0x44e: {  	p1 =	seq.s32 s7, $0xFFFFFFFF  }
.Ltmp70:
0x44f: {  	_ = 	snop;
	(pc) =	sbr.rel @p1 .LBB3_92-.Ltmp70, $1  }
0x450: {  	_ =	sdelay $0x3  }
0x451: {  	p1 =	slt.s32 s0, $0x1  }
.Ltmp71:
0x452: {  	_ = 	snop;
	(pc) =	sbr.rel @p1 .LBB3_86-.Ltmp71, $1  }
0x453: {  	_ =	sdelay $0x3  }
0x454: {  	s8 =	simm.s32 $0x12618;
	p1 =	por $0x0, $0x0  }
0x455: {  	v1 =	vld.msk @!p1 [tilespmem:s8+$0x0], $0x1;
	_ =	sdelay $0x4  }
0x456: {  	(v2sf) =	vpush @!p1 v1, $0x0;
	_ =	sdelay $0xe  }
0x457: {  	p3 =	sne.s32 s0, $0x1;
	s9 =	spop @!p1 (v2sf)  }
.Ltmp72:
0x458: {  	s9 =	sxor.u32 @!p1 s7, s9;
	(pc) =	sbr.rel @!p3 .LBB3_83-.Ltmp72, $4  }
0x459: {  	p2 =	slt.u32 @!p1 s9, $0x2  }
0x45a: {  	s9 =	simm.s32 $0x0;
	p2 =	por !p2, p1  }
0x45b: {  	s11 =	simm.s32 $0xFFFFFFFF;
	s9 =	simm.s32 @p2 $0xFFFFFFFF  }
0x45c: {  	s10 =	simm.s32 $0x1;
	s9 =	smov.u32 @p1 s11  }
.LBB3_82:
0x45d: {  	s11 =	smov.u32 s9;
	p1 =	sne.s32 s9, $0xFFFFFFFF  }
0x45e: {  	s8 =	sadd.s32 $0x1, s8;
	s9 =	smov.u32 s10;
	s10 =	sadd.s32 $0x1, s10  }
0x45f: {  	p2 =	sne.s32 s0, s10;
	v1 =	vld.msk @!p1 [tilespmem:s8+$0x0], $0x1;
	_ =	sdelay $0x4  }
0x460: {  	(v2sf) =	vpush @!p1 v1, $0x0;
	_ =	sdelay $0xe  }
0x461: {  	s12 =	spop @!p1 (v2sf)  }
.Ltmp73:
0x462: {  	s12 =	sxor.u32 @!p1 s7, s12;
	(pc) =	sbr.rel @p2 .LBB3_82-.Ltmp73, $4  }
0x463: {  	p3 =	slt.u32 @!p1 s12, $0x2  }
0x464: {  	p3 =	por !p3, p1  }
0x465: {  	s9 =	simm.s32 @p3 $0xFFFFFFFF  }
0x466: {  	s9 =	smov.u32 @p1 s11  }
.LBB3_83:
0x467: {  	p1 =	seq.s32 s9, $0xFFFFFFFF  }
.Ltmp74:
0x468: {  	_ = 	snop;
	(pc) =	sbr.rel @p1 .LBB3_86-.Ltmp74, $1  }
0x469: {  	_ =	sdelay $0x3  }
0x46a: {  	s7 =	smul.u32 $0x600, s9;
	_ =	sdelay $0x1  }
0x46b: {  	s7 =	sshra.s32 s7, $0x2  }
0x46c: {  	v0 =	vld [tilespmem:s2+$0x0];
	s7 =	sadd.s32 $0x12638, s7  }
0x46d: {  	v1 =	vld [tilespmem:s7+$0x0];
	_ =	sdelay $0x3  }
0x46e: {  	v2 =	vunpack.i.u.bf16.f32 v0  }
0x46f: {  	v0 =	vunpack.i.l.bf16.f32 v0;
	v3 =	vunpack.i.u.bf16.f32 v1;
	v1 =	vunpack.i.l.bf16.f32 v1  }
0x470: {  	v2 =	vadd.f32 v3, v2;
	v0 =	vadd.f32 v1, v0;
	_ =	sdelay $0x1  }
0x471: {  	v0 =	vpack.i.f32.bf16 v2, v0  }
0x472: {  	s8 =	simm.s32 $0x0;
	s9 =	sadd.s32 $0x10, s2;
	[tilespmem:s7+$0x0] =	vst v0  }
.LBB3_85:
0x473: {  	v0 =	vld [tilespmem:s9+$0x0];
	s7 =	sadd.s32 $0x10, s7  }
0x474: {  	s8 =	sadd.s32 $0x10, s8;
	v1 =	vld [tilespmem:s7+$0x0]  }
0x475: {  	p1 =	slt.u32 s8, $0x170;
	_ =	sdelay $0x2  }
0x476: {  	v2 =	vunpack.i.u.bf16.f32 v0  }
.Ltmp75:
0x477: {  	v0 =	vunpack.i.l.bf16.f32 v0;
	v3 =	vunpack.i.u.bf16.f32 v1;
	v1 =	vunpack.i.l.bf16.f32 v1;
	(pc) =	sbr.rel @p1 .LBB3_85-.Ltmp75, $3  }
0x478: {  	v2 =	vadd.f32 v3, v2;
	v0 =	vadd.f32 v1, v0;
	_ =	sdelay $0x1  }
0x479: {  	v0 =	vpack.i.f32.bf16 v2, v0  }
0x47a: {  	s9 =	sadd.s32 $0x10, s9;
	[tilespmem:s7+$0x0] =	vst v0  }
.Ltmp76:
0x47b: {  	_ = 	snop;
	(pc) =	sbr.rel .LBB3_92-.Ltmp76, $1  }
0x47c: {  	_ =	sdelay $0x3  }
.LBB3_86:
0x47d: {  	p1 =	slt.u32 s7, $0x3A8F02  }
.Ltmp77:
0x47e: {  	_ = 	snop;
	(pc) =	sbr.rel @!p1 .LBB3_87-.Ltmp77, $1  }
0x47f: {  	_ =	sdelay $0x3  }
0x480: {  	s8 =	sshrl.u32 s7, $0x1;
	s31 =	sshrl.u32 s7, $0x4  }
0x481: {  	s9 =	simm.s32 $0x12488;
	s7 =	sadd.s32 s1, s31;
	s8 =	sand.u32 $0x7, s8  }
0x482: {  	[tilespmem:s9], [sflag:$0x8] =	stream.linear.gather [hbm4b:s7+s8], $0x80, $0x38;
	[tilespmem:$0x1E708] =	vst v63  }
0x483: {  	s10 =	sadd.s32 $0x40, s7  }
0x484: {  	[tilespmem:s4], [sflag:$0x8] =	stream.linear.gather [hbm4b:s10+s8], $0x80, $0x38;
	[tilespmem:$0x1E708] =	vst v63  }
0x485: {  	s7 =	sadd.s32 $0x80, s7  }
0x486: {  	[tilespmem:s5], [sflag:$0x8] =	stream.linear.gather [hbm4b:s7+s8], $0x80, $0x38;
	[tilespmem:$0x1E708] =	vst v63  }
0x487: {  	_ =	swait.ge [sflag:s3], $0x180  }
0x488: {  	[sflag:s3] =	ssyncset.done $0x0  }
0x489: {  	[sflag:s3] =	ssyncadd.s32 $0xFFFFFE80  }
0x48a: {  	v1 =	vld [tilespmem:s9+$0x0]  }
0x48b: {  	v2 =	vld [tilespmem:s2+$0x0];
	_ =	sdelay $0x3  }
0x48c: {  	v3 =	vunpack.i.u.bf16.f32 v1  }
0x48d: {  	v1 =	vunpack.i.l.bf16.f32 v1;
	v4 =	vunpack.i.u.bf16.f32 v2;
	v2 =	vunpack.i.l.bf16.f32 v2  }
0x48e: {  	v3 =	vadd.f32 v4, v3;
	v1 =	vadd.f32 v2, v1  }
0x48f: {  	s10 =	simm.s32 $0x12498  }
0x490: {  	s7 =	smul.u32 $0x600, s6;
	s8 =	simm.s32 $0x0;
	s9 =	smov.u32 s2;
	v1 =	vpack.i.f32.bf16 v3, v1  }
.LBB3_89:
0x491: {  	v2 =	vld [tilespmem:s10+$0x0];
	[tilespmem:s9+$0x0] =	vst v1;
	s9 =	sadd.s32 $0x10, s9  }
0x492: {  	s8 =	sadd.s32 $0x10, s8;
	v1 =	vld [tilespmem:s9+$0x0]  }
0x493: {  	p1 =	slt.u32 s8, $0x170;
	_ =	sdelay $0x2  }
.Ltmp78:
0x494: {  	v3 =	vunpack.i.u.bf16.f32 v2;
	(pc) =	sbr.rel @p1 .LBB3_89-.Ltmp78, $3  }
0x495: {  	v2 =	vunpack.i.l.bf16.f32 v2;
	v4 =	vunpack.i.u.bf16.f32 v1;
	v1 =	vunpack.i.l.bf16.f32 v1  }
0x496: {  	v3 =	vadd.f32 v4, v3;
	v1 =	vadd.f32 v1, v2;
	_ =	sdelay $0x1  }
0x497: {  	s10 =	sadd.s32 $0x10, s10;
	v1 =	vpack.i.f32.bf16 v3, v1  }
.Ltmp79:
0x498: {  	(pc) =	sbr.rel .LBB3_91-.Ltmp79, $2  }
0x499: {  	_ =	sdelay $0x2  }
0x49a: {  	[tilespmem:s9+$0x0] =	vst v1  }
.LBB3_93:
0x49b: {  	p1 =	slt.s32 s0, $0x1  }
.Ltmp80:
0x49c: {  	_ = 	snop;
	(pc) =	sbr.rel @p1 .LBB3_97-.Ltmp80, $3  }
0x49d: {  	_ =	sdelay $0x1  }
0x49e: {  	s2 =	simm.s32 $0x8  }
0x49f: {  	s3 =	simm.s32 $0x0;
	[sflag:s2] =	ssyncpa.u1 $0x1  }
0x4a0: {  	s2 =	simm.s32 $0x12618  }
0x4a1: {  	v0 =	vld.msk [tilespmem:s2+$0x0], $0x1;
	_ =	sdelay $0x4  }
0x4a2: {  	(v2sf) =	vpush v0, $0x0;
	_ =	sdelay $0xe  }
0x4a3: {  	s2 =	spop (v2sf)  }
0x4a4: {  	s0 =	sadd.s32 $0xFFFFFFFF, s0;
	p1 =	sgt.u32 s2, $0x3A8F01  }
0x4a5: {  	p2 =	sne.s32 s0, $0x0;
	s4 =	sshrl.u32 @!p1 s2, $0x1;
	s5 =	sshrl.u32 @!p1 s2, $0x4  }
0x4a6: {  	s2 =	simm.s32 $0x12638;
	s5 =	sadd.s32 @!p1 s1, s5;
	s4 =	sand.u32 @!p1 $0x7, s4  }
0x4a7: {  	[hbm4b:s5+s4] =	stream.linear.scatter @!p1 [tilespmem:s2], [sflag:$0x7], $0x80, $0x38;
	[tilespmem:$0x1E708] =	vst v63  }
.Ltmp81:
0x4a8: {  	s6 =	simm.s32 @!p1 $0x126B8;
	s7 =	sadd.s32 @!p1 $0x40, s5;
	(pc) =	sbr.rel @!p2 .LBB3_96-.Ltmp81, $4  }
0x4a9: {  	[hbm4b:s7+s4] =	stream.linear.scatter @!p1 [tilespmem:s6], [sflag:$0x7], $0x80, $0x38;
	[tilespmem:$0x1E708] =	vst v63  }
0x4aa: {  	s3 =	simm.s32 @!p1 $0x600;
	s5 =	sadd.s32 @!p1 $0x80, s5;
	s6 =	simm.s32 @!p1 $0x12738  }
0x4ab: {  	[hbm4b:s5+s4] =	stream.linear.scatter @!p1 [tilespmem:s6], [sflag:$0x7], $0x80, $0x38;
	[tilespmem:$0x1E708] =	vst v63  }
0x4ac: {  	s3 =	sadd.s32 $0x0, s3;
	s4 =	simm.s32 $0x12619  }
.LBB3_95:
0x4ad: {  	v0 =	vld.msk [tilespmem:s4+$0x0], $0x1;
	s0 =	sadd.s32 $0xFFFFFFFF, s0  }
0x4ae: {  	p1 =	sne.s32 s0, $0x0;
	_ =	sdelay $0x3  }
0x4af: {  	(v2sf) =	vpush v0, $0x0;
	_ =	sdelay $0xe  }
0x4b0: {  	s5 =	spop (v2sf)  }
0x4b1: {  	s6 =	simm.s32 $0x0;
	p2 =	sgt.u32 s5, $0x3A8F01  }
0x4b2: {  	s6 =	simm.s32 @!p2 $0x600;
	s7 =	sshrl.u32 @!p2 s5, $0x1;
	s5 =	sshrl.u32 @!p2 s5, $0x4  }
0x4b3: {  	s2 =	sadd.s32 $0x180, s2;
	s5 =	sadd.s32 @!p2 s1, s5;
	s7 =	sand.u32 @!p2 $0x7, s7  }
0x4b4: {  	[hbm4b:s5+s7] =	stream.linear.scatter @!p2 [tilespmem:s2], [sflag:$0x7], $0x80, $0x38;
	[tilespmem:$0x1E708] =	vst v63  }
.Ltmp82:
0x4b5: {  	_ = 	snop;
	(pc) =	sbr.rel @p1 .LBB3_95-.Ltmp82, $4  }
0x4b6: {  	s8 =	sadd.s32 @!p2 $0x80, s2;
	s3 =	sadd.s32 s3, s6;
	s9 =	sadd.s32 @!p2 $0x40, s5  }
0x4b7: {  	[hbm4b:s9+s7] =	stream.linear.scatter @!p2 [tilespmem:s8], [sflag:$0x7], $0x80, $0x38;
	[tilespmem:$0x1E708] =	vst v63  }
0x4b8: {  	s4 =	sadd.s32 $0x1, s4;
	s6 =	sadd.s32 @!p2 $0x100, s2;
	s5 =	sadd.s32 @!p2 $0x80, s5  }
0x4b9: {  	[hbm4b:s5+s7] =	stream.linear.scatter @!p2 [tilespmem:s6], [sflag:$0x7], $0x80, $0x38;
	[tilespmem:$0x1E708] =	vst v63  }
.LBB3_96:
0x4ba: {  	s3 =	sshrl.u32 s3, $0x2  }
.LBB3_97:
0x4bb: {  	s0 =	simm.s32 $0x7  }
0x4bc: {  	_ =	swait.ge [sflag:s0], s3  }
0x4bd: {  	s1 =	ssub.s32 $0x0, s3;
	[sflag:s0] =	ssyncset.done $0x0  }
0x4be: {  	[sflag:s0] =	ssyncadd.s32 s1  }
0x4bf: {  	[sflag:s0] =	ssyncpa.u1 $0x1  }
.LBB3_98:
0x4c0: {  	_ =	sfence;
	s0 =	simm.s32 $0x1  }
0x4c1: {  	[sflag:s0] =	ssyncpa.u1 $0x1  }
0x4c2: {  	_ =	strace $0x90000050  }
0x4c3: {  	[bflag:$0x2] =	sbarrier.arrive $0xFFFF  }
0x4c4: {  	s0 =	rddreg [dreg:$0x4]  }
0x4c5: {  	s0 =	sadd.s32 @!p0 $0x100000, s0  }
0x4c6: {  	[sflag:s0] =	ssyncadd.tile.s32 @!p0 $0x1;
	_ =	shalt  }
.Lfunc_end3:
_tile_overlayer_lowered:
.L_overlay_start_3:
0x4c7: {  	(tag) =	ssettag $0x3  }
0x4c8: {  	s0 =	rddreg [dreg:$0x0];
	s2 =	stileid.u32  }
0x4c9: {  	s1 =	rddreg [dreg:$0x1];
	p0 =	sne.s32 s2, $0x0  }
0x4ca: {  	s3 =	rddreg [dreg:$0x2];
	[bflag:$0x3] =	sbarrier.arrive $0xFFFF;
	s2 =	simm.s32 @!p0 $0x1C01  }
0x4cb: {  	[timem:s3], [sflag:s2] =	dma.local @!p0 [hbm:s0], s1  }
0x4cc: {  	s0 =	simm.s32 @!p0 $0x1  }
0x4cd: {  	_ =	swait.ge @!p0 [sflag:s0], s1  }
0x4ce: {  	s1 =	ssub.s32 @!p0 $0x0, s1;
	[sflag:s0] =	ssyncset.done @!p0 $0x0  }
0x4cf: {  	[sflag:s0] =	ssyncadd.s32 @!p0 s1  }
0x4d0: {  	[bflag:$0x3] =	sbarrier.arrive $0xFFFF  }
0x4d1: {  	_ =	shalt  }

// kernel: scatter_offload_async_start
scs
__scs_entry_jumppad:
0x0: {  	(pc) =	sbr.rel $0x88, $3  }
0x1: {  	(tag) =	ssettag $0x0;
	lr =	simm.s32 $0x1  }
0x2: {  	[smem:$0x3F8B] =	sst lr;
	_ =	strace $0xD0000000  }
0x3: {  	_ = 	snop  }
0x4: {  	_ = 	snop  }
0x5: {  	_ = 	snop  }
0x6: {  	_ = 	snop  }
0x7: {  	_ = 	snop  }
__scs_overlays_trampoline_lowered:
0x8: {  	[smem:$0x3F9A] =	sst s0  }
0x9: {  	[smem:$0x3F9B] =	sst s1  }
0xa: {  	[smem:$0x3F9C] =	sst s2  }
0xb: {  	[smem:$0x3F9D] =	sst s3  }
0xc: {  	[smem:$0x3F9E] =	sst s4  }
0xd: {  	[smem:$0x3F9F] =	sst s5  }
0xe: {  	[smem:$0x3FA0] =	sst s6  }
0xf: {  	[smem:$0x3FA1] =	sst s7  }
0x10: {  	[smem:$0x3FA2] =	sst s8  }
0x11: {  	[smem:$0x3FA3] =	sst s9;
	s0 =	simm.s32 @!p0 $0x0  }
0x12: {  	s1 =	sld [smem:$0x3F89];
	s0 =	simm.s32 @p0 $0x1  }
0x13: {  	[smem:$0x3FA4] =	sst s0;
	s0 =	simm.s32 @!p1 $0x0  }
0x14: {  	s2 =	sld [smem:$0x3F88];
	s0 =	simm.s32 @p1 $0x1  }
0x15: {  	[smem:$0x3FA5] =	sst s0;
	s0 =	simm.s32 @!p2 $0x0  }
0x16: {  	s3 =	sld [smem:$0x3FDB];
	s0 =	simm.s32 @p2 $0x1  }
0x17: {  	s4 =	simm.s32 $0x1BF5;
	[smem:$0x3FA7] =	sst s0  }
0x18: {  	s0 =	sld [smem:$0x3F8A];
	_ =	swait.ge [sflag:s4], $0x0  }
0x19: {  	s7 =	sld [smem:$0x3F8B]  }
0x1a: {  	s8 =	sadd.s32 $0xFFFFE003, lr  }
0x1b: {  	s9 =	sadd.s32 $0xFFFFFEF7, lr;
	s5 =	simm.s32 $0xFFFFFFFF;
	p2 =	slt.u32 s8, $0xFFFFF086  }
0x1c: {  	p1 =	slt.u32 s9, $0xF7A;
	s5 =	simm.s32 @!p2 $0x0  }
0x1d: {  	s5 =	simm.s32 @p1 $0x1;
	p0 =	seq.s32 s7, s2  }
0x1e: {  	s7 =	smul.u32 @!p0 $0xF7A, s2;
	p2 =	seq.s32 @!p0 s5, $0x0  }
0x1f: {  	s9 =	smul.u32 $0xF7A, s1;
	s8 =	simm.s32 @!p0 $0x1BF5;
	p2 =	por !p2, p0  }
0x20: {  	[sflag:s8] =	ssyncset.s32 @!p0 $0xFFFFF086;
	s6 =	sadd.s32 @!p0 s3, s7;
	s7 =	simm.s32 @!p0 $0x108  }
0x21: {  	s3 =	sadd.s32 s3, s9;
	s6 =	sadd.s32 @!p0 $0x88, s6;
	s7 =	simm.s32 @p2 $0x1082  }
0x22: {  	[simem:s7], [sflag:s8] =	dma.local @!p0 [hbm:s6], $0xF7A  }
0x23: {  	s9 =	sor.u32 $0xD0000000, s2;
	s6 =	simm.s32 $0x108;
	_ =	swait.ge @!p0 [sflag:s8], $0x0  }
0x24: {  	s3 =	sadd.s32 $0x88, s3;
	s6 =	simm.s32 @!p1 $0x1082;
	[sflag:s4] =	ssyncset.s32 $0xFFFFF086  }
0x25: {  	[simem:s6], [sflag:s4] =	dma.local [hbm:s3], $0xF7A  }
0x26: {  	[smem:$0x3F8B] =	sst s1;
	(tag) =	ssettag s2;
	_ =	strace s9  }
0x27: {  	s1 =	sld [smem:$0x3F9B]  }
0x28: {  	s2 =	sld [smem:$0x3F9C]  }
0x29: {  	s4 =	sld [smem:$0x3F9E]  }
0x2a: {  	p0 =	seq.s32 s5, $0x0;
	s5 =	sld [smem:$0x3F9F]  }
0x2b: {  	s6 =	sld [smem:$0x3FA0]  }
0x2c: {  	s7 =	sld [smem:$0x3FA1]  }
0x2d: {  	s3 =	simm.s32 $0x108;
	s8 =	sld [smem:$0x3FA2]  }
0x2e: {  	s3 =	simm.s32 @!p0 $0x1082;
	s9 =	sld [smem:$0x3FA3]  }
0x2f: {  	lr =	sadd.s32 s0, s3;
	s0 =	sld [smem:$0x3F9A]  }
0x30: {  	s3 =	sld [smem:$0x3F9D]  }
0x31: {  	[smem:$0x3FA6] =	sst s10  }
0x32: {  	s10 =	sld [smem:$0x3FA4];
	_ =	sdelay $0x3  }
0x33: {  	p0 =	seq.s32 s10, $0x1;
	s10 =	sld [smem:$0x3FA6];
	_ =	sdelay $0x3  }
0x34: {  	[smem:$0x3FA6] =	sst s10  }
0x35: {  	s10 =	sld [smem:$0x3FA5];
	_ =	sdelay $0x3  }
0x36: {  	p1 =	seq.s32 s10, $0x1;
	s10 =	sld [smem:$0x3FA6];
	_ =	sdelay $0x3  }
0x37: {  	[smem:$0x3FA6] =	sst s10  }
0x38: {  	s10 =	sld [smem:$0x3FA7]  }
0x39: {  	_ = 	snop;
	(pc) =	sbr.ind lr, $3  }
0x3a: {  	_ = 	snop  }
0x3b: {  	_ = 	snop  }
0x3c: {  	p2 =	seq.s32 s10, $0x1;
	s10 =	sld [smem:$0x3FA6]  }
0x3d: {  	_ =	shalt  }
0x3e: {  	_ =	shalt  }
0x3f: {  	_ =	shalt  }
0x40: {  	_ =	shalt  }
0x41: {  	_ =	shalt  }
0x42: {  	_ =	shalt  }
0x43: {  	_ =	shalt  }
0x44: {  	_ =	shalt  }
0x45: {  	_ =	shalt  }
0x46: {  	_ =	shalt  }
0x47: {  	_ =	shalt  }
0x48: {  	_ =	shalt  }
0x49: {  	_ =	shalt  }
0x4a: {  	_ =	shalt  }
0x4b: {  	_ =	shalt  }
0x4c: {  	_ =	shalt  }
0x4d: {  	_ =	shalt  }
0x4e: {  	_ =	shalt  }
0x4f: {  	_ =	shalt  }
0x50: {  	_ =	shalt  }
0x51: {  	_ =	shalt  }
0x52: {  	_ =	shalt  }
0x53: {  	_ =	shalt  }
0x54: {  	_ =	shalt  }
0x55: {  	_ =	shalt  }
0x56: {  	_ =	shalt  }
0x57: {  	_ =	shalt  }
0x58: {  	_ =	shalt  }
0x59: {  	_ =	shalt  }
0x5a: {  	_ =	shalt  }
0x5b: {  	_ =	shalt  }
0x5c: {  	_ =	shalt  }
0x5d: {  	_ =	shalt  }
0x5e: {  	_ =	shalt  }
0x5f: {  	_ =	shalt  }
0x60: {  	_ =	shalt  }
0x61: {  	_ =	shalt  }
0x62: {  	_ =	shalt  }
0x63: {  	_ =	shalt  }
0x64: {  	_ =	shalt  }
0x65: {  	_ =	shalt  }
0x66: {  	_ =	shalt  }
0x67: {  	_ =	shalt  }
0x68: {  	_ =	shalt  }
0x69: {  	_ =	shalt  }
0x6a: {  	_ =	shalt  }
0x6b: {  	_ =	shalt  }
0x6c: {  	_ =	shalt  }
0x6d: {  	_ =	shalt  }
0x6e: {  	_ =	shalt  }
0x6f: {  	_ =	shalt  }
0x70: {  	_ =	shalt  }
0x71: {  	_ =	shalt  }
0x72: {  	_ =	shalt  }
0x73: {  	_ =	shalt  }
0x74: {  	_ =	shalt  }
0x75: {  	_ =	shalt  }
0x76: {  	_ =	shalt  }
0x77: {  	_ =	shalt  }
0x78: {  	_ =	shalt  }
0x79: {  	_ =	shalt  }
0x7a: {  	_ =	shalt  }
0x7b: {  	_ =	shalt  }
0x7c: {  	_ =	shalt  }
0x7d: {  	_ =	shalt  }
0x7e: {  	_ =	shalt  }
0x7f: {  	_ =	shalt  }
0x80: {  	_ =	shalt  }
0x81: {  	_ =	shalt  }
0x82: {  	_ =	shalt  }
0x83: {  	_ =	shalt  }
0x84: {  	_ =	shalt  }
0x85: {  	_ =	shalt  }
0x86: {  	_ =	shalt  }
0x87: {  	_ =	shalt  }
.Lfunc_end0:
.L_simem_size_0:
called_computation_lowered:
.L_overlay_start_0:
0x88: {  	s2 =	sld [smem:$0x3FD9]  }
0x89: {  	s3 =	sld [smem:$0x3FFE];
	_ =	sdelay $0x1  }
0x8a: {  	s1 =	srdreg.scid  }
0x8b: {  	s0 =	sand.u32 $0x1, s1  }
0x8c: {  	s10 =	sshll.u32 s0, $0xA;
	s2 =	sadd.s32 s3, s2  }
0x8d: {  	s2 =	sadd.s32 s2, s10  }
0x8e: {  	[smem:$0x3FB2] =	sst s2  }
0x8f: {  	_ = 	snop  }
0x90: {  	s2 =	sld [smem:$0x3FD0];
	_ =	sdelay $0x2  }
0x91: {  	s11 =	simm.s32 $0xE;
	s4 =	simm.s32 $0x10  }
0x92: {  	[smem:s4], [sflag:s11] =	dma.local [hbm:s2], $0x1  }
0x93: {  	_ =	swait.eq [sflag:s11], $0x1  }
0x94: {  	[sflag:s11] =	ssyncset.done $0x0  }
0x95: {  	[sflag:s11] =	ssyncadd.s32 $0xFFFFFFFF  }
0x96: {  	s12 =	sld [smem:$0x10];
	(tm) =	ssettm $0x1  }
0x97: {  	s13 =	sld [smem:$0x3FFB];
	_ =	sdelay $0x3  }
0x98: {  	_ =	strace s13  }
0x99: {  	s2 =	sld [smem:$0x3FFC];
	_ =	sdelay $0x3  }
0x9a: {  	_ =	strace s2  }
0x9b: {  	s2 =	sld [smem:$0x3FFD];
	_ =	sdelay $0x3  }
0x9c: {  	_ =	strace s2  }
0x9d: {  	_ =	strace $0x8FFFFFFF  }
0x9e: {  	s14 =	sld [smem:$0x3FDB];
	_ =	sdelay $0x1  }
0x9f: {  	s15 =	simm.s32 $_scs_section_size  }
0xa0: {  	s5 =	simm.s32 $_size__tile_overlayer_lowered;
	s6 =	simm.s32 $_tile_overlayer_lowered  }
0xa1: {  	s19 =	simm.s32 $0x1BFF;
	s17 =	sshll.u32 s6, $0x1;
	s7 =	sadd.s32 s15, s14  }
0xa2: {  	s20 =	simm.s32 $0x0;
	s16 =	sshll.u32 s5, $0x1;
	s18 =	sadd.s32 s17, s7  }
0xa3: {  	[timem:s20], [sflag:s19] =	dma.local [hbm:s18], s16  }
0xa4: {  	_ =	swait.ge [sflag:s19], s16  }
0xa5: {  	s3 =	ssub.s32 $0x0, s16;
	[sflag:s19] =	ssyncset.done $0x0  }
0xa6: {  	[sflag:s19] =	ssyncadd.s32 s3;
	_ =	sdelay $0x1  }
0xa7: {  	s21 =	simm.s32 $0x1B8B  }
0xa8: {  	_ =	swait.ge [sflag:s21], $0x1  }
0xa9: {  	[sflag:s21] =	ssyncset.done $0x0  }
0xaa: {  	[sflag:s21] =	ssyncadd.s32 $0xFFFFFFFF  }
0xab: {  	s3 =	sld [smem:$0x0]  }
0xac: {  	s5 =	sand.u32 $0xFFFFFFFE, s1  }
0xad: {  	p0 =	sne.s32 s1, s5  }
0xae: {  	s5 =	sshll.u32 @p0 s5, $0xE  }
0xaf: {  	s6 =	sadd.s32 @p0 $0x11B8D, s5;
	s8 =	sshll.u32 @p0 s3, $0x11  }
0xb0: {  	s6 =	sor.u32 @p0 s8, s6  }
0xb1: {  	[sflag:s6] =	ssyncadd.remote.s32 @p0 $0x1;
	_ =	sdelay $0x1  }
0xb2: {  	s6 =	simm.s32 @p0 $0x1B8D  }
0xb3: {  	_ =	swait.eq @p0 [sflag:s6], $0x1  }
0xb4: {  	[sflag:s6] =	ssyncadd.s32 @p0 $0xFFFFFFFF  }
0xb5: {  	s8 =	sshll.u32 @!p0 s1, $0xE  }
0xb6: {  	s8 =	sor.u32 @!p0 $0x4000, s8;
	s6 =	simm.s32 @!p0 $0x1B8D  }
0xb7: {  	s10 =	sshll.u32 @!p0 s3, $0x11;
	s9 =	sadd.s32 @!p0 $0x11B8D, s8;
	_ =	swait.eq @!p0 [sflag:s6], $0x1  }
0xb8: {  	[sflag:s6] =	ssyncadd.s32 @!p0 $0xFFFFFFFF;
	s6 =	sor.u32 @!p0 s10, s9  }
0xb9: {  	s23 =	simm.s32 $0x1B8E;
	s22 =	sld [smem:$0x3FFE];
	[sflag:s6] =	ssyncadd.remote.s32 @!p0 $0x1  }
0xba: {  	s24 =	simm.s32 $execute0_lowered;
	[smem:$0x3FD2] =	sst s23  }
0xbb: {  	s9 =	sshll.u32 s24, $0x1;
	_ =	strace $0x80000052;
	[dreg:$0x1] =	wrdreg $0xFFFFFFFF  }
0xbc: {  	s25 =	simm.s32 $_size_execute0_lowered;
	s9 =	sadd.s32 s7, s9;
	[dreg:$0x0] =	wrdreg $0x0  }
0xbd: {  	s10 =	sshll.u32 s25, $0x1;
	[dreg:$0x2] =	wrdreg s9  }
0xbe: {  	[dreg:$0x3] =	wrdreg s10  }
0xbf: {  	[dreg:$0x4] =	wrdreg $0xC0  }
0xc0: {  	s26 =	simm.s32 $execute1_lowered;
	_ =	task [dreg:s20], $0x5FFFF  }
0xc1: {  	s9 =	sshll.u32 s26, $0x1;
	[dreg:$0x1] =	wrdreg $0xFFFFFFFF  }
0xc2: {  	s7 =	sadd.s32 s7, s9;
	[dreg:$0x0] =	wrdreg $0x60  }
0xc3: {  	[dreg:$0x2] =	wrdreg s7  }
0xc4: {  	[dreg:$0x3] =	wrdreg s12  }
0xc5: {  	[dreg:$0x4] =	wrdreg s22  }
0xc6: {  	[dreg:$0x5] =	wrdreg $0xC  }
0xc7: {  	_ =	task.clear_ibuf [dreg:s20], $0x6FFFF;
	_ =	strace $0x90000052  }
0xc8: {  	s28 =	simm.s32 $0xC;
	_ =	strace $0x80000054  }
0xc9: {  	_ =	swait.ge [sflag:s28], $0x1  }
0xca: {  	[sflag:s28] =	ssyncadd.s32 $0xFFFFFFFF  }
0xcb: {  	_ =	strace $0x90000054  }
0xcc: {  	s4 =	sld [smem:$0x0];
	_ =	sdelay $0x3  }
0xcd: {  	s5 =	sadd.s32 @p0 $0x11BF3, s5;
	s7 =	sshll.u32 @p0 s4, $0x11  }
0xce: {  	s5 =	sor.u32 @p0 s7, s5  }
0xcf: {  	[sflag:s5] =	ssyncadd.remote.s32 @p0 $0x1;
	_ =	sdelay $0x1  }
0xd0: {  	s5 =	simm.s32 @p0 $0x1BF3  }
0xd1: {  	_ =	swait.eq @p0 [sflag:s5], $0x1  }
0xd2: {  	[sflag:s5] =	ssyncadd.s32 @p0 $0xFFFFFFFF;
	_ =	sdelay $0x1  }
0xd3: {  	s5 =	simm.s32 @!p0 $0x1BF3  }
0xd4: {  	s4 =	sshll.u32 @!p0 s4, $0x11;
	s7 =	sadd.s32 @!p0 $0x11BF3, s8;
	_ =	swait.eq @!p0 [sflag:s5], $0x1  }
0xd5: {  	s4 =	sor.u32 @!p0 s4, s7;
	[sflag:s5] =	ssyncadd.s32 @!p0 $0xFFFFFFFF  }
0xd6: {  	[sflag:s4] =	ssyncadd.remote.s32 @!p0 $0x1  }
0xd7: {  	_ =	strace $0x80000055;
	[dreg:$0x1] =	wrdreg $0xFFFFFFFF  }
0xd8: {  	[dreg:$0x0] =	wrdreg $0x2030  }
0xd9: {  	[dreg:$0x2] =	wrdreg s22  }
0xda: {  	[dreg:$0x3] =	wrdreg s1  }
0xdb: {  	[dreg:$0x4] =	wrdreg s3  }
0xdc: {  	[dreg:$0x5] =	wrdreg $0xD  }
0xdd: {  	_ =	task.clear_ibuf [dreg:s20], $0x6FFFF;
	_ =	strace $0x90000055  }
0xde: {  	s29 =	simm.s32 $0xD;
	_ =	strace $0x80000057  }
0xdf: {  	_ =	swait.ge [sflag:s29], $0x1  }
0xe0: {  	[sflag:s29] =	ssyncadd.s32 $0xFFFFFFFF  }
0xe1: {  	_ =	strace $0x90000057  }
0xe2: {  	_ =	sfence  }
0xe3: {  	s30 =	sld [smem:$0x0];
	_ =	sdelay $0x2  }
0xe4: {  	s31 =	sshll.u32 s1, $0xD;
	s1 =	sshrl.u32 s1, $0x2  }
0xe5: {  	s4 =	sand.u32 $0x4000, s31;
	s1 =	sadd.s32 s1, s30  }
0xe6: {  	s0 =	sor.u32 s4, s0;
	s1 =	sshll.u32 s1, $0x11  }
0xe7: {  	s0 =	sor.u32 s1, s0  }
0xe8: {  	s0 =	sadd.s32 $0x8F2B, s0  }
0xe9: {  	[sflag:s0] =	ssyncadd.remote.s32 $0x1  }
0xea: {  	_ =	sfence.sel $0xFFFF  }
0xeb: {  	[dreg:$0x0] =	wrdreg $0xFFFFFFFF;
	(pc) =	sbr.abs _section_cstart, $3  }
0xec: {  	[dreg:$0x1] =	wrdreg $0xFFFFFFFF  }
0xed: {  	_ =	task.clear_ibuf [dreg:s20], $0x2FFFF;
	_ =	strace $0x9FFFFFFF  }
0xee: {  	(tm) =	ssettm $0x7FFFFFFF  }
0xef: {  	_ =	shalt  }
tec
execute0_lowered:
.L_overlay_start_1:
0x0: {  	(tag) =	ssettag $0x1  }
0x1: {  	s3 =	rddreg [dreg:$0x0]  }
0x2: {  	s2 =	rddreg [dreg:$0x1]  }
0x3: {  	s5 =	rddreg [dreg:$0x2];
	s4 =	stileid.u32;
	[bflag:$0x3] =	sbarrier.arrive $0xFFFF  }
0x4: {  	s1 =	simm.s32 $_size_execute1_lowered;
	s29 =	srdreg.scid;
	p0 =	sne.s32 s4, $0x0  }
0x5: {  	s1 =	sshll.u32 s1, $0x1;
	s6 =	simm.s32 @!p0 $0x1C3F;
	s7 =	simm.s32 @!p0 $0x4060  }
0x6: {  	[timem:s7], [sflag:s6] =	dma.local @!p0 [hbm:s3], s1  }
0x7: {  	s31 =	simm.s32 $0x2;
	s14 =	simm.s32 $0x0;
	s3 =	sshll.u32 s29, $0x8  }
0x8: {  	s15 =	simm.s32 $0x0;
	s4 =	sshll.u32 s4, $0x9;
	s3 =	sand.u32 $0x100, s3  }
0x9: {  	s9 =	simm.s32 $0x0;
	s11 =	simm.s32 $0x0;
	s3 =	sor.u32 s4, s3  }
.Ltmp0:
0xa: {  	s10 =	simm.s32 $0x0;
	s30 =	ssub.s32 $0x2700, s3;
	(pc) =	sbr.rel .LBB2_1-.Ltmp0, $4  }
0xb: {  	_ =	strace $0x80000053;
	s4 =	simm.s32 $0x1;
	s6 =	sshrl.u32 s30, $0xD  }
0xc: {  	s13 =	simm.s32 $0x0;
	[sflag:s4] =	ssyncpa.u1 $0x0;
	s8 =	smul.u32 $0x3, s6  }
0xd: {  	s5 =	sadd.s32 $0x49D000, s5;
	s12 =	smov.u32 s3;
	[sflag:s31] =	ssyncpa.u1 $0x0  }
0xe: {  	s6 =	sadd.s32 $0x3, s8;
	s7 =	sor.u32 $0x4, s8;
	s8 =	simm.s32 $0x600  }
.LBB2_8:
0xf: {  	s0 =	sshrl.u32 s11, $0x3  }
0x10: {  	s18 =	sshll.u32 s9, $0x3;
	s0 =	smul.u32 $0xC00, s0  }
0x11: {  	s19 =	sshll.u32 s11, $0x7;
	s18 =	sand.u32 $0xFFFFFC00, s18  }
0x12: {  	s25 =	sshll.u32 s9, $0x1;
	s24 =	sand.u32 $0x300, s19;
	s0 =	sadd.s32 s0, s18  }
0x13: {  	s26 =	sand.u32 $0xFE, s25;
	s0 =	sor.u32 s24, s0  }
0x14: {  	s0 =	sor.u32 s26, s0  }
0x15: {  	s28 =	sand.u32 $0x1, s11;
	s29 =	smulhi.u32 $0xAAAAAAAB, s0  }
0x16: {  	s0 =	sor.u32 s28, s0  }
0x17: {  	s18 =	smulhi.u32 $0xAAAAAAAB, s0;
	s19 =	sshrl.u32 s29, $0x8  }
0x18: {  	s20 =	smulhi.u32 $0x1A36E3, s19  }
0x19: {  	s18 =	sshrl.u32 s18, $0x8  }
0x1a: {  	s18 =	smul.u32 $0x180, s18;
	s20 =	sshrl.u32 s20, $0x2  }
0x1b: {  	s20 =	smul.u32 $0x2710, s20;
	_ =	sdelay $0x1  }
0x1c: {  	s0 =	ssub.s32 s0, s18;
	s30 =	ssub.s32 s19, s20  }
0x1d: {  	s31 =	sshrl.u32 s0, $0x4;
	s0 =	sshll.u32 s0, $0x11;
	s18 =	smul.u32 $0x18, s30  }
0x1e: {  	s19 =	sadd.s32 s5, s31;
	s0 =	sand.u32 $0x1C0000, s0  }
0x1f: {  	s17 =	sor.u32 $0x8000, s17;
	s0 =	sor.u32 $0x200, s0;
	s18 =	sadd.s32 s18, s19  }
0x20: {  	[hbm4b:s18+s0] =	stream.strided.scatter [tilespmem:s17], [sflag:$0x2], s16, s8, s0, $0x38;
	[tilespmem:$0x10000] =	vst v63  }
.LBB2_9:
0x21: {  	p1 =	slt.u32 s13, $0x2  }
0x22: {  	s16 =	smov.u32 s15;
	p2 =	sgt.s32 @!p1 s15, $0x2610;
	s0 =	sshra.s32 @!p1 s15, $0x1F  }
0x23: {  	p3 =	sgt.s32 @!p1 s14, $0x100;
	s17 =	sshra.s32 @!p1 s14, $0x1F;
	p2 =	por !p2, p1  }
0x24: {  	s0 =	sand.u32 @!p1 s0, s15;
	p3 =	por !p3, p1;
	s15 =	smov.u32 s14  }
0x25: {  	s14 =	sand.u32 @!p1 s17, s14;
	s16 =	simm.s32 @p2 $0x2610;
	s15 =	simm.s32 @p3 $0x100  }
0x26: {  	s0 =	ssub.s32 @!p1 s16, s0;
	s14 =	ssub.s32 @!p1 s15, s14  }
0x27: {  	s18 =	smov.u32 s12;
	s15 =	sadd.s32 @!p1 $0xFFFFD9F0, s0;
	s16 =	sadd.s32 @!p1 $0xFFFFFF00, s14  }
0x28: {  	s0 =	ssub.s32 @!p1 $0x2710, s0;
	p2 =	sgt.s32 @!p1 s15, $0xFF;
	p3 =	sgt.s32 @!p1 s16, $0x7F  }
0x29: {  	s14 =	ssub.s32 @!p1 $0x180, s14;
	p2 =	por !p2, p1;
	p3 =	por !p3, p1  }
0x2a: {  	s16 =	sadd.s32 $0x80, s10;
	s0 =	simm.s32 @!p2 $0x0;
	s14 =	simm.s32 @!p3 $0x0  }
0x2b: {  	p2 =	sgt.s32 s16, $0x17F;
	s0 =	smul.u32 @!p1 s0, s14;
	s14 =	sadd.s32 $0x2000, s12  }
0x2c: {  	s18 =	smov.u32 @p2 s14  }
0x2d: {  	s16 =	simm.s32 @p2 $0x0;
	p2 =	sgt.s32 s18, $0x270F  }
0x2e: {  	s18 =	smov.u32 @p2 s3;
	p2 =	sne.s32 s13, s7  }
.Ltmp1:
0x2f: {  	s17 =	simm.s32 @!p1 $0x2;
	s0 =	sshrl.u32 @!p1 s0, $0x1;
	(pc) =	sbr.rel @!p2 .LBB2_10-.Ltmp1, $4  }
0x30: {  	s15 =	smov.u32 s11;
	s11 =	smov.u32 s12;
	s0 =	sand.u32 @!p1 $0x3FFFFFFF, s0  }
0x31: {  	s14 =	smov.u32 s9;
	s9 =	smov.u32 s10;
	_ =	swait.ge @!p1 [sflag:s17], s0  }
0x32: {  	s10 =	smov.u32 s16;
	s0 =	ssub.s32 @!p1 $0x0, s0;
	[sflag:s17] =	ssyncset.done @!p1 $0x0  }
0x33: {  	s13 =	sadd.s32 $0x1, s13;
	s12 =	smov.u32 s18;
	[sflag:s17] =	ssyncadd.s32 @!p1 s0  }
.LBB2_1:
0x34: {  	p1 =	sge.u32 s13, s6;
	s19 =	smov.u32 s12  }
0x35: {  	s16 =	sshrl.u32 @!p1 s12, $0x3;
	s17 =	sshll.u32 @!p1 s10, $0x3;
	s18 =	sshll.u32 @!p1 s12, $0x7  }
0x36: {  	p2 =	sgt.s32 @!p1 s12, $0x2610;
	s20 =	sshra.s32 @!p1 s12, $0x1F;
	s21 =	sshra.s32 @!p1 s10, $0x1F  }
0x37: {  	s16 =	smul.u32 @!p1 $0xC00, s16;
	s17 =	sand.u32 @!p1 $0xFFFFFC00, s17;
	p2 =	por !p2, p1  }
0x38: {  	s20 =	sand.u32 @!p1 s20, s12;
	s21 =	sand.u32 @!p1 s21, s10;
	s19 =	simm.s32 @p2 $0x2610  }
0x39: {  	p2 =	sgt.s32 @!p1 s10, $0x100;
	s16 =	sadd.s32 @!p1 s16, s17;
	s17 =	sand.u32 @!p1 $0x300, s18  }
0x3a: {  	s18 =	sshll.u32 @!p1 s10, $0x1;
	s19 =	ssub.s32 @!p1 s19, s20;
	p2 =	por !p2, p1  }
0x3b: {  	s20 =	smov.u32 s10;
	s16 =	sor.u32 @!p1 s17, s16;
	s17 =	sand.u32 @!p1 $0xFE, s18  }
0x3c: {  	s18 =	sand.u32 @!p1 $0x1, s12;
	s22 =	sadd.s32 @!p1 $0xFFFFD9F0, s19;
	s16 =	sor.u32 @!p1 s17, s16  }
0x3d: {  	s20 =	simm.s32 @p2 $0x100;
	s17 =	sor.u32 @!p1 s18, s16;
	s16 =	smulhi.u32 @!p1 $0xAAAAAAAB, s16  }
0x3e: {  	s19 =	ssub.s32 @!p1 $0x2710, s19;
	p2 =	sgt.s32 @!p1 s22, $0xFF;
	s20 =	ssub.s32 @!p1 s20, s21  }
0x3f: {  	p2 =	por !p2, p1;
	s18 =	smulhi.u32 @!p1 $0xAAAAAAAB, s17;
	s16 =	sshrl.u32 @!p1 s16, $0x8  }
0x40: {  	s21 =	sadd.s32 @!p1 $0xFFFFFF00, s20;
	s20 =	ssub.s32 @!p1 $0x180, s20;
	s22 =	smulhi.u32 @!p1 $0x1A36E3, s16  }
0x41: {  	p3 =	sgt.s32 @!p1 s21, $0x7F;
	s19 =	simm.s32 @!p2 $0x0;
	s18 =	sshrl.u32 @!p1 s18, $0x8  }
0x42: {  	p2 =	por !p3, p1;
	s18 =	smul.u32 @!p1 $0x180, s18;
	s21 =	sshrl.u32 @!p1 s22, $0x2  }
0x43: {  	s20 =	simm.s32 @!p2 $0x0;
	s21 =	smul.u32 @!p1 $0x2710, s21  }
0x44: {  	s19 =	smul.u32 @!p1 s19, s20  }
0x45: {  	s20 =	sxor.u32 @!p1 $0xFFFFFFFF, s13;
	s17 =	ssub.s32 @!p1 s17, s18;
	s16 =	ssub.s32 @!p1 s16, s21  }
0x46: {  	s18 =	sshrl.u32 @!p1 s19, $0x1;
	s19 =	sshrl.u32 @!p1 s17, $0x4;
	s16 =	smul.u32 @!p1 $0x18, s16  }
0x47: {  	s18 =	sand.u32 @!p1 $0x3FFFFFFF, s18;
	s17 =	sshll.u32 @!p1 s17, $0x11;
	s19 =	sadd.s32 @!p1 s2, s19  }
0x48: {  	s17 =	sand.u32 @!p1 $0x1C0000, s17;
	s16 =	sadd.s32 @!p1 s16, s19;
	s19 =	sshll.u32 @!p1 s20, $0xE  }
0x49: {  	s17 =	sor.u32 @!p1 $0x200, s17;
	s20 =	simm.s32 @!p1 $0x600;
	s19 =	sand.u32 @!p1 $0x4000, s19  }
0x4a: {  	[tilespmem:s19], [sflag:$0x1] =	stream.strided.gather @!p1 [hbm4b:s16+s17], s18, s20, s17, $0x38;
	[tilespmem:$0x10000] =	vst v63  }
0x4b: {  	p1 =	seq.s32 s13, $0x0  }
0x4c: {  	p2 =	sge.u32 @!p1 s13, s7  }
0x4d: {  	p1 =	por p1, p2  }
.Ltmp2:
0x4e: {  	_ = 	snop;
	(pc) =	sbr.rel @p1 .LBB2_9-.Ltmp2, $1  }
0x4f: {  	_ =	sdelay $0x3  }
0x50: {  	p1 =	sgt.s32 s11, $0x2610  }
0x51: {  	s16 =	smov.u32 s11;
	s17 =	sshra.s32 s11, $0x1F;
	s18 =	smov.u32 s9  }
0x52: {  	s19 =	sshra.s32 s9, $0x1F;
	s16 =	simm.s32 @!p1 $0x2610;
	p1 =	sgt.s32 s9, $0x100  }
0x53: {  	s17 =	sand.u32 s17, s11;
	s28 =	sand.u32 s19, s9;
	s18 =	simm.s32 @!p1 $0x100  }
0x54: {  	s16 =	ssub.s32 s16, s17;
	s17 =	ssub.s32 s18, s28  }
0x55: {  	s29 =	sadd.s32 $0xFFFFD9F0, s16;
	s16 =	ssub.s32 $0x2710, s16;
	s18 =	sadd.s32 $0xFFFFFF00, s17  }
0x56: {  	p1 =	sgt.s32 s29, $0xFF;
	s17 =	ssub.s32 $0x180, s17;
	p2 =	sgt.s32 s18, $0x7F  }
0x57: {  	s16 =	simm.s32 @p1 $0x0;
	s17 =	simm.s32 @p2 $0x0  }
0x58: {  	s16 =	smul.u32 s16, s17;
	s17 =	sadd.s32 $0x100, s11  }
0x59: {  	p1 =	slt.s32 s17, $0x2710  }
0x5a: {  	s17 =	simm.s32 @!p1 $0x2710  }
0x5b: {  	s18 =	ssub.s32 s17, s11  }
0x5c: {  	p1 =	slt.s32 s18, $0x1  }
.Ltmp3:
0x5d: {  	s16 =	sshrl.u32 s16, $0x1;
	(pc) =	sbr.rel @p1 .LBB2_8-.Ltmp3, $4  }
0x5e: {  	s16 =	sand.u32 $0x3FFFFFFF, s16  }
0x5f: {  	s20 =	sshll.u32 s13, $0xF;
	_ =	swait.ge [sflag:s4], s16  }
0x60: {  	s31 =	sand.u32 $0x8000, s20;
	s30 =	ssub.s32 $0x0, s16;
	[sflag:s4] =	ssyncset.done $0x0  }
0x61: {  	s17 =	sshrl.u32 s31, $0x1;
	[sflag:s4] =	ssyncadd.s32 s30  }
0x62: {  	s19 =	sadd.s32 $0x80, s9  }
0x63: {  	p1 =	slt.s32 s19, $0x180  }
0x64: {  	s19 =	simm.s32 @!p1 $0x180  }
.Ltmp4:
0x65: {  	s19 =	ssub.s32 s19, s9;
	(pc) =	sbr.rel .LBB2_4-.Ltmp4, $4  }
0x66: {  	s25 =	sadd.s32 $0xF, s19  }
0x67: {  	s21 =	sor.u32 $0x8000, s17;
	s24 =	simm.s32 $0x0;
	s19 =	sand.u32 $0xFFFFFFF0, s25  }
0x68: {  	s20 =	sand.u32 $0xFFFFFF00, s25;
	s23 =	sshrl.u32 s25, $0x8;
	p1 =	slt.s32 s25, $0x100  }
0x69: {  	v0 =	vmov s17;
	v1 =	vmov s21;
	s22 =	sshll.u32 s23, $0x9;
	s23 =	sshll.u32 s23, $0xA;
	p2 =	sge.s32 s20, s19  }
.LBB2_7:
0x6a: {  	s24 =	sadd.s32 $0x2, s24  }
0x6b: {  	p3 =	slt.s32 s24, s18  }
.Ltmp5:
0x6c: {  	_ = 	snop;
	(pc) =	sbr.rel @!p3 .LBB2_8-.Ltmp5, $1  }
0x6d: {  	_ =	sdelay $0x3  }
.LBB2_4:
0x6e: {  	_ = 	snop  }
0x6f: {  	s25 =	sshll.u32 @!p1 s24, $0x8  }
0x70: {  	s25 =	sand.u32 @!p1 $0xFE00, s25  }
0x71: {  	s26 =	sshrl.u32 @!p1 s25, $0x2  }
0x72: {  	v2 =	vld.idx.msk @!p1 [tilespmem:v0+s26+$0x0 ss:$0x1], $0xffff  }
0x73: {  	v3 =	vld.idx.msk @!p1 [tilespmem:v0+s26+$0x10 ss:$0x1], $0xffff  }
0x74: {  	s25 =	sor.u32 @!p1 $0x100, s25;
	v4 =	vld.idx.msk @!p1 [tilespmem:v0+s26+$0x20 ss:$0x1], $0xffff  }
0x75: {  	s25 =	sshrl.u32 @!p1 s25, $0x2;
	v5 =	vld.idx.msk @!p1 [tilespmem:v0+s26+$0x30 ss:$0x1], $0xffff  }
0x76: {  	v6 =	vld.idx.msk @!p1 [tilespmem:v0+s25+$0x0 ss:$0x1], $0xffff  }
0x77: {  	v7 =	vld.idx.msk @!p1 [tilespmem:v0+s25+$0x10 ss:$0x1], $0xffff;
	[tilespmem:v1+s26+$0x0 ss:$0x1] =	vst.idx.msk @!p1 $0xffff, v2  }
0x78: {  	v2 =	vld.idx.msk @!p1 [tilespmem:v0+s25+$0x20 ss:$0x1], $0xffff;
	[tilespmem:v1+s26+$0x10 ss:$0x1] =	vst.idx.msk @!p1 $0xffff, v3  }
0x79: {  	v3 =	vld.idx.msk @!p1 [tilespmem:v0+s25+$0x30 ss:$0x1], $0xffff;
	[tilespmem:v1+s26+$0x20 ss:$0x1] =	vst.idx.msk @!p1 $0xffff, v4  }
.Ltmp6:
0x7a: {  	[tilespmem:v1+s26+$0x30 ss:$0x1] =	vst.idx.msk @!p1 $0xffff, v5;
	(pc) =	sbr.rel @p2 .LBB2_7-.Ltmp6, $4  }
0x7b: {  	[tilespmem:v1+s25+$0x0 ss:$0x1] =	vst.idx.msk @!p1 $0xffff, v6  }
0x7c: {  	[tilespmem:v1+s25+$0x10 ss:$0x1] =	vst.idx.msk @!p1 $0xffff, v7  }
0x7d: {  	[tilespmem:v1+s25+$0x20 ss:$0x1] =	vst.idx.msk @!p1 $0xffff, v2  }
0x7e: {  	[tilespmem:v1+s25+$0x30 ss:$0x1] =	vst.idx.msk @!p1 $0xffff, v3  }
0x7f: {  	s25 =	sshll.u32 s24, $0x8;
	s26 =	smov.u32 s23  }
0x80: {  	s28 =	smov.u32 s22;
	s29 =	smov.u32 s20;
	s25 =	sand.u32 $0xFE00, s25  }
.LBB2_6:
0x81: {  	s30 =	sand.u32 $0x100, s26  }
0x82: {  	s30 =	sor.u32 s25, s30  }
0x83: {  	s31 =	sshrl.u32 s28, $0x1;
	s30 =	sshrl.u32 s30, $0x2  }
0x84: {  	s31 =	sand.u32 $0x30, s31;
	s0 =	sadd.s32 s30, s17  }
0x85: {  	s29 =	sadd.s32 $0x10, s29;
	s0 =	sadd.s32 s31, s0  }
0x86: {  	p3 =	slt.s32 s29, s19;
	v2 =	vld [tilespmem:s0+$0x0]  }
.Ltmp7:
0x87: {  	_ = 	snop;
	(pc) =	sbr.rel @p3 .LBB2_6-.Ltmp7, $4  }
0x88: {  	_ = 	snop  }
0x89: {  	s30 =	sadd.s32 s30, s21  }
0x8a: {  	s0 =	sadd.s32 s31, s30  }
0x8b: {  	s28 =	sadd.s32 $0x20, s28;
	s26 =	sadd.s32 $0x40, s26;
	[tilespmem:s0+$0x0] =	vst v2  }
.Ltmp8:
0x8c: {  	_ = 	snop;
	(pc) =	sbr.rel .LBB2_7-.Ltmp8, $1  }
0x8d: {  	_ =	sdelay $0x3  }
.LBB2_10:
0x8e: {  	_ =	sfence.sel $0x180000  }
0x8f: {  	s0 =	simm.s32 $0x1;
	[bflag:$0x0] =	sbarrier.arrive $0xFFFF  }
0x90: {  	s31 =	simm.s32 $0x2;
	[sflag:s0] =	ssyncpa.u1 $0x1  }
0x91: {  	[sflag:s31] =	ssyncpa.u1 $0x1  }
0x92: {  	_ =	strace $0x90000053  }
0x93: {  	[bflag:$0x2] =	sbarrier.arrive $0xFFFF  }
0x94: {  	s0 =	rddreg [dreg:$0x3]  }
0x95: {  	s0 =	sadd.s32 @!p0 $0x100000, s0  }
0x96: {  	[sflag:s0] =	ssyncadd.tile.s32 @!p0 $0x1;
	s0 =	simm.s32 @!p0 $0x3F  }
0x97: {  	_ =	swait.ge @!p0 [sflag:s0], s1  }
0x98: {  	s1 =	ssub.s32 @!p0 $0x0, s1;
	[sflag:s0] =	ssyncset.done @!p0 $0x0  }
0x99: {  	[sflag:s0] =	ssyncadd.s32 @!p0 s1  }
0x9a: {  	[bflag:$0x3] =	sbarrier.arrive $0xFFFF  }
0x9b: {  	_ =	shalt  }
.Lfunc_end2:
execute1_lowered:
.L_overlay_start_2:
0x9c: {  	(tag) =	ssettag $0x2  }
0x9d: {  	s2 =	rddreg [dreg:$0x0];
	_ =	strace $0x80000056;
	s0 =	simm.s32 $0x1  }
0x9e: {  	v0 =	vimm.s32 $0x0;
	[sflag:s0] =	ssyncpa.u1 $0x0;
	s0 =	simm.s32 $0x308  }
0x9f: {  	[tilespmem:s0+$0x70] =	vst v0  }
0xa0: {  	[tilespmem:s0+$0x60] =	vst v0  }
0xa1: {  	[tilespmem:s0+$0x50] =	vst v0  }
0xa2: {  	[tilespmem:s0+$0x40] =	vst v0  }
0xa3: {  	[tilespmem:s0+$0x30] =	vst v0  }
0xa4: {  	s1 =	sadd.s32 $0x49D000, s2;
	[tilespmem:s0+$0x20] =	vst v0  }
0xa5: {  	s22 =	sadd.s32 $0x3A00, s2;
	s6 =	sadd.s32 $0x17A00, s2;
	s2 =	simm.s32 $0x40;
	[tilespmem:s0+$0x10] =	vst v0  }
.LBB3_1:
0xa6: {  	s2 =	sadd.s32 $0x40, s2;
	[tilespmem:s0+$0x0] =	vst v0;
	s0 =	sadd.s32 $0x80, s0  }
0xa7: {  	p0 =	slt.u32 s2, $0x48C0;
	[tilespmem:s0+$0x70] =	vst v0  }
0xa8: {  	[tilespmem:s0+$0x60] =	vst v0  }
.Ltmp9:
0xa9: {  	[tilespmem:s0+$0x50] =	vst v0;
	(pc) =	sbr.rel @p0 .LBB3_1-.Ltmp9, $4  }
0xaa: {  	[tilespmem:s0+$0x40] =	vst v0  }
0xab: {  	[tilespmem:s0+$0x30] =	vst v0  }
0xac: {  	[tilespmem:s0+$0x20] =	vst v0  }
0xad: {  	[tilespmem:s0+$0x10] =	vst v0  }
0xae: {  	s2 =	srdreg.scid  }
0xaf: {  	s2 =	sshll.u32 s2, $0x4  }
0xb0: {  	s5 =	stileid.u32;
	s2 =	sand.u32 $0x10, s2  }
0xb1: {  	s2 =	sor.u32 s5, s2  }
0xb2: {  	s3 =	smul.u32 $0x34, s2  }
0xb3: {  	s4 =	smin.u32 s2, $0x3  }
0xb4: {  	s3 =	sor.u32 s4, s3  }
0xb5: {  	p0 =	slt.u32 s2, $0x3;
	s2 =	simm.s32 $0x13E0;
	s23 =	smul.u32 $0x60, s3  }
0xb6: {  	s2 =	simm.s32 @!p0 $0x1380  }
0xb7: {  	s2 =	sadd.s32 s2, s23  }
0xb8: {  	s8 =	smin.u32 s2, $0x27120  }
0xb9: {  	s2 =	ssub.s32 s8, s23  }
0xba: {  	p0 =	sgt.s32 s2, $0x0  }
0xbb: {  	s2 =	simm.s32 @!p0 $0x0  }
0xbc: {  	s28 =	smulhi.u32 $0x2AAAAAAB, s2  }
0xbd: {  	[tilespmem:s0+$0x0] =	vst v0;
	s29 =	simm.s32 $0x2;
	s10 =	simm.s32 $0x9;
	s0 =	simm.s32 $0x1  }
0xbe: {  	s11 =	simm.s32 $0x1;
	s31 =	smul.u32 $0xC00, s5;
	s3 =	sshrl.u32 s28, $0x4  }
0xbf: {  	p1 =	por $0x0, $0x0;
	s25 =	simm.s32 $0xA;
	s30 =	smul.u32 $0x60, s3  }
.Ltmp10:
0xc0: {  	s15 =	simm.s32 $0x80;
	s16 =	simm.s32 $0x40;
	(pc) =	sbr.rel .LBB3_3-.Ltmp10, $4  }
0xc1: {  	v0 =	vimm.s32 $0xFFFFFFFF;
	s18 =	simm.s32 $0x0;
	[dreg:$0x4] =	wrdreg s22;
	[sflag:s29] =	ssyncpa.u1 $0x0  }
0xc2: {  	[tilespmem:$0x12608] =	vst v0;
	[sflag:s10] =	ssyncpa.u1 $0x0;
	s13 =	sshrl.u32 s31, $0x2;
	p0 =	sne.s32 s2, s30  }
0xc3: {  	s17 =	smov.u32 s23;
	[dreg:$0x5] =	wrdreg s23;
	s0 =	simm.s32 @!p0 $0x0  }
0xc4: {  	v1 =	vimm.f32 $0.0e+00;
	v0 =	vlaneseq.u32;
	p0 =	por $0x1, $0x1;
	s12 =	sadd.s32 s0, s3;
	s0 =	simm.s32 $0x0  }
.LBB3_41:
0xc5: {  	s22 =	rddreg [dreg:$0x4]  }
0xc6: {  	s0 =	sshrl.u32 s24, $0x2;
	s23 =	rddreg [dreg:$0x5];
	s25 =	simm.s32 $0xA  }
.LBB3_43:
0xc7: {  	_ =	swait.ge [sflag:s25], s0;
	v2 =	vmov s2;
	vm0 =	veq.s32 v0, $0x0  }
0xc8: {  	s31 =	ssub.s32 $0x0, s0;
	vm14 =	veq.s32 v0, $0x2;
	[sflag:s25] =	ssyncset.done $0x0;
	v2 =	vsel vm0, s21, v2  }
0xc9: {  	vm15 =	veq.s32 v0, $0x3;
	[sflag:s25] =	ssyncadd.s32 s31;
	v2 =	vsel vm14, s28, v2  }
0xca: {  	[sflag:s25] =	ssyncpa.u1 $0x1;
	v2 =	vsel vm15, s30, v2  }
0xcb: {  	[tilespmem:$0x12608] =	vst v2  }
.LBB3_44:
0xcc: {  	s0 =	sadd.s32 $0x60, s17  }
0xcd: {  	s2 =	smov.u32 s23;
	p2 =	slt.s32 s0, s8  }
0xce: {  	s2 =	smov.u32 @p2 s0;
	p2 =	sne.s32 s18, s12  }
.Ltmp11:
0xcf: {  	_ = 	snop;
	(pc) =	sbr.rel @!p2 .LBB3_45-.Ltmp11, $3  }
0xd0: {  	_ =	sdelay $0x1  }
0xd1: {  	s3 =	sadd.s32 $0x1, s18;
	p0 =	por !p0, !p0;
	p1 =	por !p1, !p1  }
0xd2: {  	s0 =	smov.u32 s17;
	s18 =	smov.u32 s3;
	s17 =	smov.u32 s2  }
.LBB3_3:
0xd3: {  	p2 =	sge.u32 s18, s12  }
0xd4: {  	p3 =	sgt.s32 @!p2 s17, $0x270C0  }
0xd5: {  	s2 =	smov.u32 s17;
	s3 =	sshra.s32 @!p2 s17, $0x1F;
	p3 =	por !p3, p2  }
0xd6: {  	s3 =	sand.u32 @!p2 s3, s17;
	s2 =	simm.s32 @p3 $0x270C0  }
0xd7: {  	s2 =	ssub.s32 @!p2 s2, s3;
	s3 =	sxor.u32 @!p2 $0xFFFFFFFF, s18  }
0xd8: {  	s2 =	sadd.s32 @!p2 $0xFFFD8F40, s2;
	s3 =	sand.u32 @!p2 $0x1, s3  }
0xd9: {  	s4 =	sshll.u32 @!p2 s2, $0x2;
	p3 =	sgt.s32 @!p2 s2, $0x5F;
	s3 =	smul.u32 @!p2 $0x180, s3  }
0xda: {  	s5 =	sand.u32 @!p2 $0x7, s17;
	s2 =	ssub.s32 @!p2 $0x180, s4;
	p3 =	por !p3, p2  }
0xdb: {  	s4 =	sshrl.u32 @!p2 s17, $0x3;
	s2 =	sshrl.u32 @!p2 s2, $0x2;
	s3 =	sshrl.u32 @!p2 s3, $0x2  }
0xdc: {  	s4 =	sadd.s32 @!p2 s22, s4;
	s2 =	simm.s32 @!p3 $0x0;
	s3 =	sadd.s32 @!p2 $0x15648, s3  }
0xdd: {  	[tilespmem:s3], [sflag:$0x9] =	stream.linear.gather @!p2 [hbm4b:s4+s5], s2, $0x38;
	[tilespmem:$0x1E708] =	vst v63  }
0xde: {  	s2 =	ssub.s32 @!p2 $0x27100, s17  }
0xdf: {  	p3 =	slt.s32 @!p2 s2, $0x1  }
0xe0: {  	p3 =	por p2, p3  }
.Ltmp12:
0xe1: {  	_ = 	snop;
	(pc) =	sbr.rel @p3 .LBB3_10-.Ltmp12, $1  }
0xe2: {  	_ =	sdelay $0x3  }
0xe3: {  	p3 =	sgt.s32 @!p2 s2, $0x0  }
0xe4: {  	s3 =	simm.s32 $0x1;
	p3 =	por !p3, p2  }
0xe5: {  	s3 =	simm.s32 @!p0 $0x0;
	s2 =	simm.s32 @p3 $0x0  }
0xe6: {  	s5 =	smul.u32 $0x12000, s3;
	s3 =	smin.u32 @!p2 s2, $0x60  }
0xe7: {  	s4 =	sadd.s32 $0x0, s17;
	p3 =	sgt.u32 s3, $0x2  }
.Ltmp13:
0xe8: {  	s30 =	sshrl.u32 s4, $0x3;
	(pc) =	sbr.rel @!p3 .LBB3_5-.Ltmp13, $4  }
0xe9: {  	s4 =	sshll.u32 s17, $0x7;
	s7 =	smul.u32 $0xC00, s30  }
0xea: {  	s31 =	sand.u32 $0x300, s4  }
0xeb: {  	s5 =	sshrl.u32 s5, $0x2;
	s7 =	sor.u32 s31, s7  }
0xec: {  	p2 =	por $0x0, $0x0;
	s2 =	sadd.s32 $0x15708, s5;
	s9 =	sshrl.u32 s7, $0x4  }
0xed: {  	s5 =	sadd.s32 $0x2, s17;
	s7 =	sadd.s32 s6, s9;
	p3 =	sgt.u32 s3, $0x4  }
0xee: {  	[tilespmem:s2], [sflag:$0x9] =	stream.strided.gather [hbm:s7], $0x180, s16, s15, $0x38;
	[tilespmem:$0x1E708] =	vst v63  }
.Ltmp14:
0xef: {  	s5 =	sshrl.u32 s5, $0x3;
	(pc) =	sbr.rel @!p3 .LBB3_7-.Ltmp14, $4  }
0xf0: {  	s4 =	sadd.s32 $0x100, s4;
	s5 =	smul.u32 $0xC00, s5  }
0xf1: {  	s31 =	sand.u32 $0x300, s4  }
0xf2: {  	p2 =	por $0x1, $0x1;
	s5 =	sor.u32 s31, s5  }
0xf3: {  	s7 =	simm.s32 $0x4;
	s9 =	sshrl.u32 s5, $0x4;
	s5 =	smov.u32 s2  }
.LBB3_8:
0xf4: {  	s14 =	sadd.s32 s7, s17  }
0xf5: {  	s9 =	sadd.s32 s6, s9;
	s5 =	sadd.s32 $0x180, s5;
	s7 =	sadd.s32 $0x2, s7  }
0xf6: {  	[tilespmem:s5], [sflag:$0x9] =	stream.strided.gather [hbm:s9], $0x180, s16, s15, $0x38;
	[tilespmem:$0x1E708] =	vst v63  }
0xf7: {  	p3 =	slt.u32 s7, s3  }
.Ltmp15:
0xf8: {  	s9 =	sshrl.u32 s14, $0x3;
	(pc) =	sbr.rel @p3 .LBB3_8-.Ltmp15, $4  }
0xf9: {  	s4 =	sadd.s32 $0x100, s4;
	s9 =	smul.u32 $0xC00, s9  }
0xfa: {  	s14 =	sand.u32 $0x300, s4  }
0xfb: {  	s9 =	sor.u32 s14, s9  }
0xfc: {  	s9 =	sshrl.u32 s9, $0x4  }
.LBB3_9:
0xfd: {  	s3 =	sadd.s32 @p2 $0x180, s5  }
0xfe: {  	s4 =	sadd.s32 s6, s9;
	s2 =	smov.u32 @p2 s3  }
0xff: {  	[tilespmem:s2], [sflag:$0x9] =	stream.strided.gather [hbm:s4], $0x180, s16, s15, $0x38;
	[tilespmem:$0x1E708] =	vst v63  }
.LBB3_10:
0x100: {  	p2 =	seq.s32 s18, $0x0  }
.Ltmp16:
0x101: {  	_ = 	snop;
	(pc) =	sbr.rel @p2 .LBB3_44-.Ltmp16, $1  }
0x102: {  	_ =	sdelay $0x3  }
0x103: {  	s2 =	ssub.s32 $0x27100, s0;
	p2 =	sgt.s32 s0, $0x270C0  }
0x104: {  	s3 =	smov.u32 s0;
	s4 =	sshra.s32 s0, $0x1F;
	p3 =	sgt.s32 s2, $0x0  }
0x105: {  	s3 =	simm.s32 @!p2 $0x270C0;
	s4 =	sand.u32 s4, s0;
	s2 =	simm.s32 @!p3 $0x0  }
0x106: {  	s3 =	ssub.s32 s3, s4;
	s26 =	smin.u32 s2, $0x60  }
0x107: {  	s3 =	sadd.s32 $0xFFFD8F40, s3;
	s4 =	smul.u32 $0xC0, s26  }
0x108: {  	s5 =	sshll.u32 s3, $0x2  }
0x109: {  	p2 =	sgt.s32 s3, $0x5F;
	s29 =	ssub.s32 $0x180, s5;
	_ =	swait.ge [sflag:s10], s4  }
0x10a: {  	s4 =	ssub.s32 $0x0, s4;
	s3 =	sshrl.u32 s29, $0x2;
	[sflag:s10] =	ssyncset.done $0x0  }
0x10b: {  	s3 =	simm.s32 @p2 $0x0;
	[sflag:s10] =	ssyncadd.s32 s4  }
0x10c: {  	_ =	swait.ge [sflag:s10], s3  }
0x10d: {  	s3 =	ssub.s32 $0x0, s3;
	[sflag:s10] =	ssyncset.done $0x0  }
0x10e: {  	[sflag:s10] =	ssyncadd.s32 s3  }
0x10f: {  	v2 =	vld [tilespmem:$0x12608];
	_ =	sdelay $0x4  }
0x110: {  	(v2sf) =	vpush v2, $0x0  }
0x111: {  	(v2sf) =	vpush v2, $0x1  }
0x112: {  	(v2sf) =	vpush v2, $0x2  }
0x113: {  	(v2sf) =	vpush v2, $0x3;
	_ =	sdelay $0x3  }
0x114: {  	s3 =	sadd.s32 $0x60, s0  }
0x115: {  	p2 =	slt.s32 s8, s3  }
0x116: {  	s3 =	smov.u32 @p2 s8  }
0x117: {  	s19 =	ssub.s32 s3, s0  }
0x118: {  	p2 =	slt.s32 s2, s19  }
0x119: {  	s19 =	smov.u32 @p2 s2  }
0x11a: {  	s5 =	simm.s32 $0x1;
	p2 =	slt.s32 s19, $0x1  }
.Ltmp17:
0x11b: {  	s5 =	simm.s32 @!p1 $0x0;
	(pc) =	sbr.rel @p2 .LBB3_15-.Ltmp17, $4  }
0x11c: {  	s31 =	smul.u32 $0x180, s5;
	s4 =	spop (v2sf)  }
0x11d: {  	s9 =	spop (v2sf)  }
0x11e: {  	s0 =	sshrl.u32 s31, $0x2;
	s28 =	spop (v2sf)  }
0x11f: {  	s3 =	sadd.s32 $0x15648, s0;
	s30 =	spop (v2sf)  }
0x120: {  	s0 =	smin.u32 s19, $0x10  }
0x121: {  	v2 =	vmov s0  }
0x122: {  	vm1 =	vgt.u32 v2, v0;
	_ =	sdelay $0x2  }
0x123: {  	p3 =	sgt.s32 s19, $0x10  }
.Ltmp18:
0x124: {  	_ = 	snop;
	(pc) =	sbr.rel @!p3 .LBB3_14-.Ltmp18, $3  }
0x125: {  	_ = 	snop  }
0x126: {  	v2 =	vld.msk [tilespmem:s3+$0x0 ss:$0x1], vm1;
	_ =	sdelay $0x1  }
0x127: {  	s2 =	simm.s32 $0x10;
	s20 =	sadd.s32 $0xFFFFFFF0, s19;
	s0 =	smov.u32 s3;
	vm0 =	vmmov vm1  }
.LBB3_13:
0x128: {  	s5 =	smin.u32 s20, $0x10;
	s2 =	sadd.s32 $0x10, s2  }
0x129: {  	v3 =	vmov s5;
	p3 =	slt.s32 s2, s19  }
0x12a: {  	vm1 =	vgt.u32 v3, v0;
	v3 =	vshrl.u32 v2, $0x3  }
0x12b: {  	v4 =	vshll.u32 v2, $0x7;
	v3 =	vmul.u32 $0xC00, v3  }
0x12c: {  	v4 =	vand.u32 $0x300, v4  }
0x12d: {  	v2 =	vand.u32 $0x1, v2;
	v3 =	vor.u32 v4, v3  }
0x12e: {  	v2 =	vor.u32 v2, v3  }
.Ltmp19:
0x12f: {  	[tilespmem:s0+$0x0] =	vst.msk vm0, v2;
	s0 =	sadd.s32 $0x10, s0;
	vm0 =	vmmov vm1;
	(pc) =	sbr.rel @p3 .LBB3_13-.Ltmp19, $2  }
0x130: {  	v2 =	vld.msk [tilespmem:s0+$0x0 ss:$0x1], vm1;
	_ =	sdelay $0x2  }
0x131: {  	s20 =	sadd.s32 $0xFFFFFFF0, s20  }
.LBB3_14:
0x132: {  	_ =	sdelay $0x1  }
0x133: {  	v3 =	vshrl.u32 v2, $0x3  }
0x134: {  	v4 =	vshll.u32 v2, $0x7;
	v3 =	vmul.u32 $0xC00, v3  }
0x135: {  	v4 =	vand.u32 $0x300, v4  }
0x136: {  	v2 =	vand.u32 $0x1, v2;
	v3 =	vor.u32 v4, v3  }
0x137: {  	v2 =	vor.u32 v2, v3  }
0x138: {  	[tilespmem:s0+$0x0] =	vst.msk vm0, v2  }
.LBB3_15:
0x139: {  	s0 =	sand.u32 $0x1, s18  }
0x13a: {  	s24 =	smul.u32 $0x60, s0  }
0x13b: {  	p3 =	sne.s32 s9, $0xFFFFFFFF  }
0x13c: {  	v2 =	vld.msk @!p3 [tilespmem:s24+$0x15648], $0x1;
	_ =	sdelay $0x4  }
0x13d: {  	(v2sf) =	vpush @!p3 v2, $0x0;
	_ =	sdelay $0xc  }
.Ltmp20:
0x13e: {  	_ = 	snop;
	(pc) =	sbr.rel @p2 .LBB3_42-.Ltmp20, $4  }
0x13f: {  	_ = 	snop  }
0x140: {  	s21 =	spop @!p3 (v2sf)  }
0x141: {  	s30 =	simm.s32 @!p3 $0x1;
	s28 =	simm.s32 @!p3 $0x0;
	s2 =	smov.u32 s21  }
0x142: {  	[sflag:s25] =	ssyncpa.u1 $0x0;
	s21 =	smov.u32 @p3 s4;
	s2 =	smov.u32 @p3 s9  }
0x143: {  	v2 =	vld.msk [tilespmem:s3+$0x0], $0x1;
	_ =	sdelay $0x4  }
0x144: {  	(v2sf) =	vpush v2, $0x0;
	_ =	sdelay $0xe  }
0x145: {  	s20 =	spop (v2sf)  }
0x146: {  	s4 =	sxor.u32 s21, s20  }
0x147: {  	p2 =	slt.u32 s4, $0x2  }
0x148: {  	s22 =	simm.s32 $0x0;
	s5 =	smov.u32 s21;
	p3 =	sgt.s32 @!p2 s21, $0x0  }
0x149: {  	s3 =	sadd.s32 $0x1, s3;
	s7 =	smul.u32 @!p2 $0x600, s22;
	p3 =	por !p3, p2  }
0x14a: {  	s4 =	sadd.s32 $0xFFFFFFFF, s19;
	s23 =	simm.s32 @!p2 $0x1;
	s5 =	simm.s32 @p3 $0x0  }
0x14b: {  	s7 =	sshra.s32 @!p2 s7, $0x2;
	p3 =	sne.s32 s4, $0x0;
	s5 =	smin.u32 @!p2 s5, $0x3A8F01  }
0x14c: {  	s14 =	sadd.s32 @!p2 $0x9488, s7;
	s9 =	sshrl.u32 @!p2 s5, $0x1;
	s5 =	sshrl.u32 @!p2 s5, $0x4  }
.Ltmp21:
0x14d: {  	s25 =	sadd.s32 @!p2 s1, s5;
	s5 =	sand.u32 @!p2 $0x7, s9;
	(pc) =	sbr.rel @!p3 .LBB3_18-.Ltmp21, $4  }
0x14e: {  	[tilespmem:s14], [sflag:$0x2] =	stream.linear.gather @!p2 [hbm4b:s25+s5], $0x80, $0x38;
	[tilespmem:$0x1E708] =	vst v63  }
0x14f: {  	s23 =	smov.u32 @p2 s22;
	s9 =	sadd.s32 @!p2 $0x9508, s7;
	s14 =	sadd.s32 @!p2 $0x40, s25  }
0x150: {  	[tilespmem:s9], [sflag:$0x2] =	stream.linear.gather @!p2 [hbm4b:s14+s5], $0x80, $0x38;
	[tilespmem:$0x1E708] =	vst v63  }
0x151: {  	s7 =	sadd.s32 @!p2 $0x9588, s7;
	s9 =	sadd.s32 $0x15648, s24;
	s14 =	sadd.s32 @!p2 $0x80, s25  }
.LBB3_17:
0x152: {  	s24 =	smov.u32 s23  }
0x153: {  	[tilespmem:s7], [sflag:$0x2] =	stream.linear.gather @!p2 [hbm4b:s14+s5], $0x80, $0x38;
	[tilespmem:$0x1E708] =	vst v63  }
0x154: {  	s4 =	sadd.s32 $0xFFFFFFFF, s4;
	s5 =	smov.u32 s20;
	v2 =	vld.msk [tilespmem:s3+$0x0], $0x1  }
0x155: {  	p3 =	sne.s32 s4, $0x0;
	_ =	sdelay $0x3  }
0x156: {  	(v2sf) =	vpush v2, $0x0;
	_ =	sdelay $0xe  }
0x157: {  	s20 =	spop (v2sf)  }
0x158: {  	s7 =	sxor.u32 s5, s20  }
0x159: {  	p2 =	slt.u32 s7, $0x2  }
0x15a: {  	p4 =	sgt.s32 @!p2 s5, $0x0;
	s7 =	smul.u32 @!p2 $0x600, s23;
	s23 =	sadd.s32 @!p2 $0x1, s23  }
0x15b: {  	p4 =	por !p4, p2;
	s23 =	smov.u32 @p2 s24  }
0x15c: {  	s5 =	simm.s32 @p4 $0x0;
	s7 =	sshra.s32 @!p2 s7, $0x2  }
0x15d: {  	s5 =	smin.u32 @!p2 s5, $0x3A8F01;
	s14 =	sadd.s32 @!p2 $0x9488, s7;
	s24 =	sadd.s32 @!p2 $0x9508, s7  }
0x15e: {  	s7 =	sadd.s32 @!p2 $0x9588, s7;
	s25 =	sshrl.u32 @!p2 s5, $0x1;
	s5 =	sshrl.u32 @!p2 s5, $0x4  }
.Ltmp22:
0x15f: {  	s26 =	sadd.s32 @!p2 s1, s5;
	s5 =	sand.u32 @!p2 $0x7, s25;
	(pc) =	sbr.rel @p3 .LBB3_17-.Ltmp22, $4  }
0x160: {  	[tilespmem:s14], [sflag:$0x2] =	stream.linear.gather @!p2 [hbm4b:s26+s5], $0x80, $0x38;
	[tilespmem:$0x1E708] =	vst v63  }
0x161: {  	s25 =	sadd.s32 @!p2 $0x40, s26;
	s14 =	sadd.s32 @!p2 $0x80, s26  }
0x162: {  	[tilespmem:s24], [sflag:$0x2] =	stream.linear.gather @!p2 [hbm4b:s25+s5], $0x80, $0x38;
	[tilespmem:$0x1E708] =	vst v63  }
0x163: {  	s3 =	sadd.s32 $0x1, s3  }
.LBB3_18:
0x164: {  	s3 =	smul.u32 $0x600, s23  }
0x165: {  	[tilespmem:s7], [sflag:$0x2] =	stream.linear.gather @!p2 [hbm4b:s14+s5], $0x80, $0x38;
	[tilespmem:$0x1E708] =	vst v63  }
0x166: {  	s0 =	smul.u32 $0x12000, s0  }
.Ltmp23:
0x167: {  	_ = 	snop;
	(pc) =	sbr.rel .LBB3_19-.Ltmp23, $4  }
0x168: {  	s4 =	simm.s32 $0x2;
	s3 =	sshrl.u32 s3, $0x2;
	s0 =	sshrl.u32 s0, $0x2  }
0x169: {  	_ =	swait.ge [sflag:s4], s3;
	s0 =	sadd.s32 $0x15708, s0  }
0x16a: {  	s23 =	sand.u32 $0xFFFFFFFE, s2;
	s3 =	ssub.s32 $0x0, s3;
	[sflag:s4] =	ssyncset.done $0x0;
	v3 =	vmov s0  }
0x16b: {  	v2 =	vmov s9;
	s24 =	simm.s32 $0x0;
	s25 =	simm.s32 $0x0;
	[sflag:s4] =	ssyncadd.s32 s3  }
.LBB3_40:
0x16c: {  	s25 =	sadd.s32 $0x1, s25  }
0x16d: {  	p2 =	sne.s32 s25, s19  }
.Ltmp24:
0x16e: {  	_ = 	snop;
	(pc) =	sbr.rel @!p2 .LBB3_41-.Ltmp24, $1  }
0x16f: {  	_ =	sdelay $0x3  }
.LBB3_19:
0x170: {  	_ =	sdelay $0x3  }
0x171: {  	v4 =	vld.idx.msk [tilespmem:v2+s25+$0x0 ss:$0x1], $0x1;
	_ =	sdelay $0x4  }
0x172: {  	(v2sf) =	vpush v4, $0x0;
	_ =	sdelay $0xe  }
0x173: {  	s20 =	smov.u32 s21;
	s21 =	spop (v2sf)  }
0x174: {  	p2 =	sne.s32 s20, s21  }
.Ltmp25:
0x175: {  	s0 =	sshrl.u32 s25, $0x1;
	(pc) =	sbr.rel @p2 .LBB3_22-.Ltmp25, $3  }
0x176: {  	s29 =	smul.u32 $0x300, s0;
	_ =	sdelay $0x1  }
0x177: {  	s0 =	sshrl.u32 s29, $0x1  }
0x178: {  	s26 =	sadd.s32 $0x100, s0  }
0x179: {  	_ =	sdelay $0x3  }
0x17a: {  	v4 =	vld.idx.msk [tilespmem:v3+s0+$0x0 ss:$0x1], $0xffff;
	_ =	sdelay $0x1  }
0x17b: {  	v5 =	vld.idx.msk [tilespmem:v3+s0+$0x10 ss:$0x1], $0xffff;
	_ =	sdelay $0x1  }
0x17c: {  	s3 =	sand.u32 $0x1, s25;
	s4 =	smul.u32 $0x600, s28  }
0x17d: {  	p2 =	seq.s32 s3, $0x0;
	v6 =	vunpack.i.u.bf16.f32 v4;
	v4 =	vunpack.i.l.bf16.f32 v4  }
0x17e: {  	s3 =	sshra.s32 s4, $0x2;
	v4 =	vpsel p2, v4, v6  }
0x17f: {  	[tilespmem:s3+$0x308] =	vst.add.f32.msk $0xffff, v4;
	v4 =	vunpack.i.u.bf16.f32 v5;
	v5 =	vunpack.i.l.bf16.f32 v5  }
0x180: {  	v4 =	vpsel p2, v5, v4;
	v5 =	vld.idx.msk [tilespmem:v3+s0+$0x20 ss:$0x1], $0xffff  }
0x181: {  	[tilespmem:s3+$0x318] =	vst.add.f32.msk $0xffff, v4  }
0x182: {  	v4 =	vld.idx.msk [tilespmem:v3+s0+$0x30 ss:$0x1], $0xffff  }
0x183: {  	v50 =	vld.idx.msk [tilespmem:v3+s0+$0x40 ss:$0x1], $0xffff  }
0x184: {  	v7 =	vld.idx.msk [tilespmem:v3+s0+$0x50 ss:$0x1], $0xffff  }
0x185: {  	v9 =	vld.idx.msk [tilespmem:v3+s0+$0x60 ss:$0x1], $0xffff;
	v8 =	vunpack.i.u.bf16.f32 v5;
	v5 =	vunpack.i.l.bf16.f32 v5  }
0x186: {  	v51 =	vld.idx.msk [tilespmem:v3+s0+$0x70 ss:$0x1], $0xffff;
	s31 =	sadd.s32 $0x100, s29;
	v5 =	vpsel p2, v5, v8  }
0x187: {  	s0 =	sshrl.u32 s31, $0x1;
	[tilespmem:s3+$0x328] =	vst.add.f32.msk $0xffff, v5;
	v5 =	vunpack.i.u.bf16.f32 v4;
	v4 =	vunpack.i.l.bf16.f32 v4  }
0x188: {  	s4 =	sadd.s32 $0x120, s29;
	v4 =	vpsel p2, v4, v5;
	v5 =	vld.idx.msk [tilespmem:v3+s0+$0x0 ss:$0x1], $0xffff  }
0x189: {  	v6 =	vunpack.i.l.bf16.f32 v50;
	s0 =	sshrl.u32 s4, $0x1;
	[tilespmem:s3+$0x338] =	vst.add.f32.msk $0xffff, v4;
	v4 =	vunpack.i.u.bf16.f32 v50  }
0x18a: {  	s5 =	sadd.s32 $0x140, s29;
	v52 =	vld.idx.msk [tilespmem:v3+s0+$0x0 ss:$0x1], $0xffff;
	v4 =	vpsel p2, v6, v4  }
0x18b: {  	s0 =	sshrl.u32 s5, $0x1;
	[tilespmem:s3+$0x348] =	vst.add.f32.msk $0xffff, v4;
	v4 =	vunpack.i.u.bf16.f32 v7;
	v7 =	vunpack.i.l.bf16.f32 v7  }
0x18c: {  	s7 =	sadd.s32 $0x160, s29;
	v53 =	vld.idx.msk [tilespmem:v3+s0+$0x0 ss:$0x1], $0xffff;
	v4 =	vpsel p2, v7, v4  }
0x18d: {  	s0 =	sshrl.u32 s7, $0x1;
	[tilespmem:s3+$0x358] =	vst.add.f32.msk $0xffff, v4;
	v4 =	vunpack.i.u.bf16.f32 v9;
	v9 =	vunpack.i.l.bf16.f32 v9  }
0x18e: {  	s9 =	sadd.s32 $0x180, s29;
	v54 =	vld.idx.msk [tilespmem:v3+s0+$0x0 ss:$0x1], $0xffff;
	v4 =	vpsel p2, v9, v4  }
0x18f: {  	v8 =	vunpack.i.l.bf16.f32 v51;
	s0 =	sshrl.u32 s9, $0x1;
	[tilespmem:s3+$0x368] =	vst.add.f32.msk $0xffff, v4;
	v4 =	vunpack.i.u.bf16.f32 v51  }
0x190: {  	s14 =	sadd.s32 $0x1A0, s29;
	v55 =	vld.idx.msk [tilespmem:v3+s0+$0x0 ss:$0x1], $0xffff;
	v4 =	vpsel p2, v8, v4  }
0x191: {  	s0 =	sshrl.u32 s14, $0x1;
	[tilespmem:s3+$0x378] =	vst.add.f32.msk $0xffff, v4;
	v4 =	vunpack.i.u.bf16.f32 v5;
	v5 =	vunpack.i.l.bf16.f32 v5  }
0x192: {  	s20 =	sadd.s32 $0x1C0, s29;
	v4 =	vpsel p2, v5, v4;
	v5 =	vld.idx.msk [tilespmem:v3+s0+$0x0 ss:$0x1], $0xffff  }
0x193: {  	s29 =	sadd.s32 $0x1E0, s29;
	s0 =	sshrl.u32 s20, $0x1;
	[tilespmem:s3+$0x388] =	vst.add.f32.msk $0xffff, v4  }
0x194: {  	s31 =	sshrl.u32 s29, $0x1;
	v6 =	vunpack.i.l.bf16.f32 v52;
	v4 =	vunpack.i.u.bf16.f32 v52;
	v10 =	vld.idx.msk [tilespmem:v3+s0+$0x0 ss:$0x1], $0xffff  }
0x195: {  	v11 =	vld.idx.msk [tilespmem:v3+s31+$0x0 ss:$0x1], $0xffff;
	v56 =	vunpack.i.u.bf16.f32 v53;
	v7 =	vunpack.i.l.bf16.f32 v53;
	v4 =	vpsel p2, v6, v4  }
0x196: {  	v57 =	vunpack.i.u.bf16.f32 v54;
	v58 =	vunpack.i.l.bf16.f32 v54;
	[tilespmem:s3+$0x398] =	vst.add.f32.msk $0xffff, v4;
	v4 =	vpsel p2, v7, v56  }
0x197: {  	v59 =	vunpack.i.u.bf16.f32 v55;
	v60 =	vunpack.i.l.bf16.f32 v55;
	[tilespmem:s3+$0x3A8] =	vst.add.f32.msk $0xffff, v4;
	v4 =	vpsel p2, v58, v57  }
0x198: {  	[tilespmem:s3+$0x3B8] =	vst.add.f32.msk $0xffff, v4;
	v4 =	vpsel p2, v60, v59;
	v61 =	vunpack.i.u.bf16.f32 v5;
	v5 =	vunpack.i.l.bf16.f32 v5  }
0x199: {  	[tilespmem:s3+$0x3C8] =	vst.add.f32.msk $0xffff, v4;
	v4 =	vpsel p2, v5, v61;
	v5 =	vunpack.i.u.bf16.f32 v10;
	v62 =	vunpack.i.l.bf16.f32 v10  }
0x19a: {  	v63 =	vunpack.i.l.bf16.f32 v11;
	[tilespmem:s3+$0x3D8] =	vst.add.f32.msk $0xffff, v4;
	v4 =	vpsel p2, v62, v5;
	v5 =	vunpack.i.u.bf16.f32 v11  }
0x19b: {  	[tilespmem:s3+$0x3E8] =	vst.add.f32.msk $0xffff, v4;
	v4 =	vpsel p2, v63, v5  }
0x19c: {  	s0 =	sadd.s32 $0x408, s3;
	[tilespmem:s3+$0x3F8] =	vst.add.f32.msk $0xffff, v4;
	s3 =	simm.s32 $0xF0  }
.LBB3_21:
0x19d: {  	s4 =	sadd.s32 s3, s26  }
0x19e: {  	s4 =	sadd.s32 $0xFFFFFF10, s4  }
0x19f: {  	s4 =	sand.u32 $0x7FFFFFF0, s4  }
0x1a0: {  	v4 =	vld.idx.msk [tilespmem:v3+s4+$0x0 ss:$0x1], $0xffff  }
0x1a1: {  	s3 =	sadd.s32 $0x10, s3  }
0x1a2: {  	p3 =	slt.u32 s3, $0x170  }
.Ltmp26:
0x1a3: {  	_ = 	snop;
	(pc) =	sbr.rel @p3 .LBB3_21-.Ltmp26, $4  }
0x1a4: {  	_ = 	snop  }
0x1a5: {  	v5 =	vunpack.i.u.bf16.f32 v4;
	v4 =	vunpack.i.l.bf16.f32 v4  }
0x1a6: {  	v4 =	vpsel p2, v4, v5  }
0x1a7: {  	[tilespmem:s0+$0x0] =	vst.add.f32.msk $0xffff, v4;
	s0 =	sadd.s32 $0x10, s0  }
.Ltmp27:
0x1a8: {  	_ = 	snop;
	(pc) =	sbr.rel .LBB3_40-.Ltmp27, $1  }
0x1a9: {  	_ =	sdelay $0x3  }
.LBB3_22:
0x1aa: {  	s9 =	sand.u32 $0xFFFFFFFE, s20;
	s3 =	sand.u32 $0xFFFFFFFE, s21  }
0x1ab: {  	p2 =	sne.s32 s9, s3  }
.Ltmp28:
0x1ac: {  	_ = 	snop;
	(pc) =	sbr.rel @p2 .LBB3_26-.Ltmp28, $3  }
0x1ad: {  	_ =	sdelay $0x1  }
0x1ae: {  	s3 =	sadd.s32 $0x1, s28  }
0x1af: {  	s4 =	smulhi.u32 $0xAAAAAAAB, s3  }
0x1b0: {  	_ =	sdelay $0x3  }
0x1b1: {  	v4 =	vld.idx.msk [tilespmem:v3+s0+$0x0 ss:$0x1], $0xffff;
	s4 =	sshrl.u32 s4, $0x6  }
0x1b2: {  	v5 =	vld.idx.msk [tilespmem:v3+s0+$0x10 ss:$0x1], $0xffff;
	s5 =	smul.u32 $0x60, s4  }
0x1b3: {  	v6 =	vld.idx.msk [tilespmem:v3+s0+$0x20 ss:$0x1], $0xffff  }
0x1b4: {  	v7 =	vld.idx.msk [tilespmem:v3+s0+$0x30 ss:$0x1], $0xffff;
	s3 =	ssub.s32 s3, s5  }
0x1b5: {  	s9 =	sand.u32 $0x1, s25;
	v8 =	vld.idx.msk [tilespmem:v3+s0+$0x40 ss:$0x1], $0xffff;
	s7 =	smul.u32 $0x600, s3  }
0x1b6: {  	v10 =	vld.idx.msk [tilespmem:v3+s0+$0x50 ss:$0x1], $0xffff;
	p2 =	seq.s32 s9, $0x0;
	v9 =	vunpack.i.u.bf16.f32 v4;
	v4 =	vunpack.i.l.bf16.f32 v4  }
0x1b7: {  	v11 =	vld.idx.msk [tilespmem:v3+s0+$0x60 ss:$0x1], $0xffff;
	s14 =	sadd.s32 $0x100, s29;
	v42 =	vunpack.i.u.bf16.f32 v5;
	v5 =	vunpack.i.l.bf16.f32 v5;
	v4 =	vpsel p2, v4, v9;
	s9 =	sshra.s32 s7, $0x2  }
0x1b8: {  	v43 =	vld.idx.msk [tilespmem:v3+s0+$0x70 ss:$0x1], $0xffff;
	s31 =	sadd.s32 $0x120, s29;
	s20 =	sshrl.u32 s14, $0x1;
	[tilespmem:s9+$0x308] =	vst v4;
	v4 =	vpsel p2, v5, v42;
	v5 =	vunpack.i.u.bf16.f32 v6;
	v6 =	vunpack.i.l.bf16.f32 v6  }
0x1b9: {  	s14 =	sadd.s32 $0x140, s29;
	v45 =	vld.idx.msk [tilespmem:v3+s20+$0x0 ss:$0x1], $0xffff;
	v44 =	vunpack.i.l.bf16.f32 v7;
	s7 =	sshrl.u32 s31, $0x1;
	[tilespmem:s9+$0x318] =	vst v4;
	v4 =	vpsel p2, v6, v5;
	v5 =	vunpack.i.u.bf16.f32 v7  }
0x1ba: {  	s20 =	sshrl.u32 s14, $0x1;
	v46 =	vunpack.i.l.bf16.f32 v8;
	s31 =	sadd.s32 $0x160, s29;
	v47 =	vld.idx.msk [tilespmem:v3+s7+$0x0 ss:$0x1], $0xffff;
	[tilespmem:s9+$0x328] =	vst v4;
	v4 =	vpsel p2, v44, v5;
	v5 =	vunpack.i.u.bf16.f32 v8  }
0x1bb: {  	s14 =	sadd.s32 $0x180, s29;
	v49 =	vld.idx.msk [tilespmem:v3+s20+$0x0 ss:$0x1], $0xffff;
	v48 =	vunpack.i.l.bf16.f32 v10;
	s7 =	sshrl.u32 s31, $0x1;
	[tilespmem:s9+$0x338] =	vst v4;
	v4 =	vpsel p2, v46, v5;
	v5 =	vunpack.i.u.bf16.f32 v10  }
0x1bc: {  	s20 =	sshrl.u32 s14, $0x1;
	v50 =	vunpack.i.l.bf16.f32 v11;
	s31 =	sadd.s32 $0x1A0, s29;
	v51 =	vld.idx.msk [tilespmem:v3+s7+$0x0 ss:$0x1], $0xffff;
	[tilespmem:s9+$0x348] =	vst v4;
	v4 =	vpsel p2, v48, v5;
	v5 =	vunpack.i.u.bf16.f32 v11  }
0x1bd: {  	v53 =	vld.idx.msk [tilespmem:v3+s20+$0x0 ss:$0x1], $0xffff;
	v52 =	vunpack.i.l.bf16.f32 v43;
	s5 =	sshrl.u32 s31, $0x1;
	s7 =	sadd.s32 $0x1C0, s29;
	[tilespmem:s9+$0x358] =	vst v4;
	v4 =	vpsel p2, v50, v5;
	v5 =	vunpack.i.u.bf16.f32 v43  }
0x1be: {  	s20 =	sadd.s32 $0x1E0, s29;
	v54 =	vunpack.i.l.bf16.f32 v45;
	v12 =	vld.idx.msk [tilespmem:v3+s5+$0x0 ss:$0x1], $0xffff;
	s14 =	sshrl.u32 s7, $0x1;
	[tilespmem:s9+$0x368] =	vst v4;
	v4 =	vpsel p2, v52, v5;
	v5 =	vunpack.i.u.bf16.f32 v45  }
0x1bf: {  	s29 =	sshrl.u32 s20, $0x1;
	v56 =	vld.idx.msk [tilespmem:v3+s14+$0x0 ss:$0x1], $0xffff;
	v55 =	vunpack.i.l.bf16.f32 v47;
	[tilespmem:s9+$0x378] =	vst v4;
	v4 =	vpsel p2, v54, v5;
	v5 =	vunpack.i.u.bf16.f32 v47  }
0x1c0: {  	v57 =	vunpack.i.l.bf16.f32 v49;
	v58 =	vld.idx.msk [tilespmem:v3+s29+$0x0 ss:$0x1], $0xffff;
	[tilespmem:s9+$0x388] =	vst v4;
	v4 =	vpsel p2, v55, v5;
	v5 =	vunpack.i.u.bf16.f32 v49  }
0x1c1: {  	v59 =	vunpack.i.l.bf16.f32 v51;
	[tilespmem:s9+$0x398] =	vst v4;
	v4 =	vpsel p2, v57, v5;
	v5 =	vunpack.i.u.bf16.f32 v51  }
0x1c2: {  	s4 =	smul.u32 $0x24000, s4;
	v60 =	vunpack.i.l.bf16.f32 v53;
	[tilespmem:s9+$0x3A8] =	vst v4;
	v4 =	vpsel p2, v59, v5;
	v5 =	vunpack.i.u.bf16.f32 v53  }
0x1c3: {  	s31 =	smul.u32 $0x600, s28;
	v61 =	vunpack.i.l.bf16.f32 v12;
	[tilespmem:s9+$0x3B8] =	vst v4;
	v4 =	vpsel p2, v60, v5;
	v5 =	vunpack.i.u.bf16.f32 v12  }
0x1c4: {  	v62 =	vunpack.i.l.bf16.f32 v56;
	[tilespmem:s9+$0x3C8] =	vst v4;
	v4 =	vpsel p2, v61, v5;
	v5 =	vunpack.i.u.bf16.f32 v56  }
0x1c5: {  	s0 =	ssub.s32 s31, s4;
	v63 =	vunpack.i.l.bf16.f32 v58;
	[tilespmem:s9+$0x3D8] =	vst v4;
	v4 =	vpsel p2, v62, v5;
	v5 =	vunpack.i.u.bf16.f32 v58  }
0x1c6: {  	s0 =	sshra.s32 s0, $0x2;
	[tilespmem:s9+$0x3E8] =	vst v4;
	v4 =	vpsel p2, v63, v5  }
0x1c7: {  	s4 =	simm.s32 $0xF0;
	s0 =	sadd.s32 $0x588, s0;
	[tilespmem:s9+$0x3F8] =	vst v4  }
.LBB3_24:
0x1c8: {  	s5 =	sadd.s32 s4, s26  }
0x1c9: {  	s5 =	sadd.s32 $0xFFFFFF10, s5  }
0x1ca: {  	s5 =	sand.u32 $0x7FFFFFF0, s5  }
0x1cb: {  	v4 =	vld.idx.msk [tilespmem:v3+s5+$0x0 ss:$0x1], $0xffff  }
0x1cc: {  	s4 =	sadd.s32 $0x10, s4  }
0x1cd: {  	p3 =	slt.u32 s4, $0x170  }
.Ltmp29:
0x1ce: {  	_ = 	snop;
	(pc) =	sbr.rel @p3 .LBB3_24-.Ltmp29, $4  }
0x1cf: {  	_ = 	snop  }
0x1d0: {  	v5 =	vunpack.i.u.bf16.f32 v4;
	v4 =	vunpack.i.l.bf16.f32 v4  }
0x1d1: {  	v4 =	vpsel p2, v4, v5  }
0x1d2: {  	[tilespmem:s0+$0x0] =	vst v4;
	s0 =	sadd.s32 $0x10, s0  }
.Ltmp30:
0x1d3: {  	(pc) =	sbr.rel .LBB3_40-.Ltmp30, $2  }
0x1d4: {  	_ =	sdelay $0x2  }
0x1d5: {  	s30 =	sadd.s32 $0x1, s30;
	s28 =	smov.u32 s3  }
.LBB3_26:
0x1d6: {  	p2 =	sne.s32 s30, $0x2  }
.Ltmp31:
0x1d7: {  	_ = 	snop;
	(pc) =	sbr.rel @p2 .LBB3_30-.Ltmp31, $3  }
0x1d8: {  	_ = 	snop  }
0x1d9: {  	s31 =	smul.u32 $0x600, s28;
	_ =	sdelay $0x1  }
0x1da: {  	s30 =	sshra.s32 s31, $0x2  }
0x1db: {  	s5 =	sadd.s32 $0x5F, s28  }
0x1dc: {  	s5 =	smulhi.u32 $0xAAAAAAAB, s5;
	_ =	sdelay $0x1  }
0x1dd: {  	s5 =	sshrl.u32 s5, $0x6  }
0x1de: {  	s5 =	smul.u32 $0x24000, s5;
	_ =	sdelay $0x1  }
0x1df: {  	s5 =	ssub.s32 $0x23A00, s5  }
0x1e0: {  	s5 =	sshra.s32 s5, $0x2  }
0x1e1: {  	v4 =	vmov s5;
	_ =	sdelay $0x2  }
0x1e2: {  	s5 =	sadd.s32 $0x308, s30  }
0x1e3: {  	v6 =	vld [tilespmem:s5+$0x0]  }
0x1e4: {  	v5 =	vld.idx.msk [tilespmem:v4+s5+$0x0 ss:$0x1], $0xffff;
	_ =	sdelay $0x4  }
0x1e5: {  	s7 =	simm.s32 $0x0;
	v5 =	vpack.i.f32.bf16 v6, v5  }
.LBB3_28:
0x1e6: {  	s7 =	sadd.s32 $0x10, s7;
	[tilespmem:s5+$0x0] =	vst v5;
	s5 =	sadd.s32 $0x10, s5  }
0x1e7: {  	v5 =	vld.idx.msk [tilespmem:v4+s5+$0x0 ss:$0x1], $0xffff;
	p2 =	slt.u32 s7, $0x170  }
0x1e8: {  	v6 =	vld [tilespmem:s5+$0x0]  }
.Ltmp32:
0x1e9: {  	(pc) =	sbr.rel @p2 .LBB3_28-.Ltmp32, $2  }
0x1ea: {  	_ =	sdelay $0x2  }
0x1eb: {  	v5 =	vpack.i.f32.bf16 v6, v5  }
.Ltmp33:
0x1ec: {  	(pc) =	sbr.rel .LBB3_33-.Ltmp33, $2  }
0x1ed: {  	_ =	sdelay $0x2  }
0x1ee: {  	[tilespmem:s5+$0x0] =	vst v5  }
.LBB3_30:
0x1ef: {  	s5 =	sand.u32 $0x1, s20  }
0x1f0: {  	p2 =	seq.s32 s5, $0x0  }
.Ltmp34:
0x1f1: {  	_ = 	snop;
	(pc) =	sbr.rel @!p2 .LBB3_31-.Ltmp34, $2  }
0x1f2: {  	_ =	sdelay $0x2  }
0x1f3: {  	v4 =	vld [tilespmem:s30+$0x308]  }
0x1f4: {  	v5 =	vld [tilespmem:s30+$0x318]  }
0x1f5: {  	v6 =	vld [tilespmem:s30+$0x328]  }
0x1f6: {  	v7 =	vld [tilespmem:s30+$0x338]  }
0x1f7: {  	v8 =	vld [tilespmem:s30+$0x348]  }
0x1f8: {  	v9 =	vld [tilespmem:s30+$0x358];
	v4 =	vpack.i.f32.bf16 v1, v4  }
0x1f9: {  	[tilespmem:s30+$0x308] =	vst v4;
	v4 =	vpack.i.f32.bf16 v1, v5;
	v5 =	vld [tilespmem:s30+$0x368]  }
0x1fa: {  	v50 =	vld [tilespmem:s30+$0x378];
	[tilespmem:s30+$0x318] =	vst v4;
	v4 =	vpack.i.f32.bf16 v1, v6  }
0x1fb: {  	v51 =	vld [tilespmem:s30+$0x388];
	[tilespmem:s30+$0x328] =	vst v4;
	v4 =	vpack.i.f32.bf16 v1, v7  }
0x1fc: {  	v52 =	vld [tilespmem:s30+$0x398];
	[tilespmem:s30+$0x338] =	vst v4;
	v4 =	vpack.i.f32.bf16 v1, v8  }
0x1fd: {  	v53 =	vld [tilespmem:s30+$0x3A8];
	[tilespmem:s30+$0x348] =	vst v4;
	v4 =	vpack.i.f32.bf16 v1, v9  }
0x1fe: {  	[tilespmem:s30+$0x358] =	vst v4;
	v4 =	vpack.i.f32.bf16 v1, v5;
	v5 =	vld [tilespmem:s30+$0x3B8]  }
0x1ff: {  	v54 =	vld [tilespmem:s30+$0x3C8];
	[tilespmem:s30+$0x368] =	vst v4;
	v4 =	vpack.i.f32.bf16 v1, v50  }
0x200: {  	v55 =	vld [tilespmem:s30+$0x3D8];
	[tilespmem:s30+$0x378] =	vst v4;
	v4 =	vpack.i.f32.bf16 v1, v51  }
0x201: {  	v56 =	vld [tilespmem:s30+$0x3E8];
	[tilespmem:s30+$0x388] =	vst v4;
	v4 =	vpack.i.f32.bf16 v1, v52  }
0x202: {  	v57 =	vld [tilespmem:s30+$0x3F8];
	[tilespmem:s30+$0x398] =	vst v4;
	v4 =	vpack.i.f32.bf16 v1, v53  }
0x203: {  	[tilespmem:s30+$0x3A8] =	vst v4;
	v4 =	vpack.i.f32.bf16 v1, v5;
	v5 =	vld [tilespmem:s30+$0x408]  }
0x204: {  	v58 =	vld [tilespmem:s30+$0x418];
	[tilespmem:s30+$0x3B8] =	vst v4;
	v4 =	vpack.i.f32.bf16 v1, v54  }
0x205: {  	v59 =	vld [tilespmem:s30+$0x428];
	[tilespmem:s30+$0x3C8] =	vst v4;
	v4 =	vpack.i.f32.bf16 v1, v55  }
0x206: {  	v60 =	vld [tilespmem:s30+$0x438];
	[tilespmem:s30+$0x3D8] =	vst v4;
	v4 =	vpack.i.f32.bf16 v1, v56  }
0x207: {  	v61 =	vld [tilespmem:s30+$0x448];
	[tilespmem:s30+$0x3E8] =	vst v4;
	v4 =	vpack.i.f32.bf16 v1, v57  }
0x208: {  	[tilespmem:s30+$0x3F8] =	vst v4;
	v4 =	vpack.i.f32.bf16 v1, v5;
	v5 =	vld [tilespmem:s30+$0x458]  }
0x209: {  	v62 =	vld [tilespmem:s30+$0x468];
	[tilespmem:s30+$0x408] =	vst v4;
	v4 =	vpack.i.f32.bf16 v1, v58  }
0x20a: {  	v63 =	vld [tilespmem:s30+$0x478];
	[tilespmem:s30+$0x418] =	vst v4;
	v4 =	vpack.i.f32.bf16 v1, v59  }
0x20b: {  	[tilespmem:s30+$0x428] =	vst v4;
	v4 =	vpack.i.f32.bf16 v1, v60  }
.Ltmp35:
0x20c: {  	[tilespmem:s30+$0x438] =	vst v4;
	v4 =	vpack.i.f32.bf16 v1, v61;
	(pc) =	sbr.rel .LBB3_33-.Ltmp35, $4  }
0x20d: {  	[tilespmem:s30+$0x448] =	vst v4;
	v4 =	vpack.i.f32.bf16 v1, v5  }
0x20e: {  	[tilespmem:s30+$0x458] =	vst v4;
	v4 =	vpack.i.f32.bf16 v1, v62  }
0x20f: {  	[tilespmem:s30+$0x468] =	vst v4;
	v4 =	vpack.i.f32.bf16 v1, v63  }
0x210: {  	[tilespmem:s30+$0x478] =	vst v4  }
.LBB3_31:
0x211: {  	v5 =	vld [tilespmem:s30+$0x318]  }
0x212: {  	v6 =	vld [tilespmem:s30+$0x328]  }
0x213: {  	v7 =	vld [tilespmem:s30+$0x338]  }
0x214: {  	v8 =	vld [tilespmem:s30+$0x348]  }
0x215: {  	v9 =	vld [tilespmem:s30+$0x358];
	v4 =	vpack.i.f32.bf16 v4, v1  }
0x216: {  	[tilespmem:s30+$0x308] =	vst v4;
	v4 =	vpack.i.f32.bf16 v5, v1;
	v5 =	vld [tilespmem:s30+$0x368]  }
0x217: {  	v50 =	vld [tilespmem:s30+$0x378];
	[tilespmem:s30+$0x318] =	vst v4;
	v4 =	vpack.i.f32.bf16 v6, v1  }
0x218: {  	v51 =	vld [tilespmem:s30+$0x388];
	[tilespmem:s30+$0x328] =	vst v4;
	v4 =	vpack.i.f32.bf16 v7, v1  }
0x219: {  	v52 =	vld [tilespmem:s30+$0x398];
	[tilespmem:s30+$0x338] =	vst v4;
	v4 =	vpack.i.f32.bf16 v8, v1  }
0x21a: {  	v53 =	vld [tilespmem:s30+$0x3A8];
	[tilespmem:s30+$0x348] =	vst v4;
	v4 =	vpack.i.f32.bf16 v9, v1  }
0x21b: {  	[tilespmem:s30+$0x358] =	vst v4;
	v4 =	vpack.i.f32.bf16 v5, v1;
	v5 =	vld [tilespmem:s30+$0x3B8]  }
0x21c: {  	v54 =	vld [tilespmem:s30+$0x3C8];
	[tilespmem:s30+$0x368] =	vst v4;
	v4 =	vpack.i.f32.bf16 v50, v1  }
0x21d: {  	v55 =	vld [tilespmem:s30+$0x3D8];
	[tilespmem:s30+$0x378] =	vst v4;
	v4 =	vpack.i.f32.bf16 v51, v1  }
0x21e: {  	v56 =	vld [tilespmem:s30+$0x3E8];
	[tilespmem:s30+$0x388] =	vst v4;
	v4 =	vpack.i.f32.bf16 v52, v1  }
0x21f: {  	v57 =	vld [tilespmem:s30+$0x3F8];
	[tilespmem:s30+$0x398] =	vst v4;
	v4 =	vpack.i.f32.bf16 v53, v1  }
0x220: {  	[tilespmem:s30+$0x3A8] =	vst v4;
	v4 =	vpack.i.f32.bf16 v5, v1;
	v5 =	vld [tilespmem:s30+$0x408]  }
0x221: {  	v58 =	vld [tilespmem:s30+$0x418];
	[tilespmem:s30+$0x3B8] =	vst v4;
	v4 =	vpack.i.f32.bf16 v54, v1  }
0x222: {  	v59 =	vld [tilespmem:s30+$0x428];
	[tilespmem:s30+$0x3C8] =	vst v4;
	v4 =	vpack.i.f32.bf16 v55, v1  }
0x223: {  	v60 =	vld [tilespmem:s30+$0x438];
	[tilespmem:s30+$0x3D8] =	vst v4;
	v4 =	vpack.i.f32.bf16 v56, v1  }
0x224: {  	v61 =	vld [tilespmem:s30+$0x448];
	[tilespmem:s30+$0x3E8] =	vst v4;
	v4 =	vpack.i.f32.bf16 v57, v1  }
0x225: {  	[tilespmem:s30+$0x3F8] =	vst v4;
	v4 =	vpack.i.f32.bf16 v5, v1;
	v5 =	vld [tilespmem:s30+$0x458]  }
0x226: {  	v62 =	vld [tilespmem:s30+$0x468];
	[tilespmem:s30+$0x408] =	vst v4;
	v4 =	vpack.i.f32.bf16 v58, v1  }
0x227: {  	v63 =	vld [tilespmem:s30+$0x478];
	[tilespmem:s30+$0x418] =	vst v4;
	v4 =	vpack.i.f32.bf16 v59, v1  }
0x228: {  	[tilespmem:s30+$0x428] =	vst v4;
	v4 =	vpack.i.f32.bf16 v60, v1  }
0x229: {  	[tilespmem:s30+$0x438] =	vst v4;
	v4 =	vpack.i.f32.bf16 v61, v1  }
0x22a: {  	[tilespmem:s30+$0x448] =	vst v4;
	v4 =	vpack.i.f32.bf16 v5, v1  }
0x22b: {  	[tilespmem:s30+$0x458] =	vst v4;
	v4 =	vpack.i.f32.bf16 v62, v1  }
0x22c: {  	[tilespmem:s30+$0x468] =	vst v4;
	v4 =	vpack.i.f32.bf16 v63, v1  }
0x22d: {  	[tilespmem:s30+$0x478] =	vst v4  }
.LBB3_33:
0x22e: {  	p2 =	seq.s32 s9, s23  }
.Ltmp36:
0x22f: {  	_ = 	snop;
	(pc) =	sbr.rel @!p2 .LBB3_34-.Ltmp36, $1  }
0x230: {  	_ =	sdelay $0x3  }
.Ltmp37:
0x231: {  	s5 =	sadd.s32 $0x308, s30;
	(pc) =	sbr.rel .LBB3_37-.Ltmp37, $4  }
0x232: {  	[spmem:s13] =	stream.linear.scatter [tilespmem:s5], [sflag:$0x1], $0x180, $0x38;
	[tilespmem:$0x1E708] =	vst v63  }
0x233: {  	_ =	swait.ge [sflag:s11], $0x180  }
0x234: {  	[sflag:s11] =	ssyncset.done $0x0  }
0x235: {  	[sflag:s11] =	ssyncadd.s32 $0xFFFFFE80  }
.LBB3_34:
0x236: {  	s5 =	smul.u32 $0x600, s22;
	_ =	sdelay $0x1  }
0x237: {  	s14 =	sadd.s32 $0x308, s30;
	s5 =	sshra.s32 s5, $0x2  }
0x238: {  	v5 =	vld [tilespmem:s14+$0x0];
	s7 =	sadd.s32 $0x9488, s5  }
0x239: {  	v4 =	vld [tilespmem:s7+$0x0];
	_ =	sdelay $0x3  }
0x23a: {  	v7 =	vunpack.i.u.bf16.f32 v5  }
0x23b: {  	v5 =	vunpack.i.l.bf16.f32 v5;
	v6 =	vunpack.i.u.bf16.f32 v4;
	v4 =	vunpack.i.l.bf16.f32 v4  }
0x23c: {  	v6 =	vadd.f32 v7, v6;
	v4 =	vadd.f32 v5, v4;
	_ =	sdelay $0x1  }
0x23d: {  	v4 =	vpack.i.f32.bf16 v6, v4  }
0x23e: {  	s28 =	smov.u32 s14;
	s5 =	simm.s32 $0x0;
	s7 =	sadd.s32 $0x10, s7;
	[tilespmem:s14+$0x0] =	vst v4  }
.LBB3_35:
0x23f: {  	v4 =	vld [tilespmem:s7+$0x0];
	s28 =	sadd.s32 $0x10, s28  }
0x240: {  	s5 =	sadd.s32 $0x10, s5;
	v5 =	vld [tilespmem:s28+$0x0]  }
0x241: {  	p2 =	slt.u32 s5, $0x170;
	_ =	sdelay $0x2  }
0x242: {  	v6 =	vunpack.i.u.bf16.f32 v4  }
.Ltmp38:
0x243: {  	v4 =	vunpack.i.l.bf16.f32 v4;
	v7 =	vunpack.i.u.bf16.f32 v5;
	v5 =	vunpack.i.l.bf16.f32 v5;
	(pc) =	sbr.rel @p2 .LBB3_35-.Ltmp38, $3  }
0x244: {  	v6 =	vadd.f32 v7, v6;
	v4 =	vadd.f32 v5, v4;
	_ =	sdelay $0x1  }
0x245: {  	v4 =	vpack.i.f32.bf16 v6, v4  }
0x246: {  	s7 =	sadd.s32 $0x10, s7;
	[tilespmem:s28+$0x0] =	vst v4  }
0x247: {  	p2 =	slt.s32 s20, $0x0;
	p3 =	sgt.s32 s9, $0x3A8F01  }
0x248: {  	p2 =	por p2, p3  }
0x249: {  	s5 =	sshrl.u32 @!p2 s20, $0x1;
	s7 =	sshrl.u32 @!p2 s20, $0x4  }
0x24a: {  	s7 =	sadd.s32 @!p2 s1, s7;
	s5 =	sand.u32 @!p2 $0x7, s5  }
0x24b: {  	[hbm4b:s7+s5] =	stream.linear.scatter @!p2 [tilespmem:s14], [sflag:$0xA], $0x80, $0x38;
	[tilespmem:$0x1E708] =	vst v63  }
0x24c: {  	s9 =	sadd.s32 @!p2 $0x388, s30;
	s14 =	sadd.s32 @!p2 $0x40, s7  }
0x24d: {  	[hbm4b:s14+s5] =	stream.linear.scatter @!p2 [tilespmem:s9], [sflag:$0xA], $0x80, $0x38;
	[tilespmem:$0x1E708] =	vst v63  }
0x24e: {  	s9 =	simm.s32 $0x0  }
0x24f: {  	s7 =	sadd.s32 @!p2 $0x80, s7;
	s14 =	sadd.s32 @!p2 $0x408, s30;
	s9 =	simm.s32 @!p2 $0x600  }
0x250: {  	[hbm4b:s7+s5] =	stream.linear.scatter @!p2 [tilespmem:s14], [sflag:$0xA], $0x80, $0x38;
	[tilespmem:$0x1E708] =	vst v63  }
0x251: {  	s24 =	sadd.s32 s24, s9  }
.LBB3_37:
0x252: {  	_ =	sdelay $0x3  }
0x253: {  	s4 =	sshrl.u32 s4, $0x6;
	v4 =	vld.idx.msk [tilespmem:v3+s0+$0x0 ss:$0x1], $0xffff  }
0x254: {  	v5 =	vld.idx.msk [tilespmem:v3+s0+$0x10 ss:$0x1], $0xffff;
	s5 =	smul.u32 $0x60, s4  }
0x255: {  	v6 =	vld.idx.msk [tilespmem:v3+s0+$0x20 ss:$0x1], $0xffff  }
0x256: {  	v7 =	vld.idx.msk [tilespmem:v3+s0+$0x30 ss:$0x1], $0xffff;
	s28 =	ssub.s32 s3, s5  }
0x257: {  	s30 =	sand.u32 $0x1, s25;
	v8 =	vld.idx.msk [tilespmem:v3+s0+$0x40 ss:$0x1], $0xffff;
	s5 =	smul.u32 $0x600, s28  }
0x258: {  	v10 =	vld.idx.msk [tilespmem:v3+s0+$0x50 ss:$0x1], $0xffff;
	p2 =	seq.s32 s30, $0x0;
	v9 =	vunpack.i.u.bf16.f32 v4;
	v4 =	vunpack.i.l.bf16.f32 v4  }
0x259: {  	v11 =	vld.idx.msk [tilespmem:v3+s0+$0x60 ss:$0x1], $0xffff;
	s7 =	sadd.s32 $0x100, s29;
	v42 =	vunpack.i.u.bf16.f32 v5;
	v5 =	vunpack.i.l.bf16.f32 v5;
	v4 =	vpsel p2, v4, v9;
	s3 =	sshra.s32 s5, $0x2  }
0x25a: {  	v43 =	vld.idx.msk [tilespmem:v3+s0+$0x70 ss:$0x1], $0xffff;
	s14 =	sadd.s32 $0x120, s29;
	s9 =	sshrl.u32 s7, $0x1;
	[tilespmem:s3+$0x308] =	vst v4;
	v4 =	vpsel p2, v5, v42;
	v5 =	vunpack.i.u.bf16.f32 v6;
	v6 =	vunpack.i.l.bf16.f32 v6  }
0x25b: {  	s20 =	sshrl.u32 s14, $0x1;
	s30 =	sadd.s32 $0x140, s29;
	v45 =	vld.idx.msk [tilespmem:v3+s9+$0x0 ss:$0x1], $0xffff;
	v44 =	vunpack.i.l.bf16.f32 v7;
	[tilespmem:s3+$0x318] =	vst v4;
	v4 =	vpsel p2, v6, v5;
	v5 =	vunpack.i.u.bf16.f32 v7  }
0x25c: {  	s7 =	sadd.s32 $0x160, s29;
	v47 =	vld.idx.msk [tilespmem:v3+s20+$0x0 ss:$0x1], $0xffff;
	v46 =	vunpack.i.l.bf16.f32 v8;
	s5 =	sshrl.u32 s30, $0x1;
	[tilespmem:s3+$0x328] =	vst v4;
	v4 =	vpsel p2, v44, v5;
	v5 =	vunpack.i.u.bf16.f32 v8  }
0x25d: {  	s14 =	sadd.s32 $0x180, s29;
	s9 =	sshrl.u32 s7, $0x1;
	v48 =	vunpack.i.l.bf16.f32 v10;
	v49 =	vld.idx.msk [tilespmem:v3+s5+$0x0 ss:$0x1], $0xffff;
	[tilespmem:s3+$0x338] =	vst v4;
	v4 =	vpsel p2, v46, v5;
	v5 =	vunpack.i.u.bf16.f32 v10  }
0x25e: {  	s20 =	sshrl.u32 s14, $0x1;
	v51 =	vld.idx.msk [tilespmem:v3+s9+$0x0 ss:$0x1], $0xffff;
	v50 =	vunpack.i.l.bf16.f32 v11;
	s30 =	sadd.s32 $0x1A0, s29;
	[tilespmem:s3+$0x348] =	vst v4;
	v4 =	vpsel p2, v48, v5;
	v5 =	vunpack.i.u.bf16.f32 v11  }
0x25f: {  	v53 =	vld.idx.msk [tilespmem:v3+s20+$0x0 ss:$0x1], $0xffff;
	s9 =	sadd.s32 $0x1C0, s29;
	v52 =	vunpack.i.l.bf16.f32 v43;
	s7 =	sshrl.u32 s30, $0x1;
	[tilespmem:s3+$0x358] =	vst v4;
	v4 =	vpsel p2, v50, v5;
	v5 =	vunpack.i.u.bf16.f32 v43  }
0x260: {  	s20 =	sadd.s32 $0x1E0, s29;
	s14 =	sshrl.u32 s9, $0x1;
	v54 =	vunpack.i.l.bf16.f32 v45;
	v12 =	vld.idx.msk [tilespmem:v3+s7+$0x0 ss:$0x1], $0xffff;
	[tilespmem:s3+$0x368] =	vst v4;
	v4 =	vpsel p2, v52, v5;
	v5 =	vunpack.i.u.bf16.f32 v45  }
0x261: {  	v56 =	vld.idx.msk [tilespmem:v3+s14+$0x0 ss:$0x1], $0xffff;
	s29 =	sshrl.u32 s20, $0x1;
	v55 =	vunpack.i.l.bf16.f32 v47;
	[tilespmem:s3+$0x378] =	vst v4;
	v4 =	vpsel p2, v54, v5;
	v5 =	vunpack.i.u.bf16.f32 v47  }
0x262: {  	v58 =	vld.idx.msk [tilespmem:v3+s29+$0x0 ss:$0x1], $0xffff;
	v57 =	vunpack.i.l.bf16.f32 v49;
	[tilespmem:s3+$0x388] =	vst v4;
	v4 =	vpsel p2, v55, v5;
	v5 =	vunpack.i.u.bf16.f32 v49  }
0x263: {  	v59 =	vunpack.i.l.bf16.f32 v51;
	[tilespmem:s3+$0x398] =	vst v4;
	v4 =	vpsel p2, v57, v5;
	v5 =	vunpack.i.u.bf16.f32 v51  }
0x264: {  	v60 =	vunpack.i.l.bf16.f32 v53;
	[tilespmem:s3+$0x3A8] =	vst v4;
	v4 =	vpsel p2, v59, v5;
	v5 =	vunpack.i.u.bf16.f32 v53  }
0x265: {  	s30 =	smul.u32 $0x24000, s4;
	v61 =	vunpack.i.l.bf16.f32 v12;
	[tilespmem:s3+$0x3B8] =	vst v4;
	v4 =	vpsel p2, v60, v5;
	v5 =	vunpack.i.u.bf16.f32 v12  }
0x266: {  	v62 =	vunpack.i.l.bf16.f32 v56;
	[tilespmem:s3+$0x3C8] =	vst v4;
	v4 =	vpsel p2, v61, v5;
	v5 =	vunpack.i.u.bf16.f32 v56  }
0x267: {  	s0 =	ssub.s32 s31, s30;
	v63 =	vunpack.i.l.bf16.f32 v58;
	[tilespmem:s3+$0x3D8] =	vst v4;
	v4 =	vpsel p2, v62, v5;
	v5 =	vunpack.i.u.bf16.f32 v58  }
0x268: {  	s0 =	sshra.s32 s0, $0x2;
	[tilespmem:s3+$0x3E8] =	vst v4;
	v4 =	vpsel p2, v63, v5  }
0x269: {  	s0 =	sadd.s32 $0x588, s0;
	[tilespmem:s3+$0x3F8] =	vst v4;
	s3 =	simm.s32 $0xF0  }
.LBB3_38:
0x26a: {  	s4 =	sadd.s32 s3, s26  }
0x26b: {  	s4 =	sadd.s32 $0xFFFFFF10, s4  }
0x26c: {  	s4 =	sand.u32 $0x7FFFFFF0, s4  }
0x26d: {  	v4 =	vld.idx.msk [tilespmem:v3+s4+$0x0 ss:$0x1], $0xffff  }
0x26e: {  	s3 =	sadd.s32 $0x10, s3  }
0x26f: {  	p3 =	slt.u32 s3, $0x170  }
.Ltmp39:
0x270: {  	_ = 	snop;
	(pc) =	sbr.rel @p3 .LBB3_38-.Ltmp39, $4  }
0x271: {  	_ = 	snop  }
0x272: {  	v5 =	vunpack.i.u.bf16.f32 v4;
	v4 =	vunpack.i.l.bf16.f32 v4  }
0x273: {  	v4 =	vpsel p2, v4, v5  }
0x274: {  	[tilespmem:s0+$0x0] =	vst v4;
	s0 =	sadd.s32 $0x10, s0  }
.Ltmp40:
0x275: {  	(pc) =	sbr.rel .LBB3_40-.Ltmp40, $2  }
0x276: {  	_ =	sdelay $0x2  }
0x277: {  	s22 =	sadd.s32 $0x1, s22;
	s30 =	simm.s32 $0x1  }
.LBB3_42:
.Ltmp41:
0x278: {  	(pc) =	sbr.rel .LBB3_43-.Ltmp41, $4  }
0x279: {  	_ = 	snop  }
0x27a: {  	s0 =	simm.s32 $0x2  }
0x27b: {  	_ =	swait.ge [sflag:s0], $0x0  }
0x27c: {  	[sflag:s0] =	ssyncset.done $0x0;
	s0 =	simm.s32 $0x0  }
.LBB3_5:
.Ltmp42:
0x27d: {  	(pc) =	sbr.rel .LBB3_9-.Ltmp42, $2  }
0x27e: {  	_ =	sdelay $0x2  }
0x27f: {  	s5 =	smov.u32 s2  }
.LBB3_7:
.Ltmp43:
0x280: {  	(pc) =	sbr.rel .LBB3_9-.Ltmp43, $2  }
0x281: {  	_ =	sdelay $0x2  }
0x282: {  	s5 =	smov.u32 s2  }
.LBB3_45:
0x283: {  	_ =	sfence.sel $0x180000  }
0x284: {  	s0 =	simm.s32 $0x9;
	[bflag:$0x0] =	sbarrier.arrive $0xFFFF  }
0x285: {  	s2 =	simm.s32 $0x2;
	[sflag:s0] =	ssyncpa.u1 $0x1  }
0x286: {  	[sflag:s2] =	ssyncpa.u1 $0x1  }
0x287: {  	v0 =	vld [tilespmem:$0x12608];
	_ =	sdelay $0x4  }
0x288: {  	(v2sf) =	vpush v0, $0x0  }
0x289: {  	(v2sf) =	vpush v0, $0x1;
	_ =	sdelay $0x2  }
0x28a: {  	(v2sf) =	vpush v0, $0x2;
	_ =	sdelay $0xa  }
0x28b: {  	s4 =	spop (v2sf)  }
0x28c: {  	s30 =	spop (v2sf)  }
0x28d: {  	s0 =	sxor.u32 s30, s4  }
0x28e: {  	p0 =	sgt.u32 s0, $0x1;
	s0 =	smov.u32 s4  }
0x28f: {  	s5 =	spop (v2sf);
	s0 =	simm.s32 @!p0 $0xFFFFFFFF  }
0x290: {  	v2 =	vimm.s32 $0x1;
	v3 =	vlaneseq.u32;
	p1 =	seq.s32 s5, $0xFFFFFFFF;
	v1 =	vmov s0  }
.Ltmp44:
0x291: {  	v2 =	vperm.xlane v0, v2;
	v1 =	vperm.xlane v1, v3;
	(pc) =	sbr.rel @p1 .LBB3_54-.Ltmp44, $4  }
0x292: {  	vm0 =	vcmask $0x3F04;
	s17 =	stileid.u32  }
0x293: {  	s6 =	simm.s32 $0x12608;
	s3 =	sshll.u32 s17, $0x1;
	v1 =	vsel vm0, v1, v2  }
0x294: {  	s31 =	sor.u32 $0x3000, s3;
	s18 =	rddreg [dreg:$0x1];
	s0 =	simm.s32 $0x1;
	[tilespmem:$0x12608] =	vst v1  }
0x295: {  	[spmem:s31] =	stream.linear.scatter [tilespmem:s6], [sflag:$0x1], $0x2, $0x38;
	[tilespmem:$0x1E708] =	vst v63  }
0x296: {  	(v2sf) =	vpush v0, $0x3;
	_ =	sdelay $0xe  }
0x297: {  	s2 =	simm.s32 $0x1;
	s6 =	spop (v2sf)  }
0x298: {  	s2 =	simm.s32 @!p0 $0x0;
	p0 =	sne.s32 s6, $0x2  }
.Ltmp45:
0x299: {  	_ = 	snop;
	(pc) =	sbr.rel @p0 .LBB3_50-.Ltmp45, $2  }
0x29a: {  	_ =	sdelay $0x2  }
0x29b: {  	s2 =	sor.u32 s2, s3;
	s3 =	smul.u32 $0x600, s5  }
0x29c: {  	s3 =	sadd.s32 $0x5F, s5  }
0x29d: {  	s3 =	smulhi.u32 $0xAAAAAAAB, s3;
	_ =	sdelay $0x1  }
0x29e: {  	s3 =	sshrl.u32 s3, $0x6  }
0x29f: {  	s3 =	smul.u32 $0x24000, s3;
	_ =	sdelay $0x1  }
0x2a0: {  	s3 =	ssub.s32 $0x23A00, s3  }
0x2a1: {  	s3 =	sshra.s32 s3, $0x2  }
0x2a2: {  	v0 =	vmov s3;
	s3 =	smul.u32 $0x600, s5;
	_ =	sdelay $0x1  }
0x2a3: {  	s4 =	sshra.s32 s3, $0x2  }
0x2a4: {  	s4 =	sadd.s32 $0x308, s4  }
0x2a5: {  	v2 =	vld [tilespmem:s4+$0x0]  }
0x2a6: {  	v1 =	vld.idx.msk [tilespmem:v0+s4+$0x0 ss:$0x1], $0xffff;
	_ =	sdelay $0x4  }
0x2a7: {  	s5 =	simm.s32 $0x0;
	v1 =	vpack.i.f32.bf16 v2, v1  }
.LBB3_48:
0x2a8: {  	s5 =	sadd.s32 $0x10, s5;
	[tilespmem:s4+$0x0] =	vst v1;
	s4 =	sadd.s32 $0x10, s4  }
0x2a9: {  	v1 =	vld.idx.msk [tilespmem:v0+s4+$0x0 ss:$0x1], $0xffff;
	p0 =	slt.u32 s5, $0x170  }
0x2aa: {  	v2 =	vld [tilespmem:s4+$0x0]  }
.Ltmp46:
0x2ab: {  	(pc) =	sbr.rel @p0 .LBB3_48-.Ltmp46, $2  }
0x2ac: {  	_ =	sdelay $0x2  }
0x2ad: {  	v1 =	vpack.i.f32.bf16 v2, v1  }
.Ltmp47:
0x2ae: {  	(pc) =	sbr.rel .LBB3_53-.Ltmp47, $2  }
0x2af: {  	_ =	sdelay $0x2  }
0x2b0: {  	[tilespmem:s4+$0x0] =	vst v1  }
.LBB3_50:
0x2b1: {  	s4 =	sand.u32 $0x1, s4  }
0x2b2: {  	p0 =	seq.s32 s4, $0x0  }
.Ltmp48:
0x2b3: {  	_ = 	snop;
	(pc) =	sbr.rel @!p0 .LBB3_51-.Ltmp48, $3  }
0x2b4: {  	_ =	sdelay $0x1  }
0x2b5: {  	s4 =	sshra.s32 s3, $0x2  }
0x2b6: {  	v0 =	vld [tilespmem:s4+$0x308]  }
0x2b7: {  	v1 =	vld [tilespmem:s4+$0x318]  }
0x2b8: {  	v2 =	vld [tilespmem:s4+$0x328]  }
0x2b9: {  	v3 =	vld [tilespmem:s4+$0x338]  }
0x2ba: {  	v4 =	vimm.f32 $0.0e+00;
	v5 =	vld [tilespmem:s4+$0x348]  }
0x2bb: {  	v6 =	vld [tilespmem:s4+$0x358];
	v0 =	vpack.i.f32.bf16 v4, v0  }
0x2bc: {  	v24 =	vld [tilespmem:s4+$0x368];
	[tilespmem:s4+$0x308] =	vst v0;
	v23 =	vpack.i.f32.bf16 v4, v1  }
0x2bd: {  	v26 =	vld [tilespmem:s4+$0x378];
	v25 =	vpack.i.f32.bf16 v4, v2;
	[tilespmem:s4+$0x318] =	vst v23  }
0x2be: {  	v28 =	vld [tilespmem:s4+$0x388];
	v27 =	vpack.i.f32.bf16 v4, v3;
	[tilespmem:s4+$0x328] =	vst v25  }
0x2bf: {  	v30 =	vld [tilespmem:s4+$0x398];
	v29 =	vpack.i.f32.bf16 v4, v5;
	[tilespmem:s4+$0x338] =	vst v27  }
0x2c0: {  	v32 =	vld [tilespmem:s4+$0x3A8];
	v31 =	vpack.i.f32.bf16 v4, v6;
	[tilespmem:s4+$0x348] =	vst v29  }
0x2c1: {  	v34 =	vld [tilespmem:s4+$0x3B8];
	v33 =	vpack.i.f32.bf16 v4, v24;
	[tilespmem:s4+$0x358] =	vst v31  }
0x2c2: {  	v36 =	vld [tilespmem:s4+$0x3C8];
	v35 =	vpack.i.f32.bf16 v4, v26;
	[tilespmem:s4+$0x368] =	vst v33  }
0x2c3: {  	v38 =	vld [tilespmem:s4+$0x3D8];
	v37 =	vpack.i.f32.bf16 v4, v28;
	[tilespmem:s4+$0x378] =	vst v35  }
0x2c4: {  	v40 =	vld [tilespmem:s4+$0x3E8];
	v39 =	vpack.i.f32.bf16 v4, v30;
	[tilespmem:s4+$0x388] =	vst v37  }
0x2c5: {  	v42 =	vld [tilespmem:s4+$0x3F8];
	v41 =	vpack.i.f32.bf16 v4, v32;
	[tilespmem:s4+$0x398] =	vst v39  }
0x2c6: {  	v44 =	vld [tilespmem:s4+$0x408];
	v43 =	vpack.i.f32.bf16 v4, v34;
	[tilespmem:s4+$0x3A8] =	vst v41  }
0x2c7: {  	v46 =	vld [tilespmem:s4+$0x418];
	v45 =	vpack.i.f32.bf16 v4, v36;
	[tilespmem:s4+$0x3B8] =	vst v43  }
0x2c8: {  	v48 =	vld [tilespmem:s4+$0x428];
	v47 =	vpack.i.f32.bf16 v4, v38;
	[tilespmem:s4+$0x3C8] =	vst v45  }
0x2c9: {  	v50 =	vld [tilespmem:s4+$0x438];
	v49 =	vpack.i.f32.bf16 v4, v40;
	[tilespmem:s4+$0x3D8] =	vst v47  }
0x2ca: {  	v52 =	vld [tilespmem:s4+$0x448];
	v51 =	vpack.i.f32.bf16 v4, v42;
	[tilespmem:s4+$0x3E8] =	vst v49  }
0x2cb: {  	v54 =	vld [tilespmem:s4+$0x458];
	v53 =	vpack.i.f32.bf16 v4, v44;
	[tilespmem:s4+$0x3F8] =	vst v51  }
0x2cc: {  	v56 =	vld [tilespmem:s4+$0x468];
	v55 =	vpack.i.f32.bf16 v4, v46;
	[tilespmem:s4+$0x408] =	vst v53  }
0x2cd: {  	v58 =	vld [tilespmem:s4+$0x478];
	v57 =	vpack.i.f32.bf16 v4, v48;
	[tilespmem:s4+$0x418] =	vst v55  }
0x2ce: {  	v59 =	vpack.i.f32.bf16 v4, v50;
	[tilespmem:s4+$0x428] =	vst v57  }
.Ltmp49:
0x2cf: {  	v60 =	vpack.i.f32.bf16 v4, v52;
	[tilespmem:s4+$0x438] =	vst v59;
	(pc) =	sbr.rel .LBB3_53-.Ltmp49, $4  }
0x2d0: {  	v61 =	vpack.i.f32.bf16 v4, v54;
	[tilespmem:s4+$0x448] =	vst v60  }
0x2d1: {  	v62 =	vpack.i.f32.bf16 v4, v56;
	[tilespmem:s4+$0x458] =	vst v61  }
0x2d2: {  	v63 =	vpack.i.f32.bf16 v4, v58;
	[tilespmem:s4+$0x468] =	vst v62  }
0x2d3: {  	[tilespmem:s4+$0x478] =	vst v63  }
.LBB3_51:
0x2d4: {  	v1 =	vld [tilespmem:s4+$0x318]  }
0x2d5: {  	v2 =	vld [tilespmem:s4+$0x328]  }
0x2d6: {  	v3 =	vld [tilespmem:s4+$0x338]  }
0x2d7: {  	v4 =	vimm.f32 $0.0e+00;
	v5 =	vld [tilespmem:s4+$0x348]  }
0x2d8: {  	v6 =	vld [tilespmem:s4+$0x358];
	v0 =	vpack.i.f32.bf16 v0, v4  }
0x2d9: {  	v24 =	vld [tilespmem:s4+$0x368];
	[tilespmem:s4+$0x308] =	vst v0;
	v23 =	vpack.i.f32.bf16 v1, v4  }
0x2da: {  	v26 =	vld [tilespmem:s4+$0x378];
	v25 =	vpack.i.f32.bf16 v2, v4;
	[tilespmem:s4+$0x318] =	vst v23  }
0x2db: {  	v28 =	vld [tilespmem:s4+$0x388];
	v27 =	vpack.i.f32.bf16 v3, v4;
	[tilespmem:s4+$0x328] =	vst v25  }
0x2dc: {  	v30 =	vld [tilespmem:s4+$0x398];
	v29 =	vpack.i.f32.bf16 v5, v4;
	[tilespmem:s4+$0x338] =	vst v27  }
0x2dd: {  	v32 =	vld [tilespmem:s4+$0x3A8];
	v31 =	vpack.i.f32.bf16 v6, v4;
	[tilespmem:s4+$0x348] =	vst v29  }
0x2de: {  	v34 =	vld [tilespmem:s4+$0x3B8];
	v33 =	vpack.i.f32.bf16 v24, v4;
	[tilespmem:s4+$0x358] =	vst v31  }
0x2df: {  	v36 =	vld [tilespmem:s4+$0x3C8];
	v35 =	vpack.i.f32.bf16 v26, v4;
	[tilespmem:s4+$0x368] =	vst v33  }
0x2e0: {  	v38 =	vld [tilespmem:s4+$0x3D8];
	v37 =	vpack.i.f32.bf16 v28, v4;
	[tilespmem:s4+$0x378] =	vst v35  }
0x2e1: {  	v40 =	vld [tilespmem:s4+$0x3E8];
	v39 =	vpack.i.f32.bf16 v30, v4;
	[tilespmem:s4+$0x388] =	vst v37  }
0x2e2: {  	v42 =	vld [tilespmem:s4+$0x3F8];
	v41 =	vpack.i.f32.bf16 v32, v4;
	[tilespmem:s4+$0x398] =	vst v39  }
0x2e3: {  	v44 =	vld [tilespmem:s4+$0x408];
	v43 =	vpack.i.f32.bf16 v34, v4;
	[tilespmem:s4+$0x3A8] =	vst v41  }
0x2e4: {  	v46 =	vld [tilespmem:s4+$0x418];
	v45 =	vpack.i.f32.bf16 v36, v4;
	[tilespmem:s4+$0x3B8] =	vst v43  }
0x2e5: {  	v48 =	vld [tilespmem:s4+$0x428];
	v47 =	vpack.i.f32.bf16 v38, v4;
	[tilespmem:s4+$0x3C8] =	vst v45  }
0x2e6: {  	v50 =	vld [tilespmem:s4+$0x438];
	v49 =	vpack.i.f32.bf16 v40, v4;
	[tilespmem:s4+$0x3D8] =	vst v47  }
0x2e7: {  	v52 =	vld [tilespmem:s4+$0x448];
	v51 =	vpack.i.f32.bf16 v42, v4;
	[tilespmem:s4+$0x3E8] =	vst v49  }
0x2e8: {  	v54 =	vld [tilespmem:s4+$0x458];
	v53 =	vpack.i.f32.bf16 v44, v4;
	[tilespmem:s4+$0x3F8] =	vst v51  }
0x2e9: {  	v56 =	vld [tilespmem:s4+$0x468];
	v55 =	vpack.i.f32.bf16 v46, v4;
	[tilespmem:s4+$0x408] =	vst v53  }
0x2ea: {  	v58 =	vld [tilespmem:s4+$0x478];
	v57 =	vpack.i.f32.bf16 v48, v4;
	[tilespmem:s4+$0x418] =	vst v55  }
0x2eb: {  	v59 =	vpack.i.f32.bf16 v50, v4;
	[tilespmem:s4+$0x428] =	vst v57  }
0x2ec: {  	v60 =	vpack.i.f32.bf16 v52, v4;
	[tilespmem:s4+$0x438] =	vst v59  }
0x2ed: {  	v61 =	vpack.i.f32.bf16 v54, v4;
	[tilespmem:s4+$0x448] =	vst v60  }
0x2ee: {  	v62 =	vpack.i.f32.bf16 v56, v4;
	[tilespmem:s4+$0x458] =	vst v61  }
0x2ef: {  	v63 =	vpack.i.f32.bf16 v58, v4;
	[tilespmem:s4+$0x468] =	vst v62  }
0x2f0: {  	[tilespmem:s4+$0x478] =	vst v63  }
.LBB3_53:
0x2f1: {  	s2 =	smul.u32 $0x600, s2  }
0x2f2: {  	s3 =	sshra.s32 s3, $0x2  }
0x2f3: {  	s3 =	sadd.s32 $0x308, s3;
	s2 =	sshrl.u32 s2, $0x2  }
0x2f4: {  	[spmem:s2] =	stream.linear.scatter [tilespmem:s3], [sflag:$0x1], $0x180, $0x38;
	[tilespmem:$0x1E708] =	vst v63  }
0x2f5: {  	s2 =	simm.s32 $0x182  }
.LBB3_54:
0x2f6: {  	_ =	swait.ge [sflag:s0], s2  }
0x2f7: {  	s28 =	ssub.s32 $0x0, s2;
	[sflag:s0] =	ssyncset.done $0x0  }
0x2f8: {  	p0 =	sne.s32 s17, $0x0;
	[sflag:s0] =	ssyncadd.s32 s28  }
.Ltmp50:
0x2f9: {  	_ =	sfence.stream.spmem;
	(pc) =	sbr.rel @p0 .LBB3_77-.Ltmp50, $4  }
0x2fa: {  	s29 =	simm.s32 $0x3;
	[bflag:$0x0] =	sbarrier.arrive $0xFFFF  }
0x2fb: {  	s30 =	simm.s32 $0x4;
	[sflag:s29] =	ssyncpa.u1 $0x1  }
0x2fc: {  	s31 =	simm.s32 $0x3C;
	[sflag:s30] =	ssyncpa.u1 $0x1  }
0x2fd: {  	s5 =	sand.u32 $0x1, s18;
	[sflag:s31] =	ssyncpa.u1 $0x1  }
0x2fe: {  	_ =	sfence.stream.spmem;
	s0 =	simm.s32 $0x5  }
0x2ff: {  	s2 =	simm.s32 $0x3000;
	s3 =	simm.s32 $0x12618;
	[sflag:s0] =	ssyncpa.u1 $0x0  }
0x300: {  	[tilespmem:s3], [sflag:$0x5] =	stream.linear.gather [spmem:s2], $0x20, $0x38;
	[tilespmem:$0x1E708] =	vst v63  }
0x301: {  	s26 =	simm.s32 $0x0;
	s28 =	simm.s32 $0x12638  }
0x302: {  	[tilespmem:s28], [sflag:$0x5] =	stream.linear.gather [spmem:s26], $0x3000, $0x38;
	[tilespmem:$0x1E708] =	vst v63  }
0x303: {  	_ =	swait.ge [sflag:s0], $0x3020  }
0x304: {  	[sflag:s0] =	ssyncset.done $0x0  }
0x305: {  	s29 =	simm.s32 $0x0;
	[sflag:s0] =	ssyncadd.s32 $0xFFFFCFE0  }
0x306: {  	v0 =	vld.msk [tilespmem:s29+$0x12618], $0x1;
	_ =	sdelay $0x1  }
0x307: {  	s30 =	simm.s32 $0x1  }
0x308: {  	v1 =	vld.msk [tilespmem:s30+$0x12618], $0x1;
	_ =	sdelay $0x1  }
0x309: {  	(v2sf) =	vpush v0, $0x0;
	_ =	sdelay $0x2  }
0x30a: {  	(v2sf) =	vpush v1, $0x0;
	_ =	sdelay $0x2  }
0x30b: {  	s31 =	simm.s32 $0x2  }
0x30c: {  	v0 =	vld.msk [tilespmem:s31+$0x12618], $0x1;
	_ =	sdelay $0x2  }
0x30d: {  	s3 =	simm.s32 $0xFFFFFFFF;
	s2 =	simm.s32 $0xFFFFFFFF;
	s0 =	simm.s32 $0xC  }
.LBB3_56:
0x30e: {  	s4 =	smov.u32 s2;
	s6 =	smov.u32 s3  }
0x30f: {  	s2 =	sshra.s32 s0, $0x2;
	p1 =	sne.s32 s0, $0x7C;
	s0 =	sadd.s32 $0x4, s0;
	(v2sf) =	vpush v0, $0x0  }
0x310: {  	v0 =	vld.msk [tilespmem:s2+$0x12618], $0x1  }
.Ltmp51:
0x311: {  	(pc) =	sbr.rel @p1 .LBB3_56-.Ltmp51, $4  }
0x312: {  	s2 =	spop (v2sf)  }
0x313: {  	p2 =	sne.s32 s3, $0xFFFFFFFF;
	s3 =	smov.u32 s2  }
0x314: {  	p3 =	seq.s32 s2, $0xFFFFFFFF;
	s3 =	smov.u32 @p2 s6  }
0x315: {  	s2 =	smov.u32 @p3 s4;
	s3 =	smov.u32 @p3 s6  }
0x316: {  	(v2sf) =	vpush v0, $0x0;
	_ =	sdelay $0x8  }
0x317: {  	s0 =	spop (v2sf)  }
0x318: {  	p1 =	sne.s32 s3, $0xFFFFFFFF;
	s4 =	smov.u32 s0  }
0x319: {  	p2 =	seq.s32 s0, $0xFFFFFFFF;
	s4 =	smov.u32 @p1 s3  }
0x31a: {  	s4 =	smov.u32 @p2 s3;
	s3 =	spop (v2sf)  }
0x31b: {  	s7 =	simm.s32 $0x12508;
	p1 =	sne.s32 s4, $0xFFFFFFFF;
	s6 =	smov.u32 s3  }
0x31c: {  	s8 =	simm.s32 $0x12588;
	s6 =	smov.u32 @p1 s4;
	p1 =	seq.s32 s3, $0xFFFFFFFF  }
0x31d: {  	s0 =	smov.u32 @p2 s2;
	s6 =	smov.u32 @p1 s4;
	s4 =	spop (v2sf)  }
.Ltmp52:
0x31e: {  	p2 =	sne.s32 s6, $0xFFFFFFFF;
	s2 =	smov.u32 s4;
	(pc) =	sbr.rel .LBB3_58-.Ltmp52, $4  }
0x31f: {  	s3 =	smov.u32 @p1 s0;
	p1 =	seq.s32 s4, $0xFFFFFFFF;
	s2 =	smov.u32 @p2 s6  }
0x320: {  	s9 =	simm.s32 $0x0;
	s0 =	simm.s32 $0x0;
	s2 =	smov.u32 @p1 s6  }
0x321: {  	s4 =	smov.u32 @p1 s3;
	s3 =	sand.u32 $0xFFFFFFFE, s2;
	s2 =	simm.s32 $0x6  }
0x322: {  	s6 =	sand.u32 $0xFFFFFFFE, s4;
	s4 =	simm.s32 $0x12638;
	[sflag:s2] =	ssyncpa.u1 $0x0  }
.LBB3_66:
0x323: {  	s10 =	smul.u32 $0x600, s9  }
.LBB3_70:
0x324: {  	_ = 	snop  }
0x325: {  	[tilespmem:s0+$0x12618] =	vst.msk $0x1, v0;
	s10 =	sshra.s32 s10, $0x2  }
0x326: {  	v0 =	vld [tilespmem:s10+$0x12638];
	_ =	sdelay $0x1  }
0x327: {  	s11 =	smul.u32 $0x600, s0;
	_ =	sdelay $0x1  }
0x328: {  	s11 =	sshra.s32 s11, $0x2  }
0x329: {  	[tilespmem:s11+$0x12638] =	vst v0  }
0x32a: {  	v0 =	vld [tilespmem:s10+$0x12648];
	_ =	sdelay $0x4  }
0x32b: {  	[tilespmem:s11+$0x12648] =	vst v0  }
0x32c: {  	v0 =	vld [tilespmem:s10+$0x12658];
	_ =	sdelay $0x4  }
0x32d: {  	[tilespmem:s11+$0x12658] =	vst v0  }
0x32e: {  	v0 =	vld [tilespmem:s10+$0x12668];
	_ =	sdelay $0x4  }
0x32f: {  	[tilespmem:s11+$0x12668] =	vst v0  }
0x330: {  	v0 =	vld [tilespmem:s10+$0x12678];
	_ =	sdelay $0x4  }
0x331: {  	[tilespmem:s11+$0x12678] =	vst v0  }
0x332: {  	v0 =	vld [tilespmem:s10+$0x12688];
	_ =	sdelay $0x4  }
0x333: {  	[tilespmem:s11+$0x12688] =	vst v0  }
0x334: {  	v0 =	vld [tilespmem:s10+$0x12698];
	_ =	sdelay $0x4  }
0x335: {  	[tilespmem:s11+$0x12698] =	vst v0  }
0x336: {  	v0 =	vld [tilespmem:s10+$0x126A8];
	_ =	sdelay $0x4  }
0x337: {  	[tilespmem:s11+$0x126A8] =	vst v0  }
0x338: {  	v0 =	vld [tilespmem:s10+$0x126B8];
	_ =	sdelay $0x4  }
0x339: {  	[tilespmem:s11+$0x126B8] =	vst v0  }
0x33a: {  	v0 =	vld [tilespmem:s10+$0x126C8];
	_ =	sdelay $0x4  }
0x33b: {  	[tilespmem:s11+$0x126C8] =	vst v0  }
0x33c: {  	v0 =	vld [tilespmem:s10+$0x126D8];
	_ =	sdelay $0x4  }
0x33d: {  	[tilespmem:s11+$0x126D8] =	vst v0  }
0x33e: {  	v0 =	vld [tilespmem:s10+$0x126E8];
	_ =	sdelay $0x4  }
0x33f: {  	[tilespmem:s11+$0x126E8] =	vst v0  }
0x340: {  	v0 =	vld [tilespmem:s10+$0x126F8];
	_ =	sdelay $0x4  }
0x341: {  	[tilespmem:s11+$0x126F8] =	vst v0  }
0x342: {  	v0 =	vld [tilespmem:s10+$0x12708];
	_ =	sdelay $0x4  }
0x343: {  	[tilespmem:s11+$0x12708] =	vst v0  }
0x344: {  	v0 =	vld [tilespmem:s10+$0x12718];
	_ =	sdelay $0x4  }
0x345: {  	[tilespmem:s11+$0x12718] =	vst v0  }
0x346: {  	v0 =	vld [tilespmem:s10+$0x12728];
	_ =	sdelay $0x4  }
0x347: {  	[tilespmem:s11+$0x12728] =	vst v0  }
0x348: {  	v0 =	vld [tilespmem:s10+$0x12738];
	_ =	sdelay $0x4  }
0x349: {  	[tilespmem:s11+$0x12738] =	vst v0  }
0x34a: {  	v0 =	vld [tilespmem:s10+$0x12748];
	_ =	sdelay $0x4  }
0x34b: {  	[tilespmem:s11+$0x12748] =	vst v0  }
0x34c: {  	v0 =	vld [tilespmem:s10+$0x12758];
	_ =	sdelay $0x4  }
0x34d: {  	[tilespmem:s11+$0x12758] =	vst v0  }
0x34e: {  	v0 =	vld [tilespmem:s10+$0x12768];
	_ =	sdelay $0x4  }
0x34f: {  	[tilespmem:s11+$0x12768] =	vst v0  }
0x350: {  	v0 =	vld [tilespmem:s10+$0x12778];
	_ =	sdelay $0x4  }
0x351: {  	[tilespmem:s11+$0x12778] =	vst v0  }
0x352: {  	v0 =	vld [tilespmem:s10+$0x12788];
	_ =	sdelay $0x4  }
0x353: {  	[tilespmem:s11+$0x12788] =	vst v0  }
0x354: {  	v0 =	vld [tilespmem:s10+$0x12798];
	_ =	sdelay $0x4  }
0x355: {  	[tilespmem:s11+$0x12798] =	vst v0  }
0x356: {  	v0 =	vld [tilespmem:s10+$0x127A8];
	_ =	sdelay $0x4  }
0x357: {  	s0 =	sadd.s32 $0x1, s0;
	[tilespmem:s11+$0x127A8] =	vst v0  }
.LBB3_71:
0x358: {  	s9 =	sadd.s32 $0x1, s9  }
0x359: {  	p1 =	sne.s32 s9, $0x20  }
.Ltmp53:
0x35a: {  	_ = 	snop;
	(pc) =	sbr.rel @!p1 .LBB3_72-.Ltmp53, $2  }
0x35b: {  	_ =	sdelay $0x2  }
0x35c: {  	s4 =	sadd.s32 $0x180, s4  }
.LBB3_58:
0x35d: {  	v0 =	vld.msk [tilespmem:s9+$0x12618], $0x1;
	_ =	sdelay $0x4  }
0x35e: {  	(v2sf) =	vpush v0, $0x0;
	_ =	sdelay $0xe  }
0x35f: {  	s10 =	spop (v2sf)  }
0x360: {  	p1 =	seq.s32 s10, $0xFFFFFFFF  }
.Ltmp54:
0x361: {  	_ = 	snop;
	(pc) =	sbr.rel @p1 .LBB3_71-.Ltmp54, $1  }
0x362: {  	_ =	sdelay $0x3  }
0x363: {  	p1 =	slt.s32 s0, $0x1  }
.Ltmp55:
0x364: {  	_ = 	snop;
	(pc) =	sbr.rel @p1 .LBB3_65-.Ltmp55, $2  }
0x365: {  	_ =	sdelay $0x2  }
0x366: {  	s11 =	sand.u32 $0xFFFFFFFE, s10  }
0x367: {  	s12 =	simm.s32 $0x12618;
	p1 =	por $0x0, $0x0  }
0x368: {  	v1 =	vld.msk @!p1 [tilespmem:s12+$0x0], $0x1;
	_ =	sdelay $0x4  }
0x369: {  	(v2sf) =	vpush @!p1 v1, $0x0;
	_ =	sdelay $0xe  }
0x36a: {  	p3 =	sne.s32 s0, $0x1;
	s13 =	spop @!p1 (v2sf)  }
.Ltmp56:
0x36b: {  	s13 =	sand.u32 @!p1 $0xFFFFFFFE, s13;
	(pc) =	sbr.rel @!p3 .LBB3_62-.Ltmp56, $4  }
0x36c: {  	p2 =	seq.s32 @!p1 s11, s13  }
0x36d: {  	s13 =	simm.s32 $0x0;
	p2 =	por !p2, p1  }
0x36e: {  	s15 =	simm.s32 $0xFFFFFFFF;
	s13 =	simm.s32 @p2 $0xFFFFFFFF  }
0x36f: {  	s14 =	simm.s32 $0x1;
	s13 =	smov.u32 @p1 s15  }
.LBB3_61:
0x370: {  	s15 =	smov.u32 s13;
	p1 =	sne.s32 s13, $0xFFFFFFFF  }
0x371: {  	s12 =	sadd.s32 $0x1, s12;
	s13 =	smov.u32 s14;
	s14 =	sadd.s32 $0x1, s14  }
0x372: {  	p2 =	sne.s32 s0, s14;
	v1 =	vld.msk @!p1 [tilespmem:s12+$0x0], $0x1;
	_ =	sdelay $0x4  }
0x373: {  	(v2sf) =	vpush @!p1 v1, $0x0;
	_ =	sdelay $0xe  }
0x374: {  	s16 =	spop @!p1 (v2sf)  }
.Ltmp57:
0x375: {  	s16 =	sand.u32 @!p1 $0xFFFFFFFE, s16;
	(pc) =	sbr.rel @p2 .LBB3_61-.Ltmp57, $4  }
0x376: {  	p3 =	seq.s32 @!p1 s11, s16  }
0x377: {  	p3 =	por !p3, p1  }
0x378: {  	s13 =	simm.s32 @p3 $0xFFFFFFFF  }
0x379: {  	s13 =	smov.u32 @p1 s15  }
.LBB3_62:
0x37a: {  	p1 =	seq.s32 s13, $0xFFFFFFFF  }
.Ltmp58:
0x37b: {  	_ = 	snop;
	(pc) =	sbr.rel @p1 .LBB3_65-.Ltmp58, $1  }
0x37c: {  	_ =	sdelay $0x3  }
0x37d: {  	s10 =	smul.u32 $0x600, s13;
	_ =	sdelay $0x1  }
0x37e: {  	s10 =	sshra.s32 s10, $0x2  }
0x37f: {  	v0 =	vld [tilespmem:s4+$0x0];
	s10 =	sadd.s32 $0x12638, s10  }
0x380: {  	v1 =	vld [tilespmem:s10+$0x0];
	_ =	sdelay $0x3  }
0x381: {  	v2 =	vunpack.i.u.bf16.f32 v0  }
0x382: {  	v0 =	vunpack.i.l.bf16.f32 v0;
	v3 =	vunpack.i.u.bf16.f32 v1;
	v1 =	vunpack.i.l.bf16.f32 v1  }
0x383: {  	v2 =	vadd.f32 v3, v2;
	v0 =	vadd.f32 v1, v0;
	_ =	sdelay $0x1  }
0x384: {  	v0 =	vpack.i.f32.bf16 v2, v0  }
0x385: {  	s11 =	simm.s32 $0x0;
	s12 =	sadd.s32 $0x10, s4;
	[tilespmem:s10+$0x0] =	vst v0  }
.LBB3_64:
0x386: {  	v0 =	vld [tilespmem:s12+$0x0];
	s10 =	sadd.s32 $0x10, s10  }
0x387: {  	s11 =	sadd.s32 $0x10, s11;
	v1 =	vld [tilespmem:s10+$0x0]  }
0x388: {  	p1 =	slt.u32 s11, $0x170;
	_ =	sdelay $0x2  }
0x389: {  	v2 =	vunpack.i.u.bf16.f32 v0  }
.Ltmp59:
0x38a: {  	v0 =	vunpack.i.l.bf16.f32 v0;
	v3 =	vunpack.i.u.bf16.f32 v1;
	v1 =	vunpack.i.l.bf16.f32 v1;
	(pc) =	sbr.rel @p1 .LBB3_64-.Ltmp59, $3  }
0x38b: {  	v2 =	vadd.f32 v3, v2;
	v0 =	vadd.f32 v1, v0;
	_ =	sdelay $0x1  }
0x38c: {  	v0 =	vpack.i.f32.bf16 v2, v0  }
0x38d: {  	s12 =	sadd.s32 $0x10, s12;
	[tilespmem:s10+$0x0] =	vst v0  }
.Ltmp60:
0x38e: {  	_ = 	snop;
	(pc) =	sbr.rel .LBB3_71-.Ltmp60, $1  }
0x38f: {  	_ =	sdelay $0x3  }
.LBB3_65:
0x390: {  	p1 =	sgt.u32 s10, $0x3A8F01  }
0x391: {  	p2 =	seq.s32 @!p1 s11, s3  }
0x392: {  	p1 =	por p1, p2  }
0x393: {  	p2 =	sne.s32 @!p1 s11, s6  }
0x394: {  	p1 =	por p1, !p2  }
.Ltmp61:
0x395: {  	_ = 	snop;
	(pc) =	sbr.rel @p1 .LBB3_66-.Ltmp61, $1  }
0x396: {  	_ =	sdelay $0x3  }
0x397: {  	s11 =	sshrl.u32 s10, $0x1;
	s31 =	sshrl.u32 s10, $0x4  }
0x398: {  	s12 =	simm.s32 $0x12488;
	s10 =	sadd.s32 s1, s31;
	s11 =	sand.u32 $0x7, s11  }
0x399: {  	[tilespmem:s12], [sflag:$0x6] =	stream.linear.gather [hbm4b:s10+s11], $0x80, $0x38;
	[tilespmem:$0x1E708] =	vst v63  }
0x39a: {  	s13 =	sadd.s32 $0x40, s10  }
0x39b: {  	[tilespmem:s7], [sflag:$0x6] =	stream.linear.gather [hbm4b:s13+s11], $0x80, $0x38;
	[tilespmem:$0x1E708] =	vst v63  }
0x39c: {  	s10 =	sadd.s32 $0x80, s10  }
0x39d: {  	[tilespmem:s8], [sflag:$0x6] =	stream.linear.gather [hbm4b:s10+s11], $0x80, $0x38;
	[tilespmem:$0x1E708] =	vst v63  }
0x39e: {  	_ =	swait.ge [sflag:s2], $0x180  }
0x39f: {  	[sflag:s2] =	ssyncset.done $0x0  }
0x3a0: {  	[sflag:s2] =	ssyncadd.s32 $0xFFFFFE80  }
0x3a1: {  	v1 =	vld [tilespmem:s12+$0x0]  }
0x3a2: {  	v2 =	vld [tilespmem:s4+$0x0];
	_ =	sdelay $0x3  }
0x3a3: {  	v3 =	vunpack.i.u.bf16.f32 v1  }
0x3a4: {  	v1 =	vunpack.i.l.bf16.f32 v1;
	v4 =	vunpack.i.u.bf16.f32 v2;
	v2 =	vunpack.i.l.bf16.f32 v2  }
0x3a5: {  	v3 =	vadd.f32 v4, v3;
	v1 =	vadd.f32 v2, v1  }
0x3a6: {  	s13 =	simm.s32 $0x12498  }
0x3a7: {  	s10 =	smul.u32 $0x600, s9;
	s11 =	simm.s32 $0x0;
	s12 =	smov.u32 s4;
	v1 =	vpack.i.f32.bf16 v3, v1  }
.LBB3_68:
0x3a8: {  	v2 =	vld [tilespmem:s13+$0x0];
	[tilespmem:s12+$0x0] =	vst v1;
	s12 =	sadd.s32 $0x10, s12  }
0x3a9: {  	s11 =	sadd.s32 $0x10, s11;
	v1 =	vld [tilespmem:s12+$0x0]  }
0x3aa: {  	p1 =	slt.u32 s11, $0x170;
	_ =	sdelay $0x2  }
.Ltmp62:
0x3ab: {  	v3 =	vunpack.i.u.bf16.f32 v2;
	(pc) =	sbr.rel @p1 .LBB3_68-.Ltmp62, $3  }
0x3ac: {  	v2 =	vunpack.i.l.bf16.f32 v2;
	v4 =	vunpack.i.u.bf16.f32 v1;
	v1 =	vunpack.i.l.bf16.f32 v1  }
0x3ad: {  	v3 =	vadd.f32 v4, v3;
	v1 =	vadd.f32 v1, v2;
	_ =	sdelay $0x1  }
0x3ae: {  	s13 =	sadd.s32 $0x10, s13;
	v1 =	vpack.i.f32.bf16 v3, v1  }
.Ltmp63:
0x3af: {  	(pc) =	sbr.rel .LBB3_70-.Ltmp63, $2  }
0x3b0: {  	_ =	sdelay $0x2  }
0x3b1: {  	[tilespmem:s12+$0x0] =	vst v1  }
.LBB3_72:
0x3b2: {  	s2 =	simm.s32 $0x6;
	p1 =	seq.s32 s0, $0x0  }
0x3b3: {  	[sflag:s2] =	ssyncpa.u1 $0x1;
	v0 =	vimm.s32 @p1 $0xFFFFFFFF  }
0x3b4: {  	s2 =	sadd.s32 $0xFFFFFFFF, s0;
	[tilespmem:$0x15638] =	vst @p1 v0  }
0x3b5: {  	v0 =	vld.msk @!p1 [tilespmem:s2+$0x12618], $0x1;
	_ =	sdelay $0x1  }
0x3b6: {  	v1 =	vld.msk @!p1 [tilespmem:$0x12618], $0x1;
	_ =	sdelay $0x2  }
0x3b7: {  	p2 =	seq.s32 @!p1 s2, $0x0;
	v0 =	vbroadcast @!p1 v0, $0x0  }
0x3b8: {  	vm0 =	vmmov @!p1 $0x1;
	p3 =	por !p2, p1  }
0x3b9: {  	p2 =	sne.s32 @!p1 s3, s6;
	v1 =	vnsel @!p1 vm0, $0xFFFFFFFF, v1;
	vm0 =	vcmask @!p1 $0x308;
	v0 =	vpsel !p3, $0xFFFFFFFF, v0  }
0x3ba: {  	p3 =	por !p2, p1;
	v0 =	vsel @!p1 vm0, v1, v0  }
0x3bb: {  	s4 =	simm.s32 @!p1 $0x0;
	s3 =	simm.s32 @!p1 $0x12638;
	s6 =	smul.u32 @!p3 $0x600, s2;
	[tilespmem:$0x15638] =	vst @!p1 v0  }
0x3bc: {  	[spmem:s4] =	stream.linear.scatter @!p1 [tilespmem:s3], [sflag:$0x1], $0x180, $0x38;
	[tilespmem:$0x1E708] =	vst v63  }
0x3bd: {  	s3 =	sshra.s32 @!p3 s6, $0x2  }
0x3be: {  	s4 =	simm.s32 @!p3 $0x180;
	s3 =	sadd.s32 @!p3 $0x12638, s3  }
0x3bf: {  	[spmem:s4] =	stream.linear.scatter @!p3 [tilespmem:s3], [sflag:$0x1], $0x180, $0x38;
	[tilespmem:$0x1E708] =	vst v63  }
0x3c0: {  	s3 =	simm.s32 @!p3 $0x1  }
0x3c1: {  	_ =	swait.ge @!p3 [sflag:s3], $0x300  }
0x3c2: {  	p1 =	por p2, p1;
	[sflag:s3] =	ssyncset.done @!p3 $0x0  }
0x3c3: {  	[sflag:s3] =	ssyncadd.s32 @!p3 $0xFFFFFD00;
	s3 =	simm.s32 @!p1 $0x1  }
0x3c4: {  	_ =	swait.ge @!p1 [sflag:s3], $0x180  }
0x3c5: {  	s29 =	simm.s32 $0x15638;
	[sflag:s3] =	ssyncset.done @!p1 $0x0  }
0x3c6: {  	s30 =	simm.s32 $0x3000;
	s31 =	simm.s32 $0x1;
	[sflag:s3] =	ssyncadd.s32 @!p1 $0xFFFFFE80  }
0x3c7: {  	[spmem:s30] =	stream.linear.scatter [tilespmem:s29], [sflag:$0x1], $0x10, $0x38;
	[tilespmem:$0x1E708] =	vst v63  }
0x3c8: {  	_ =	swait.ge [sflag:s31], $0x10  }
0x3c9: {  	[sflag:s31] =	ssyncset.done $0x0  }
0x3ca: {  	p1 =	seq.s32 s5, $0x0;
	[sflag:s31] =	ssyncadd.s32 $0xFFFFFFF0  }
0x3cb: {  	s4 =	sshll.u32 @p1 s18, $0xE;
	s9 =	rddreg [dreg:$0x2]  }
0x3cc: {  	s3 =	sadd.s32 @p1 $0x15C3C, s4;
	s4 =	sshll.u32 @p1 s9, $0x11  }
0x3cd: {  	_ =	sfence.stream.spmem;
	s3 =	sor.u32 @p1 s4, s3  }
0x3ce: {  	[sflag:s3] =	ssyncadd.remote.s32 @p1 $0x1;
	s3 =	simm.s32 @p1 $0x4  }
0x3cf: {  	s6 =	simm.s32 @!p1 $0x3C;
	s4 =	sand.u32 $0xFFFFFFFE, s18;
	_ =	swait.ge @p1 [sflag:s3], $0x62  }
0x3d0: {  	s7 =	simm.s32 @!p1 $0x0;
	s4 =	sadd.s32 @!p1 $0x4, s4;
	[sflag:s3] =	ssyncset.done @p1 $0x0  }
0x3d1: {  	s8 =	simm.s32 @!p1 $0x300;
	[sflag:s3] =	ssyncadd.s32 @p1 $0xFFFFFF9E;
	s3 =	sshll.u32 @!p1 s4, $0x1A  }
0x3d2: {  	s4 =	sshll.u32 @!p1 s4, $0xD;
	s3 =	sor.u32 @!p1 s3, s9;
	_ =	swait.eq @!p1 [sflag:s6], $0x1  }
0x3d3: {  	s4 =	sor.u32 @!p1 $0x1C04, s4;
	s6 =	simm.s32 @!p1 $0x1C03;
	s3 =	sor.u32 @!p1 $0x80004000, s3  }
0x3d4: {  	[spmem:s8], [sflag:s4] =	dma.general @!p1 [spmem:s7], [sflag:s6], length:$0x60, [dreg:$0x0], stride_count:$0x0, ici_dest:s3, dma_misc:DstOpCode:WRITE  }
0x3d5: {  	p2 =	slt.s32 s2, $0x2;
	s7 =	simm.s32 @!p1 $0x600;
	s8 =	simm.s32 @!p1 $0x602  }
0x3d6: {  	[spmem:s8], [sflag:s4] =	dma.general @!p1 [spmem:s7], [sflag:s6], length:$0x2, [dreg:$0x0], stride_count:$0x0, ici_dest:s3, dma_misc:DstOpCode:WRITE  }
.Ltmp64:
0x3d7: {  	s3 =	simm.s32 @!p1 $0x3;
	(pc) =	sbr.rel @p2 .LBB3_76-.Ltmp64, $4  }
0x3d8: {  	s4 =	sshll.u32 @!p1 s18, $0xE;
	_ =	swait.ge @!p1 [sflag:s3], $0x62  }
0x3d9: {  	s6 =	sshll.u32 @!p1 s9, $0x11;
	s4 =	sadd.s32 @!p1 $0x11C3C, s4;
	[sflag:s3] =	ssyncset.done @!p1 $0x0  }
0x3da: {  	[sflag:s3] =	ssyncadd.s32 @!p1 $0xFFFFFF9E;
	s3 =	sor.u32 @!p1 s6, s4  }
0x3db: {  	s2 =	simm.s32 $0x0;
	[sflag:s3] =	ssyncadd.remote.s32 @!p1 $0xFFFFFFFF  }
0x3dc: {  	s2 =	simm.s32 $0x12619  }
0x3dd: {  	v0 =	vld.msk [tilespmem:s2+$0x0], $0x1;
	_ =	sdelay $0x4  }
0x3de: {  	(v2sf) =	vpush v0, $0x0;
	_ =	sdelay $0xe  }
0x3df: {  	s2 =	spop (v2sf)  }
0x3e0: {  	p1 =	sgt.u32 s2, $0x3A8F01  }
0x3e1: {  	s3 =	sadd.s32 $0xFFFFFFFE, s0;
	s4 =	sshrl.u32 @!p1 s2, $0x1;
	s2 =	sshrl.u32 @!p1 s2, $0x4  }
0x3e2: {  	s0 =	simm.s32 $0x127B8;
	s6 =	sadd.s32 @!p1 s1, s2;
	s4 =	sand.u32 @!p1 $0x7, s4  }
0x3e3: {  	[hbm4b:s6+s4] =	stream.linear.scatter @!p1 [tilespmem:s0], [sflag:$0x5], $0x80, $0x38;
	[tilespmem:$0x1E708] =	vst v63  }
0x3e4: {  	s2 =	simm.s32 @!p1 $0x12838;
	s8 =	sadd.s32 @!p1 $0x40, s6  }
0x3e5: {  	[hbm4b:s8+s4] =	stream.linear.scatter @!p1 [tilespmem:s2], [sflag:$0x5], $0x80, $0x38;
	[tilespmem:$0x1E708] =	vst v63  }
0x3e6: {  	s2 =	sadd.s32 $0xFFFFFFFF, s3  }
0x3e7: {  	p2 =	sne.s32 s2, $0x0  }
.Ltmp65:
0x3e8: {  	_ = 	snop;
	(pc) =	sbr.rel @!p2 .LBB3_75-.Ltmp65, $4  }
0x3e9: {  	s7 =	simm.s32 $0x0  }
0x3ea: {  	s7 =	simm.s32 @!p1 $0x600;
	s6 =	sadd.s32 @!p1 $0x80, s6;
	s3 =	simm.s32 @!p1 $0x128B8  }
0x3eb: {  	[hbm4b:s6+s4] =	stream.linear.scatter @!p1 [tilespmem:s3], [sflag:$0x5], $0x80, $0x38;
	[tilespmem:$0x1E708] =	vst v63  }
0x3ec: {  	s3 =	sadd.s32 $0x0, s7;
	s4 =	simm.s32 $0x1261A  }
.LBB3_74:
0x3ed: {  	v0 =	vld.msk [tilespmem:s4+$0x0], $0x1;
	s2 =	sadd.s32 $0xFFFFFFFF, s2  }
0x3ee: {  	p1 =	sne.s32 s2, $0x0;
	_ =	sdelay $0x3  }
0x3ef: {  	(v2sf) =	vpush v0, $0x0;
	_ =	sdelay $0xe  }
0x3f0: {  	s6 =	spop (v2sf)  }
0x3f1: {  	s7 =	simm.s32 $0x0;
	p2 =	sgt.u32 s6, $0x3A8F01  }
0x3f2: {  	s7 =	simm.s32 @!p2 $0x600;
	s8 =	sshrl.u32 @!p2 s6, $0x1;
	s6 =	sshrl.u32 @!p2 s6, $0x4  }
0x3f3: {  	s0 =	sadd.s32 $0x180, s0;
	s6 =	sadd.s32 @!p2 s1, s6;
	s8 =	sand.u32 @!p2 $0x7, s8  }
0x3f4: {  	[hbm4b:s6+s8] =	stream.linear.scatter @!p2 [tilespmem:s0], [sflag:$0x5], $0x80, $0x38;
	[tilespmem:$0x1E708] =	vst v63  }
.Ltmp66:
0x3f5: {  	_ = 	snop;
	(pc) =	sbr.rel @p1 .LBB3_74-.Ltmp66, $4  }
0x3f6: {  	s9 =	sadd.s32 @!p2 $0x80, s0;
	s3 =	sadd.s32 s3, s7;
	s10 =	sadd.s32 @!p2 $0x40, s6  }
0x3f7: {  	[hbm4b:s10+s8] =	stream.linear.scatter @!p2 [tilespmem:s9], [sflag:$0x5], $0x80, $0x38;
	[tilespmem:$0x1E708] =	vst v63  }
0x3f8: {  	s4 =	sadd.s32 $0x1, s4;
	s7 =	sadd.s32 @!p2 $0x100, s0;
	s6 =	sadd.s32 @!p2 $0x80, s6  }
0x3f9: {  	[hbm4b:s6+s8] =	stream.linear.scatter @!p2 [tilespmem:s7], [sflag:$0x5], $0x80, $0x38;
	[tilespmem:$0x1E708] =	vst v63  }
.LBB3_75:
0x3fa: {  	s2 =	sshrl.u32 s3, $0x2  }
.LBB3_76:
0x3fb: {  	s0 =	simm.s32 $0x5  }
0x3fc: {  	_ =	swait.ge [sflag:s0], s2  }
0x3fd: {  	s31 =	ssub.s32 $0x0, s2;
	[sflag:s0] =	ssyncset.done $0x0  }
0x3fe: {  	[sflag:s0] =	ssyncadd.s32 s31  }
0x3ff: {  	[sflag:s0] =	ssyncpa.u1 $0x1  }
.LBB3_77:
0x400: {  	s0 =	sor.u32 s5, s17  }
0x401: {  	p1 =	sne.s32 s0, $0x0  }
.Ltmp67:
0x402: {  	_ = 	snop;
	(pc) =	sbr.rel @p1 .LBB3_98-.Ltmp67, $3  }
0x403: {  	_ =	sdelay $0x1  }
0x404: {  	[bflag:$0x0] =	sbarrier.arrive $0xFFFF  }
0x405: {  	_ =	sfence  }
0x406: {  	s3 =	simm.s32 $0x7  }
0x407: {  	s0 =	simm.s32 $0x3000;
	s2 =	simm.s32 $0x12618;
	[sflag:s3] =	ssyncpa.u1 $0x0  }
0x408: {  	[tilespmem:s2], [sflag:$0x7] =	stream.linear.gather [spmem:s0], $0x20, $0x38;
	[tilespmem:$0x1E708] =	vst v63  }
0x409: {  	s0 =	simm.s32 $0x0;
	s2 =	simm.s32 $0x12638  }
0x40a: {  	[tilespmem:s2], [sflag:$0x7] =	stream.linear.gather [spmem:s0], $0x3000, $0x38;
	[tilespmem:$0x1E708] =	vst v63  }
.Ltmp68:
0x40b: {  	_ = 	snop;
	(pc) =	sbr.rel .LBB3_79-.Ltmp68, $4  }
0x40c: {  	_ =	swait.ge [sflag:s3], $0x3020  }
0x40d: {  	[sflag:s3] =	ssyncset.done $0x0  }
0x40e: {  	s4 =	simm.s32 $0x12508;
	[sflag:s3] =	ssyncadd.s32 $0xFFFFCFE0;
	s3 =	simm.s32 $0x8  }
0x40f: {  	s5 =	simm.s32 $0x12588;
	s6 =	simm.s32 $0x0;
	[sflag:s3] =	ssyncpa.u1 $0x0  }
.LBB3_87:
0x410: {  	s7 =	smul.u32 $0x600, s6  }
.LBB3_91:
0x411: {  	_ = 	snop  }
0x412: {  	[tilespmem:s0+$0x12618] =	vst.msk $0x1, v0;
	s7 =	sshra.s32 s7, $0x2  }
0x413: {  	v0 =	vld [tilespmem:s7+$0x12638];
	_ =	sdelay $0x1  }
0x414: {  	s8 =	smul.u32 $0x600, s0;
	_ =	sdelay $0x1  }
0x415: {  	s8 =	sshra.s32 s8, $0x2  }
0x416: {  	[tilespmem:s8+$0x12638] =	vst v0  }
0x417: {  	v0 =	vld [tilespmem:s7+$0x12648];
	_ =	sdelay $0x4  }
0x418: {  	[tilespmem:s8+$0x12648] =	vst v0  }
0x419: {  	v0 =	vld [tilespmem:s7+$0x12658];
	_ =	sdelay $0x4  }
0x41a: {  	[tilespmem:s8+$0x12658] =	vst v0  }
0x41b: {  	v0 =	vld [tilespmem:s7+$0x12668];
	_ =	sdelay $0x4  }
0x41c: {  	[tilespmem:s8+$0x12668] =	vst v0  }
0x41d: {  	v0 =	vld [tilespmem:s7+$0x12678];
	_ =	sdelay $0x4  }
0x41e: {  	[tilespmem:s8+$0x12678] =	vst v0  }
0x41f: {  	v0 =	vld [tilespmem:s7+$0x12688];
	_ =	sdelay $0x4  }
0x420: {  	[tilespmem:s8+$0x12688] =	vst v0  }
0x421: {  	v0 =	vld [tilespmem:s7+$0x12698];
	_ =	sdelay $0x4  }
0x422: {  	[tilespmem:s8+$0x12698] =	vst v0  }
0x423: {  	v0 =	vld [tilespmem:s7+$0x126A8];
	_ =	sdelay $0x4  }
0x424: {  	[tilespmem:s8+$0x126A8] =	vst v0  }
0x425: {  	v0 =	vld [tilespmem:s7+$0x126B8];
	_ =	sdelay $0x4  }
0x426: {  	[tilespmem:s8+$0x126B8] =	vst v0  }
0x427: {  	v0 =	vld [tilespmem:s7+$0x126C8];
	_ =	sdelay $0x4  }
0x428: {  	[tilespmem:s8+$0x126C8] =	vst v0  }
0x429: {  	v0 =	vld [tilespmem:s7+$0x126D8];
	_ =	sdelay $0x4  }
0x42a: {  	[tilespmem:s8+$0x126D8] =	vst v0  }
0x42b: {  	v0 =	vld [tilespmem:s7+$0x126E8];
	_ =	sdelay $0x4  }
0x42c: {  	[tilespmem:s8+$0x126E8] =	vst v0  }
0x42d: {  	v0 =	vld [tilespmem:s7+$0x126F8];
	_ =	sdelay $0x4  }
0x42e: {  	[tilespmem:s8+$0x126F8] =	vst v0  }
0x42f: {  	v0 =	vld [tilespmem:s7+$0x12708];
	_ =	sdelay $0x4  }
0x430: {  	[tilespmem:s8+$0x12708] =	vst v0  }
0x431: {  	v0 =	vld [tilespmem:s7+$0x12718];
	_ =	sdelay $0x4  }
0x432: {  	[tilespmem:s8+$0x12718] =	vst v0  }
0x433: {  	v0 =	vld [tilespmem:s7+$0x12728];
	_ =	sdelay $0x4  }
0x434: {  	[tilespmem:s8+$0x12728] =	vst v0  }
0x435: {  	v0 =	vld [tilespmem:s7+$0x12738];
	_ =	sdelay $0x4  }
0x436: {  	[tilespmem:s8+$0x12738] =	vst v0  }
0x437: {  	v0 =	vld [tilespmem:s7+$0x12748];
	_ =	sdelay $0x4  }
0x438: {  	[tilespmem:s8+$0x12748] =	vst v0  }
0x439: {  	v0 =	vld [tilespmem:s7+$0x12758];
	_ =	sdelay $0x4  }
0x43a: {  	[tilespmem:s8+$0x12758] =	vst v0  }
0x43b: {  	v0 =	vld [tilespmem:s7+$0x12768];
	_ =	sdelay $0x4  }
0x43c: {  	[tilespmem:s8+$0x12768] =	vst v0  }
0x43d: {  	v0 =	vld [tilespmem:s7+$0x12778];
	_ =	sdelay $0x4  }
0x43e: {  	[tilespmem:s8+$0x12778] =	vst v0  }
0x43f: {  	v0 =	vld [tilespmem:s7+$0x12788];
	_ =	sdelay $0x4  }
0x440: {  	[tilespmem:s8+$0x12788] =	vst v0  }
0x441: {  	v0 =	vld [tilespmem:s7+$0x12798];
	_ =	sdelay $0x4  }
0x442: {  	[tilespmem:s8+$0x12798] =	vst v0  }
0x443: {  	v0 =	vld [tilespmem:s7+$0x127A8];
	_ =	sdelay $0x4  }
0x444: {  	s0 =	sadd.s32 $0x1, s0;
	[tilespmem:s8+$0x127A8] =	vst v0  }
.LBB3_92:
0x445: {  	s6 =	sadd.s32 $0x1, s6  }
0x446: {  	p1 =	sne.s32 s6, $0x20  }
.Ltmp69:
0x447: {  	_ = 	snop;
	(pc) =	sbr.rel @!p1 .LBB3_93-.Ltmp69, $2  }
0x448: {  	_ =	sdelay $0x2  }
0x449: {  	s2 =	sadd.s32 $0x180, s2  }
.LBB3_79:
0x44a: {  	v0 =	vld.msk [tilespmem:s6+$0x12618], $0x1;
	_ =	sdelay $0x4  }
0x44b: {  	(v2sf) =	vpush v0, $0x0;
	_ =	sdelay $0xe  }
0x44c: {  	s7 =	spop (v2sf)  }
0x44d: {  	p1 =	seq.s32 s7, $0xFFFFFFFF  }
.Ltmp70:
0x44e: {  	_ = 	snop;
	(pc) =	sbr.rel @p1 .LBB3_92-.Ltmp70, $1  }
0x44f: {  	_ =	sdelay $0x3  }
0x450: {  	p1 =	slt.s32 s0, $0x1  }
.Ltmp71:
0x451: {  	_ = 	snop;
	(pc) =	sbr.rel @p1 .LBB3_86-.Ltmp71, $1  }
0x452: {  	_ =	sdelay $0x3  }
0x453: {  	s8 =	simm.s32 $0x12618;
	p1 =	por $0x0, $0x0  }
0x454: {  	v1 =	vld.msk @!p1 [tilespmem:s8+$0x0], $0x1;
	_ =	sdelay $0x4  }
0x455: {  	(v2sf) =	vpush @!p1 v1, $0x0;
	_ =	sdelay $0xe  }
0x456: {  	p3 =	sne.s32 s0, $0x1;
	s9 =	spop @!p1 (v2sf)  }
.Ltmp72:
0x457: {  	s9 =	sxor.u32 @!p1 s7, s9;
	(pc) =	sbr.rel @!p3 .LBB3_83-.Ltmp72, $4  }
0x458: {  	p2 =	slt.u32 @!p1 s9, $0x2  }
0x459: {  	s9 =	simm.s32 $0x0;
	p2 =	por !p2, p1  }
0x45a: {  	s11 =	simm.s32 $0xFFFFFFFF;
	s9 =	simm.s32 @p2 $0xFFFFFFFF  }
0x45b: {  	s10 =	simm.s32 $0x1;
	s9 =	smov.u32 @p1 s11  }
.LBB3_82:
0x45c: {  	s11 =	smov.u32 s9;
	p1 =	sne.s32 s9, $0xFFFFFFFF  }
0x45d: {  	s8 =	sadd.s32 $0x1, s8;
	s9 =	smov.u32 s10;
	s10 =	sadd.s32 $0x1, s10  }
0x45e: {  	p2 =	sne.s32 s0, s10;
	v1 =	vld.msk @!p1 [tilespmem:s8+$0x0], $0x1;
	_ =	sdelay $0x4  }
0x45f: {  	(v2sf) =	vpush @!p1 v1, $0x0;
	_ =	sdelay $0xe  }
0x460: {  	s12 =	spop @!p1 (v2sf)  }
.Ltmp73:
0x461: {  	s12 =	sxor.u32 @!p1 s7, s12;
	(pc) =	sbr.rel @p2 .LBB3_82-.Ltmp73, $4  }
0x462: {  	p3 =	slt.u32 @!p1 s12, $0x2  }
0x463: {  	p3 =	por !p3, p1  }
0x464: {  	s9 =	simm.s32 @p3 $0xFFFFFFFF  }
0x465: {  	s9 =	smov.u32 @p1 s11  }
.LBB3_83:
0x466: {  	p1 =	seq.s32 s9, $0xFFFFFFFF  }
.Ltmp74:
0x467: {  	_ = 	snop;
	(pc) =	sbr.rel @p1 .LBB3_86-.Ltmp74, $1  }
0x468: {  	_ =	sdelay $0x3  }
0x469: {  	s7 =	smul.u32 $0x600, s9;
	_ =	sdelay $0x1  }
0x46a: {  	s7 =	sshra.s32 s7, $0x2  }
0x46b: {  	v0 =	vld [tilespmem:s2+$0x0];
	s7 =	sadd.s32 $0x12638, s7  }
0x46c: {  	v1 =	vld [tilespmem:s7+$0x0];
	_ =	sdelay $0x3  }
0x46d: {  	v2 =	vunpack.i.u.bf16.f32 v0  }
0x46e: {  	v0 =	vunpack.i.l.bf16.f32 v0;
	v3 =	vunpack.i.u.bf16.f32 v1;
	v1 =	vunpack.i.l.bf16.f32 v1  }
0x46f: {  	v2 =	vadd.f32 v3, v2;
	v0 =	vadd.f32 v1, v0;
	_ =	sdelay $0x1  }
0x470: {  	v0 =	vpack.i.f32.bf16 v2, v0  }
0x471: {  	s8 =	simm.s32 $0x0;
	s9 =	sadd.s32 $0x10, s2;
	[tilespmem:s7+$0x0] =	vst v0  }
.LBB3_85:
0x472: {  	v0 =	vld [tilespmem:s9+$0x0];
	s7 =	sadd.s32 $0x10, s7  }
0x473: {  	s8 =	sadd.s32 $0x10, s8;
	v1 =	vld [tilespmem:s7+$0x0]  }
0x474: {  	p1 =	slt.u32 s8, $0x170;
	_ =	sdelay $0x2  }
0x475: {  	v2 =	vunpack.i.u.bf16.f32 v0  }
.Ltmp75:
0x476: {  	v0 =	vunpack.i.l.bf16.f32 v0;
	v3 =	vunpack.i.u.bf16.f32 v1;
	v1 =	vunpack.i.l.bf16.f32 v1;
	(pc) =	sbr.rel @p1 .LBB3_85-.Ltmp75, $3  }
0x477: {  	v2 =	vadd.f32 v3, v2;
	v0 =	vadd.f32 v1, v0;
	_ =	sdelay $0x1  }
0x478: {  	v0 =	vpack.i.f32.bf16 v2, v0  }
0x479: {  	s9 =	sadd.s32 $0x10, s9;
	[tilespmem:s7+$0x0] =	vst v0  }
.Ltmp76:
0x47a: {  	_ = 	snop;
	(pc) =	sbr.rel .LBB3_92-.Ltmp76, $1  }
0x47b: {  	_ =	sdelay $0x3  }
.LBB3_86:
0x47c: {  	p1 =	slt.u32 s7, $0x3A8F02  }
.Ltmp77:
0x47d: {  	_ = 	snop;
	(pc) =	sbr.rel @!p1 .LBB3_87-.Ltmp77, $1  }
0x47e: {  	_ =	sdelay $0x3  }
0x47f: {  	s8 =	sshrl.u32 s7, $0x1;
	s31 =	sshrl.u32 s7, $0x4  }
0x480: {  	s9 =	simm.s32 $0x12488;
	s7 =	sadd.s32 s1, s31;
	s8 =	sand.u32 $0x7, s8  }
0x481: {  	[tilespmem:s9], [sflag:$0x8] =	stream.linear.gather [hbm4b:s7+s8], $0x80, $0x38;
	[tilespmem:$0x1E708] =	vst v63  }
0x482: {  	s10 =	sadd.s32 $0x40, s7  }
0x483: {  	[tilespmem:s4], [sflag:$0x8] =	stream.linear.gather [hbm4b:s10+s8], $0x80, $0x38;
	[tilespmem:$0x1E708] =	vst v63  }
0x484: {  	s7 =	sadd.s32 $0x80, s7  }
0x485: {  	[tilespmem:s5], [sflag:$0x8] =	stream.linear.gather [hbm4b:s7+s8], $0x80, $0x38;
	[tilespmem:$0x1E708] =	vst v63  }
0x486: {  	_ =	swait.ge [sflag:s3], $0x180  }
0x487: {  	[sflag:s3] =	ssyncset.done $0x0  }
0x488: {  	[sflag:s3] =	ssyncadd.s32 $0xFFFFFE80  }
0x489: {  	v1 =	vld [tilespmem:s9+$0x0]  }
0x48a: {  	v2 =	vld [tilespmem:s2+$0x0];
	_ =	sdelay $0x3  }
0x48b: {  	v3 =	vunpack.i.u.bf16.f32 v1  }
0x48c: {  	v1 =	vunpack.i.l.bf16.f32 v1;
	v4 =	vunpack.i.u.bf16.f32 v2;
	v2 =	vunpack.i.l.bf16.f32 v2  }
0x48d: {  	v3 =	vadd.f32 v4, v3;
	v1 =	vadd.f32 v2, v1  }
0x48e: {  	s10 =	simm.s32 $0x12498  }
0x48f: {  	s7 =	smul.u32 $0x600, s6;
	s8 =	simm.s32 $0x0;
	s9 =	smov.u32 s2;
	v1 =	vpack.i.f32.bf16 v3, v1  }
.LBB3_89:
0x490: {  	v2 =	vld [tilespmem:s10+$0x0];
	[tilespmem:s9+$0x0] =	vst v1;
	s9 =	sadd.s32 $0x10, s9  }
0x491: {  	s8 =	sadd.s32 $0x10, s8;
	v1 =	vld [tilespmem:s9+$0x0]  }
0x492: {  	p1 =	slt.u32 s8, $0x170;
	_ =	sdelay $0x2  }
.Ltmp78:
0x493: {  	v3 =	vunpack.i.u.bf16.f32 v2;
	(pc) =	sbr.rel @p1 .LBB3_89-.Ltmp78, $3  }
0x494: {  	v2 =	vunpack.i.l.bf16.f32 v2;
	v4 =	vunpack.i.u.bf16.f32 v1;
	v1 =	vunpack.i.l.bf16.f32 v1  }
0x495: {  	v3 =	vadd.f32 v4, v3;
	v1 =	vadd.f32 v1, v2;
	_ =	sdelay $0x1  }
0x496: {  	s10 =	sadd.s32 $0x10, s10;
	v1 =	vpack.i.f32.bf16 v3, v1  }
.Ltmp79:
0x497: {  	(pc) =	sbr.rel .LBB3_91-.Ltmp79, $2  }
0x498: {  	_ =	sdelay $0x2  }
0x499: {  	[tilespmem:s9+$0x0] =	vst v1  }
.LBB3_93:
0x49a: {  	p1 =	slt.s32 s0, $0x1  }
.Ltmp80:
0x49b: {  	_ = 	snop;
	(pc) =	sbr.rel @p1 .LBB3_97-.Ltmp80, $3  }
0x49c: {  	_ =	sdelay $0x1  }
0x49d: {  	s2 =	simm.s32 $0x8  }
0x49e: {  	s3 =	simm.s32 $0x0;
	[sflag:s2] =	ssyncpa.u1 $0x1  }
0x49f: {  	s2 =	simm.s32 $0x12618  }
0x4a0: {  	v0 =	vld.msk [tilespmem:s2+$0x0], $0x1;
	_ =	sdelay $0x4  }
0x4a1: {  	(v2sf) =	vpush v0, $0x0;
	_ =	sdelay $0xe  }
0x4a2: {  	s2 =	spop (v2sf)  }
0x4a3: {  	s0 =	sadd.s32 $0xFFFFFFFF, s0;
	p1 =	sgt.u32 s2, $0x3A8F01  }
0x4a4: {  	p2 =	sne.s32 s0, $0x0;
	s4 =	sshrl.u32 @!p1 s2, $0x1;
	s5 =	sshrl.u32 @!p1 s2, $0x4  }
0x4a5: {  	s2 =	simm.s32 $0x12638;
	s5 =	sadd.s32 @!p1 s1, s5;
	s4 =	sand.u32 @!p1 $0x7, s4  }
0x4a6: {  	[hbm4b:s5+s4] =	stream.linear.scatter @!p1 [tilespmem:s2], [sflag:$0x7], $0x80, $0x38;
	[tilespmem:$0x1E708] =	vst v63  }
.Ltmp81:
0x4a7: {  	s6 =	simm.s32 @!p1 $0x126B8;
	s7 =	sadd.s32 @!p1 $0x40, s5;
	(pc) =	sbr.rel @!p2 .LBB3_96-.Ltmp81, $4  }
0x4a8: {  	[hbm4b:s7+s4] =	stream.linear.scatter @!p1 [tilespmem:s6], [sflag:$0x7], $0x80, $0x38;
	[tilespmem:$0x1E708] =	vst v63  }
0x4a9: {  	s3 =	simm.s32 @!p1 $0x600;
	s5 =	sadd.s32 @!p1 $0x80, s5;
	s6 =	simm.s32 @!p1 $0x12738  }
0x4aa: {  	[hbm4b:s5+s4] =	stream.linear.scatter @!p1 [tilespmem:s6], [sflag:$0x7], $0x80, $0x38;
	[tilespmem:$0x1E708] =	vst v63  }
0x4ab: {  	s3 =	sadd.s32 $0x0, s3;
	s4 =	simm.s32 $0x12619  }
.LBB3_95:
0x4ac: {  	v0 =	vld.msk [tilespmem:s4+$0x0], $0x1;
	s0 =	sadd.s32 $0xFFFFFFFF, s0  }
0x4ad: {  	p1 =	sne.s32 s0, $0x0;
	_ =	sdelay $0x3  }
0x4ae: {  	(v2sf) =	vpush v0, $0x0;
	_ =	sdelay $0xe  }
0x4af: {  	s5 =	spop (v2sf)  }
0x4b0: {  	s6 =	simm.s32 $0x0;
	p2 =	sgt.u32 s5, $0x3A8F01  }
0x4b1: {  	s6 =	simm.s32 @!p2 $0x600;
	s7 =	sshrl.u32 @!p2 s5, $0x1;
	s5 =	sshrl.u32 @!p2 s5, $0x4  }
0x4b2: {  	s2 =	sadd.s32 $0x180, s2;
	s5 =	sadd.s32 @!p2 s1, s5;
	s7 =	sand.u32 @!p2 $0x7, s7  }
0x4b3: {  	[hbm4b:s5+s7] =	stream.linear.scatter @!p2 [tilespmem:s2], [sflag:$0x7], $0x80, $0x38;
	[tilespmem:$0x1E708] =	vst v63  }
.Ltmp82:
0x4b4: {  	_ = 	snop;
	(pc) =	sbr.rel @p1 .LBB3_95-.Ltmp82, $4  }
0x4b5: {  	s8 =	sadd.s32 @!p2 $0x80, s2;
	s3 =	sadd.s32 s3, s6;
	s9 =	sadd.s32 @!p2 $0x40, s5  }
0x4b6: {  	[hbm4b:s9+s7] =	stream.linear.scatter @!p2 [tilespmem:s8], [sflag:$0x7], $0x80, $0x38;
	[tilespmem:$0x1E708] =	vst v63  }
0x4b7: {  	s4 =	sadd.s32 $0x1, s4;
	s6 =	sadd.s32 @!p2 $0x100, s2;
	s5 =	sadd.s32 @!p2 $0x80, s5  }
0x4b8: {  	[hbm4b:s5+s7] =	stream.linear.scatter @!p2 [tilespmem:s6], [sflag:$0x7], $0x80, $0x38;
	[tilespmem:$0x1E708] =	vst v63  }
.LBB3_96:
0x4b9: {  	s3 =	sshrl.u32 s3, $0x2  }
.LBB3_97:
0x4ba: {  	s0 =	simm.s32 $0x7  }
0x4bb: {  	_ =	swait.ge [sflag:s0], s3  }
0x4bc: {  	s1 =	ssub.s32 $0x0, s3;
	[sflag:s0] =	ssyncset.done $0x0  }
0x4bd: {  	[sflag:s0] =	ssyncadd.s32 s1  }
0x4be: {  	[sflag:s0] =	ssyncpa.u1 $0x1  }
.LBB3_98:
0x4bf: {  	_ =	sfence;
	s0 =	simm.s32 $0x1  }
0x4c0: {  	[sflag:s0] =	ssyncpa.u1 $0x1  }
0x4c1: {  	_ =	strace $0x90000056  }
0x4c2: {  	[bflag:$0x2] =	sbarrier.arrive $0xFFFF  }
0x4c3: {  	s0 =	rddreg [dreg:$0x3]  }
0x4c4: {  	s0 =	sadd.s32 @!p0 $0x100000, s0  }
0x4c5: {  	[sflag:s0] =	ssyncadd.tile.s32 @!p0 $0x1;
	_ =	shalt  }
.Lfunc_end3:
_tile_overlayer_lowered:
.L_overlay_start_3:
0x4c6: {  	(tag) =	ssettag $0x3  }
0x4c7: {  	s0 =	rddreg [dreg:$0x0];
	s2 =	stileid.u32  }
0x4c8: {  	s1 =	rddreg [dreg:$0x1];
	p0 =	sne.s32 s2, $0x0  }
0x4c9: {  	s3 =	rddreg [dreg:$0x2];
	[bflag:$0x3] =	sbarrier.arrive $0xFFFF;
	s2 =	simm.s32 @!p0 $0x1C01  }
0x4ca: {  	[timem:s3], [sflag:s2] =	dma.local @!p0 [hbm:s0], s1  }
0x4cb: {  	s0 =	simm.s32 @!p0 $0x1  }
0x4cc: {  	_ =	swait.ge @!p0 [sflag:s0], s1  }
0x4cd: {  	s1 =	ssub.s32 @!p0 $0x0, s1;
	[sflag:s0] =	ssyncset.done @!p0 $0x0  }
0x4ce: {  	[sflag:s0] =	ssyncadd.s32 @!p0 s1  }
0x4cf: {  	[bflag:$0x3] =	sbarrier.arrive $0xFFFF  }
0x4d0: {  	_ =	shalt  }

</sc_bundles>
